<compile_context>
chip_gen: v7x
topology: tpu7x:2x2x1
jax: 0.10.2.dev20260603
libtpu: 0.0.44.dev20260713+nightly
codegen_flags: <defaults>
</compile_context>

<pallas_src>
import functools

import jax
import jax.numpy as jnp
from jax import lax
from jax.experimental import pallas as pl
from jax.experimental.pallas import tpu as pltpu
from jax.experimental.pallas import tpu_sc as plsc

NC = 2
NS = 16
NW = NC * NS
L = 16
PAD = 112
UNROLL = 8
NACC = 4


def _plan(n):
    per_w = n // NW
    assert per_w * NW == n
    chunk = min(32768, per_w // 2)
    while per_w % chunk or (per_w // chunk) % 2:
        chunk //= 2
    assert chunk % (L * UNROLL) == 0
    return per_w, chunk, per_w // chunk


@functools.lru_cache(maxsize=None)
def _minmax_kernel(n, interpret=False):
    per_w, chunk, nch = _plan(n)
    vec_iters = chunk // (L * UNROLL)
    mesh = plsc.VectorSubcoreMesh(core_axis_name="c", subcore_axis_name="s")

    def body(x_hbm, out_hbm, buf0, buf1, mm, sem0, sem1):
        wid = lax.axis_index("c") * NS + lax.axis_index("s")
        base = wid * per_w
        pltpu.make_async_copy(x_hbm.at[pl.ds(base, chunk)], buf0, sem0).start()
        pltpu.make_async_copy(
            x_hbm.at[pl.ds(base + chunk, chunk)], buf1, sem1).start()

        def process(buf, carry):
            def vb(i, c):
                ms, xs = list(c[:NACC]), list(c[NACC:])
                for u in range(UNROLL):
                    v = buf[pl.ds((i * UNROLL + u) * L, L)]
                    ms[u % NACC] = jnp.minimum(ms[u % NACC], v)
                    xs[u % NACC] = jnp.maximum(xs[u % NACC], v)
                return (*ms, *xs)
            return lax.fori_loop(0, vec_iters, vb, carry)

        def pair(g2, carry):
            for b, (buf, sem) in enumerate(((buf0, sem0), (buf1, sem1))):
                g = 2 * g2 + b
                pltpu.make_async_copy(
                    x_hbm.at[pl.ds(base + g * chunk, chunk)], buf, sem).wait()
                carry = process(buf, carry)
                pltpu.make_async_copy(
                    x_hbm.at[pl.ds(base + (g + 2) * chunk, chunk)], buf,
                    sem).start()
            return carry

        inf = jnp.full((L,), jnp.inf, jnp.float32)
        ninf = jnp.full((L,), -jnp.inf, jnp.float32)
        carry = (inf,) * NACC + (ninf,) * NACC
        carry = lax.fori_loop(0, nch // 2 - 1, pair, carry)
        for b, (buf, sem) in enumerate(((buf0, sem0), (buf1, sem1))):
            g = nch - 2 + b
            pltpu.make_async_copy(
                x_hbm.at[pl.ds(base + g * chunk, chunk)], buf, sem).wait()
            carry = process(buf, carry)

        mn, mx = carry[0], carry[NACC]
        for a in range(1, NACC):
            mn = jnp.minimum(mn, carry[a])
            mx = jnp.maximum(mx, carry[NACC + a])
        mm[0, :] = mn
        mm[1, :] = mx
        pltpu.sync_copy(mm, out_hbm.at[wid])

    return pl.kernel(
        body,
        out_type=jax.ShapeDtypeStruct((NW, 2, L), jnp.float32),
        mesh=mesh,
        scratch_types=[
            pltpu.VMEM((chunk,), jnp.float32),
            pltpu.VMEM((chunk,), jnp.float32),
            pltpu.VMEM((2, L), jnp.float32),
            pltpu.SemaphoreType.DMA,
            pltpu.SemaphoreType.DMA,
        ],
        compiler_params=pltpu.CompilerParams(needs_layout_passes=False),
        interpret=interpret,
    )


@functools.lru_cache(maxsize=None)
def _hist_kernel(n, interpret=False):
    per_w, chunk, nch = _plan(n)
    vec_iters = chunk // (L * UNROLL)
    mesh = plsc.VectorSubcoreMesh(core_axis_name="c", subcore_axis_name="s")

    def body(x_hbm, mm_hbm, pp_hbm, out_hbm, buf0, buf1,
             hists, mmv, ppv, part, sem0, sem1):
        wid = lax.axis_index("c") * NS + lax.axis_index("s")
        base = wid * per_w
        pltpu.make_async_copy(x_hbm.at[pl.ds(base, chunk)], buf0, sem0).start()
        pltpu.make_async_copy(
            x_hbm.at[pl.ds(base + chunk, chunk)], buf1, sem1).start()
        pltpu.sync_copy(mm_hbm, mmv)
        pltpu.sync_copy(pp_hbm, ppv)
        mn = mmv[0, 0, :]
        mx = mmv[0, 1, :]
        for r in range(1, NW):
            mn = jnp.minimum(mn, mmv[r, 0, :])
            mx = jnp.maximum(mx, mmv[r, 1, :])
        data_lo = jnp.broadcast_to(jnp.min(mn), (L,))
        data_hi = jnp.broadcast_to(jnp.max(mx), (L,))
        minv = ppv[0, :]
        maxv = ppv[1, :]
        binsf = ppv[2, :]
        use_data = minv == maxv
        lo = jnp.where(use_data, data_lo, minv)
        hi = jnp.where(use_data, data_hi, maxv)
        span = hi - lo
        safe = jnp.where(span == 0.0, jnp.ones((L,), jnp.float32), span)
        scale = binsf / safe
        lane_base = (lax.iota(jnp.int32, L) * PAD).astype(jnp.float32)
        off = lo * scale - lane_base

        one = jnp.ones((L,), jnp.int32)
        zero = jnp.zeros((L,), jnp.int32)
        for h in hists:
            for j in range(L * PAD // L):
                h[pl.ds(j * L, L)] = zero

        nh = len(hists)

        def process(buf):
            @plsc.parallel_loop(0, chunk // (nh * L), unroll=4 * UNROLL // nh)
            def _(i):
                for u, h in enumerate(hists):
                    v = buf[pl.ds((nh * i + u) * L, L)]
                    t = v * scale - off
                    plsc.addupdate_scatter(h, [t.astype(jnp.int32)], one)

        def pair(g2, carry):
            for b, (buf, sem) in enumerate(((buf0, sem0), (buf1, sem1))):
                g = 2 * g2 + b
                pltpu.make_async_copy(
                    x_hbm.at[pl.ds(base + g * chunk, chunk)], buf, sem).wait()
                process(buf)
                pltpu.make_async_copy(
                    x_hbm.at[pl.ds(base + (g + 2) * chunk, chunk)], buf,
                    sem).start()
            return carry

        lax.fori_loop(0, nch // 2 - 1, pair, 0)
        for b, (buf, sem) in enumerate(((buf0, sem0), (buf1, sem1))):
            g = nch - 2 + b
            pltpu.make_async_copy(
                x_hbm.at[pl.ds(base + g * chunk, chunk)], buf, sem).wait()
            process(buf)

        for j in range(PAD // L):
            acc = hists[0][pl.ds(j * L, L)]
            for h in hists[1:]:
                acc = acc + h[pl.ds(j * L, L)]
            for r in range(1, L):
                for h in hists:
                    acc = acc + h[pl.ds(r * PAD + j * L, L)]
            part[pl.ds(j * L, L)] = acc
        pltpu.sync_copy(part, out_hbm.at[wid])

    def wrapped(x_hbm, mm_hbm, pp_hbm, out_hbm, buf0, buf1,
                ha, hb, mmv, ppv, part, sem0, sem1):
        body(x_hbm, mm_hbm, pp_hbm, out_hbm, buf0, buf1,
             (ha, hb), mmv, ppv, part, sem0, sem1)

    return pl.kernel(
        wrapped,
        out_type=jax.ShapeDtypeStruct((NW, PAD), jnp.int32),
        mesh=mesh,
        scratch_types=[
            pltpu.VMEM((chunk,), jnp.float32),
            pltpu.VMEM((chunk,), jnp.float32),
            pltpu.VMEM((L * PAD,), jnp.int32),
            pltpu.VMEM((L * PAD,), jnp.int32),
            pltpu.VMEM((NW, 2, L), jnp.float32),
            pltpu.VMEM((3, L), jnp.float32),
            pltpu.VMEM((PAD,), jnp.int32),
            pltpu.SemaphoreType.DMA,
            pltpu.SemaphoreType.DMA,
        ],
        compiler_params=pltpu.CompilerParams(needs_layout_passes=False),
        interpret=interpret,
    )


def kernel(x, bins, min_val, max_val, interpret=False):
    n = x.shape[0]
    mm = _minmax_kernel(n, interpret)(x)
    pp = jnp.stack([
        jnp.full((L,), min_val, jnp.float32),
        jnp.full((L,), max_val, jnp.float32),
        jnp.full((L,), jnp.asarray(bins, jnp.float32)),
    ])
    parts = _hist_kernel(n, interpret)(x, mm, pp)
    hist = parts.sum(axis=0)
    hist = hist.at[99].add(hist[100])
    return hist[:100].astype(x.dtype)

# --- scband reference (transcript-rebuilt; emitter-appended) ---
"""Pipeline reference for scband-model-33002528702883 (READ-ONLY COPY).

The authoritative reference and input builder live on the scoring server;
editing this copy changes nothing except your own understanding.
"""

import jax, jax.numpy as jnp
import numpy as np


def setup_inputs(seed: int = 0) -> dict:
    key = jax.random.key(seed)
    x = jax.random.normal(key, (33554432,), dtype=jnp.float32)
    return {"x": x, "bins": 100, "min_val": 0.0, "max_val": 0.0}


def reference(x, bins=100, min_val=0.0, max_val=0.0):
    # Faithful translation of torch.histc semantics:
    # - if min == max, the range is taken from the tensor's min/max
    # - values outside [min, max] are ignored
    # - values equal to max land in the last bin
    min_v = jnp.asarray(min_val, dtype=x.dtype)
    max_v = jnp.asarray(max_val, dtype=x.dtype)
    use_data_range = min_v == max_v
    lo = jnp.where(use_data_range, jnp.min(x), min_v)
    hi = jnp.where(use_data_range, jnp.max(x), max_v)
    span = hi - lo
    # guard against zero span (all-equal tensor): torch puts everything in bin 0
    safe_span = jnp.where(span == 0, jnp.asarray(1.0, dtype=x.dtype), span)
    idx = jnp.floor((x - lo) / safe_span * bins).astype(jnp.int32)
    idx = jnp.clip(idx, 0, bins - 1)
    valid = (x >= lo) & (x <= hi)
    hist = jnp.zeros((100,), dtype=x.dtype).at[idx].add(
        jnp.where(valid, jnp.asarray(1.0, dtype=x.dtype), jnp.asarray(0.0, dtype=x.dtype))
    )
    return hist

if __name__ == "__main__":
    import jax
    _d = setup_inputs()
    print(jax.jit(kernel)(*tuple(_d.values())))

</pallas_src>

<mosaic_0001>
#map = affine_map<(d0, d1) -> (0)>
#map1 = affine_map<(d0, d1) -> (0, 0, 0)>
module attributes {stable_mosaic.version = 14 : i64} {
  func.func @body(%arg0: i32, %arg1: i32, %arg2: memref<33554432xf32, #tpu.memory_space<hbm>>, %arg3: memref<32x2x16xf32, #tpu.memory_space<hbm>>, %arg4: memref<32768xf32, #tpu.memory_space<vmem>>, %arg5: memref<32768xf32, #tpu.memory_space<vmem>>, %arg6: memref<2x16xf32, #tpu.memory_space<vmem>>, %arg7: memref<!tpu.dma_semaphore, #tpu.memory_space<semaphore_mem>>, %arg8: memref<!tpu.dma_semaphore, #tpu.memory_space<semaphore_mem>>) attributes {dimension_semantics = [#tpu.dimension_semantics<core_parallel>, #tpu.dimension_semantics<subcore_parallel>], iteration_bounds = array<i64: 2, 16>, scalar_prefetch = 0 : i64, scratch_operands = 5 : i64, tpu.core_type = #tpu.core_type<sc_vector_subcore>, window_params = [{transform_indices = #map}, {transform_indices = #map1}]} {
    %mul3A = arith.constant 16 : i32
    %mul3A_0 = arith.muli %arg0, %mul3A : i32
    %add3A = arith.addi %mul3A_0, %arg1 : i32
    %mul3A_1 = arith.constant 1048576 : i32
    %mul3A_2 = arith.muli %add3A, %mul3A_1 : i32
    %dma_start3A = tpu.memref_slice %arg2[%mul3A_2] : memref<33554432xf32, #tpu.memory_space<hbm>> -> memref<32768xf32, #tpu.memory_space<hbm>>
    %dma_start3A_3 = tpu.memref_slice %arg2[%mul3A_2] : memref<33554432xf32, #tpu.memory_space<hbm>> -> memref<32768xf32, #tpu.memory_space<hbm>>
    tpu.enqueue_dma source(%dma_start3A_3 : memref<32768xf32, #tpu.memory_space<hbm>>) target(%arg4 : memref<32768xf32, #tpu.memory_space<vmem>>) target_semaphore(%arg7 : memref<!tpu.dma_semaphore, #tpu.memory_space<semaphore_mem>>)
    %add3A_4 = arith.constant 32768 : i32
    %add3A_5 = arith.addi %mul3A_2, %add3A_4 : i32
    %dma_start3A_6 = tpu.memref_slice %arg2[%add3A_5] : memref<33554432xf32, #tpu.memory_space<hbm>> -> memref<32768xf32, #tpu.memory_space<hbm>>
    %dma_start3A_7 = tpu.memref_slice %arg2[%add3A_5] : memref<33554432xf32, #tpu.memory_space<hbm>> -> memref<32768xf32, #tpu.memory_space<hbm>>
    tpu.enqueue_dma source(%dma_start3A_7 : memref<32768xf32, #tpu.memory_space<hbm>>) target(%arg5 : memref<32768xf32, #tpu.memory_space<vmem>>) target_semaphore(%arg8 : memref<!tpu.dma_semaphore, #tpu.memory_space<semaphore_mem>>)
    %broadcast_in_dim3A = arith.constant 0x7F800000 : f32
    %broadcast_in_dim3A_8 = vector.broadcast %broadcast_in_dim3A : f32 to vector<16xf32>
    %broadcast_in_dim3A_9 = arith.constant 0xFF800000 : f32
    %broadcast_in_dim3A_10 = vector.broadcast %broadcast_in_dim3A_9 : f32 to vector<16xf32>
    %scan3A = arith.constant 0 : i32
    %scan3A_11 = arith.constant 15 : i32
    %scan3A_12 = arith.addi %scan3A, %scan3A_11 : i32
    %scan3A_13 = arith.constant 1 : i32
    %scan3A_14:8 = scf.for %scan3A_46 = %scan3A to %scan3A_12 step %scan3A_13 iter_args(%scan3A_47 = %broadcast_in_dim3A_8, %scan3A_48 = %broadcast_in_dim3A_8, %scan3A_49 = %broadcast_in_dim3A_8, %scan3A_50 = %broadcast_in_dim3A_8, %scan3A_51 = %broadcast_in_dim3A_10, %scan3A_52 = %broadcast_in_dim3A_10, %scan3A_53 = %broadcast_in_dim3A_10, %scan3A_54 = %broadcast_in_dim3A_10) -> (vector<16xf32>, vector<16xf32>, vector<16xf32>, vector<16xf32>, vector<16xf32>, vector<16xf32>, vector<16xf32>, vector<16xf32>)  : i32 {
      %mul3A_55 = arith.constant 2 : i32
      %mul3A_56 = arith.muli %mul3A_55, %scan3A_46 : i32
      %add3A_57 = arith.constant 0 : i32
      %add3A_58 = arith.addi %mul3A_56, %add3A_57 : i32
      %mul3A_59 = arith.constant 32768 : i32
      %mul3A_60 = arith.muli %add3A_58, %mul3A_59 : i32
      %add3A_61 = arith.addi %mul3A_2, %mul3A_60 : i32
      %dma_wait3A_62 = tpu.memref_slice %arg2[%add3A_61] : memref<33554432xf32, #tpu.memory_space<hbm>> -> memref<32768xf32, #tpu.memory_space<hbm>>
      %dma_wait3A_63 = tpu.memref_slice %arg2[%add3A_61] : memref<33554432xf32, #tpu.memory_space<hbm>> -> memref<32768xf32, #tpu.memory_space<hbm>>
      tpu.wait_dma2 semaphore(%arg7 : memref<!tpu.dma_semaphore, #tpu.memory_space<semaphore_mem>>) src(%dma_wait3A_63 : memref<32768xf32, #tpu.memory_space<hbm>>) dst(%arg4 : memref<32768xf32, #tpu.memory_space<vmem>>)
      %scan3A_64 = arith.constant 0 : i32
      %scan3A_65 = arith.constant 256 : i32
      %scan3A_66 = arith.addi %scan3A_64, %scan3A_65 : i32
      %scan3A_67 = arith.constant 1 : i32
      %scan3A_68:8 = scf.for %scan3A_99 = %scan3A_64 to %scan3A_66 step %scan3A_67 iter_args(%scan3A_100 = %scan3A_47, %scan3A_101 = %scan3A_48, %scan3A_102 = %scan3A_49, %scan3A_103 = %scan3A_50, %scan3A_104 = %scan3A_51, %scan3A_105 = %scan3A_52, %scan3A_106 = %scan3A_53, %scan3A_107 = %scan3A_54) -> (vector<16xf32>, vector<16xf32>, vector<16xf32>, vector<16xf32>, vector<16xf32>, vector<16xf32>, vector<16xf32>, vector<16xf32>)  : i32 {
        %mul3A_108 = arith.constant 8 : i32
        %mul3A_109 = arith.muli %scan3A_99, %mul3A_108 : i32
        %add3A_110 = arith.constant 0 : i32
        %add3A_111 = arith.addi %mul3A_109, %add3A_110 : i32
        %mul3A_112 = arith.constant 16 : i32
        %mul3A_113 = arith.muli %add3A_111, %mul3A_112 : i32
        %get3A = arith.index_cast %mul3A_113 : i32 to index
        %get3A_114 = tpu.vector_load %arg4[%get3A] {strides = array<i32>} : memref<32768xf32, #tpu.memory_space<vmem>>, vector<16xf32>,
        %min3A_115 = arith.minimumf %scan3A_100, %get3A_114 : vector<16xf32>
        %max3A_116 = arith.maximumf %scan3A_104, %get3A_114 : vector<16xf32>
        %mul3A_117 = arith.constant 8 : i32
        %mul3A_118 = arith.muli %scan3A_99, %mul3A_117 : i32
        %add3A_119 = arith.constant 1 : i32
        %add3A_120 = arith.addi %mul3A_118, %add3A_119 : i32
        %mul3A_121 = arith.constant 16 : i32
        %mul3A_122 = arith.muli %add3A_120, %mul3A_121 : i32
        %get3A_123 = arith.index_cast %mul3A_122 : i32 to index
        %get3A_124 = tpu.vector_load %arg4[%get3A_123] {strides = array<i32>} : memref<32768xf32, #tpu.memory_space<vmem>>, vector<16xf32>,
        %min3A_125 = arith.minimumf %scan3A_101, %get3A_124 : vector<16xf32>
        %max3A_126 = arith.maximumf %scan3A_105, %get3A_124 : vector<16xf32>
        %mul3A_127 = arith.constant 8 : i32
        %mul3A_128 = arith.muli %scan3A_99, %mul3A_127 : i32
        %add3A_129 = arith.constant 2 : i32
        %add3A_130 = arith.addi %mul3A_128, %add3A_129 : i32
        %mul3A_131 = arith.constant 16 : i32
        %mul3A_132 = arith.muli %add3A_130, %mul3A_131 : i32
        %get3A_133 = arith.index_cast %mul3A_132 : i32 to index
        %get3A_134 = tpu.vector_load %arg4[%get3A_133] {strides = array<i32>} : memref<32768xf32, #tpu.memory_space<vmem>>, vector<16xf32>,
        %min3A_135 = arith.minimumf %scan3A_102, %get3A_134 : vector<16xf32>
        %max3A_136 = arith.maximumf %scan3A_106, %get3A_134 : vector<16xf32>
        %mul3A_137 = arith.constant 8 : i32
        %mul3A_138 = arith.muli %scan3A_99, %mul3A_137 : i32
        %add3A_139 = arith.constant 3 : i32
        %add3A_140 = arith.addi %mul3A_138, %add3A_139 : i32
        %mul3A_141 = arith.constant 16 : i32
        %mul3A_142 = arith.muli %add3A_140, %mul3A_141 : i32
        %get3A_143 = arith.index_cast %mul3A_142 : i32 to index
        %get3A_144 = tpu.vector_load %arg4[%get3A_143] {strides = array<i32>} : memref<32768xf32, #tpu.memory_space<vmem>>, vector<16xf32>,
        %min3A_145 = arith.minimumf %scan3A_103, %get3A_144 : vector<16xf32>
        %max3A_146 = arith.maximumf %scan3A_107, %get3A_144 : vector<16xf32>
        %mul3A_147 = arith.constant 8 : i32
        %mul3A_148 = arith.muli %scan3A_99, %mul3A_147 : i32
        %add3A_149 = arith.constant 4 : i32
        %add3A_150 = arith.addi %mul3A_148, %add3A_149 : i32
        %mul3A_151 = arith.constant 16 : i32
        %mul3A_152 = arith.muli %add3A_150, %mul3A_151 : i32
        %get3A_153 = arith.index_cast %mul3A_152 : i32 to index
        %get3A_154 = tpu.vector_load %arg4[%get3A_153] {strides = array<i32>} : memref<32768xf32, #tpu.memory_space<vmem>>, vector<16xf32>,
        %min3A_155 = arith.minimumf %min3A_115, %get3A_154 : vector<16xf32>
        %max3A_156 = arith.maximumf %max3A_116, %get3A_154 : vector<16xf32>
        %mul3A_157 = arith.constant 8 : i32
        %mul3A_158 = arith.muli %scan3A_99, %mul3A_157 : i32
        %add3A_159 = arith.constant 5 : i32
        %add3A_160 = arith.addi %mul3A_158, %add3A_159 : i32
        %mul3A_161 = arith.constant 16 : i32
        %mul3A_162 = arith.muli %add3A_160, %mul3A_161 : i32
        %get3A_163 = arith.index_cast %mul3A_162 : i32 to index
        %get3A_164 = tpu.vector_load %arg4[%get3A_163] {strides = array<i32>} : memref<32768xf32, #tpu.memory_space<vmem>>, vector<16xf32>,
        %min3A_165 = arith.minimumf %min3A_125, %get3A_164 : vector<16xf32>
        %max3A_166 = arith.maximumf %max3A_126, %get3A_164 : vector<16xf32>
        %mul3A_167 = arith.constant 8 : i32
        %mul3A_168 = arith.muli %scan3A_99, %mul3A_167 : i32
        %add3A_169 = arith.constant 6 : i32
        %add3A_170 = arith.addi %mul3A_168, %add3A_169 : i32
        %mul3A_171 = arith.constant 16 : i32
        %mul3A_172 = arith.muli %add3A_170, %mul3A_171 : i32
        %get3A_173 = arith.index_cast %mul3A_172 : i32 to index
        %get3A_174 = tpu.vector_load %arg4[%get3A_173] {strides = array<i32>} : memref<32768xf32, #tpu.memory_space<vmem>>, vector<16xf32>,
        %min3A_175 = arith.minimumf %min3A_135, %get3A_174 : vector<16xf32>
        %max3A_176 = arith.maximumf %max3A_136, %get3A_174 : vector<16xf32>
        %mul3A_177 = arith.constant 8 : i32
        %mul3A_178 = arith.muli %scan3A_99, %mul3A_177 : i32
        %add3A_179 = arith.constant 7 : i32
        %add3A_180 = arith.addi %mul3A_178, %add3A_179 : i32
        %mul3A_181 = arith.constant 16 : i32
        %mul3A_182 = arith.muli %add3A_180, %mul3A_181 : i32
        %get3A_183 = arith.index_cast %mul3A_182 : i32 to index
        %get3A_184 = tpu.vector_load %arg4[%get3A_183] {strides = array<i32>} : memref<32768xf32, #tpu.memory_space<vmem>>, vector<16xf32>,
        %min3A_185 = arith.minimumf %min3A_145, %get3A_184 : vector<16xf32>
        %max3A_186 = arith.maximumf %max3A_146, %get3A_184 : vector<16xf32>
        scf.yield %min3A_155, %min3A_165, %min3A_175, %min3A_185, %max3A_156, %max3A_166, %max3A_176, %max3A_186 : vector<16xf32>, vector<16xf32>, vector<16xf32>, vector<16xf32>, vector<16xf32>, vector<16xf32>, vector<16xf32>, vector<16xf32>
      }
      %scan3A_69 = arith.constant 256 : i32
      %add3A_70 = arith.constant 2 : i32
      %add3A_71 = arith.addi %add3A_58, %add3A_70 : i32
      %mul3A_72 = arith.constant 32768 : i32
      %mul3A_73 = arith.muli %add3A_71, %mul3A_72 : i32
      %add3A_74 = arith.addi %mul3A_2, %mul3A_73 : i32
      %dma_start3A_75 = tpu.memref_slice %arg2[%add3A_74] : memref<33554432xf32, #tpu.memory_space<hbm>> -> memref<32768xf32, #tpu.memory_space<hbm>>
      %dma_start3A_76 = tpu.memref_slice %arg2[%add3A_74] : memref<33554432xf32, #tpu.memory_space<hbm>> -> memref<32768xf32, #tpu.memory_space<hbm>>
      tpu.enqueue_dma source(%dma_start3A_76 : memref<32768xf32, #tpu.memory_space<hbm>>) target(%arg4 : memref<32768xf32, #tpu.memory_space<vmem>>) target_semaphore(%arg7 : memref<!tpu.dma_semaphore, #tpu.memory_space<semaphore_mem>>)
      %mul3A_77 = arith.constant 2 : i32
      %mul3A_78 = arith.muli %mul3A_77, %scan3A_46 : i32
      %add3A_79 = arith.constant 1 : i32
      %add3A_80 = arith.addi %mul3A_78, %add3A_79 : i32
      %mul3A_81 = arith.constant 32768 : i32
      %mul3A_82 = arith.muli %add3A_80, %mul3A_81 : i32
      %add3A_83 = arith.addi %mul3A_2, %mul3A_82 : i32
      %dma_wait3A_84 = tpu.memref_slice %arg2[%add3A_83] : memref<33554432xf32, #tpu.memory_space<hbm>> -> memref<32768xf32, #tpu.memory_space<hbm>>
      %dma_wait3A_85 = tpu.memref_slice %arg2[%add3A_83] : memref<33554432xf32, #tpu.memory_space<hbm>> -> memref<32768xf32, #tpu.memory_space<hbm>>
      tpu.wait_dma2 semaphore(%arg8 : memref<!tpu.dma_semaphore, #tpu.memory_space<semaphore_mem>>) src(%dma_wait3A_85 : memref<32768xf32, #tpu.memory_space<hbm>>) dst(%arg5 : memref<32768xf32, #tpu.memory_space<vmem>>)
      %scan3A_86 = arith.constant 0 : i32
      %scan3A_87 = arith.constant 256 : i32
      %scan3A_88 = arith.addi %scan3A_86, %scan3A_87 : i32
      %scan3A_89 = arith.constant 1 : i32
      %scan3A_90:8 = scf.for %scan3A_99 = %scan3A_86 to %scan3A_88 step %scan3A_89 iter_args(%scan3A_100 = %scan3A_68#0, %scan3A_101 = %scan3A_68#1, %scan3A_102 = %scan3A_68#2, %scan3A_103 = %scan3A_68#3, %scan3A_104 = %scan3A_68#4, %scan3A_105 = %scan3A_68#5, %scan3A_106 = %scan3A_68#6, %scan3A_107 = %scan3A_68#7) -> (vector<16xf32>, vector<16xf32>, vector<16xf32>, vector<16xf32>, vector<16xf32>, vector<16xf32>, vector<16xf32>, vector<16xf32>)  : i32 {
        %mul3A_108 = arith.constant 8 : i32
        %mul3A_109 = arith.muli %scan3A_99, %mul3A_108 : i32
        %add3A_110 = arith.constant 0 : i32
        %add3A_111 = arith.addi %mul3A_109, %add3A_110 : i32
        %mul3A_112 = arith.constant 16 : i32
        %mul3A_113 = arith.muli %add3A_111, %mul3A_112 : i32
        %get3A = arith.index_cast %mul3A_113 : i32 to index
        %get3A_114 = tpu.vector_load %arg5[%get3A] {strides = array<i32>} : memref<32768xf32, #tpu.memory_space<vmem>>, vector<16xf32>,
        %min3A_115 = arith.minimumf %scan3A_100, %get3A_114 : vector<16xf32>
        %max3A_116 = arith.maximumf %scan3A_104, %get3A_114 : vector<16xf32>
        %mul3A_117 = arith.constant 8 : i32
        %mul3A_118 = arith.muli %scan3A_99, %mul3A_117 : i32
        %add3A_119 = arith.constant 1 : i32
        %add3A_120 = arith.addi %mul3A_118, %add3A_119 : i32
        %mul3A_121 = arith.constant 16 : i32
        %mul3A_122 = arith.muli %add3A_120, %mul3A_121 : i32
        %get3A_123 = arith.index_cast %mul3A_122 : i32 to index
        %get3A_124 = tpu.vector_load %arg5[%get3A_123] {strides = array<i32>} : memref<32768xf32, #tpu.memory_space<vmem>>, vector<16xf32>,
        %min3A_125 = arith.minimumf %scan3A_101, %get3A_124 : vector<16xf32>
        %max3A_126 = arith.maximumf %scan3A_105, %get3A_124 : vector<16xf32>
        %mul3A_127 = arith.constant 8 : i32
        %mul3A_128 = arith.muli %scan3A_99, %mul3A_127 : i32
        %add3A_129 = arith.constant 2 : i32
        %add3A_130 = arith.addi %mul3A_128, %add3A_129 : i32
        %mul3A_131 = arith.constant 16 : i32
        %mul3A_132 = arith.muli %add3A_130, %mul3A_131 : i32
        %get3A_133 = arith.index_cast %mul3A_132 : i32 to index
        %get3A_134 = tpu.vector_load %arg5[%get3A_133] {strides = array<i32>} : memref<32768xf32, #tpu.memory_space<vmem>>, vector<16xf32>,
        %min3A_135 = arith.minimumf %scan3A_102, %get3A_134 : vector<16xf32>
        %max3A_136 = arith.maximumf %scan3A_106, %get3A_134 : vector<16xf32>
        %mul3A_137 = arith.constant 8 : i32
        %mul3A_138 = arith.muli %scan3A_99, %mul3A_137 : i32
        %add3A_139 = arith.constant 3 : i32
        %add3A_140 = arith.addi %mul3A_138, %add3A_139 : i32
        %mul3A_141 = arith.constant 16 : i32
        %mul3A_142 = arith.muli %add3A_140, %mul3A_141 : i32
        %get3A_143 = arith.index_cast %mul3A_142 : i32 to index
        %get3A_144 = tpu.vector_load %arg5[%get3A_143] {strides = array<i32>} : memref<32768xf32, #tpu.memory_space<vmem>>, vector<16xf32>,
        %min3A_145 = arith.minimumf %scan3A_103, %get3A_144 : vector<16xf32>
        %max3A_146 = arith.maximumf %scan3A_107, %get3A_144 : vector<16xf32>
        %mul3A_147 = arith.constant 8 : i32
        %mul3A_148 = arith.muli %scan3A_99, %mul3A_147 : i32
        %add3A_149 = arith.constant 4 : i32
        %add3A_150 = arith.addi %mul3A_148, %add3A_149 : i32
        %mul3A_151 = arith.constant 16 : i32
        %mul3A_152 = arith.muli %add3A_150, %mul3A_151 : i32
        %get3A_153 = arith.index_cast %mul3A_152 : i32 to index
        %get3A_154 = tpu.vector_load %arg5[%get3A_153] {strides = array<i32>} : memref<32768xf32, #tpu.memory_space<vmem>>, vector<16xf32>,
        %min3A_155 = arith.minimumf %min3A_115, %get3A_154 : vector<16xf32>
        %max3A_156 = arith.maximumf %max3A_116, %get3A_154 : vector<16xf32>
        %mul3A_157 = arith.constant 8 : i32
        %mul3A_158 = arith.muli %scan3A_99, %mul3A_157 : i32
        %add3A_159 = arith.constant 5 : i32
        %add3A_160 = arith.addi %mul3A_158, %add3A_159 : i32
        %mul3A_161 = arith.constant 16 : i32
        %mul3A_162 = arith.muli %add3A_160, %mul3A_161 : i32
        %get3A_163 = arith.index_cast %mul3A_162 : i32 to index
        %get3A_164 = tpu.vector_load %arg5[%get3A_163] {strides = array<i32>} : memref<32768xf32, #tpu.memory_space<vmem>>, vector<16xf32>,
        %min3A_165 = arith.minimumf %min3A_125, %get3A_164 : vector<16xf32>
        %max3A_166 = arith.maximumf %max3A_126, %get3A_164 : vector<16xf32>
        %mul3A_167 = arith.constant 8 : i32
        %mul3A_168 = arith.muli %scan3A_99, %mul3A_167 : i32
        %add3A_169 = arith.constant 6 : i32
        %add3A_170 = arith.addi %mul3A_168, %add3A_169 : i32
        %mul3A_171 = arith.constant 16 : i32
        %mul3A_172 = arith.muli %add3A_170, %mul3A_171 : i32
        %get3A_173 = arith.index_cast %mul3A_172 : i32 to index
        %get3A_174 = tpu.vector_load %arg5[%get3A_173] {strides = array<i32>} : memref<32768xf32, #tpu.memory_space<vmem>>, vector<16xf32>,
        %min3A_175 = arith.minimumf %min3A_135, %get3A_174 : vector<16xf32>
        %max3A_176 = arith.maximumf %max3A_136, %get3A_174 : vector<16xf32>
        %mul3A_177 = arith.constant 8 : i32
        %mul3A_178 = arith.muli %scan3A_99, %mul3A_177 : i32
        %add3A_179 = arith.constant 7 : i32
        %add3A_180 = arith.addi %mul3A_178, %add3A_179 : i32
        %mul3A_181 = arith.constant 16 : i32
        %mul3A_182 = arith.muli %add3A_180, %mul3A_181 : i32
        %get3A_183 = arith.index_cast %mul3A_182 : i32 to index
        %get3A_184 = tpu.vector_load %arg5[%get3A_183] {strides = array<i32>} : memref<32768xf32, #tpu.memory_space<vmem>>, vector<16xf32>,
        %min3A_185 = arith.minimumf %min3A_145, %get3A_184 : vector<16xf32>
        %max3A_186 = arith.maximumf %max3A_146, %get3A_184 : vector<16xf32>
        scf.yield %min3A_155, %min3A_165, %min3A_175, %min3A_185, %max3A_156, %max3A_166, %max3A_176, %max3A_186 : vector<16xf32>, vector<16xf32>, vector<16xf32>, vector<16xf32>, vector<16xf32>, vector<16xf32>, vector<16xf32>, vector<16xf32>
      }
      %scan3A_91 = arith.constant 256 : i32
      %add3A_92 = arith.constant 2 : i32
      %add3A_93 = arith.addi %add3A_80, %add3A_92 : i32
      %mul3A_94 = arith.constant 32768 : i32
      %mul3A_95 = arith.muli %add3A_93, %mul3A_94 : i32
      %add3A_96 = arith.addi %mul3A_2, %mul3A_95 : i32
      %dma_start3A_97 = tpu.memref_slice %arg2[%add3A_96] : memref<33554432xf32, #tpu.memory_space<hbm>> -> memref<32768xf32, #tpu.memory_space<hbm>>
      %dma_start3A_98 = tpu.memref_slice %arg2[%add3A_96] : memref<33554432xf32, #tpu.memory_space<hbm>> -> memref<32768xf32, #tpu.memory_space<hbm>>
      tpu.enqueue_dma source(%dma_start3A_98 : memref<32768xf32, #tpu.memory_space<hbm>>) target(%arg5 : memref<32768xf32, #tpu.memory_space<vmem>>) target_semaphore(%arg8 : memref<!tpu.dma_semaphore, #tpu.memory_space<semaphore_mem>>)
      scf.yield %scan3A_90#0, %scan3A_90#1, %scan3A_90#2, %scan3A_90#3, %scan3A_90#4, %scan3A_90#5, %scan3A_90#6, %scan3A_90#7 : vector<16xf32>, vector<16xf32>, vector<16xf32>, vector<16xf32>, vector<16xf32>, vector<16xf32>, vector<16xf32>, vector<16xf32>
    }
    %scan3A_15 = arith.constant 15 : i32
    %add3A_16 = arith.constant 983040 : i32
    %add3A_17 = arith.addi %mul3A_2, %add3A_16 : i32
    %dma_wait3A = tpu.memref_slice %arg2[%add3A_17] : memref<33554432xf32, #tpu.memory_space<hbm>> -> memref<32768xf32, #tpu.memory_space<hbm>>
    %dma_wait3A_18 = tpu.memref_slice %arg2[%add3A_17] : memref<33554432xf32, #tpu.memory_space<hbm>> -> memref<32768xf32, #tpu.memory_space<hbm>>
    tpu.wait_dma2 semaphore(%arg7 : memref<!tpu.dma_semaphore, #tpu.memory_space<semaphore_mem>>) src(%dma_wait3A_18 : memref<32768xf32, #tpu.memory_space<hbm>>) dst(%arg4 : memref<32768xf32, #tpu.memory_space<vmem>>)
    %scan3A_19 = arith.constant 0 : i32
    %scan3A_20 = arith.constant 256 : i32
    %scan3A_21 = arith.addi %scan3A_19, %scan3A_20 : i32
    %scan3A_22 = arith.constant 1 : i32
    %scan3A_23:8 = scf.for %scan3A_46 = %scan3A_19 to %scan3A_21 step %scan3A_22 iter_args(%scan3A_47 = %scan3A_14#0, %scan3A_48 = %scan3A_14#1, %scan3A_49 = %scan3A_14#2, %scan3A_50 = %scan3A_14#3, %scan3A_51 = %scan3A_14#4, %scan3A_52 = %scan3A_14#5, %scan3A_53 = %scan3A_14#6, %scan3A_54 = %scan3A_14#7) -> (vector<16xf32>, vector<16xf32>, vector<16xf32>, vector<16xf32>, vector<16xf32>, vector<16xf32>, vector<16xf32>, vector<16xf32>)  : i32 {
      %mul3A_55 = arith.constant 8 : i32
      %mul3A_56 = arith.muli %scan3A_46, %mul3A_55 : i32
      %add3A_57 = arith.constant 0 : i32
      %add3A_58 = arith.addi %mul3A_56, %add3A_57 : i32
      %mul3A_59 = arith.constant 16 : i32
      %mul3A_60 = arith.muli %add3A_58, %mul3A_59 : i32
      %get3A = arith.index_cast %mul3A_60 : i32 to index
      %get3A_61 = tpu.vector_load %arg4[%get3A] {strides = array<i32>} : memref<32768xf32, #tpu.memory_space<vmem>>, vector<16xf32>,
      %min3A_62 = arith.minimumf %scan3A_47, %get3A_61 : vector<16xf32>
      %max3A_63 = arith.maximumf %scan3A_51, %get3A_61 : vector<16xf32>
      %mul3A_64 = arith.constant 8 : i32
      %mul3A_65 = arith.muli %scan3A_46, %mul3A_64 : i32
      %add3A_66 = arith.constant 1 : i32
      %add3A_67 = arith.addi %mul3A_65, %add3A_66 : i32
      %mul3A_68 = arith.constant 16 : i32
      %mul3A_69 = arith.muli %add3A_67, %mul3A_68 : i32
      %get3A_70 = arith.index_cast %mul3A_69 : i32 to index
      %get3A_71 = tpu.vector_load %arg4[%get3A_70] {strides = array<i32>} : memref<32768xf32, #tpu.memory_space<vmem>>, vector<16xf32>,
      %min3A_72 = arith.minimumf %scan3A_48, %get3A_71 : vector<16xf32>
      %max3A_73 = arith.maximumf %scan3A_52, %get3A_71 : vector<16xf32>
      %mul3A_74 = arith.constant 8 : i32
      %mul3A_75 = arith.muli %scan3A_46, %mul3A_74 : i32
      %add3A_76 = arith.constant 2 : i32
      %add3A_77 = arith.addi %mul3A_75, %add3A_76 : i32
      %mul3A_78 = arith.constant 16 : i32
      %mul3A_79 = arith.muli %add3A_77, %mul3A_78 : i32
      %get3A_80 = arith.index_cast %mul3A_79 : i32 to index
      %get3A_81 = tpu.vector_load %arg4[%get3A_80] {strides = array<i32>} : memref<32768xf32, #tpu.memory_space<vmem>>, vector<16xf32>,
      %min3A_82 = arith.minimumf %scan3A_49, %get3A_81 : vector<16xf32>
      %max3A_83 = arith.maximumf %scan3A_53, %get3A_81 : vector<16xf32>
      %mul3A_84 = arith.constant 8 : i32
      %mul3A_85 = arith.muli %scan3A_46, %mul3A_84 : i32
      %add3A_86 = arith.constant 3 : i32
      %add3A_87 = arith.addi %mul3A_85, %add3A_86 : i32
      %mul3A_88 = arith.constant 16 : i32
      %mul3A_89 = arith.muli %add3A_87, %mul3A_88 : i32
      %get3A_90 = arith.index_cast %mul3A_89 : i32 to index
      %get3A_91 = tpu.vector_load %arg4[%get3A_90] {strides = array<i32>} : memref<32768xf32, #tpu.memory_space<vmem>>, vector<16xf32>,
      %min3A_92 = arith.minimumf %scan3A_50, %get3A_91 : vector<16xf32>
      %max3A_93 = arith.maximumf %scan3A_54, %get3A_91 : vector<16xf32>
      %mul3A_94 = arith.constant 8 : i32
      %mul3A_95 = arith.muli %scan3A_46, %mul3A_94 : i32
      %add3A_96 = arith.constant 4 : i32
      %add3A_97 = arith.addi %mul3A_95, %add3A_96 : i32
      %mul3A_98 = arith.constant 16 : i32
      %mul3A_99 = arith.muli %add3A_97, %mul3A_98 : i32
      %get3A_100 = arith.index_cast %mul3A_99 : i32 to index
      %get3A_101 = tpu.vector_load %arg4[%get3A_100] {strides = array<i32>} : memref<32768xf32, #tpu.memory_space<vmem>>, vector<16xf32>,
      %min3A_102 = arith.minimumf %min3A_62, %get3A_101 : vector<16xf32>
      %max3A_103 = arith.maximumf %max3A_63, %get3A_101 : vector<16xf32>
      %mul3A_104 = arith.constant 8 : i32
      %mul3A_105 = arith.muli %scan3A_46, %mul3A_104 : i32
      %add3A_106 = arith.constant 5 : i32
      %add3A_107 = arith.addi %mul3A_105, %add3A_106 : i32
      %mul3A_108 = arith.constant 16 : i32
      %mul3A_109 = arith.muli %add3A_107, %mul3A_108 : i32
      %get3A_110 = arith.index_cast %mul3A_109 : i32 to index
      %get3A_111 = tpu.vector_load %arg4[%get3A_110] {strides = array<i32>} : memref<32768xf32, #tpu.memory_space<vmem>>, vector<16xf32>,
      %min3A_112 = arith.minimumf %min3A_72, %get3A_111 : vector<16xf32>
      %max3A_113 = arith.maximumf %max3A_73, %get3A_111 : vector<16xf32>
      %mul3A_114 = arith.constant 8 : i32
      %mul3A_115 = arith.muli %scan3A_46, %mul3A_114 : i32
      %add3A_116 = arith.constant 6 : i32
      %add3A_117 = arith.addi %mul3A_115, %add3A_116 : i32
      %mul3A_118 = arith.constant 16 : i32
      %mul3A_119 = arith.muli %add3A_117, %mul3A_118 : i32
      %get3A_120 = arith.index_cast %mul3A_119 : i32 to index
      %get3A_121 = tpu.vector_load %arg4[%get3A_120] {strides = array<i32>} : memref<32768xf32, #tpu.memory_space<vmem>>, vector<16xf32>,
      %min3A_122 = arith.minimumf %min3A_82, %get3A_121 : vector<16xf32>
      %max3A_123 = arith.maximumf %max3A_83, %get3A_121 : vector<16xf32>
      %mul3A_124 = arith.constant 8 : i32
      %mul3A_125 = arith.muli %scan3A_46, %mul3A_124 : i32
      %add3A_126 = arith.constant 7 : i32
      %add3A_127 = arith.addi %mul3A_125, %add3A_126 : i32
      %mul3A_128 = arith.constant 16 : i32
      %mul3A_129 = arith.muli %add3A_127, %mul3A_128 : i32
      %get3A_130 = arith.index_cast %mul3A_129 : i32 to index
      %get3A_131 = tpu.vector_load %arg4[%get3A_130] {strides = array<i32>} : memref<32768xf32, #tpu.memory_space<vmem>>, vector<16xf32>,
      %min3A_132 = arith.minimumf %min3A_92, %get3A_131 : vector<16xf32>
      %max3A_133 = arith.maximumf %max3A_93, %get3A_131 : vector<16xf32>
      scf.yield %min3A_102, %min3A_112, %min3A_122, %min3A_132, %max3A_103, %max3A_113, %max3A_123, %max3A_133 : vector<16xf32>, vector<16xf32>, vector<16xf32>, vector<16xf32>, vector<16xf32>, vector<16xf32>, vector<16xf32>, vector<16xf32>
    }
    %scan3A_24 = arith.constant 256 : i32
    %add3A_25 = arith.constant 1015808 : i32
    %add3A_26 = arith.addi %mul3A_2, %add3A_25 : i32
    %dma_wait3A_27 = tpu.memref_slice %arg2[%add3A_26] : memref<33554432xf32, #tpu.memory_space<hbm>> -> memref<32768xf32, #tpu.memory_space<hbm>>
    %dma_wait3A_28 = tpu.memref_slice %arg2[%add3A_26] : memref<33554432xf32, #tpu.memory_space<hbm>> -> memref<32768xf32, #tpu.memory_space<hbm>>
    tpu.wait_dma2 semaphore(%arg8 : memref<!tpu.dma_semaphore, #tpu.memory_space<semaphore_mem>>) src(%dma_wait3A_28 : memref<32768xf32, #tpu.memory_space<hbm>>) dst(%arg5 : memref<32768xf32, #tpu.memory_space<vmem>>)
    %scan3A_29 = arith.constant 0 : i32
    %scan3A_30 = arith.constant 256 : i32
    %scan3A_31 = arith.addi %scan3A_29, %scan3A_30 : i32
    %scan3A_32 = arith.constant 1 : i32
    %scan3A_33:8 = scf.for %scan3A_46 = %scan3A_29 to %scan3A_31 step %scan3A_32 iter_args(%scan3A_47 = %scan3A_23#0, %scan3A_48 = %scan3A_23#1, %scan3A_49 = %scan3A_23#2, %scan3A_50 = %scan3A_23#3, %scan3A_51 = %scan3A_23#4, %scan3A_52 = %scan3A_23#5, %scan3A_53 = %scan3A_23#6, %scan3A_54 = %scan3A_23#7) -> (vector<16xf32>, vector<16xf32>, vector<16xf32>, vector<16xf32>, vector<16xf32>, vector<16xf32>, vector<16xf32>, vector<16xf32>)  : i32 {
      %mul3A_55 = arith.constant 8 : i32
      %mul3A_56 = arith.muli %scan3A_46, %mul3A_55 : i32
      %add3A_57 = arith.constant 0 : i32
      %add3A_58 = arith.addi %mul3A_56, %add3A_57 : i32
      %mul3A_59 = arith.constant 16 : i32
      %mul3A_60 = arith.muli %add3A_58, %mul3A_59 : i32
      %get3A = arith.index_cast %mul3A_60 : i32 to index
      %get3A_61 = tpu.vector_load %arg5[%get3A] {strides = array<i32>} : memref<32768xf32, #tpu.memory_space<vmem>>, vector<16xf32>,
      %min3A_62 = arith.minimumf %scan3A_47, %get3A_61 : vector<16xf32>
      %max3A_63 = arith.maximumf %scan3A_51, %get3A_61 : vector<16xf32>
      %mul3A_64 = arith.constant 8 : i32
      %mul3A_65 = arith.muli %scan3A_46, %mul3A_64 : i32
      %add3A_66 = arith.constant 1 : i32
      %add3A_67 = arith.addi %mul3A_65, %add3A_66 : i32
      %mul3A_68 = arith.constant 16 : i32
      %mul3A_69 = arith.muli %add3A_67, %mul3A_68 : i32
      %get3A_70 = arith.index_cast %mul3A_69 : i32 to index
      %get3A_71 = tpu.vector_load %arg5[%get3A_70] {strides = array<i32>} : memref<32768xf32, #tpu.memory_space<vmem>>, vector<16xf32>,
      %min3A_72 = arith.minimumf %scan3A_48, %get3A_71 : vector<16xf32>
      %max3A_73 = arith.maximumf %scan3A_52, %get3A_71 : vector<16xf32>
      %mul3A_74 = arith.constant 8 : i32
      %mul3A_75 = arith.muli %scan3A_46, %mul3A_74 : i32
      %add3A_76 = arith.constant 2 : i32
      %add3A_77 = arith.addi %mul3A_75, %add3A_76 : i32
      %mul3A_78 = arith.constant 16 : i32
      %mul3A_79 = arith.muli %add3A_77, %mul3A_78 : i32
      %get3A_80 = arith.index_cast %mul3A_79 : i32 to index
      %get3A_81 = tpu.vector_load %arg5[%get3A_80] {strides = array<i32>} : memref<32768xf32, #tpu.memory_space<vmem>>, vector<16xf32>,
      %min3A_82 = arith.minimumf %scan3A_49, %get3A_81 : vector<16xf32>
      %max3A_83 = arith.maximumf %scan3A_53, %get3A_81 : vector<16xf32>
      %mul3A_84 = arith.constant 8 : i32
      %mul3A_85 = arith.muli %scan3A_46, %mul3A_84 : i32
      %add3A_86 = arith.constant 3 : i32
      %add3A_87 = arith.addi %mul3A_85, %add3A_86 : i32
      %mul3A_88 = arith.constant 16 : i32
      %mul3A_89 = arith.muli %add3A_87, %mul3A_88 : i32
      %get3A_90 = arith.index_cast %mul3A_89 : i32 to index
      %get3A_91 = tpu.vector_load %arg5[%get3A_90] {strides = array<i32>} : memref<32768xf32, #tpu.memory_space<vmem>>, vector<16xf32>,
      %min3A_92 = arith.minimumf %scan3A_50, %get3A_91 : vector<16xf32>
      %max3A_93 = arith.maximumf %scan3A_54, %get3A_91 : vector<16xf32>
      %mul3A_94 = arith.constant 8 : i32
      %mul3A_95 = arith.muli %scan3A_46, %mul3A_94 : i32
      %add3A_96 = arith.constant 4 : i32
      %add3A_97 = arith.addi %mul3A_95, %add3A_96 : i32
      %mul3A_98 = arith.constant 16 : i32
      %mul3A_99 = arith.muli %add3A_97, %mul3A_98 : i32
      %get3A_100 = arith.index_cast %mul3A_99 : i32 to index
      %get3A_101 = tpu.vector_load %arg5[%get3A_100] {strides = array<i32>} : memref<32768xf32, #tpu.memory_space<vmem>>, vector<16xf32>,
      %min3A_102 = arith.minimumf %min3A_62, %get3A_101 : vector<16xf32>
      %max3A_103 = arith.maximumf %max3A_63, %get3A_101 : vector<16xf32>
      %mul3A_104 = arith.constant 8 : i32
      %mul3A_105 = arith.muli %scan3A_46, %mul3A_104 : i32
      %add3A_106 = arith.constant 5 : i32
      %add3A_107 = arith.addi %mul3A_105, %add3A_106 : i32
      %mul3A_108 = arith.constant 16 : i32
      %mul3A_109 = arith.muli %add3A_107, %mul3A_108 : i32
      %get3A_110 = arith.index_cast %mul3A_109 : i32 to index
      %get3A_111 = tpu.vector_load %arg5[%get3A_110] {strides = array<i32>} : memref<32768xf32, #tpu.memory_space<vmem>>, vector<16xf32>,
      %min3A_112 = arith.minimumf %min3A_72, %get3A_111 : vector<16xf32>
      %max3A_113 = arith.maximumf %max3A_73, %get3A_111 : vector<16xf32>
      %mul3A_114 = arith.constant 8 : i32
      %mul3A_115 = arith.muli %scan3A_46, %mul3A_114 : i32
      %add3A_116 = arith.constant 6 : i32
      %add3A_117 = arith.addi %mul3A_115, %add3A_116 : i32
      %mul3A_118 = arith.constant 16 : i32
      %mul3A_119 = arith.muli %add3A_117, %mul3A_118 : i32
      %get3A_120 = arith.index_cast %mul3A_119 : i32 to index
      %get3A_121 = tpu.vector_load %arg5[%get3A_120] {strides = array<i32>} : memref<32768xf32, #tpu.memory_space<vmem>>, vector<16xf32>,
      %min3A_122 = arith.minimumf %min3A_82, %get3A_121 : vector<16xf32>
      %max3A_123 = arith.maximumf %max3A_83, %get3A_121 : vector<16xf32>
      %mul3A_124 = arith.constant 8 : i32
      %mul3A_125 = arith.muli %scan3A_46, %mul3A_124 : i32
      %add3A_126 = arith.constant 7 : i32
      %add3A_127 = arith.addi %mul3A_125, %add3A_126 : i32
      %mul3A_128 = arith.constant 16 : i32
      %mul3A_129 = arith.muli %add3A_127, %mul3A_128 : i32
      %get3A_130 = arith.index_cast %mul3A_129 : i32 to index
      %get3A_131 = tpu.vector_load %arg5[%get3A_130] {strides = array<i32>} : memref<32768xf32, #tpu.memory_space<vmem>>, vector<16xf32>,
      %min3A_132 = arith.minimumf %min3A_92, %get3A_131 : vector<16xf32>
      %max3A_133 = arith.maximumf %max3A_93, %get3A_131 : vector<16xf32>
      scf.yield %min3A_102, %min3A_112, %min3A_122, %min3A_132, %max3A_103, %max3A_113, %max3A_123, %max3A_133 : vector<16xf32>, vector<16xf32>, vector<16xf32>, vector<16xf32>, vector<16xf32>, vector<16xf32>, vector<16xf32>, vector<16xf32>
    }
    %scan3A_34 = arith.constant 256 : i32
    %min3A = arith.minimumf %scan3A_33#0, %scan3A_33#1 : vector<16xf32>
    %max3A = arith.maximumf %scan3A_33#4, %scan3A_33#5 : vector<16xf32>
    %min3A_35 = arith.minimumf %min3A, %scan3A_33#2 : vector<16xf32>
    %max3A_36 = arith.maximumf %max3A, %scan3A_33#6 : vector<16xf32>
    %min3A_37 = arith.minimumf %min3A_35, %scan3A_33#3 : vector<16xf32>
    %max3A_38 = arith.maximumf %max3A_36, %scan3A_33#7 : vector<16xf32>
    %swap3A = arith.constant 0 : i32
    %swap3A_39 = arith.index_cast %swap3A : i32 to index
    %swap3A_40 = arith.constant 0 : index
    %swap3A_41 = tpu.vector_load %arg6[%swap3A_39, %swap3A_40] {strides = array<i32>} : memref<2x16xf32, #tpu.memory_space<vmem>>, vector<16xf32>,
    tpu.vector_store %arg6[%swap3A_39, %swap3A_40], %min3A_37 {strides = array<i32>} : memref<2x16xf32, #tpu.memory_space<vmem>>, vector<16xf32>,
    %swap3A_42 = arith.constant 1 : i32
    %swap3A_43 = arith.index_cast %swap3A_42 : i32 to index
    %swap3A_44 = arith.constant 0 : index
    %swap3A_45 = tpu.vector_load %arg6[%swap3A_43, %swap3A_44] {strides = array<i32>} : memref<2x16xf32, #tpu.memory_space<vmem>>, vector<16xf32>,
    tpu.vector_store %arg6[%swap3A_43, %swap3A_44], %max3A_38 {strides = array<i32>} : memref<2x16xf32, #tpu.memory_space<vmem>>, vector<16xf32>,
    "tpu.region"() ({
      %run_scoped3A = tpu.sem_alloc : memref<!tpu.dma_semaphore, #tpu.memory_space<semaphore_mem>>
      %dma_start3A_46 = arith.constant 0 : i32
      %dma_start3A_47 = arith.constant 0 : i32
      %dma_start3A_48 = tpu.memref_slice %arg3[%add3A, %dma_start3A_46, %dma_start3A_47] : memref<32x2x16xf32, #tpu.memory_space<hbm>> -> memref<1x2x16xf32, #tpu.memory_space<hbm>>
      %dma_start3A_49 = tpu.memref_squeeze %dma_start3A_48 : memref<1x2x16xf32, #tpu.memory_space<hbm>> -> memref<2x16xf32, #tpu.memory_space<hbm>>
      %dma_start3A_50 = arith.constant 0 : i32
      %dma_start3A_51 = arith.constant 0 : i32
      %dma_start3A_52 = tpu.memref_slice %arg3[%add3A, %dma_start3A_50, %dma_start3A_51] : memref<32x2x16xf32, #tpu.memory_space<hbm>> -> memref<1x2x16xf32, #tpu.memory_space<hbm>>
      %dma_start3A_53 = tpu.memref_squeeze %dma_start3A_52 : memref<1x2x16xf32, #tpu.memory_space<hbm>> -> memref<2x16xf32, #tpu.memory_space<hbm>>
      tpu.enqueue_dma source(%arg6 : memref<2x16xf32, #tpu.memory_space<vmem>>) target(%dma_start3A_53 : memref<2x16xf32, #tpu.memory_space<hbm>>) target_semaphore(%run_scoped3A : memref<!tpu.dma_semaphore, #tpu.memory_space<semaphore_mem>>)
      %dma_wait3A_54 = arith.constant 0 : i32
      %dma_wait3A_55 = arith.constant 0 : i32
      %dma_wait3A_56 = tpu.memref_slice %arg3[%add3A, %dma_wait3A_54, %dma_wait3A_55] : memref<32x2x16xf32, #tpu.memory_space<hbm>> -> memref<1x2x16xf32, #tpu.memory_space<hbm>>
      %dma_wait3A_57 = tpu.memref_squeeze %dma_wait3A_56 : memref<1x2x16xf32, #tpu.memory_space<hbm>> -> memref<2x16xf32, #tpu.memory_space<hbm>>
      %dma_wait3A_58 = arith.constant 0 : i32
      %dma_wait3A_59 = arith.constant 0 : i32
      %dma_wait3A_60 = tpu.memref_slice %arg3[%add3A, %dma_wait3A_58, %dma_wait3A_59] : memref<32x2x16xf32, #tpu.memory_space<hbm>> -> memref<1x2x16xf32, #tpu.memory_space<hbm>>
      %dma_wait3A_61 = tpu.memref_squeeze %dma_wait3A_60 : memref<1x2x16xf32, #tpu.memory_space<hbm>> -> memref<2x16xf32, #tpu.memory_space<hbm>>
      tpu.wait_dma2 semaphore(%run_scoped3A : memref<!tpu.dma_semaphore, #tpu.memory_space<semaphore_mem>>) src(%arg6 : memref<2x16xf32, #tpu.memory_space<vmem>>) dst(%dma_wait3A_61 : memref<2x16xf32, #tpu.memory_space<hbm>>)
      tpu.yield
    }) : () -> ()
    return
  }
}

#map = affine_map<(d0, d1) -> (0)>
#map1 = affine_map<(d0, d1) -> (0, 0, 0)>
#map2 = affine_map<(d0, d1) -> (0, 0)>
module attributes {stable_mosaic.version = 14 : i64} {
  func.func @wrapped(%arg0: i32, %arg1: i32, %arg2: memref<33554432xf32, #tpu.memory_space<hbm>>, %arg3: memref<32x2x16xf32, #tpu.memory_space<hbm>>, %arg4: memref<3x16xf32, #tpu.memory_space<hbm>>, %arg5: memref<32x112xi32, #tpu.memory_space<hbm>>, %arg6: memref<32768xf32, #tpu.memory_space<vmem>>, %arg7: memref<32768xf32, #tpu.memory_space<vmem>>, %arg8: memref<1792xi32, #tpu.memory_space<vmem>>, %arg9: memref<1792xi32, #tpu.memory_space<vmem>>, %arg10: memref<32x2x16xf32, #tpu.memory_space<vmem>>, %arg11: memref<3x16xf32, #tpu.memory_space<vmem>>, %arg12: memref<112xi32, #tpu.memory_space<vmem>>, %arg13: memref<!tpu.dma_semaphore, #tpu.memory_space<semaphore_mem>>, %arg14: memref<!tpu.dma_semaphore, #tpu.memory_space<semaphore_mem>>) attributes {dimension_semantics = [#tpu.dimension_semantics<core_parallel>, #tpu.dimension_semantics<subcore_parallel>], iteration_bounds = array<i64: 2, 16>, scalar_prefetch = 0 : i64, scratch_operands = 9 : i64, tpu.core_type = #tpu.core_type<sc_vector_subcore>, window_params = [{transform_indices = #map}, {transform_indices = #map1}, {transform_indices = #map2}, {transform_indices = #map2}]} {
    %mul3A = arith.constant 16 : i32
    %mul3A_0 = arith.muli %arg0, %mul3A : i32
    %add3A = arith.addi %mul3A_0, %arg1 : i32
    %mul3A_1 = arith.constant 1048576 : i32
    %mul3A_2 = arith.muli %add3A, %mul3A_1 : i32
    %dma_start3A = tpu.memref_slice %arg2[%mul3A_2] : memref<33554432xf32, #tpu.memory_space<hbm>> -> memref<32768xf32, #tpu.memory_space<hbm>>
    %dma_start3A_3 = tpu.memref_slice %arg2[%mul3A_2] : memref<33554432xf32, #tpu.memory_space<hbm>> -> memref<32768xf32, #tpu.memory_space<hbm>>
    tpu.enqueue_dma source(%dma_start3A_3 : memref<32768xf32, #tpu.memory_space<hbm>>) target(%arg6 : memref<32768xf32, #tpu.memory_space<vmem>>) target_semaphore(%arg13 : memref<!tpu.dma_semaphore, #tpu.memory_space<semaphore_mem>>)
    %add3A_4 = arith.constant 32768 : i32
    %add3A_5 = arith.addi %mul3A_2, %add3A_4 : i32
    %dma_start3A_6 = tpu.memref_slice %arg2[%add3A_5] : memref<33554432xf32, #tpu.memory_space<hbm>> -> memref<32768xf32, #tpu.memory_space<hbm>>
    %dma_start3A_7 = tpu.memref_slice %arg2[%add3A_5] : memref<33554432xf32, #tpu.memory_space<hbm>> -> memref<32768xf32, #tpu.memory_space<hbm>>
    tpu.enqueue_dma source(%dma_start3A_7 : memref<32768xf32, #tpu.memory_space<hbm>>) target(%arg7 : memref<32768xf32, #tpu.memory_space<vmem>>) target_semaphore(%arg14 : memref<!tpu.dma_semaphore, #tpu.memory_space<semaphore_mem>>)
    "tpu.region"() ({
      %run_scoped3A = tpu.sem_alloc : memref<!tpu.dma_semaphore, #tpu.memory_space<semaphore_mem>>
      tpu.enqueue_dma source(%arg3 : memref<32x2x16xf32, #tpu.memory_space<hbm>>) target(%arg10 : memref<32x2x16xf32, #tpu.memory_space<vmem>>) target_semaphore(%run_scoped3A : memref<!tpu.dma_semaphore, #tpu.memory_space<semaphore_mem>>)
      tpu.wait_dma2 semaphore(%run_scoped3A : memref<!tpu.dma_semaphore, #tpu.memory_space<semaphore_mem>>) src(%arg3 : memref<32x2x16xf32, #tpu.memory_space<hbm>>) dst(%arg10 : memref<32x2x16xf32, #tpu.memory_space<vmem>>)
      tpu.yield
    }) : () -> ()
    "tpu.region"() ({
      %run_scoped3A = tpu.sem_alloc : memref<!tpu.dma_semaphore, #tpu.memory_space<semaphore_mem>>
      tpu.enqueue_dma source(%arg4 : memref<3x16xf32, #tpu.memory_space<hbm>>) target(%arg11 : memref<3x16xf32, #tpu.memory_space<vmem>>) target_semaphore(%run_scoped3A : memref<!tpu.dma_semaphore, #tpu.memory_space<semaphore_mem>>)
      tpu.wait_dma2 semaphore(%run_scoped3A : memref<!tpu.dma_semaphore, #tpu.memory_space<semaphore_mem>>) src(%arg4 : memref<3x16xf32, #tpu.memory_space<hbm>>) dst(%arg11 : memref<3x16xf32, #tpu.memory_space<vmem>>)
      tpu.yield
    }) : () -> ()
    %get3A = arith.constant 0 : i32
    %get3A_8 = arith.constant 0 : i32
    %get3A_9 = arith.index_cast %get3A : i32 to index
    %get3A_10 = arith.index_cast %get3A_8 : i32 to index
    %get3A_11 = arith.constant 0 : index
    %get3A_12 = tpu.vector_load %arg10[%get3A_9, %get3A_10, %get3A_11] {strides = array<i32>} : memref<32x2x16xf32, #tpu.memory_space<vmem>>, vector<16xf32>,
    %get3A_13 = arith.constant 0 : i32
    %get3A_14 = arith.constant 1 : i32
    %get3A_15 = arith.index_cast %get3A_13 : i32 to index
    %get3A_16 = arith.index_cast %get3A_14 : i32 to index
    %get3A_17 = arith.constant 0 : index
    %get3A_18 = tpu.vector_load %arg10[%get3A_15, %get3A_16, %get3A_17] {strides = array<i32>} : memref<32x2x16xf32, #tpu.memory_space<vmem>>, vector<16xf32>,
    %get3A_19 = arith.constant 1 : i32
    %get3A_20 = arith.constant 0 : i32
    %get3A_21 = arith.index_cast %get3A_19 : i32 to index
    %get3A_22 = arith.index_cast %get3A_20 : i32 to index
    %get3A_23 = arith.constant 0 : index
    %get3A_24 = tpu.vector_load %arg10[%get3A_21, %get3A_22, %get3A_23] {strides = array<i32>} : memref<32x2x16xf32, #tpu.memory_space<vmem>>, vector<16xf32>,
    %min3A = arith.minimumf %get3A_12, %get3A_24 : vector<16xf32>
    %get3A_25 = arith.constant 1 : i32
    %get3A_26 = arith.constant 1 : i32
    %get3A_27 = arith.index_cast %get3A_25 : i32 to index
    %get3A_28 = arith.index_cast %get3A_26 : i32 to index
    %get3A_29 = arith.constant 0 : index
    %get3A_30 = tpu.vector_load %arg10[%get3A_27, %get3A_28, %get3A_29] {strides = array<i32>} : memref<32x2x16xf32, #tpu.memory_space<vmem>>, vector<16xf32>,
    %max3A = arith.maximumf %get3A_18, %get3A_30 : vector<16xf32>
    %get3A_31 = arith.constant 2 : i32
    %get3A_32 = arith.constant 0 : i32
    %get3A_33 = arith.index_cast %get3A_31 : i32 to index
    %get3A_34 = arith.index_cast %get3A_32 : i32 to index
    %get3A_35 = arith.constant 0 : index
    %get3A_36 = tpu.vector_load %arg10[%get3A_33, %get3A_34, %get3A_35] {strides = array<i32>} : memref<32x2x16xf32, #tpu.memory_space<vmem>>, vector<16xf32>,
    %min3A_37 = arith.minimumf %min3A, %get3A_36 : vector<16xf32>
    %get3A_38 = arith.constant 2 : i32
    %get3A_39 = arith.constant 1 : i32
    %get3A_40 = arith.index_cast %get3A_38 : i32 to index
    %get3A_41 = arith.index_cast %get3A_39 : i32 to index
    %get3A_42 = arith.constant 0 : index
    %get3A_43 = tpu.vector_load %arg10[%get3A_40, %get3A_41, %get3A_42] {strides = array<i32>} : memref<32x2x16xf32, #tpu.memory_space<vmem>>, vector<16xf32>,
    %max3A_44 = arith.maximumf %max3A, %get3A_43 : vector<16xf32>
    %get3A_45 = arith.constant 3 : i32
    %get3A_46 = arith.constant 0 : i32
    %get3A_47 = arith.index_cast %get3A_45 : i32 to index
    %get3A_48 = arith.index_cast %get3A_46 : i32 to index
    %get3A_49 = arith.constant 0 : index
    %get3A_50 = tpu.vector_load %arg10[%get3A_47, %get3A_48, %get3A_49] {strides = array<i32>} : memref<32x2x16xf32, #tpu.memory_space<vmem>>, vector<16xf32>,
    %min3A_51 = arith.minimumf %min3A_37, %get3A_50 : vector<16xf32>
    %get3A_52 = arith.constant 3 : i32
    %get3A_53 = arith.constant 1 : i32
    %get3A_54 = arith.index_cast %get3A_52 : i32 to index
    %get3A_55 = arith.index_cast %get3A_53 : i32 to index
    %get3A_56 = arith.constant 0 : index
    %get3A_57 = tpu.vector_load %arg10[%get3A_54, %get3A_55, %get3A_56] {strides = array<i32>} : memref<32x2x16xf32, #tpu.memory_space<vmem>>, vector<16xf32>,
    %max3A_58 = arith.maximumf %max3A_44, %get3A_57 : vector<16xf32>
    %get3A_59 = arith.constant 4 : i32
    %get3A_60 = arith.constant 0 : i32
    %get3A_61 = arith.index_cast %get3A_59 : i32 to index
    %get3A_62 = arith.index_cast %get3A_60 : i32 to index
    %get3A_63 = arith.constant 0 : index
    %get3A_64 = tpu.vector_load %arg10[%get3A_61, %get3A_62, %get3A_63] {strides = array<i32>} : memref<32x2x16xf32, #tpu.memory_space<vmem>>, vector<16xf32>,
    %min3A_65 = arith.minimumf %min3A_51, %get3A_64 : vector<16xf32>
    %get3A_66 = arith.constant 4 : i32
    %get3A_67 = arith.constant 1 : i32
    %get3A_68 = arith.index_cast %get3A_66 : i32 to index
    %get3A_69 = arith.index_cast %get3A_67 : i32 to index
    %get3A_70 = arith.constant 0 : index
    %get3A_71 = tpu.vector_load %arg10[%get3A_68, %get3A_69, %get3A_70] {strides = array<i32>} : memref<32x2x16xf32, #tpu.memory_space<vmem>>, vector<16xf32>,
    %max3A_72 = arith.maximumf %max3A_58, %get3A_71 : vector<16xf32>
    %get3A_73 = arith.constant 5 : i32
    %get3A_74 = arith.constant 0 : i32
    %get3A_75 = arith.index_cast %get3A_73 : i32 to index
    %get3A_76 = arith.index_cast %get3A_74 : i32 to index
    %get3A_77 = arith.constant 0 : index
    %get3A_78 = tpu.vector_load %arg10[%get3A_75, %get3A_76, %get3A_77] {strides = array<i32>} : memref<32x2x16xf32, #tpu.memory_space<vmem>>, vector<16xf32>,
    %min3A_79 = arith.minimumf %min3A_65, %get3A_78 : vector<16xf32>
    %get3A_80 = arith.constant 5 : i32
    %get3A_81 = arith.constant 1 : i32
    %get3A_82 = arith.index_cast %get3A_80 : i32 to index
    %get3A_83 = arith.index_cast %get3A_81 : i32 to index
    %get3A_84 = arith.constant 0 : index
    %get3A_85 = tpu.vector_load %arg10[%get3A_82, %get3A_83, %get3A_84] {strides = array<i32>} : memref<32x2x16xf32, #tpu.memory_space<vmem>>, vector<16xf32>,
    %max3A_86 = arith.maximumf %max3A_72, %get3A_85 : vector<16xf32>
    %get3A_87 = arith.constant 6 : i32
    %get3A_88 = arith.constant 0 : i32
    %get3A_89 = arith.index_cast %get3A_87 : i32 to index
    %get3A_90 = arith.index_cast %get3A_88 : i32 to index
    %get3A_91 = arith.constant 0 : index
    %get3A_92 = tpu.vector_load %arg10[%get3A_89, %get3A_90, %get3A_91] {strides = array<i32>} : memref<32x2x16xf32, #tpu.memory_space<vmem>>, vector<16xf32>,
    %min3A_93 = arith.minimumf %min3A_79, %get3A_92 : vector<16xf32>
    %get3A_94 = arith.constant 6 : i32
    %get3A_95 = arith.constant 1 : i32
    %get3A_96 = arith.index_cast %get3A_94 : i32 to index
    %get3A_97 = arith.index_cast %get3A_95 : i32 to index
    %get3A_98 = arith.constant 0 : index
    %get3A_99 = tpu.vector_load %arg10[%get3A_96, %get3A_97, %get3A_98] {strides = array<i32>} : memref<32x2x16xf32, #tpu.memory_space<vmem>>, vector<16xf32>,
    %max3A_100 = arith.maximumf %max3A_86, %get3A_99 : vector<16xf32>
    %get3A_101 = arith.constant 7 : i32
    %get3A_102 = arith.constant 0 : i32
    %get3A_103 = arith.index_cast %get3A_101 : i32 to index
    %get3A_104 = arith.index_cast %get3A_102 : i32 to index
    %get3A_105 = arith.constant 0 : index
    %get3A_106 = tpu.vector_load %arg10[%get3A_103, %get3A_104, %get3A_105] {strides = array<i32>} : memref<32x2x16xf32, #tpu.memory_space<vmem>>, vector<16xf32>,
    %min3A_107 = arith.minimumf %min3A_93, %get3A_106 : vector<16xf32>
    %get3A_108 = arith.constant 7 : i32
    %get3A_109 = arith.constant 1 : i32
    %get3A_110 = arith.index_cast %get3A_108 : i32 to index
    %get3A_111 = arith.index_cast %get3A_109 : i32 to index
    %get3A_112 = arith.constant 0 : index
    %get3A_113 = tpu.vector_load %arg10[%get3A_110, %get3A_111, %get3A_112] {strides = array<i32>} : memref<32x2x16xf32, #tpu.memory_space<vmem>>, vector<16xf32>,
    %max3A_114 = arith.maximumf %max3A_100, %get3A_113 : vector<16xf32>
    %get3A_115 = arith.constant 8 : i32
    %get3A_116 = arith.constant 0 : i32
    %get3A_117 = arith.index_cast %get3A_115 : i32 to index
    %get3A_118 = arith.index_cast %get3A_116 : i32 to index
    %get3A_119 = arith.constant 0 : index
    %get3A_120 = tpu.vector_load %arg10[%get3A_117, %get3A_118, %get3A_119] {strides = array<i32>} : memref<32x2x16xf32, #tpu.memory_space<vmem>>, vector<16xf32>,
    %min3A_121 = arith.minimumf %min3A_107, %get3A_120 : vector<16xf32>
    %get3A_122 = arith.constant 8 : i32
    %get3A_123 = arith.constant 1 : i32
    %get3A_124 = arith.index_cast %get3A_122 : i32 to index
    %get3A_125 = arith.index_cast %get3A_123 : i32 to index
    %get3A_126 = arith.constant 0 : index
    %get3A_127 = tpu.vector_load %arg10[%get3A_124, %get3A_125, %get3A_126] {strides = array<i32>} : memref<32x2x16xf32, #tpu.memory_space<vmem>>, vector<16xf32>,
    %max3A_128 = arith.maximumf %max3A_114, %get3A_127 : vector<16xf32>
    %get3A_129 = arith.constant 9 : i32
    %get3A_130 = arith.constant 0 : i32
    %get3A_131 = arith.index_cast %get3A_129 : i32 to index
    %get3A_132 = arith.index_cast %get3A_130 : i32 to index
    %get3A_133 = arith.constant 0 : index
    %get3A_134 = tpu.vector_load %arg10[%get3A_131, %get3A_132, %get3A_133] {strides = array<i32>} : memref<32x2x16xf32, #tpu.memory_space<vmem>>, vector<16xf32>,
    %min3A_135 = arith.minimumf %min3A_121, %get3A_134 : vector<16xf32>
    %get3A_136 = arith.constant 9 : i32
    %get3A_137 = arith.constant 1 : i32
    %get3A_138 = arith.index_cast %get3A_136 : i32 to index
    %get3A_139 = arith.index_cast %get3A_137 : i32 to index
    %get3A_140 = arith.constant 0 : index
    %get3A_141 = tpu.vector_load %arg10[%get3A_138, %get3A_139, %get3A_140] {strides = array<i32>} : memref<32x2x16xf32, #tpu.memory_space<vmem>>, vector<16xf32>,
    %max3A_142 = arith.maximumf %max3A_128, %get3A_141 : vector<16xf32>
    %get3A_143 = arith.constant 10 : i32
    %get3A_144 = arith.constant 0 : i32
    %get3A_145 = arith.index_cast %get3A_143 : i32 to index
    %get3A_146 = arith.index_cast %get3A_144 : i32 to index
    %get3A_147 = arith.constant 0 : index
    %get3A_148 = tpu.vector_load %arg10[%get3A_145, %get3A_146, %get3A_147] {strides = array<i32>} : memref<32x2x16xf32, #tpu.memory_space<vmem>>, vector<16xf32>,
    %min3A_149 = arith.minimumf %min3A_135, %get3A_148 : vector<16xf32>
    %get3A_150 = arith.constant 10 : i32
    %get3A_151 = arith.constant 1 : i32
    %get3A_152 = arith.index_cast %get3A_150 : i32 to index
    %get3A_153 = arith.index_cast %get3A_151 : i32 to index
    %get3A_154 = arith.constant 0 : index
    %get3A_155 = tpu.vector_load %arg10[%get3A_152, %get3A_153, %get3A_154] {strides = array<i32>} : memref<32x2x16xf32, #tpu.memory_space<vmem>>, vector<16xf32>,
    %max3A_156 = arith.maximumf %max3A_142, %get3A_155 : vector<16xf32>
    %get3A_157 = arith.constant 11 : i32
    %get3A_158 = arith.constant 0 : i32
    %get3A_159 = arith.index_cast %get3A_157 : i32 to index
    %get3A_160 = arith.index_cast %get3A_158 : i32 to index
    %get3A_161 = arith.constant 0 : index
    %get3A_162 = tpu.vector_load %arg10[%get3A_159, %get3A_160, %get3A_161] {strides = array<i32>} : memref<32x2x16xf32, #tpu.memory_space<vmem>>, vector<16xf32>,
    %min3A_163 = arith.minimumf %min3A_149, %get3A_162 : vector<16xf32>
    %get3A_164 = arith.constant 11 : i32
    %get3A_165 = arith.constant 1 : i32
    %get3A_166 = arith.index_cast %get3A_164 : i32 to index
    %get3A_167 = arith.index_cast %get3A_165 : i32 to index
    %get3A_168 = arith.constant 0 : index
    %get3A_169 = tpu.vector_load %arg10[%get3A_166, %get3A_167, %get3A_168] {strides = array<i32>} : memref<32x2x16xf32, #tpu.memory_space<vmem>>, vector<16xf32>,
    %max3A_170 = arith.maximumf %max3A_156, %get3A_169 : vector<16xf32>
    %get3A_171 = arith.constant 12 : i32
    %get3A_172 = arith.constant 0 : i32
    %get3A_173 = arith.index_cast %get3A_171 : i32 to index
    %get3A_174 = arith.index_cast %get3A_172 : i32 to index
    %get3A_175 = arith.constant 0 : index
    %get3A_176 = tpu.vector_load %arg10[%get3A_173, %get3A_174, %get3A_175] {strides = array<i32>} : memref<32x2x16xf32, #tpu.memory_space<vmem>>, vector<16xf32>,
    %min3A_177 = arith.minimumf %min3A_163, %get3A_176 : vector<16xf32>
    %get3A_178 = arith.constant 12 : i32
    %get3A_179 = arith.constant 1 : i32
    %get3A_180 = arith.index_cast %get3A_178 : i32 to index
    %get3A_181 = arith.index_cast %get3A_179 : i32 to index
    %get3A_182 = arith.constant 0 : index
    %get3A_183 = tpu.vector_load %arg10[%get3A_180, %get3A_181, %get3A_182] {strides = array<i32>} : memref<32x2x16xf32, #tpu.memory_space<vmem>>, vector<16xf32>,
    %max3A_184 = arith.maximumf %max3A_170, %get3A_183 : vector<16xf32>
    %get3A_185 = arith.constant 13 : i32
    %get3A_186 = arith.constant 0 : i32
    %get3A_187 = arith.index_cast %get3A_185 : i32 to index
    %get3A_188 = arith.index_cast %get3A_186 : i32 to index
    %get3A_189 = arith.constant 0 : index
    %get3A_190 = tpu.vector_load %arg10[%get3A_187, %get3A_188, %get3A_189] {strides = array<i32>} : memref<32x2x16xf32, #tpu.memory_space<vmem>>, vector<16xf32>,
    %min3A_191 = arith.minimumf %min3A_177, %get3A_190 : vector<16xf32>
    %get3A_192 = arith.constant 13 : i32
    %get3A_193 = arith.constant 1 : i32
    %get3A_194 = arith.index_cast %get3A_192 : i32 to index
    %get3A_195 = arith.index_cast %get3A_193 : i32 to index
    %get3A_196 = arith.constant 0 : index
    %get3A_197 = tpu.vector_load %arg10[%get3A_194, %get3A_195, %get3A_196] {strides = array<i32>} : memref<32x2x16xf32, #tpu.memory_space<vmem>>, vector<16xf32>,
    %max3A_198 = arith.maximumf %max3A_184, %get3A_197 : vector<16xf32>
    %get3A_199 = arith.constant 14 : i32
    %get3A_200 = arith.constant 0 : i32
    %get3A_201 = arith.index_cast %get3A_199 : i32 to index
    %get3A_202 = arith.index_cast %get3A_200 : i32 to index
    %get3A_203 = arith.constant 0 : index
    %get3A_204 = tpu.vector_load %arg10[%get3A_201, %get3A_202, %get3A_203] {strides = array<i32>} : memref<32x2x16xf32, #tpu.memory_space<vmem>>, vector<16xf32>,
    %min3A_205 = arith.minimumf %min3A_191, %get3A_204 : vector<16xf32>
    %get3A_206 = arith.constant 14 : i32
    %get3A_207 = arith.constant 1 : i32
    %get3A_208 = arith.index_cast %get3A_206 : i32 to index
    %get3A_209 = arith.index_cast %get3A_207 : i32 to index
    %get3A_210 = arith.constant 0 : index
    %get3A_211 = tpu.vector_load %arg10[%get3A_208, %get3A_209, %get3A_210] {strides = array<i32>} : memref<32x2x16xf32, #tpu.memory_space<vmem>>, vector<16xf32>,
    %max3A_212 = arith.maximumf %max3A_198, %get3A_211 : vector<16xf32>
    %get3A_213 = arith.constant 15 : i32
    %get3A_214 = arith.constant 0 : i32
    %get3A_215 = arith.index_cast %get3A_213 : i32 to index
    %get3A_216 = arith.index_cast %get3A_214 : i32 to index
    %get3A_217 = arith.constant 0 : index
    %get3A_218 = tpu.vector_load %arg10[%get3A_215, %get3A_216, %get3A_217] {strides = array<i32>} : memref<32x2x16xf32, #tpu.memory_space<vmem>>, vector<16xf32>,
    %min3A_219 = arith.minimumf %min3A_205, %get3A_218 : vector<16xf32>
    %get3A_220 = arith.constant 15 : i32
    %get3A_221 = arith.constant 1 : i32
    %get3A_222 = arith.index_cast %get3A_220 : i32 to index
    %get3A_223 = arith.index_cast %get3A_221 : i32 to index
    %get3A_224 = arith.constant 0 : index
    %get3A_225 = tpu.vector_load %arg10[%get3A_222, %get3A_223, %get3A_224] {strides = array<i32>} : memref<32x2x16xf32, #tpu.memory_space<vmem>>, vector<16xf32>,
    %max3A_226 = arith.maximumf %max3A_212, %get3A_225 : vector<16xf32>
    %get3A_227 = arith.constant 16 : i32
    %get3A_228 = arith.constant 0 : i32
    %get3A_229 = arith.index_cast %get3A_227 : i32 to index
    %get3A_230 = arith.index_cast %get3A_228 : i32 to index
    %get3A_231 = arith.constant 0 : index
    %get3A_232 = tpu.vector_load %arg10[%get3A_229, %get3A_230, %get3A_231] {strides = array<i32>} : memref<32x2x16xf32, #tpu.memory_space<vmem>>, vector<16xf32>,
    %min3A_233 = arith.minimumf %min3A_219, %get3A_232 : vector<16xf32>
    %get3A_234 = arith.constant 16 : i32
    %get3A_235 = arith.constant 1 : i32
    %get3A_236 = arith.index_cast %get3A_234 : i32 to index
    %get3A_237 = arith.index_cast %get3A_235 : i32 to index
    %get3A_238 = arith.constant 0 : index
    %get3A_239 = tpu.vector_load %arg10[%get3A_236, %get3A_237, %get3A_238] {strides = array<i32>} : memref<32x2x16xf32, #tpu.memory_space<vmem>>, vector<16xf32>,
    %max3A_240 = arith.maximumf %max3A_226, %get3A_239 : vector<16xf32>
    %get3A_241 = arith.constant 17 : i32
    %get3A_242 = arith.constant 0 : i32
    %get3A_243 = arith.index_cast %get3A_241 : i32 to index
    %get3A_244 = arith.index_cast %get3A_242 : i32 to index
    %get3A_245 = arith.constant 0 : index
    %get3A_246 = tpu.vector_load %arg10[%get3A_243, %get3A_244, %get3A_245] {strides = array<i32>} : memref<32x2x16xf32, #tpu.memory_space<vmem>>, vector<16xf32>,
    %min3A_247 = arith.minimumf %min3A_233, %get3A_246 : vector<16xf32>
    %get3A_248 = arith.constant 17 : i32
    %get3A_249 = arith.constant 1 : i32
    %get3A_250 = arith.index_cast %get3A_248 : i32 to index
    %get3A_251 = arith.index_cast %get3A_249 : i32 to index
    %get3A_252 = arith.constant 0 : index
    %get3A_253 = tpu.vector_load %arg10[%get3A_250, %get3A_251, %get3A_252] {strides = array<i32>} : memref<32x2x16xf32, #tpu.memory_space<vmem>>, vector<16xf32>,
    %max3A_254 = arith.maximumf %max3A_240, %get3A_253 : vector<16xf32>
    %get3A_255 = arith.constant 18 : i32
    %get3A_256 = arith.constant 0 : i32
    %get3A_257 = arith.index_cast %get3A_255 : i32 to index
    %get3A_258 = arith.index_cast %get3A_256 : i32 to index
    %get3A_259 = arith.constant 0 : index
    %get3A_260 = tpu.vector_load %arg10[%get3A_257, %get3A_258, %get3A_259] {strides = array<i32>} : memref<32x2x16xf32, #tpu.memory_space<vmem>>, vector<16xf32>,
    %min3A_261 = arith.minimumf %min3A_247, %get3A_260 : vector<16xf32>
    %get3A_262 = arith.constant 18 : i32
    %get3A_263 = arith.constant 1 : i32
    %get3A_264 = arith.index_cast %get3A_262 : i32 to index
    %get3A_265 = arith.index_cast %get3A_263 : i32 to index
    %get3A_266 = arith.constant 0 : index
    %get3A_267 = tpu.vector_load %arg10[%get3A_264, %get3A_265, %get3A_266] {strides = array<i32>} : memref<32x2x16xf32, #tpu.memory_space<vmem>>, vector<16xf32>,
    %max3A_268 = arith.maximumf %max3A_254, %get3A_267 : vector<16xf32>
    %get3A_269 = arith.constant 19 : i32
    %get3A_270 = arith.constant 0 : i32
    %get3A_271 = arith.index_cast %get3A_269 : i32 to index
    %get3A_272 = arith.index_cast %get3A_270 : i32 to index
    %get3A_273 = arith.constant 0 : index
    %get3A_274 = tpu.vector_load %arg10[%get3A_271, %get3A_272, %get3A_273] {strides = array<i32>} : memref<32x2x16xf32, #tpu.memory_space<vmem>>, vector<16xf32>,
    %min3A_275 = arith.minimumf %min3A_261, %get3A_274 : vector<16xf32>
    %get3A_276 = arith.constant 19 : i32
    %get3A_277 = arith.constant 1 : i32
    %get3A_278 = arith.index_cast %get3A_276 : i32 to index
    %get3A_279 = arith.index_cast %get3A_277 : i32 to index
    %get3A_280 = arith.constant 0 : index
    %get3A_281 = tpu.vector_load %arg10[%get3A_278, %get3A_279, %get3A_280] {strides = array<i32>} : memref<32x2x16xf32, #tpu.memory_space<vmem>>, vector<16xf32>,
    %max3A_282 = arith.maximumf %max3A_268, %get3A_281 : vector<16xf32>
    %get3A_283 = arith.constant 20 : i32
    %get3A_284 = arith.constant 0 : i32
    %get3A_285 = arith.index_cast %get3A_283 : i32 to index
    %get3A_286 = arith.index_cast %get3A_284 : i32 to index
    %get3A_287 = arith.constant 0 : index
    %get3A_288 = tpu.vector_load %arg10[%get3A_285, %get3A_286, %get3A_287] {strides = array<i32>} : memref<32x2x16xf32, #tpu.memory_space<vmem>>, vector<16xf32>,
    %min3A_289 = arith.minimumf %min3A_275, %get3A_288 : vector<16xf32>
    %get3A_290 = arith.constant 20 : i32
    %get3A_291 = arith.constant 1 : i32
    %get3A_292 = arith.index_cast %get3A_290 : i32 to index
    %get3A_293 = arith.index_cast %get3A_291 : i32 to index
    %get3A_294 = arith.constant 0 : index
    %get3A_295 = tpu.vector_load %arg10[%get3A_292, %get3A_293, %get3A_294] {strides = array<i32>} : memref<32x2x16xf32, #tpu.memory_space<vmem>>, vector<16xf32>,
    %max3A_296 = arith.maximumf %max3A_282, %get3A_295 : vector<16xf32>
    %get3A_297 = arith.constant 21 : i32
    %get3A_298 = arith.constant 0 : i32
    %get3A_299 = arith.index_cast %get3A_297 : i32 to index
    %get3A_300 = arith.index_cast %get3A_298 : i32 to index
    %get3A_301 = arith.constant 0 : index
    %get3A_302 = tpu.vector_load %arg10[%get3A_299, %get3A_300, %get3A_301] {strides = array<i32>} : memref<32x2x16xf32, #tpu.memory_space<vmem>>, vector<16xf32>,
    %min3A_303 = arith.minimumf %min3A_289, %get3A_302 : vector<16xf32>
    %get3A_304 = arith.constant 21 : i32
    %get3A_305 = arith.constant 1 : i32
    %get3A_306 = arith.index_cast %get3A_304 : i32 to index
    %get3A_307 = arith.index_cast %get3A_305 : i32 to index
    %get3A_308 = arith.constant 0 : index
    %get3A_309 = tpu.vector_load %arg10[%get3A_306, %get3A_307, %get3A_308] {strides = array<i32>} : memref<32x2x16xf32, #tpu.memory_space<vmem>>, vector<16xf32>,
    %max3A_310 = arith.maximumf %max3A_296, %get3A_309 : vector<16xf32>
    %get3A_311 = arith.constant 22 : i32
    %get3A_312 = arith.constant 0 : i32
    %get3A_313 = arith.index_cast %get3A_311 : i32 to index
    %get3A_314 = arith.index_cast %get3A_312 : i32 to index
    %get3A_315 = arith.constant 0 : index
    %get3A_316 = tpu.vector_load %arg10[%get3A_313, %get3A_314, %get3A_315] {strides = array<i32>} : memref<32x2x16xf32, #tpu.memory_space<vmem>>, vector<16xf32>,
    %min3A_317 = arith.minimumf %min3A_303, %get3A_316 : vector<16xf32>
    %get3A_318 = arith.constant 22 : i32
    %get3A_319 = arith.constant 1 : i32
    %get3A_320 = arith.index_cast %get3A_318 : i32 to index
    %get3A_321 = arith.index_cast %get3A_319 : i32 to index
    %get3A_322 = arith.constant 0 : index
    %get3A_323 = tpu.vector_load %arg10[%get3A_320, %get3A_321, %get3A_322] {strides = array<i32>} : memref<32x2x16xf32, #tpu.memory_space<vmem>>, vector<16xf32>,
    %max3A_324 = arith.maximumf %max3A_310, %get3A_323 : vector<16xf32>
    %get3A_325 = arith.constant 23 : i32
    %get3A_326 = arith.constant 0 : i32
    %get3A_327 = arith.index_cast %get3A_325 : i32 to index
    %get3A_328 = arith.index_cast %get3A_326 : i32 to index
    %get3A_329 = arith.constant 0 : index
    %get3A_330 = tpu.vector_load %arg10[%get3A_327, %get3A_328, %get3A_329] {strides = array<i32>} : memref<32x2x16xf32, #tpu.memory_space<vmem>>, vector<16xf32>,
    %min3A_331 = arith.minimumf %min3A_317, %get3A_330 : vector<16xf32>
    %get3A_332 = arith.constant 23 : i32
    %get3A_333 = arith.constant 1 : i32
    %get3A_334 = arith.index_cast %get3A_332 : i32 to index
    %get3A_335 = arith.index_cast %get3A_333 : i32 to index
    %get3A_336 = arith.constant 0 : index
    %get3A_337 = tpu.vector_load %arg10[%get3A_334, %get3A_335, %get3A_336] {strides = array<i32>} : memref<32x2x16xf32, #tpu.memory_space<vmem>>, vector<16xf32>,
    %max3A_338 = arith.maximumf %max3A_324, %get3A_337 : vector<16xf32>
    %get3A_339 = arith.constant 24 : i32
    %get3A_340 = arith.constant 0 : i32
    %get3A_341 = arith.index_cast %get3A_339 : i32 to index
    %get3A_342 = arith.index_cast %get3A_340 : i32 to index
    %get3A_343 = arith.constant 0 : index
    %get3A_344 = tpu.vector_load %arg10[%get3A_341, %get3A_342, %get3A_343] {strides = array<i32>} : memref<32x2x16xf32, #tpu.memory_space<vmem>>, vector<16xf32>,
    %min3A_345 = arith.minimumf %min3A_331, %get3A_344 : vector<16xf32>
    %get3A_346 = arith.constant 24 : i32
    %get3A_347 = arith.constant 1 : i32
    %get3A_348 = arith.index_cast %get3A_346 : i32 to index
    %get3A_349 = arith.index_cast %get3A_347 : i32 to index
    %get3A_350 = arith.constant 0 : index
    %get3A_351 = tpu.vector_load %arg10[%get3A_348, %get3A_349, %get3A_350] {strides = array<i32>} : memref<32x2x16xf32, #tpu.memory_space<vmem>>, vector<16xf32>,
    %max3A_352 = arith.maximumf %max3A_338, %get3A_351 : vector<16xf32>
    %get3A_353 = arith.constant 25 : i32
    %get3A_354 = arith.constant 0 : i32
    %get3A_355 = arith.index_cast %get3A_353 : i32 to index
    %get3A_356 = arith.index_cast %get3A_354 : i32 to index
    %get3A_357 = arith.constant 0 : index
    %get3A_358 = tpu.vector_load %arg10[%get3A_355, %get3A_356, %get3A_357] {strides = array<i32>} : memref<32x2x16xf32, #tpu.memory_space<vmem>>, vector<16xf32>,
    %min3A_359 = arith.minimumf %min3A_345, %get3A_358 : vector<16xf32>
    %get3A_360 = arith.constant 25 : i32
    %get3A_361 = arith.constant 1 : i32
    %get3A_362 = arith.index_cast %get3A_360 : i32 to index
    %get3A_363 = arith.index_cast %get3A_361 : i32 to index
    %get3A_364 = arith.constant 0 : index
    %get3A_365 = tpu.vector_load %arg10[%get3A_362, %get3A_363, %get3A_364] {strides = array<i32>} : memref<32x2x16xf32, #tpu.memory_space<vmem>>, vector<16xf32>,
    %max3A_366 = arith.maximumf %max3A_352, %get3A_365 : vector<16xf32>
    %get3A_367 = arith.constant 26 : i32
    %get3A_368 = arith.constant 0 : i32
    %get3A_369 = arith.index_cast %get3A_367 : i32 to index
    %get3A_370 = arith.index_cast %get3A_368 : i32 to index
    %get3A_371 = arith.constant 0 : index
    %get3A_372 = tpu.vector_load %arg10[%get3A_369, %get3A_370, %get3A_371] {strides = array<i32>} : memref<32x2x16xf32, #tpu.memory_space<vmem>>, vector<16xf32>,
    %min3A_373 = arith.minimumf %min3A_359, %get3A_372 : vector<16xf32>
    %get3A_374 = arith.constant 26 : i32
    %get3A_375 = arith.constant 1 : i32
    %get3A_376 = arith.index_cast %get3A_374 : i32 to index
    %get3A_377 = arith.index_cast %get3A_375 : i32 to index
    %get3A_378 = arith.constant 0 : index
    %get3A_379 = tpu.vector_load %arg10[%get3A_376, %get3A_377, %get3A_378] {strides = array<i32>} : memref<32x2x16xf32, #tpu.memory_space<vmem>>, vector<16xf32>,
    %max3A_380 = arith.maximumf %max3A_366, %get3A_379 : vector<16xf32>
    %get3A_381 = arith.constant 27 : i32
    %get3A_382 = arith.constant 0 : i32
    %get3A_383 = arith.index_cast %get3A_381 : i32 to index
    %get3A_384 = arith.index_cast %get3A_382 : i32 to index
    %get3A_385 = arith.constant 0 : index
    %get3A_386 = tpu.vector_load %arg10[%get3A_383, %get3A_384, %get3A_385] {strides = array<i32>} : memref<32x2x16xf32, #tpu.memory_space<vmem>>, vector<16xf32>,
    %min3A_387 = arith.minimumf %min3A_373, %get3A_386 : vector<16xf32>
    %get3A_388 = arith.constant 27 : i32
    %get3A_389 = arith.constant 1 : i32
    %get3A_390 = arith.index_cast %get3A_388 : i32 to index
    %get3A_391 = arith.index_cast %get3A_389 : i32 to index
    %get3A_392 = arith.constant 0 : index
    %get3A_393 = tpu.vector_load %arg10[%get3A_390, %get3A_391, %get3A_392] {strides = array<i32>} : memref<32x2x16xf32, #tpu.memory_space<vmem>>, vector<16xf32>,
    %max3A_394 = arith.maximumf %max3A_380, %get3A_393 : vector<16xf32>
    %get3A_395 = arith.constant 28 : i32
    %get3A_396 = arith.constant 0 : i32
    %get3A_397 = arith.index_cast %get3A_395 : i32 to index
    %get3A_398 = arith.index_cast %get3A_396 : i32 to index
    %get3A_399 = arith.constant 0 : index
    %get3A_400 = tpu.vector_load %arg10[%get3A_397, %get3A_398, %get3A_399] {strides = array<i32>} : memref<32x2x16xf32, #tpu.memory_space<vmem>>, vector<16xf32>,
    %min3A_401 = arith.minimumf %min3A_387, %get3A_400 : vector<16xf32>
    %get3A_402 = arith.constant 28 : i32
    %get3A_403 = arith.constant 1 : i32
    %get3A_404 = arith.index_cast %get3A_402 : i32 to index
    %get3A_405 = arith.index_cast %get3A_403 : i32 to index
    %get3A_406 = arith.constant 0 : index
    %get3A_407 = tpu.vector_load %arg10[%get3A_404, %get3A_405, %get3A_406] {strides = array<i32>} : memref<32x2x16xf32, #tpu.memory_space<vmem>>, vector<16xf32>,
    %max3A_408 = arith.maximumf %max3A_394, %get3A_407 : vector<16xf32>
    %get3A_409 = arith.constant 29 : i32
    %get3A_410 = arith.constant 0 : i32
    %get3A_411 = arith.index_cast %get3A_409 : i32 to index
    %get3A_412 = arith.index_cast %get3A_410 : i32 to index
    %get3A_413 = arith.constant 0 : index
    %get3A_414 = tpu.vector_load %arg10[%get3A_411, %get3A_412, %get3A_413] {strides = array<i32>} : memref<32x2x16xf32, #tpu.memory_space<vmem>>, vector<16xf32>,
    %min3A_415 = arith.minimumf %min3A_401, %get3A_414 : vector<16xf32>
    %get3A_416 = arith.constant 29 : i32
    %get3A_417 = arith.constant 1 : i32
    %get3A_418 = arith.index_cast %get3A_416 : i32 to index
    %get3A_419 = arith.index_cast %get3A_417 : i32 to index
    %get3A_420 = arith.constant 0 : index
    %get3A_421 = tpu.vector_load %arg10[%get3A_418, %get3A_419, %get3A_420] {strides = array<i32>} : memref<32x2x16xf32, #tpu.memory_space<vmem>>, vector<16xf32>,
    %max3A_422 = arith.maximumf %max3A_408, %get3A_421 : vector<16xf32>
    %get3A_423 = arith.constant 30 : i32
    %get3A_424 = arith.constant 0 : i32
    %get3A_425 = arith.index_cast %get3A_423 : i32 to index
    %get3A_426 = arith.index_cast %get3A_424 : i32 to index
    %get3A_427 = arith.constant 0 : index
    %get3A_428 = tpu.vector_load %arg10[%get3A_425, %get3A_426, %get3A_427] {strides = array<i32>} : memref<32x2x16xf32, #tpu.memory_space<vmem>>, vector<16xf32>,
    %min3A_429 = arith.minimumf %min3A_415, %get3A_428 : vector<16xf32>
    %get3A_430 = arith.constant 30 : i32
    %get3A_431 = arith.constant 1 : i32
    %get3A_432 = arith.index_cast %get3A_430 : i32 to index
    %get3A_433 = arith.index_cast %get3A_431 : i32 to index
    %get3A_434 = arith.constant 0 : index
    %get3A_435 = tpu.vector_load %arg10[%get3A_432, %get3A_433, %get3A_434] {strides = array<i32>} : memref<32x2x16xf32, #tpu.memory_space<vmem>>, vector<16xf32>,
    %max3A_436 = arith.maximumf %max3A_422, %get3A_435 : vector<16xf32>
    %get3A_437 = arith.constant 31 : i32
    %get3A_438 = arith.constant 0 : i32
    %get3A_439 = arith.index_cast %get3A_437 : i32 to index
    %get3A_440 = arith.index_cast %get3A_438 : i32 to index
    %get3A_441 = arith.constant 0 : index
    %get3A_442 = tpu.vector_load %arg10[%get3A_439, %get3A_440, %get3A_441] {strides = array<i32>} : memref<32x2x16xf32, #tpu.memory_space<vmem>>, vector<16xf32>,
    %min3A_443 = arith.minimumf %min3A_429, %get3A_442 : vector<16xf32>
    %get3A_444 = arith.constant 31 : i32
    %get3A_445 = arith.constant 1 : i32
    %get3A_446 = arith.index_cast %get3A_444 : i32 to index
    %get3A_447 = arith.index_cast %get3A_445 : i32 to index
    %get3A_448 = arith.constant 0 : index
    %get3A_449 = tpu.vector_load %arg10[%get3A_446, %get3A_447, %get3A_448] {strides = array<i32>} : memref<32x2x16xf32, #tpu.memory_space<vmem>>, vector<16xf32>,
    %max3A_450 = arith.maximumf %max3A_436, %get3A_449 : vector<16xf32>
    %reduce_min3A = arith.constant true
    %reduce_min3A_451 = vector.broadcast %reduce_min3A : i1 to vector<16xi1>
    %reduce_min3A_452 = tpu.scan <min>, %min3A_443 masked %reduce_min3A_451 : vector<16xf32>, vector<16xi1> -> vector<16xf32>
    %reduce_min3A_453 = vector.extract %reduce_min3A_452[15] : f32 from vector<16xf32>
    %broadcast_in_dim3A = vector.broadcast %reduce_min3A_453 : f32 to vector<16xf32>
    %reduce_max3A = arith.constant true
    %reduce_max3A_454 = vector.broadcast %reduce_max3A : i1 to vector<16xi1>
    %reduce_max3A_455 = tpu.scan <max>, %max3A_450 masked %reduce_max3A_454 : vector<16xf32>, vector<16xi1> -> vector<16xf32>
    %reduce_max3A_456 = vector.extract %reduce_max3A_455[15] : f32 from vector<16xf32>
    %broadcast_in_dim3A_457 = vector.broadcast %reduce_max3A_456 : f32 to vector<16xf32>
    %get3A_458 = arith.constant 0 : i32
    %get3A_459 = arith.index_cast %get3A_458 : i32 to index
    %get3A_460 = arith.constant 0 : index
    %get3A_461 = tpu.vector_load %arg11[%get3A_459, %get3A_460] {strides = array<i32>} : memref<3x16xf32, #tpu.memory_space<vmem>>, vector<16xf32>,
    %get3A_462 = arith.constant 1 : i32
    %get3A_463 = arith.index_cast %get3A_462 : i32 to index
    %get3A_464 = arith.constant 0 : index
    %get3A_465 = tpu.vector_load %arg11[%get3A_463, %get3A_464] {strides = array<i32>} : memref<3x16xf32, #tpu.memory_space<vmem>>, vector<16xf32>,
    %get3A_466 = arith.constant 2 : i32
    %get3A_467 = arith.index_cast %get3A_466 : i32 to index
    %get3A_468 = arith.constant 0 : index
    %get3A_469 = tpu.vector_load %arg11[%get3A_467, %get3A_468] {strides = array<i32>} : memref<3x16xf32, #tpu.memory_space<vmem>>, vector<16xf32>,
    %eq3A = arith.cmpf oeq, %get3A_461, %get3A_465 : vector<16xf32>
    %select_n3A = arith.select %eq3A, %broadcast_in_dim3A, %get3A_461 : vector<16xi1>, vector<16xf32>
    %select_n3A_470 = arith.select %eq3A, %broadcast_in_dim3A_457, %get3A_465 : vector<16xi1>, vector<16xf32>
    %sub3A = arith.subf %select_n3A_470, %select_n3A : vector<16xf32>
    %eq3A_471 = arith.constant 0.000000e+00 : f32
    %eq3A_472 = vector.broadcast %eq3A_471 : f32 to vector<16xf32>
    %eq3A_473 = arith.cmpf oeq, %sub3A, %eq3A_472 : vector<16xf32>
    %broadcast_in_dim3A_474 = arith.constant 1.000000e+00 : f32
    %broadcast_in_dim3A_475 = vector.broadcast %broadcast_in_dim3A_474 : f32 to vector<16xf32>
    %select_n3A_476 = arith.select %eq3A_473, %broadcast_in_dim3A_475, %sub3A : vector<16xi1>, vector<16xf32>
    %div3A = arith.divf %get3A_469, %select_n3A_476 : vector<16xf32>
    %iota3A = tpu.iota {dimensions = array<i32: 0>} : vector<16xi32>
    %mul3A_477 = arith.constant 112 : i32
    %mul3A_478 = vector.broadcast %mul3A_477 : i32 to vector<16xi32>
    %mul3A_479 = arith.muli %iota3A, %mul3A_478 : vector<16xi32>
    %convert_element_type3A = arith.sitofp %mul3A_479 : vector<16xi32> to vector<16xf32>
    %mul3A_480 = arith.mulf %select_n3A, %div3A : vector<16xf32>
    %sub3A_481 = arith.subf %mul3A_480, %convert_element_type3A : vector<16xf32>
    %broadcast_in_dim3A_482 = arith.constant 1 : i32
    %broadcast_in_dim3A_483 = vector.broadcast %broadcast_in_dim3A_482 : i32 to vector<16xi32>
    %broadcast_in_dim3A_484 = arith.constant 0 : i32
    %broadcast_in_dim3A_485 = vector.broadcast %broadcast_in_dim3A_484 : i32 to vector<16xi32>
    %swap3A = arith.constant 0 : index
    %swap3A_486 = tpu.vector_load %arg8[%swap3A] {strides = array<i32>} : memref<1792xi32, #tpu.memory_space<vmem>>, vector<16xi32>,
    tpu.vector_store %arg8[%swap3A], %broadcast_in_dim3A_485 {strides = array<i32>} : memref<1792xi32, #tpu.memory_space<vmem>>, vector<16xi32>,
    %swap3A_487 = arith.constant 16 : index
    %swap3A_488 = tpu.vector_load %arg8[%swap3A_487] {strides = array<i32>} : memref<1792xi32, #tpu.memory_space<vmem>>, vector<16xi32>,
    tpu.vector_store %arg8[%swap3A_487], %broadcast_in_dim3A_485 {strides = array<i32>} : memref<1792xi32, #tpu.memory_space<vmem>>, vector<16xi32>,
    %swap3A_489 = arith.constant 32 : index
    %swap3A_490 = tpu.vector_load %arg8[%swap3A_489] {strides = array<i32>} : memref<1792xi32, #tpu.memory_space<vmem>>, vector<16xi32>,
    tpu.vector_store %arg8[%swap3A_489], %broadcast_in_dim3A_485 {strides = array<i32>} : memref<1792xi32, #tpu.memory_space<vmem>>, vector<16xi32>,
    %swap3A_491 = arith.constant 48 : index
    %swap3A_492 = tpu.vector_load %arg8[%swap3A_491] {strides = array<i32>} : memref<1792xi32, #tpu.memory_space<vmem>>, vector<16xi32>,
    tpu.vector_store %arg8[%swap3A_491], %broadcast_in_dim3A_485 {strides = array<i32>} : memref<1792xi32, #tpu.memory_space<vmem>>, vector<16xi32>,
    %swap3A_493 = arith.constant 64 : index
    %swap3A_494 = tpu.vector_load %arg8[%swap3A_493] {strides = array<i32>} : memref<1792xi32, #tpu.memory_space<vmem>>, vector<16xi32>,
    tpu.vector_store %arg8[%swap3A_493], %broadcast_in_dim3A_485 {strides = array<i32>} : memref<1792xi32, #tpu.memory_space<vmem>>, vector<16xi32>,
    %swap3A_495 = arith.constant 80 : index
    %swap3A_496 = tpu.vector_load %arg8[%swap3A_495] {strides = array<i32>} : memref<1792xi32, #tpu.memory_space<vmem>>, vector<16xi32>,
    tpu.vector_store %arg8[%swap3A_495], %broadcast_in_dim3A_485 {strides = array<i32>} : memref<1792xi32, #tpu.memory_space<vmem>>, vector<16xi32>,
    %swap3A_497 = arith.constant 96 : index
    %swap3A_498 = tpu.vector_load %arg8[%swap3A_497] {strides = array<i32>} : memref<1792xi32, #tpu.memory_space<vmem>>, vector<16xi32>,
    tpu.vector_store %arg8[%swap3A_497], %broadcast_in_dim3A_485 {strides = array<i32>} : memref<1792xi32, #tpu.memory_space<vmem>>, vector<16xi32>,
    %swap3A_499 = arith.constant 112 : index
    %swap3A_500 = tpu.vector_load %arg8[%swap3A_499] {strides = array<i32>} : memref<1792xi32, #tpu.memory_space<vmem>>, vector<16xi32>,
    tpu.vector_store %arg8[%swap3A_499], %broadcast_in_dim3A_485 {strides = array<i32>} : memref<1792xi32, #tpu.memory_space<vmem>>, vector<16xi32>,
    %swap3A_501 = arith.constant 128 : index
    %swap3A_502 = tpu.vector_load %arg8[%swap3A_501] {strides = array<i32>} : memref<1792xi32, #tpu.memory_space<vmem>>, vector<16xi32>,
    tpu.vector_store %arg8[%swap3A_501], %broadcast_in_dim3A_485 {strides = array<i32>} : memref<1792xi32, #tpu.memory_space<vmem>>, vector<16xi32>,
    %swap3A_503 = arith.constant 144 : index
    %swap3A_504 = tpu.vector_load %arg8[%swap3A_503] {strides = array<i32>} : memref<1792xi32, #tpu.memory_space<vmem>>, vector<16xi32>,
    tpu.vector_store %arg8[%swap3A_503], %broadcast_in_dim3A_485 {strides = array<i32>} : memref<1792xi32, #tpu.memory_space<vmem>>, vector<16xi32>,
    %swap3A_505 = arith.constant 160 : index
    %swap3A_506 = tpu.vector_load %arg8[%swap3A_505] {strides = array<i32>} : memref<1792xi32, #tpu.memory_space<vmem>>, vector<16xi32>,
    tpu.vector_store %arg8[%swap3A_505], %broadcast_in_dim3A_485 {strides = array<i32>} : memref<1792xi32, #tpu.memory_space<vmem>>, vector<16xi32>,
    %swap3A_507 = arith.constant 176 : index
    %swap3A_508 = tpu.vector_load %arg8[%swap3A_507] {strides = array<i32>} : memref<1792xi32, #tpu.memory_space<vmem>>, vector<16xi32>,
    tpu.vector_store %arg8[%swap3A_507], %broadcast_in_dim3A_485 {strides = array<i32>} : memref<1792xi32, #tpu.memory_space<vmem>>, vector<16xi32>,
    %swap3A_509 = arith.constant 192 : index
    %swap3A_510 = tpu.vector_load %arg8[%swap3A_509] {strides = array<i32>} : memref<1792xi32, #tpu.memory_space<vmem>>, vector<16xi32>,
    tpu.vector_store %arg8[%swap3A_509], %broadcast_in_dim3A_485 {strides = array<i32>} : memref<1792xi32, #tpu.memory_space<vmem>>, vector<16xi32>,
    %swap3A_511 = arith.constant 208 : index
    %swap3A_512 = tpu.vector_load %arg8[%swap3A_511] {strides = array<i32>} : memref<1792xi32, #tpu.memory_space<vmem>>, vector<16xi32>,
    tpu.vector_store %arg8[%swap3A_511], %broadcast_in_dim3A_485 {strides = array<i32>} : memref<1792xi32, #tpu.memory_space<vmem>>, vector<16xi32>,
    %swap3A_513 = arith.constant 224 : index
    %swap3A_514 = tpu.vector_load %arg8[%swap3A_513] {strides = array<i32>} : memref<1792xi32, #tpu.memory_space<vmem>>, vector<16xi32>,
    tpu.vector_store %arg8[%swap3A_513], %broadcast_in_dim3A_485 {strides = array<i32>} : memref<1792xi32, #tpu.memory_space<vmem>>, vector<16xi32>,
    %swap3A_515 = arith.constant 240 : index
    %swap3A_516 = tpu.vector_load %arg8[%swap3A_515] {strides = array<i32>} : memref<1792xi32, #tpu.memory_space<vmem>>, vector<16xi32>,
    tpu.vector_store %arg8[%swap3A_515], %broadcast_in_dim3A_485 {strides = array<i32>} : memref<1792xi32, #tpu.memory_space<vmem>>, vector<16xi32>,
    %swap3A_517 = arith.constant 256 : index
    %swap3A_518 = tpu.vector_load %arg8[%swap3A_517] {strides = array<i32>} : memref<1792xi32, #tpu.memory_space<vmem>>, vector<16xi32>,
    tpu.vector_store %arg8[%swap3A_517], %broadcast_in_dim3A_485 {strides = array<i32>} : memref<1792xi32, #tpu.memory_space<vmem>>, vector<16xi32>,
    %swap3A_519 = arith.constant 272 : index
    %swap3A_520 = tpu.vector_load %arg8[%swap3A_519] {strides = array<i32>} : memref<1792xi32, #tpu.memory_space<vmem>>, vector<16xi32>,
    tpu.vector_store %arg8[%swap3A_519], %broadcast_in_dim3A_485 {strides = array<i32>} : memref<1792xi32, #tpu.memory_space<vmem>>, vector<16xi32>,
    %swap3A_521 = arith.constant 288 : index
    %swap3A_522 = tpu.vector_load %arg8[%swap3A_521] {strides = array<i32>} : memref<1792xi32, #tpu.memory_space<vmem>>, vector<16xi32>,
    tpu.vector_store %arg8[%swap3A_521], %broadcast_in_dim3A_485 {strides = array<i32>} : memref<1792xi32, #tpu.memory_space<vmem>>, vector<16xi32>,
    %swap3A_523 = arith.constant 304 : index
    %swap3A_524 = tpu.vector_load %arg8[%swap3A_523] {strides = array<i32>} : memref<1792xi32, #tpu.memory_space<vmem>>, vector<16xi32>,
    tpu.vector_store %arg8[%swap3A_523], %broadcast_in_dim3A_485 {strides = array<i32>} : memref<1792xi32, #tpu.memory_space<vmem>>, vector<16xi32>,
    %swap3A_525 = arith.constant 320 : index
    %swap3A_526 = tpu.vector_load %arg8[%swap3A_525] {strides = array<i32>} : memref<1792xi32, #tpu.memory_space<vmem>>, vector<16xi32>,
    tpu.vector_store %arg8[%swap3A_525], %broadcast_in_dim3A_485 {strides = array<i32>} : memref<1792xi32, #tpu.memory_space<vmem>>, vector<16xi32>,
    %swap3A_527 = arith.constant 336 : index
    %swap3A_528 = tpu.vector_load %arg8[%swap3A_527] {strides = array<i32>} : memref<1792xi32, #tpu.memory_space<vmem>>, vector<16xi32>,
    tpu.vector_store %arg8[%swap3A_527], %broadcast_in_dim3A_485 {strides = array<i32>} : memref<1792xi32, #tpu.memory_space<vmem>>, vector<16xi32>,
    %swap3A_529 = arith.constant 352 : index
    %swap3A_530 = tpu.vector_load %arg8[%swap3A_529] {strides = array<i32>} : memref<1792xi32, #tpu.memory_space<vmem>>, vector<16xi32>,
    tpu.vector_store %arg8[%swap3A_529], %broadcast_in_dim3A_485 {strides = array<i32>} : memref<1792xi32, #tpu.memory_space<vmem>>, vector<16xi32>,
    %swap3A_531 = arith.constant 368 : index
    %swap3A_532 = tpu.vector_load %arg8[%swap3A_531] {strides = array<i32>} : memref<1792xi32, #tpu.memory_space<vmem>>, vector<16xi32>,
    tpu.vector_store %arg8[%swap3A_531], %broadcast_in_dim3A_485 {strides = array<i32>} : memref<1792xi32, #tpu.memory_space<vmem>>, vector<16xi32>,
    %swap3A_533 = arith.constant 384 : index
    %swap3A_534 = tpu.vector_load %arg8[%swap3A_533] {strides = array<i32>} : memref<1792xi32, #tpu.memory_space<vmem>>, vector<16xi32>,
    tpu.vector_store %arg8[%swap3A_533], %broadcast_in_dim3A_485 {strides = array<i32>} : memref<1792xi32, #tpu.memory_space<vmem>>, vector<16xi32>,
    %swap3A_535 = arith.constant 400 : index
    %swap3A_536 = tpu.vector_load %arg8[%swap3A_535] {strides = array<i32>} : memref<1792xi32, #tpu.memory_space<vmem>>, vector<16xi32>,
    tpu.vector_store %arg8[%swap3A_535], %broadcast_in_dim3A_485 {strides = array<i32>} : memref<1792xi32, #tpu.memory_space<vmem>>, vector<16xi32>,
    %swap3A_537 = arith.constant 416 : index
    %swap3A_538 = tpu.vector_load %arg8[%swap3A_537] {strides = array<i32>} : memref<1792xi32, #tpu.memory_space<vmem>>, vector<16xi32>,
    tpu.vector_store %arg8[%swap3A_537], %broadcast_in_dim3A_485 {strides = array<i32>} : memref<1792xi32, #tpu.memory_space<vmem>>, vector<16xi32>,
    %swap3A_539 = arith.constant 432 : index
    %swap3A_540 = tpu.vector_load %arg8[%swap3A_539] {strides = array<i32>} : memref<1792xi32, #tpu.memory_space<vmem>>, vector<16xi32>,
    tpu.vector_store %arg8[%swap3A_539], %broadcast_in_dim3A_485 {strides = array<i32>} : memref<1792xi32, #tpu.memory_space<vmem>>, vector<16xi32>,
    %swap3A_541 = arith.constant 448 : index
    %swap3A_542 = tpu.vector_load %arg8[%swap3A_541] {strides = array<i32>} : memref<1792xi32, #tpu.memory_space<vmem>>, vector<16xi32>,
    tpu.vector_store %arg8[%swap3A_541], %broadcast_in_dim3A_485 {strides = array<i32>} : memref<1792xi32, #tpu.memory_space<vmem>>, vector<16xi32>,
    %swap3A_543 = arith.constant 464 : index
    %swap3A_544 = tpu.vector_load %arg8[%swap3A_543] {strides = array<i32>} : memref<1792xi32, #tpu.memory_space<vmem>>, vector<16xi32>,
    tpu.vector_store %arg8[%swap3A_543], %broadcast_in_dim3A_485 {strides = array<i32>} : memref<1792xi32, #tpu.memory_space<vmem>>, vector<16xi32>,
    %swap3A_545 = arith.constant 480 : index
    %swap3A_546 = tpu.vector_load %arg8[%swap3A_545] {strides = array<i32>} : memref<1792xi32, #tpu.memory_space<vmem>>, vector<16xi32>,
    tpu.vector_store %arg8[%swap3A_545], %broadcast_in_dim3A_485 {strides = array<i32>} : memref<1792xi32, #tpu.memory_space<vmem>>, vector<16xi32>,
    %swap3A_547 = arith.constant 496 : index
    %swap3A_548 = tpu.vector_load %arg8[%swap3A_547] {strides = array<i32>} : memref<1792xi32, #tpu.memory_space<vmem>>, vector<16xi32>,
    tpu.vector_store %arg8[%swap3A_547], %broadcast_in_dim3A_485 {strides = array<i32>} : memref<1792xi32, #tpu.memory_space<vmem>>, vector<16xi32>,
    %swap3A_549 = arith.constant 512 : index
    %swap3A_550 = tpu.vector_load %arg8[%swap3A_549] {strides = array<i32>} : memref<1792xi32, #tpu.memory_space<vmem>>, vector<16xi32>,
    tpu.vector_store %arg8[%swap3A_549], %broadcast_in_dim3A_485 {strides = array<i32>} : memref<1792xi32, #tpu.memory_space<vmem>>, vector<16xi32>,
    %swap3A_551 = arith.constant 528 : index
    %swap3A_552 = tpu.vector_load %arg8[%swap3A_551] {strides = array<i32>} : memref<1792xi32, #tpu.memory_space<vmem>>, vector<16xi32>,
    tpu.vector_store %arg8[%swap3A_551], %broadcast_in_dim3A_485 {strides = array<i32>} : memref<1792xi32, #tpu.memory_space<vmem>>, vector<16xi32>,
    %swap3A_553 = arith.constant 544 : index
    %swap3A_554 = tpu.vector_load %arg8[%swap3A_553] {strides = array<i32>} : memref<1792xi32, #tpu.memory_space<vmem>>, vector<16xi32>,
    tpu.vector_store %arg8[%swap3A_553], %broadcast_in_dim3A_485 {strides = array<i32>} : memref<1792xi32, #tpu.memory_space<vmem>>, vector<16xi32>,
    %swap3A_555 = arith.constant 560 : index
    %swap3A_556 = tpu.vector_load %arg8[%swap3A_555] {strides = array<i32>} : memref<1792xi32, #tpu.memory_space<vmem>>, vector<16xi32>,
    tpu.vector_store %arg8[%swap3A_555], %broadcast_in_dim3A_485 {strides = array<i32>} : memref<1792xi32, #tpu.memory_space<vmem>>, vector<16xi32>,
    %swap3A_557 = arith.constant 576 : index
    %swap3A_558 = tpu.vector_load %arg8[%swap3A_557] {strides = array<i32>} : memref<1792xi32, #tpu.memory_space<vmem>>, vector<16xi32>,
    tpu.vector_store %arg8[%swap3A_557], %broadcast_in_dim3A_485 {strides = array<i32>} : memref<1792xi32, #tpu.memory_space<vmem>>, vector<16xi32>,
    %swap3A_559 = arith.constant 592 : index
    %swap3A_560 = tpu.vector_load %arg8[%swap3A_559] {strides = array<i32>} : memref<1792xi32, #tpu.memory_space<vmem>>, vector<16xi32>,
    tpu.vector_store %arg8[%swap3A_559], %broadcast_in_dim3A_485 {strides = array<i32>} : memref<1792xi32, #tpu.memory_space<vmem>>, vector<16xi32>,
    %swap3A_561 = arith.constant 608 : index
    %swap3A_562 = tpu.vector_load %arg8[%swap3A_561] {strides = array<i32>} : memref<1792xi32, #tpu.memory_space<vmem>>, vector<16xi32>,
    tpu.vector_store %arg8[%swap3A_561], %broadcast_in_dim3A_485 {strides = array<i32>} : memref<1792xi32, #tpu.memory_space<vmem>>, vector<16xi32>,
    %swap3A_563 = arith.constant 624 : index
    %swap3A_564 = tpu.vector_load %arg8[%swap3A_563] {strides = array<i32>} : memref<1792xi32, #tpu.memory_space<vmem>>, vector<16xi32>,
    tpu.vector_store %arg8[%swap3A_563], %broadcast_in_dim3A_485 {strides = array<i32>} : memref<1792xi32, #tpu.memory_space<vmem>>, vector<16xi32>,
    %swap3A_565 = arith.constant 640 : index
    %swap3A_566 = tpu.vector_load %arg8[%swap3A_565] {strides = array<i32>} : memref<1792xi32, #tpu.memory_space<vmem>>, vector<16xi32>,
    tpu.vector_store %arg8[%swap3A_565], %broadcast_in_dim3A_485 {strides = array<i32>} : memref<1792xi32, #tpu.memory_space<vmem>>, vector<16xi32>,
    %swap3A_567 = arith.constant 656 : index
    %swap3A_568 = tpu.vector_load %arg8[%swap3A_567] {strides = array<i32>} : memref<1792xi32, #tpu.memory_space<vmem>>, vector<16xi32>,
    tpu.vector_store %arg8[%swap3A_567], %broadcast_in_dim3A_485 {strides = array<i32>} : memref<1792xi32, #tpu.memory_space<vmem>>, vector<16xi32>,
    %swap3A_569 = arith.constant 672 : index
    %swap3A_570 = tpu.vector_load %arg8[%swap3A_569] {strides = array<i32>} : memref<1792xi32, #tpu.memory_space<vmem>>, vector<16xi32>,
    tpu.vector_store %arg8[%swap3A_569], %broadcast_in_dim3A_485 {strides = array<i32>} : memref<1792xi32, #tpu.memory_space<vmem>>, vector<16xi32>,
    %swap3A_571 = arith.constant 688 : index
    %swap3A_572 = tpu.vector_load %arg8[%swap3A_571] {strides = array<i32>} : memref<1792xi32, #tpu.memory_space<vmem>>, vector<16xi32>,
    tpu.vector_store %arg8[%swap3A_571], %broadcast_in_dim3A_485 {strides = array<i32>} : memref<1792xi32, #tpu.memory_space<vmem>>, vector<16xi32>,
    %swap3A_573 = arith.constant 704 : index
    %swap3A_574 = tpu.vector_load %arg8[%swap3A_573] {strides = array<i32>} : memref<1792xi32, #tpu.memory_space<vmem>>, vector<16xi32>,
    tpu.vector_store %arg8[%swap3A_573], %broadcast_in_dim3A_485 {strides = array<i32>} : memref<1792xi32, #tpu.memory_space<vmem>>, vector<16xi32>,
    %swap3A_575 = arith.constant 720 : index
    %swap3A_576 = tpu.vector_load %arg8[%swap3A_575] {strides = array<i32>} : memref<1792xi32, #tpu.memory_space<vmem>>, vector<16xi32>,
    tpu.vector_store %arg8[%swap3A_575], %broadcast_in_dim3A_485 {strides = array<i32>} : memref<1792xi32, #tpu.memory_space<vmem>>, vector<16xi32>,
    %swap3A_577 = arith.constant 736 : index
    %swap3A_578 = tpu.vector_load %arg8[%swap3A_577] {strides = array<i32>} : memref<1792xi32, #tpu.memory_space<vmem>>, vector<16xi32>,
    tpu.vector_store %arg8[%swap3A_577], %broadcast_in_dim3A_485 {strides = array<i32>} : memref<1792xi32, #tpu.memory_space<vmem>>, vector<16xi32>,
    %swap3A_579 = arith.constant 752 : index
    %swap3A_580 = tpu.vector_load %arg8[%swap3A_579] {strides = array<i32>} : memref<1792xi32, #tpu.memory_space<vmem>>, vector<16xi32>,
    tpu.vector_store %arg8[%swap3A_579], %broadcast_in_dim3A_485 {strides = array<i32>} : memref<1792xi32, #tpu.memory_space<vmem>>, vector<16xi32>,
    %swap3A_581 = arith.constant 768 : index
    %swap3A_582 = tpu.vector_load %arg8[%swap3A_581] {strides = array<i32>} : memref<1792xi32, #tpu.memory_space<vmem>>, vector<16xi32>,
    tpu.vector_store %arg8[%swap3A_581], %broadcast_in_dim3A_485 {strides = array<i32>} : memref<1792xi32, #tpu.memory_space<vmem>>, vector<16xi32>,
    %swap3A_583 = arith.constant 784 : index
    %swap3A_584 = tpu.vector_load %arg8[%swap3A_583] {strides = array<i32>} : memref<1792xi32, #tpu.memory_space<vmem>>, vector<16xi32>,
    tpu.vector_store %arg8[%swap3A_583], %broadcast_in_dim3A_485 {strides = array<i32>} : memref<1792xi32, #tpu.memory_space<vmem>>, vector<16xi32>,
    %swap3A_585 = arith.constant 800 : index
    %swap3A_586 = tpu.vector_load %arg8[%swap3A_585] {strides = array<i32>} : memref<1792xi32, #tpu.memory_space<vmem>>, vector<16xi32>,
    tpu.vector_store %arg8[%swap3A_585], %broadcast_in_dim3A_485 {strides = array<i32>} : memref<1792xi32, #tpu.memory_space<vmem>>, vector<16xi32>,
    %swap3A_587 = arith.constant 816 : index
    %swap3A_588 = tpu.vector_load %arg8[%swap3A_587] {strides = array<i32>} : memref<1792xi32, #tpu.memory_space<vmem>>, vector<16xi32>,
    tpu.vector_store %arg8[%swap3A_587], %broadcast_in_dim3A_485 {strides = array<i32>} : memref<1792xi32, #tpu.memory_space<vmem>>, vector<16xi32>,
    %swap3A_589 = arith.constant 832 : index
    %swap3A_590 = tpu.vector_load %arg8[%swap3A_589] {strides = array<i32>} : memref<1792xi32, #tpu.memory_space<vmem>>, vector<16xi32>,
    tpu.vector_store %arg8[%swap3A_589], %broadcast_in_dim3A_485 {strides = array<i32>} : memref<1792xi32, #tpu.memory_space<vmem>>, vector<16xi32>,
    %swap3A_591 = arith.constant 848 : index
    %swap3A_592 = tpu.vector_load %arg8[%swap3A_591] {strides = array<i32>} : memref<1792xi32, #tpu.memory_space<vmem>>, vector<16xi32>,
    tpu.vector_store %arg8[%swap3A_591], %broadcast_in_dim3A_485 {strides = array<i32>} : memref<1792xi32, #tpu.memory_space<vmem>>, vector<16xi32>,
    %swap3A_593 = arith.constant 864 : index
    %swap3A_594 = tpu.vector_load %arg8[%swap3A_593] {strides = array<i32>} : memref<1792xi32, #tpu.memory_space<vmem>>, vector<16xi32>,
    tpu.vector_store %arg8[%swap3A_593], %broadcast_in_dim3A_485 {strides = array<i32>} : memref<1792xi32, #tpu.memory_space<vmem>>, vector<16xi32>,
    %swap3A_595 = arith.constant 880 : index
    %swap3A_596 = tpu.vector_load %arg8[%swap3A_595] {strides = array<i32>} : memref<1792xi32, #tpu.memory_space<vmem>>, vector<16xi32>,
    tpu.vector_store %arg8[%swap3A_595], %broadcast_in_dim3A_485 {strides = array<i32>} : memref<1792xi32, #tpu.memory_space<vmem>>, vector<16xi32>,
    %swap3A_597 = arith.constant 896 : index
    %swap3A_598 = tpu.vector_load %arg8[%swap3A_597] {strides = array<i32>} : memref<1792xi32, #tpu.memory_space<vmem>>, vector<16xi32>,
    tpu.vector_store %arg8[%swap3A_597], %broadcast_in_dim3A_485 {strides = array<i32>} : memref<1792xi32, #tpu.memory_space<vmem>>, vector<16xi32>,
    %swap3A_599 = arith.constant 912 : index
    %swap3A_600 = tpu.vector_load %arg8[%swap3A_599] {strides = array<i32>} : memref<1792xi32, #tpu.memory_space<vmem>>, vector<16xi32>,
    tpu.vector_store %arg8[%swap3A_599], %broadcast_in_dim3A_485 {strides = array<i32>} : memref<1792xi32, #tpu.memory_space<vmem>>, vector<16xi32>,
    %swap3A_601 = arith.constant 928 : index
    %swap3A_602 = tpu.vector_load %arg8[%swap3A_601] {strides = array<i32>} : memref<1792xi32, #tpu.memory_space<vmem>>, vector<16xi32>,
    tpu.vector_store %arg8[%swap3A_601], %broadcast_in_dim3A_485 {strides = array<i32>} : memref<1792xi32, #tpu.memory_space<vmem>>, vector<16xi32>,
    %swap3A_603 = arith.constant 944 : index
    %swap3A_604 = tpu.vector_load %arg8[%swap3A_603] {strides = array<i32>} : memref<1792xi32, #tpu.memory_space<vmem>>, vector<16xi32>,
    tpu.vector_store %arg8[%swap3A_603], %broadcast_in_dim3A_485 {strides = array<i32>} : memref<1792xi32, #tpu.memory_space<vmem>>, vector<16xi32>,
    %swap3A_605 = arith.constant 960 : index
    %swap3A_606 = tpu.vector_load %arg8[%swap3A_605] {strides = array<i32>} : memref<1792xi32, #tpu.memory_space<vmem>>, vector<16xi32>,
    tpu.vector_store %arg8[%swap3A_605], %broadcast_in_dim3A_485 {strides = array<i32>} : memref<1792xi32, #tpu.memory_space<vmem>>, vector<16xi32>,
    %swap3A_607 = arith.constant 976 : index
    %swap3A_608 = tpu.vector_load %arg8[%swap3A_607] {strides = array<i32>} : memref<1792xi32, #tpu.memory_space<vmem>>, vector<16xi32>,
    tpu.vector_store %arg8[%swap3A_607], %broadcast_in_dim3A_485 {strides = array<i32>} : memref<1792xi32, #tpu.memory_space<vmem>>, vector<16xi32>,
    %swap3A_609 = arith.constant 992 : index
    %swap3A_610 = tpu.vector_load %arg8[%swap3A_609] {strides = array<i32>} : memref<1792xi32, #tpu.memory_space<vmem>>, vector<16xi32>,
    tpu.vector_store %arg8[%swap3A_609], %broadcast_in_dim3A_485 {strides = array<i32>} : memref<1792xi32, #tpu.memory_space<vmem>>, vector<16xi32>,
    %swap3A_611 = arith.constant 1008 : index
    %swap3A_612 = tpu.vector_load %arg8[%swap3A_611] {strides = array<i32>} : memref<1792xi32, #tpu.memory_space<vmem>>, vector<16xi32>,
    tpu.vector_store %arg8[%swap3A_611], %broadcast_in_dim3A_485 {strides = array<i32>} : memref<1792xi32, #tpu.memory_space<vmem>>, vector<16xi32>,
    %swap3A_613 = arith.constant 1024 : index
    %swap3A_614 = tpu.vector_load %arg8[%swap3A_613] {strides = array<i32>} : memref<1792xi32, #tpu.memory_space<vmem>>, vector<16xi32>,
    tpu.vector_store %arg8[%swap3A_613], %broadcast_in_dim3A_485 {strides = array<i32>} : memref<1792xi32, #tpu.memory_space<vmem>>, vector<16xi32>,
    %swap3A_615 = arith.constant 1040 : index
    %swap3A_616 = tpu.vector_load %arg8[%swap3A_615] {strides = array<i32>} : memref<1792xi32, #tpu.memory_space<vmem>>, vector<16xi32>,
    tpu.vector_store %arg8[%swap3A_615], %broadcast_in_dim3A_485 {strides = array<i32>} : memref<1792xi32, #tpu.memory_space<vmem>>, vector<16xi32>,
    %swap3A_617 = arith.constant 1056 : index
    %swap3A_618 = tpu.vector_load %arg8[%swap3A_617] {strides = array<i32>} : memref<1792xi32, #tpu.memory_space<vmem>>, vector<16xi32>,
    tpu.vector_store %arg8[%swap3A_617], %broadcast_in_dim3A_485 {strides = array<i32>} : memref<1792xi32, #tpu.memory_space<vmem>>, vector<16xi32>,
    %swap3A_619 = arith.constant 1072 : index
    %swap3A_620 = tpu.vector_load %arg8[%swap3A_619] {strides = array<i32>} : memref<1792xi32, #tpu.memory_space<vmem>>, vector<16xi32>,
    tpu.vector_store %arg8[%swap3A_619], %broadcast_in_dim3A_485 {strides = array<i32>} : memref<1792xi32, #tpu.memory_space<vmem>>, vector<16xi32>,
    %swap3A_621 = arith.constant 1088 : index
    %swap3A_622 = tpu.vector_load %arg8[%swap3A_621] {strides = array<i32>} : memref<1792xi32, #tpu.memory_space<vmem>>, vector<16xi32>,
    tpu.vector_store %arg8[%swap3A_621], %broadcast_in_dim3A_485 {strides = array<i32>} : memref<1792xi32, #tpu.memory_space<vmem>>, vector<16xi32>,
    %swap3A_623 = arith.constant 1104 : index
    %swap3A_624 = tpu.vector_load %arg8[%swap3A_623] {strides = array<i32>} : memref<1792xi32, #tpu.memory_space<vmem>>, vector<16xi32>,
    tpu.vector_store %arg8[%swap3A_623], %broadcast_in_dim3A_485 {strides = array<i32>} : memref<1792xi32, #tpu.memory_space<vmem>>, vector<16xi32>,
    %swap3A_625 = arith.constant 1120 : index
    %swap3A_626 = tpu.vector_load %arg8[%swap3A_625] {strides = array<i32>} : memref<1792xi32, #tpu.memory_space<vmem>>, vector<16xi32>,
    tpu.vector_store %arg8[%swap3A_625], %broadcast_in_dim3A_485 {strides = array<i32>} : memref<1792xi32, #tpu.memory_space<vmem>>, vector<16xi32>,
    %swap3A_627 = arith.constant 1136 : index
    %swap3A_628 = tpu.vector_load %arg8[%swap3A_627] {strides = array<i32>} : memref<1792xi32, #tpu.memory_space<vmem>>, vector<16xi32>,
    tpu.vector_store %arg8[%swap3A_627], %broadcast_in_dim3A_485 {strides = array<i32>} : memref<1792xi32, #tpu.memory_space<vmem>>, vector<16xi32>,
    %swap3A_629 = arith.constant 1152 : index
    %swap3A_630 = tpu.vector_load %arg8[%swap3A_629] {strides = array<i32>} : memref<1792xi32, #tpu.memory_space<vmem>>, vector<16xi32>,
    tpu.vector_store %arg8[%swap3A_629], %broadcast_in_dim3A_485 {strides = array<i32>} : memref<1792xi32, #tpu.memory_space<vmem>>, vector<16xi32>,
    %swap3A_631 = arith.constant 1168 : index
    %swap3A_632 = tpu.vector_load %arg8[%swap3A_631] {strides = array<i32>} : memref<1792xi32, #tpu.memory_space<vmem>>, vector<16xi32>,
    tpu.vector_store %arg8[%swap3A_631], %broadcast_in_dim3A_485 {strides = array<i32>} : memref<1792xi32, #tpu.memory_space<vmem>>, vector<16xi32>,
    %swap3A_633 = arith.constant 1184 : index
    %swap3A_634 = tpu.vector_load %arg8[%swap3A_633] {strides = array<i32>} : memref<1792xi32, #tpu.memory_space<vmem>>, vector<16xi32>,
    tpu.vector_store %arg8[%swap3A_633], %broadcast_in_dim3A_485 {strides = array<i32>} : memref<1792xi32, #tpu.memory_space<vmem>>, vector<16xi32>,
    %swap3A_635 = arith.constant 1200 : index
    %swap3A_636 = tpu.vector_load %arg8[%swap3A_635] {strides = array<i32>} : memref<1792xi32, #tpu.memory_space<vmem>>, vector<16xi32>,
    tpu.vector_store %arg8[%swap3A_635], %broadcast_in_dim3A_485 {strides = array<i32>} : memref<1792xi32, #tpu.memory_space<vmem>>, vector<16xi32>,
    %swap3A_637 = arith.constant 1216 : index
    %swap3A_638 = tpu.vector_load %arg8[%swap3A_637] {strides = array<i32>} : memref<1792xi32, #tpu.memory_space<vmem>>, vector<16xi32>,
    tpu.vector_store %arg8[%swap3A_637], %broadcast_in_dim3A_485 {strides = array<i32>} : memref<1792xi32, #tpu.memory_space<vmem>>, vector<16xi32>,
    %swap3A_639 = arith.constant 1232 : index
    %swap3A_640 = tpu.vector_load %arg8[%swap3A_639] {strides = array<i32>} : memref<1792xi32, #tpu.memory_space<vmem>>, vector<16xi32>,
    tpu.vector_store %arg8[%swap3A_639], %broadcast_in_dim3A_485 {strides = array<i32>} : memref<1792xi32, #tpu.memory_space<vmem>>, vector<16xi32>,
    %swap3A_641 = arith.constant 1248 : index
    %swap3A_642 = tpu.vector_load %arg8[%swap3A_641] {strides = array<i32>} : memref<1792xi32, #tpu.memory_space<vmem>>, vector<16xi32>,
    tpu.vector_store %arg8[%swap3A_641], %broadcast_in_dim3A_485 {strides = array<i32>} : memref<1792xi32, #tpu.memory_space<vmem>>, vector<16xi32>,
    %swap3A_643 = arith.constant 1264 : index
    %swap3A_644 = tpu.vector_load %arg8[%swap3A_643] {strides = array<i32>} : memref<1792xi32, #tpu.memory_space<vmem>>, vector<16xi32>,
    tpu.vector_store %arg8[%swap3A_643], %broadcast_in_dim3A_485 {strides = array<i32>} : memref<1792xi32, #tpu.memory_space<vmem>>, vector<16xi32>,
    %swap3A_645 = arith.constant 1280 : index
    %swap3A_646 = tpu.vector_load %arg8[%swap3A_645] {strides = array<i32>} : memref<1792xi32, #tpu.memory_space<vmem>>, vector<16xi32>,
    tpu.vector_store %arg8[%swap3A_645], %broadcast_in_dim3A_485 {strides = array<i32>} : memref<1792xi32, #tpu.memory_space<vmem>>, vector<16xi32>,
    %swap3A_647 = arith.constant 1296 : index
    %swap3A_648 = tpu.vector_load %arg8[%swap3A_647] {strides = array<i32>} : memref<1792xi32, #tpu.memory_space<vmem>>, vector<16xi32>,
    tpu.vector_store %arg8[%swap3A_647], %broadcast_in_dim3A_485 {strides = array<i32>} : memref<1792xi32, #tpu.memory_space<vmem>>, vector<16xi32>,
    %swap3A_649 = arith.constant 1312 : index
    %swap3A_650 = tpu.vector_load %arg8[%swap3A_649] {strides = array<i32>} : memref<1792xi32, #tpu.memory_space<vmem>>, vector<16xi32>,
    tpu.vector_store %arg8[%swap3A_649], %broadcast_in_dim3A_485 {strides = array<i32>} : memref<1792xi32, #tpu.memory_space<vmem>>, vector<16xi32>,
    %swap3A_651 = arith.constant 1328 : index
    %swap3A_652 = tpu.vector_load %arg8[%swap3A_651] {strides = array<i32>} : memref<1792xi32, #tpu.memory_space<vmem>>, vector<16xi32>,
    tpu.vector_store %arg8[%swap3A_651], %broadcast_in_dim3A_485 {strides = array<i32>} : memref<1792xi32, #tpu.memory_space<vmem>>, vector<16xi32>,
    %swap3A_653 = arith.constant 1344 : index
    %swap3A_654 = tpu.vector_load %arg8[%swap3A_653] {strides = array<i32>} : memref<1792xi32, #tpu.memory_space<vmem>>, vector<16xi32>,
    tpu.vector_store %arg8[%swap3A_653], %broadcast_in_dim3A_485 {strides = array<i32>} : memref<1792xi32, #tpu.memory_space<vmem>>, vector<16xi32>,
    %swap3A_655 = arith.constant 1360 : index
    %swap3A_656 = tpu.vector_load %arg8[%swap3A_655] {strides = array<i32>} : memref<1792xi32, #tpu.memory_space<vmem>>, vector<16xi32>,
    tpu.vector_store %arg8[%swap3A_655], %broadcast_in_dim3A_485 {strides = array<i32>} : memref<1792xi32, #tpu.memory_space<vmem>>, vector<16xi32>,
    %swap3A_657 = arith.constant 1376 : index
    %swap3A_658 = tpu.vector_load %arg8[%swap3A_657] {strides = array<i32>} : memref<1792xi32, #tpu.memory_space<vmem>>, vector<16xi32>,
    tpu.vector_store %arg8[%swap3A_657], %broadcast_in_dim3A_485 {strides = array<i32>} : memref<1792xi32, #tpu.memory_space<vmem>>, vector<16xi32>,
    %swap3A_659 = arith.constant 1392 : index
    %swap3A_660 = tpu.vector_load %arg8[%swap3A_659] {strides = array<i32>} : memref<1792xi32, #tpu.memory_space<vmem>>, vector<16xi32>,
    tpu.vector_store %arg8[%swap3A_659], %broadcast_in_dim3A_485 {strides = array<i32>} : memref<1792xi32, #tpu.memory_space<vmem>>, vector<16xi32>,
    %swap3A_661 = arith.constant 1408 : index
    %swap3A_662 = tpu.vector_load %arg8[%swap3A_661] {strides = array<i32>} : memref<1792xi32, #tpu.memory_space<vmem>>, vector<16xi32>,
    tpu.vector_store %arg8[%swap3A_661], %broadcast_in_dim3A_485 {strides = array<i32>} : memref<1792xi32, #tpu.memory_space<vmem>>, vector<16xi32>,
    %swap3A_663 = arith.constant 1424 : index
    %swap3A_664 = tpu.vector_load %arg8[%swap3A_663] {strides = array<i32>} : memref<1792xi32, #tpu.memory_space<vmem>>, vector<16xi32>,
    tpu.vector_store %arg8[%swap3A_663], %broadcast_in_dim3A_485 {strides = array<i32>} : memref<1792xi32, #tpu.memory_space<vmem>>, vector<16xi32>,
    %swap3A_665 = arith.constant 1440 : index
    %swap3A_666 = tpu.vector_load %arg8[%swap3A_665] {strides = array<i32>} : memref<1792xi32, #tpu.memory_space<vmem>>, vector<16xi32>,
    tpu.vector_store %arg8[%swap3A_665], %broadcast_in_dim3A_485 {strides = array<i32>} : memref<1792xi32, #tpu.memory_space<vmem>>, vector<16xi32>,
    %swap3A_667 = arith.constant 1456 : index
    %swap3A_668 = tpu.vector_load %arg8[%swap3A_667] {strides = array<i32>} : memref<1792xi32, #tpu.memory_space<vmem>>, vector<16xi32>,
    tpu.vector_store %arg8[%swap3A_667], %broadcast_in_dim3A_485 {strides = array<i32>} : memref<1792xi32, #tpu.memory_space<vmem>>, vector<16xi32>,
    %swap3A_669 = arith.constant 1472 : index
    %swap3A_670 = tpu.vector_load %arg8[%swap3A_669] {strides = array<i32>} : memref<1792xi32, #tpu.memory_space<vmem>>, vector<16xi32>,
    tpu.vector_store %arg8[%swap3A_669], %broadcast_in_dim3A_485 {strides = array<i32>} : memref<1792xi32, #tpu.memory_space<vmem>>, vector<16xi32>,
    %swap3A_671 = arith.constant 1488 : index
    %swap3A_672 = tpu.vector_load %arg8[%swap3A_671] {strides = array<i32>} : memref<1792xi32, #tpu.memory_space<vmem>>, vector<16xi32>,
    tpu.vector_store %arg8[%swap3A_671], %broadcast_in_dim3A_485 {strides = array<i32>} : memref<1792xi32, #tpu.memory_space<vmem>>, vector<16xi32>,
    %swap3A_673 = arith.constant 1504 : index
    %swap3A_674 = tpu.vector_load %arg8[%swap3A_673] {strides = array<i32>} : memref<1792xi32, #tpu.memory_space<vmem>>, vector<16xi32>,
    tpu.vector_store %arg8[%swap3A_673], %broadcast_in_dim3A_485 {strides = array<i32>} : memref<1792xi32, #tpu.memory_space<vmem>>, vector<16xi32>,
    %swap3A_675 = arith.constant 1520 : index
    %swap3A_676 = tpu.vector_load %arg8[%swap3A_675] {strides = array<i32>} : memref<1792xi32, #tpu.memory_space<vmem>>, vector<16xi32>,
    tpu.vector_store %arg8[%swap3A_675], %broadcast_in_dim3A_485 {strides = array<i32>} : memref<1792xi32, #tpu.memory_space<vmem>>, vector<16xi32>,
    %swap3A_677 = arith.constant 1536 : index
    %swap3A_678 = tpu.vector_load %arg8[%swap3A_677] {strides = array<i32>} : memref<1792xi32, #tpu.memory_space<vmem>>, vector<16xi32>,
    tpu.vector_store %arg8[%swap3A_677], %broadcast_in_dim3A_485 {strides = array<i32>} : memref<1792xi32, #tpu.memory_space<vmem>>, vector<16xi32>,
    %swap3A_679 = arith.constant 1552 : index
    %swap3A_680 = tpu.vector_load %arg8[%swap3A_679] {strides = array<i32>} : memref<1792xi32, #tpu.memory_space<vmem>>, vector<16xi32>,
    tpu.vector_store %arg8[%swap3A_679], %broadcast_in_dim3A_485 {strides = array<i32>} : memref<1792xi32, #tpu.memory_space<vmem>>, vector<16xi32>,
    %swap3A_681 = arith.constant 1568 : index
    %swap3A_682 = tpu.vector_load %arg8[%swap3A_681] {strides = array<i32>} : memref<1792xi32, #tpu.memory_space<vmem>>, vector<16xi32>,
    tpu.vector_store %arg8[%swap3A_681], %broadcast_in_dim3A_485 {strides = array<i32>} : memref<1792xi32, #tpu.memory_space<vmem>>, vector<16xi32>,
    %swap3A_683 = arith.constant 1584 : index
    %swap3A_684 = tpu.vector_load %arg8[%swap3A_683] {strides = array<i32>} : memref<1792xi32, #tpu.memory_space<vmem>>, vector<16xi32>,
    tpu.vector_store %arg8[%swap3A_683], %broadcast_in_dim3A_485 {strides = array<i32>} : memref<1792xi32, #tpu.memory_space<vmem>>, vector<16xi32>,
    %swap3A_685 = arith.constant 1600 : index
    %swap3A_686 = tpu.vector_load %arg8[%swap3A_685] {strides = array<i32>} : memref<1792xi32, #tpu.memory_space<vmem>>, vector<16xi32>,
    tpu.vector_store %arg8[%swap3A_685], %broadcast_in_dim3A_485 {strides = array<i32>} : memref<1792xi32, #tpu.memory_space<vmem>>, vector<16xi32>,
    %swap3A_687 = arith.constant 1616 : index
    %swap3A_688 = tpu.vector_load %arg8[%swap3A_687] {strides = array<i32>} : memref<1792xi32, #tpu.memory_space<vmem>>, vector<16xi32>,
    tpu.vector_store %arg8[%swap3A_687], %broadcast_in_dim3A_485 {strides = array<i32>} : memref<1792xi32, #tpu.memory_space<vmem>>, vector<16xi32>,
    %swap3A_689 = arith.constant 1632 : index
    %swap3A_690 = tpu.vector_load %arg8[%swap3A_689] {strides = array<i32>} : memref<1792xi32, #tpu.memory_space<vmem>>, vector<16xi32>,
    tpu.vector_store %arg8[%swap3A_689], %broadcast_in_dim3A_485 {strides = array<i32>} : memref<1792xi32, #tpu.memory_space<vmem>>, vector<16xi32>,
    %swap3A_691 = arith.constant 1648 : index
    %swap3A_692 = tpu.vector_load %arg8[%swap3A_691] {strides = array<i32>} : memref<1792xi32, #tpu.memory_space<vmem>>, vector<16xi32>,
    tpu.vector_store %arg8[%swap3A_691], %broadcast_in_dim3A_485 {strides = array<i32>} : memref<1792xi32, #tpu.memory_space<vmem>>, vector<16xi32>,
    %swap3A_693 = arith.constant 1664 : index
    %swap3A_694 = tpu.vector_load %arg8[%swap3A_693] {strides = array<i32>} : memref<1792xi32, #tpu.memory_space<vmem>>, vector<16xi32>,
    tpu.vector_store %arg8[%swap3A_693], %broadcast_in_dim3A_485 {strides = array<i32>} : memref<1792xi32, #tpu.memory_space<vmem>>, vector<16xi32>,
    %swap3A_695 = arith.constant 1680 : index
    %swap3A_696 = tpu.vector_load %arg8[%swap3A_695] {strides = array<i32>} : memref<1792xi32, #tpu.memory_space<vmem>>, vector<16xi32>,
    tpu.vector_store %arg8[%swap3A_695], %broadcast_in_dim3A_485 {strides = array<i32>} : memref<1792xi32, #tpu.memory_space<vmem>>, vector<16xi32>,
    %swap3A_697 = arith.constant 1696 : index
    %swap3A_698 = tpu.vector_load %arg8[%swap3A_697] {strides = array<i32>} : memref<1792xi32, #tpu.memory_space<vmem>>, vector<16xi32>,
    tpu.vector_store %arg8[%swap3A_697], %broadcast_in_dim3A_485 {strides = array<i32>} : memref<1792xi32, #tpu.memory_space<vmem>>, vector<16xi32>,
    %swap3A_699 = arith.constant 1712 : index
    %swap3A_700 = tpu.vector_load %arg8[%swap3A_699] {strides = array<i32>} : memref<1792xi32, #tpu.memory_space<vmem>>, vector<16xi32>,
    tpu.vector_store %arg8[%swap3A_699], %broadcast_in_dim3A_485 {strides = array<i32>} : memref<1792xi32, #tpu.memory_space<vmem>>, vector<16xi32>,
    %swap3A_701 = arith.constant 1728 : index
    %swap3A_702 = tpu.vector_load %arg8[%swap3A_701] {strides = array<i32>} : memref<1792xi32, #tpu.memory_space<vmem>>, vector<16xi32>,
    tpu.vector_store %arg8[%swap3A_701], %broadcast_in_dim3A_485 {strides = array<i32>} : memref<1792xi32, #tpu.memory_space<vmem>>, vector<16xi32>,
    %swap3A_703 = arith.constant 1744 : index
    %swap3A_704 = tpu.vector_load %arg8[%swap3A_703] {strides = array<i32>} : memref<1792xi32, #tpu.memory_space<vmem>>, vector<16xi32>,
    tpu.vector_store %arg8[%swap3A_703], %broadcast_in_dim3A_485 {strides = array<i32>} : memref<1792xi32, #tpu.memory_space<vmem>>, vector<16xi32>,
    %swap3A_705 = arith.constant 1760 : index
    %swap3A_706 = tpu.vector_load %arg8[%swap3A_705] {strides = array<i32>} : memref<1792xi32, #tpu.memory_space<vmem>>, vector<16xi32>,
    tpu.vector_store %arg8[%swap3A_705], %broadcast_in_dim3A_485 {strides = array<i32>} : memref<1792xi32, #tpu.memory_space<vmem>>, vector<16xi32>,
    %swap3A_707 = arith.constant 1776 : index
    %swap3A_708 = tpu.vector_load %arg8[%swap3A_707] {strides = array<i32>} : memref<1792xi32, #tpu.memory_space<vmem>>, vector<16xi32>,
    tpu.vector_store %arg8[%swap3A_707], %broadcast_in_dim3A_485 {strides = array<i32>} : memref<1792xi32, #tpu.memory_space<vmem>>, vector<16xi32>,
    %swap3A_709 = arith.constant 0 : index
    %swap3A_710 = tpu.vector_load %arg9[%swap3A_709] {strides = array<i32>} : memref<1792xi32, #tpu.memory_space<vmem>>, vector<16xi32>,
    tpu.vector_store %arg9[%swap3A_709], %broadcast_in_dim3A_485 {strides = array<i32>} : memref<1792xi32, #tpu.memory_space<vmem>>, vector<16xi32>,
    %swap3A_711 = arith.constant 16 : index
    %swap3A_712 = tpu.vector_load %arg9[%swap3A_711] {strides = array<i32>} : memref<1792xi32, #tpu.memory_space<vmem>>, vector<16xi32>,
    tpu.vector_store %arg9[%swap3A_711], %broadcast_in_dim3A_485 {strides = array<i32>} : memref<1792xi32, #tpu.memory_space<vmem>>, vector<16xi32>,
    %swap3A_713 = arith.constant 32 : index
    %swap3A_714 = tpu.vector_load %arg9[%swap3A_713] {strides = array<i32>} : memref<1792xi32, #tpu.memory_space<vmem>>, vector<16xi32>,
    tpu.vector_store %arg9[%swap3A_713], %broadcast_in_dim3A_485 {strides = array<i32>} : memref<1792xi32, #tpu.memory_space<vmem>>, vector<16xi32>,
    %swap3A_715 = arith.constant 48 : index
    %swap3A_716 = tpu.vector_load %arg9[%swap3A_715] {strides = array<i32>} : memref<1792xi32, #tpu.memory_space<vmem>>, vector<16xi32>,
    tpu.vector_store %arg9[%swap3A_715], %broadcast_in_dim3A_485 {strides = array<i32>} : memref<1792xi32, #tpu.memory_space<vmem>>, vector<16xi32>,
    %swap3A_717 = arith.constant 64 : index
    %swap3A_718 = tpu.vector_load %arg9[%swap3A_717] {strides = array<i32>} : memref<1792xi32, #tpu.memory_space<vmem>>, vector<16xi32>,
    tpu.vector_store %arg9[%swap3A_717], %broadcast_in_dim3A_485 {strides = array<i32>} : memref<1792xi32, #tpu.memory_space<vmem>>, vector<16xi32>,
    %swap3A_719 = arith.constant 80 : index
    %swap3A_720 = tpu.vector_load %arg9[%swap3A_719] {strides = array<i32>} : memref<1792xi32, #tpu.memory_space<vmem>>, vector<16xi32>,
    tpu.vector_store %arg9[%swap3A_719], %broadcast_in_dim3A_485 {strides = array<i32>} : memref<1792xi32, #tpu.memory_space<vmem>>, vector<16xi32>,
    %swap3A_721 = arith.constant 96 : index
    %swap3A_722 = tpu.vector_load %arg9[%swap3A_721] {strides = array<i32>} : memref<1792xi32, #tpu.memory_space<vmem>>, vector<16xi32>,
    tpu.vector_store %arg9[%swap3A_721], %broadcast_in_dim3A_485 {strides = array<i32>} : memref<1792xi32, #tpu.memory_space<vmem>>, vector<16xi32>,
    %swap3A_723 = arith.constant 112 : index
    %swap3A_724 = tpu.vector_load %arg9[%swap3A_723] {strides = array<i32>} : memref<1792xi32, #tpu.memory_space<vmem>>, vector<16xi32>,
    tpu.vector_store %arg9[%swap3A_723], %broadcast_in_dim3A_485 {strides = array<i32>} : memref<1792xi32, #tpu.memory_space<vmem>>, vector<16xi32>,
    %swap3A_725 = arith.constant 128 : index
    %swap3A_726 = tpu.vector_load %arg9[%swap3A_725] {strides = array<i32>} : memref<1792xi32, #tpu.memory_space<vmem>>, vector<16xi32>,
    tpu.vector_store %arg9[%swap3A_725], %broadcast_in_dim3A_485 {strides = array<i32>} : memref<1792xi32, #tpu.memory_space<vmem>>, vector<16xi32>,
    %swap3A_727 = arith.constant 144 : index
    %swap3A_728 = tpu.vector_load %arg9[%swap3A_727] {strides = array<i32>} : memref<1792xi32, #tpu.memory_space<vmem>>, vector<16xi32>,
    tpu.vector_store %arg9[%swap3A_727], %broadcast_in_dim3A_485 {strides = array<i32>} : memref<1792xi32, #tpu.memory_space<vmem>>, vector<16xi32>,
    %swap3A_729 = arith.constant 160 : index
    %swap3A_730 = tpu.vector_load %arg9[%swap3A_729] {strides = array<i32>} : memref<1792xi32, #tpu.memory_space<vmem>>, vector<16xi32>,
    tpu.vector_store %arg9[%swap3A_729], %broadcast_in_dim3A_485 {strides = array<i32>} : memref<1792xi32, #tpu.memory_space<vmem>>, vector<16xi32>,
    %swap3A_731 = arith.constant 176 : index
    %swap3A_732 = tpu.vector_load %arg9[%swap3A_731] {strides = array<i32>} : memref<1792xi32, #tpu.memory_space<vmem>>, vector<16xi32>,
    tpu.vector_store %arg9[%swap3A_731], %broadcast_in_dim3A_485 {strides = array<i32>} : memref<1792xi32, #tpu.memory_space<vmem>>, vector<16xi32>,
    %swap3A_733 = arith.constant 192 : index
    %swap3A_734 = tpu.vector_load %arg9[%swap3A_733] {strides = array<i32>} : memref<1792xi32, #tpu.memory_space<vmem>>, vector<16xi32>,
    tpu.vector_store %arg9[%swap3A_733], %broadcast_in_dim3A_485 {strides = array<i32>} : memref<1792xi32, #tpu.memory_space<vmem>>, vector<16xi32>,
    %swap3A_735 = arith.constant 208 : index
    %swap3A_736 = tpu.vector_load %arg9[%swap3A_735] {strides = array<i32>} : memref<1792xi32, #tpu.memory_space<vmem>>, vector<16xi32>,
    tpu.vector_store %arg9[%swap3A_735], %broadcast_in_dim3A_485 {strides = array<i32>} : memref<1792xi32, #tpu.memory_space<vmem>>, vector<16xi32>,
    %swap3A_737 = arith.constant 224 : index
    %swap3A_738 = tpu.vector_load %arg9[%swap3A_737] {strides = array<i32>} : memref<1792xi32, #tpu.memory_space<vmem>>, vector<16xi32>,
    tpu.vector_store %arg9[%swap3A_737], %broadcast_in_dim3A_485 {strides = array<i32>} : memref<1792xi32, #tpu.memory_space<vmem>>, vector<16xi32>,
    %swap3A_739 = arith.constant 240 : index
    %swap3A_740 = tpu.vector_load %arg9[%swap3A_739] {strides = array<i32>} : memref<1792xi32, #tpu.memory_space<vmem>>, vector<16xi32>,
    tpu.vector_store %arg9[%swap3A_739], %broadcast_in_dim3A_485 {strides = array<i32>} : memref<1792xi32, #tpu.memory_space<vmem>>, vector<16xi32>,
    %swap3A_741 = arith.constant 256 : index
    %swap3A_742 = tpu.vector_load %arg9[%swap3A_741] {strides = array<i32>} : memref<1792xi32, #tpu.memory_space<vmem>>, vector<16xi32>,
    tpu.vector_store %arg9[%swap3A_741], %broadcast_in_dim3A_485 {strides = array<i32>} : memref<1792xi32, #tpu.memory_space<vmem>>, vector<16xi32>,
    %swap3A_743 = arith.constant 272 : index
    %swap3A_744 = tpu.vector_load %arg9[%swap3A_743] {strides = array<i32>} : memref<1792xi32, #tpu.memory_space<vmem>>, vector<16xi32>,
    tpu.vector_store %arg9[%swap3A_743], %broadcast_in_dim3A_485 {strides = array<i32>} : memref<1792xi32, #tpu.memory_space<vmem>>, vector<16xi32>,
    %swap3A_745 = arith.constant 288 : index
    %swap3A_746 = tpu.vector_load %arg9[%swap3A_745] {strides = array<i32>} : memref<1792xi32, #tpu.memory_space<vmem>>, vector<16xi32>,
    tpu.vector_store %arg9[%swap3A_745], %broadcast_in_dim3A_485 {strides = array<i32>} : memref<1792xi32, #tpu.memory_space<vmem>>, vector<16xi32>,
    %swap3A_747 = arith.constant 304 : index
    %swap3A_748 = tpu.vector_load %arg9[%swap3A_747] {strides = array<i32>} : memref<1792xi32, #tpu.memory_space<vmem>>, vector<16xi32>,
    tpu.vector_store %arg9[%swap3A_747], %broadcast_in_dim3A_485 {strides = array<i32>} : memref<1792xi32, #tpu.memory_space<vmem>>, vector<16xi32>,
    %swap3A_749 = arith.constant 320 : index
    %swap3A_750 = tpu.vector_load %arg9[%swap3A_749] {strides = array<i32>} : memref<1792xi32, #tpu.memory_space<vmem>>, vector<16xi32>,
    tpu.vector_store %arg9[%swap3A_749], %broadcast_in_dim3A_485 {strides = array<i32>} : memref<1792xi32, #tpu.memory_space<vmem>>, vector<16xi32>,
    %swap3A_751 = arith.constant 336 : index
    %swap3A_752 = tpu.vector_load %arg9[%swap3A_751] {strides = array<i32>} : memref<1792xi32, #tpu.memory_space<vmem>>, vector<16xi32>,
    tpu.vector_store %arg9[%swap3A_751], %broadcast_in_dim3A_485 {strides = array<i32>} : memref<1792xi32, #tpu.memory_space<vmem>>, vector<16xi32>,
    %swap3A_753 = arith.constant 352 : index
    %swap3A_754 = tpu.vector_load %arg9[%swap3A_753] {strides = array<i32>} : memref<1792xi32, #tpu.memory_space<vmem>>, vector<16xi32>,
    tpu.vector_store %arg9[%swap3A_753], %broadcast_in_dim3A_485 {strides = array<i32>} : memref<1792xi32, #tpu.memory_space<vmem>>, vector<16xi32>,
    %swap3A_755 = arith.constant 368 : index
    %swap3A_756 = tpu.vector_load %arg9[%swap3A_755] {strides = array<i32>} : memref<1792xi32, #tpu.memory_space<vmem>>, vector<16xi32>,
    tpu.vector_store %arg9[%swap3A_755], %broadcast_in_dim3A_485 {strides = array<i32>} : memref<1792xi32, #tpu.memory_space<vmem>>, vector<16xi32>,
    %swap3A_757 = arith.constant 384 : index
    %swap3A_758 = tpu.vector_load %arg9[%swap3A_757] {strides = array<i32>} : memref<1792xi32, #tpu.memory_space<vmem>>, vector<16xi32>,
    tpu.vector_store %arg9[%swap3A_757], %broadcast_in_dim3A_485 {strides = array<i32>} : memref<1792xi32, #tpu.memory_space<vmem>>, vector<16xi32>,
    %swap3A_759 = arith.constant 400 : index
    %swap3A_760 = tpu.vector_load %arg9[%swap3A_759] {strides = array<i32>} : memref<1792xi32, #tpu.memory_space<vmem>>, vector<16xi32>,
    tpu.vector_store %arg9[%swap3A_759], %broadcast_in_dim3A_485 {strides = array<i32>} : memref<1792xi32, #tpu.memory_space<vmem>>, vector<16xi32>,
    %swap3A_761 = arith.constant 416 : index
    %swap3A_762 = tpu.vector_load %arg9[%swap3A_761] {strides = array<i32>} : memref<1792xi32, #tpu.memory_space<vmem>>, vector<16xi32>,
    tpu.vector_store %arg9[%swap3A_761], %broadcast_in_dim3A_485 {strides = array<i32>} : memref<1792xi32, #tpu.memory_space<vmem>>, vector<16xi32>,
    %swap3A_763 = arith.constant 432 : index
    %swap3A_764 = tpu.vector_load %arg9[%swap3A_763] {strides = array<i32>} : memref<1792xi32, #tpu.memory_space<vmem>>, vector<16xi32>,
    tpu.vector_store %arg9[%swap3A_763], %broadcast_in_dim3A_485 {strides = array<i32>} : memref<1792xi32, #tpu.memory_space<vmem>>, vector<16xi32>,
    %swap3A_765 = arith.constant 448 : index
    %swap3A_766 = tpu.vector_load %arg9[%swap3A_765] {strides = array<i32>} : memref<1792xi32, #tpu.memory_space<vmem>>, vector<16xi32>,
    tpu.vector_store %arg9[%swap3A_765], %broadcast_in_dim3A_485 {strides = array<i32>} : memref<1792xi32, #tpu.memory_space<vmem>>, vector<16xi32>,
    %swap3A_767 = arith.constant 464 : index
    %swap3A_768 = tpu.vector_load %arg9[%swap3A_767] {strides = array<i32>} : memref<1792xi32, #tpu.memory_space<vmem>>, vector<16xi32>,
    tpu.vector_store %arg9[%swap3A_767], %broadcast_in_dim3A_485 {strides = array<i32>} : memref<1792xi32, #tpu.memory_space<vmem>>, vector<16xi32>,
    %swap3A_769 = arith.constant 480 : index
    %swap3A_770 = tpu.vector_load %arg9[%swap3A_769] {strides = array<i32>} : memref<1792xi32, #tpu.memory_space<vmem>>, vector<16xi32>,
    tpu.vector_store %arg9[%swap3A_769], %broadcast_in_dim3A_485 {strides = array<i32>} : memref<1792xi32, #tpu.memory_space<vmem>>, vector<16xi32>,
    %swap3A_771 = arith.constant 496 : index
    %swap3A_772 = tpu.vector_load %arg9[%swap3A_771] {strides = array<i32>} : memref<1792xi32, #tpu.memory_space<vmem>>, vector<16xi32>,
    tpu.vector_store %arg9[%swap3A_771], %broadcast_in_dim3A_485 {strides = array<i32>} : memref<1792xi32, #tpu.memory_space<vmem>>, vector<16xi32>,
    %swap3A_773 = arith.constant 512 : index
    %swap3A_774 = tpu.vector_load %arg9[%swap3A_773] {strides = array<i32>} : memref<1792xi32, #tpu.memory_space<vmem>>, vector<16xi32>,
    tpu.vector_store %arg9[%swap3A_773], %broadcast_in_dim3A_485 {strides = array<i32>} : memref<1792xi32, #tpu.memory_space<vmem>>, vector<16xi32>,
    %swap3A_775 = arith.constant 528 : index
    %swap3A_776 = tpu.vector_load %arg9[%swap3A_775] {strides = array<i32>} : memref<1792xi32, #tpu.memory_space<vmem>>, vector<16xi32>,
    tpu.vector_store %arg9[%swap3A_775], %broadcast_in_dim3A_485 {strides = array<i32>} : memref<1792xi32, #tpu.memory_space<vmem>>, vector<16xi32>,
    %swap3A_777 = arith.constant 544 : index
    %swap3A_778 = tpu.vector_load %arg9[%swap3A_777] {strides = array<i32>} : memref<1792xi32, #tpu.memory_space<vmem>>, vector<16xi32>,
    tpu.vector_store %arg9[%swap3A_777], %broadcast_in_dim3A_485 {strides = array<i32>} : memref<1792xi32, #tpu.memory_space<vmem>>, vector<16xi32>,
    %swap3A_779 = arith.constant 560 : index
    %swap3A_780 = tpu.vector_load %arg9[%swap3A_779] {strides = array<i32>} : memref<1792xi32, #tpu.memory_space<vmem>>, vector<16xi32>,
    tpu.vector_store %arg9[%swap3A_779], %broadcast_in_dim3A_485 {strides = array<i32>} : memref<1792xi32, #tpu.memory_space<vmem>>, vector<16xi32>,
    %swap3A_781 = arith.constant 576 : index
    %swap3A_782 = tpu.vector_load %arg9[%swap3A_781] {strides = array<i32>} : memref<1792xi32, #tpu.memory_space<vmem>>, vector<16xi32>,
    tpu.vector_store %arg9[%swap3A_781], %broadcast_in_dim3A_485 {strides = array<i32>} : memref<1792xi32, #tpu.memory_space<vmem>>, vector<16xi32>,
    %swap3A_783 = arith.constant 592 : index
    %swap3A_784 = tpu.vector_load %arg9[%swap3A_783] {strides = array<i32>} : memref<1792xi32, #tpu.memory_space<vmem>>, vector<16xi32>,
    tpu.vector_store %arg9[%swap3A_783], %broadcast_in_dim3A_485 {strides = array<i32>} : memref<1792xi32, #tpu.memory_space<vmem>>, vector<16xi32>,
    %swap3A_785 = arith.constant 608 : index
    %swap3A_786 = tpu.vector_load %arg9[%swap3A_785] {strides = array<i32>} : memref<1792xi32, #tpu.memory_space<vmem>>, vector<16xi32>,
    tpu.vector_store %arg9[%swap3A_785], %broadcast_in_dim3A_485 {strides = array<i32>} : memref<1792xi32, #tpu.memory_space<vmem>>, vector<16xi32>,
    %swap3A_787 = arith.constant 624 : index
    %swap3A_788 = tpu.vector_load %arg9[%swap3A_787] {strides = array<i32>} : memref<1792xi32, #tpu.memory_space<vmem>>, vector<16xi32>,
    tpu.vector_store %arg9[%swap3A_787], %broadcast_in_dim3A_485 {strides = array<i32>} : memref<1792xi32, #tpu.memory_space<vmem>>, vector<16xi32>,
    %swap3A_789 = arith.constant 640 : index
    %swap3A_790 = tpu.vector_load %arg9[%swap3A_789] {strides = array<i32>} : memref<1792xi32, #tpu.memory_space<vmem>>, vector<16xi32>,
    tpu.vector_store %arg9[%swap3A_789], %broadcast_in_dim3A_485 {strides = array<i32>} : memref<1792xi32, #tpu.memory_space<vmem>>, vector<16xi32>,
    %swap3A_791 = arith.constant 656 : index
    %swap3A_792 = tpu.vector_load %arg9[%swap3A_791] {strides = array<i32>} : memref<1792xi32, #tpu.memory_space<vmem>>, vector<16xi32>,
    tpu.vector_store %arg9[%swap3A_791], %broadcast_in_dim3A_485 {strides = array<i32>} : memref<1792xi32, #tpu.memory_space<vmem>>, vector<16xi32>,
    %swap3A_793 = arith.constant 672 : index
    %swap3A_794 = tpu.vector_load %arg9[%swap3A_793] {strides = array<i32>} : memref<1792xi32, #tpu.memory_space<vmem>>, vector<16xi32>,
    tpu.vector_store %arg9[%swap3A_793], %broadcast_in_dim3A_485 {strides = array<i32>} : memref<1792xi32, #tpu.memory_space<vmem>>, vector<16xi32>,
    %swap3A_795 = arith.constant 688 : index
    %swap3A_796 = tpu.vector_load %arg9[%swap3A_795] {strides = array<i32>} : memref<1792xi32, #tpu.memory_space<vmem>>, vector<16xi32>,
    tpu.vector_store %arg9[%swap3A_795], %broadcast_in_dim3A_485 {strides = array<i32>} : memref<1792xi32, #tpu.memory_space<vmem>>, vector<16xi32>,
    %swap3A_797 = arith.constant 704 : index
    %swap3A_798 = tpu.vector_load %arg9[%swap3A_797] {strides = array<i32>} : memref<1792xi32, #tpu.memory_space<vmem>>, vector<16xi32>,
    tpu.vector_store %arg9[%swap3A_797], %broadcast_in_dim3A_485 {strides = array<i32>} : memref<1792xi32, #tpu.memory_space<vmem>>, vector<16xi32>,
    %swap3A_799 = arith.constant 720 : index
    %swap3A_800 = tpu.vector_load %arg9[%swap3A_799] {strides = array<i32>} : memref<1792xi32, #tpu.memory_space<vmem>>, vector<16xi32>,
    tpu.vector_store %arg9[%swap3A_799], %broadcast_in_dim3A_485 {strides = array<i32>} : memref<1792xi32, #tpu.memory_space<vmem>>, vector<16xi32>,
    %swap3A_801 = arith.constant 736 : index
    %swap3A_802 = tpu.vector_load %arg9[%swap3A_801] {strides = array<i32>} : memref<1792xi32, #tpu.memory_space<vmem>>, vector<16xi32>,
    tpu.vector_store %arg9[%swap3A_801], %broadcast_in_dim3A_485 {strides = array<i32>} : memref<1792xi32, #tpu.memory_space<vmem>>, vector<16xi32>,
    %swap3A_803 = arith.constant 752 : index
    %swap3A_804 = tpu.vector_load %arg9[%swap3A_803] {strides = array<i32>} : memref<1792xi32, #tpu.memory_space<vmem>>, vector<16xi32>,
    tpu.vector_store %arg9[%swap3A_803], %broadcast_in_dim3A_485 {strides = array<i32>} : memref<1792xi32, #tpu.memory_space<vmem>>, vector<16xi32>,
    %swap3A_805 = arith.constant 768 : index
    %swap3A_806 = tpu.vector_load %arg9[%swap3A_805] {strides = array<i32>} : memref<1792xi32, #tpu.memory_space<vmem>>, vector<16xi32>,
    tpu.vector_store %arg9[%swap3A_805], %broadcast_in_dim3A_485 {strides = array<i32>} : memref<1792xi32, #tpu.memory_space<vmem>>, vector<16xi32>,
    %swap3A_807 = arith.constant 784 : index
    %swap3A_808 = tpu.vector_load %arg9[%swap3A_807] {strides = array<i32>} : memref<1792xi32, #tpu.memory_space<vmem>>, vector<16xi32>,
    tpu.vector_store %arg9[%swap3A_807], %broadcast_in_dim3A_485 {strides = array<i32>} : memref<1792xi32, #tpu.memory_space<vmem>>, vector<16xi32>,
    %swap3A_809 = arith.constant 800 : index
    %swap3A_810 = tpu.vector_load %arg9[%swap3A_809] {strides = array<i32>} : memref<1792xi32, #tpu.memory_space<vmem>>, vector<16xi32>,
    tpu.vector_store %arg9[%swap3A_809], %broadcast_in_dim3A_485 {strides = array<i32>} : memref<1792xi32, #tpu.memory_space<vmem>>, vector<16xi32>,
    %swap3A_811 = arith.constant 816 : index
    %swap3A_812 = tpu.vector_load %arg9[%swap3A_811] {strides = array<i32>} : memref<1792xi32, #tpu.memory_space<vmem>>, vector<16xi32>,
    tpu.vector_store %arg9[%swap3A_811], %broadcast_in_dim3A_485 {strides = array<i32>} : memref<1792xi32, #tpu.memory_space<vmem>>, vector<16xi32>,
    %swap3A_813 = arith.constant 832 : index
    %swap3A_814 = tpu.vector_load %arg9[%swap3A_813] {strides = array<i32>} : memref<1792xi32, #tpu.memory_space<vmem>>, vector<16xi32>,
    tpu.vector_store %arg9[%swap3A_813], %broadcast_in_dim3A_485 {strides = array<i32>} : memref<1792xi32, #tpu.memory_space<vmem>>, vector<16xi32>,
    %swap3A_815 = arith.constant 848 : index
    %swap3A_816 = tpu.vector_load %arg9[%swap3A_815] {strides = array<i32>} : memref<1792xi32, #tpu.memory_space<vmem>>, vector<16xi32>,
    tpu.vector_store %arg9[%swap3A_815], %broadcast_in_dim3A_485 {strides = array<i32>} : memref<1792xi32, #tpu.memory_space<vmem>>, vector<16xi32>,
    %swap3A_817 = arith.constant 864 : index
    %swap3A_818 = tpu.vector_load %arg9[%swap3A_817] {strides = array<i32>} : memref<1792xi32, #tpu.memory_space<vmem>>, vector<16xi32>,
    tpu.vector_store %arg9[%swap3A_817], %broadcast_in_dim3A_485 {strides = array<i32>} : memref<1792xi32, #tpu.memory_space<vmem>>, vector<16xi32>,
    %swap3A_819 = arith.constant 880 : index
    %swap3A_820 = tpu.vector_load %arg9[%swap3A_819] {strides = array<i32>} : memref<1792xi32, #tpu.memory_space<vmem>>, vector<16xi32>,
    tpu.vector_store %arg9[%swap3A_819], %broadcast_in_dim3A_485 {strides = array<i32>} : memref<1792xi32, #tpu.memory_space<vmem>>, vector<16xi32>,
    %swap3A_821 = arith.constant 896 : index
    %swap3A_822 = tpu.vector_load %arg9[%swap3A_821] {strides = array<i32>} : memref<1792xi32, #tpu.memory_space<vmem>>, vector<16xi32>,
    tpu.vector_store %arg9[%swap3A_821], %broadcast_in_dim3A_485 {strides = array<i32>} : memref<1792xi32, #tpu.memory_space<vmem>>, vector<16xi32>,
    %swap3A_823 = arith.constant 912 : index
    %swap3A_824 = tpu.vector_load %arg9[%swap3A_823] {strides = array<i32>} : memref<1792xi32, #tpu.memory_space<vmem>>, vector<16xi32>,
    tpu.vector_store %arg9[%swap3A_823], %broadcast_in_dim3A_485 {strides = array<i32>} : memref<1792xi32, #tpu.memory_space<vmem>>, vector<16xi32>,
    %swap3A_825 = arith.constant 928 : index
    %swap3A_826 = tpu.vector_load %arg9[%swap3A_825] {strides = array<i32>} : memref<1792xi32, #tpu.memory_space<vmem>>, vector<16xi32>,
    tpu.vector_store %arg9[%swap3A_825], %broadcast_in_dim3A_485 {strides = array<i32>} : memref<1792xi32, #tpu.memory_space<vmem>>, vector<16xi32>,
    %swap3A_827 = arith.constant 944 : index
    %swap3A_828 = tpu.vector_load %arg9[%swap3A_827] {strides = array<i32>} : memref<1792xi32, #tpu.memory_space<vmem>>, vector<16xi32>,
    tpu.vector_store %arg9[%swap3A_827], %broadcast_in_dim3A_485 {strides = array<i32>} : memref<1792xi32, #tpu.memory_space<vmem>>, vector<16xi32>,
    %swap3A_829 = arith.constant 960 : index
    %swap3A_830 = tpu.vector_load %arg9[%swap3A_829] {strides = array<i32>} : memref<1792xi32, #tpu.memory_space<vmem>>, vector<16xi32>,
    tpu.vector_store %arg9[%swap3A_829], %broadcast_in_dim3A_485 {strides = array<i32>} : memref<1792xi32, #tpu.memory_space<vmem>>, vector<16xi32>,
    %swap3A_831 = arith.constant 976 : index
    %swap3A_832 = tpu.vector_load %arg9[%swap3A_831] {strides = array<i32>} : memref<1792xi32, #tpu.memory_space<vmem>>, vector<16xi32>,
    tpu.vector_store %arg9[%swap3A_831], %broadcast_in_dim3A_485 {strides = array<i32>} : memref<1792xi32, #tpu.memory_space<vmem>>, vector<16xi32>,
    %swap3A_833 = arith.constant 992 : index
    %swap3A_834 = tpu.vector_load %arg9[%swap3A_833] {strides = array<i32>} : memref<1792xi32, #tpu.memory_space<vmem>>, vector<16xi32>,
    tpu.vector_store %arg9[%swap3A_833], %broadcast_in_dim3A_485 {strides = array<i32>} : memref<1792xi32, #tpu.memory_space<vmem>>, vector<16xi32>,
    %swap3A_835 = arith.constant 1008 : index
    %swap3A_836 = tpu.vector_load %arg9[%swap3A_835] {strides = array<i32>} : memref<1792xi32, #tpu.memory_space<vmem>>, vector<16xi32>,
    tpu.vector_store %arg9[%swap3A_835], %broadcast_in_dim3A_485 {strides = array<i32>} : memref<1792xi32, #tpu.memory_space<vmem>>, vector<16xi32>,
    %swap3A_837 = arith.constant 1024 : index
    %swap3A_838 = tpu.vector_load %arg9[%swap3A_837] {strides = array<i32>} : memref<1792xi32, #tpu.memory_space<vmem>>, vector<16xi32>,
    tpu.vector_store %arg9[%swap3A_837], %broadcast_in_dim3A_485 {strides = array<i32>} : memref<1792xi32, #tpu.memory_space<vmem>>, vector<16xi32>,
    %swap3A_839 = arith.constant 1040 : index
    %swap3A_840 = tpu.vector_load %arg9[%swap3A_839] {strides = array<i32>} : memref<1792xi32, #tpu.memory_space<vmem>>, vector<16xi32>,
    tpu.vector_store %arg9[%swap3A_839], %broadcast_in_dim3A_485 {strides = array<i32>} : memref<1792xi32, #tpu.memory_space<vmem>>, vector<16xi32>,
    %swap3A_841 = arith.constant 1056 : index
    %swap3A_842 = tpu.vector_load %arg9[%swap3A_841] {strides = array<i32>} : memref<1792xi32, #tpu.memory_space<vmem>>, vector<16xi32>,
    tpu.vector_store %arg9[%swap3A_841], %broadcast_in_dim3A_485 {strides = array<i32>} : memref<1792xi32, #tpu.memory_space<vmem>>, vector<16xi32>,
    %swap3A_843 = arith.constant 1072 : index
    %swap3A_844 = tpu.vector_load %arg9[%swap3A_843] {strides = array<i32>} : memref<1792xi32, #tpu.memory_space<vmem>>, vector<16xi32>,
    tpu.vector_store %arg9[%swap3A_843], %broadcast_in_dim3A_485 {strides = array<i32>} : memref<1792xi32, #tpu.memory_space<vmem>>, vector<16xi32>,
    %swap3A_845 = arith.constant 1088 : index
    %swap3A_846 = tpu.vector_load %arg9[%swap3A_845] {strides = array<i32>} : memref<1792xi32, #tpu.memory_space<vmem>>, vector<16xi32>,
    tpu.vector_store %arg9[%swap3A_845], %broadcast_in_dim3A_485 {strides = array<i32>} : memref<1792xi32, #tpu.memory_space<vmem>>, vector<16xi32>,
    %swap3A_847 = arith.constant 1104 : index
    %swap3A_848 = tpu.vector_load %arg9[%swap3A_847] {strides = array<i32>} : memref<1792xi32, #tpu.memory_space<vmem>>, vector<16xi32>,
    tpu.vector_store %arg9[%swap3A_847], %broadcast_in_dim3A_485 {strides = array<i32>} : memref<1792xi32, #tpu.memory_space<vmem>>, vector<16xi32>,
    %swap3A_849 = arith.constant 1120 : index
    %swap3A_850 = tpu.vector_load %arg9[%swap3A_849] {strides = array<i32>} : memref<1792xi32, #tpu.memory_space<vmem>>, vector<16xi32>,
    tpu.vector_store %arg9[%swap3A_849], %broadcast_in_dim3A_485 {strides = array<i32>} : memref<1792xi32, #tpu.memory_space<vmem>>, vector<16xi32>,
    %swap3A_851 = arith.constant 1136 : index
    %swap3A_852 = tpu.vector_load %arg9[%swap3A_851] {strides = array<i32>} : memref<1792xi32, #tpu.memory_space<vmem>>, vector<16xi32>,
    tpu.vector_store %arg9[%swap3A_851], %broadcast_in_dim3A_485 {strides = array<i32>} : memref<1792xi32, #tpu.memory_space<vmem>>, vector<16xi32>,
    %swap3A_853 = arith.constant 1152 : index
    %swap3A_854 = tpu.vector_load %arg9[%swap3A_853] {strides = array<i32>} : memref<1792xi32, #tpu.memory_space<vmem>>, vector<16xi32>,
    tpu.vector_store %arg9[%swap3A_853], %broadcast_in_dim3A_485 {strides = array<i32>} : memref<1792xi32, #tpu.memory_space<vmem>>, vector<16xi32>,
    %swap3A_855 = arith.constant 1168 : index
    %swap3A_856 = tpu.vector_load %arg9[%swap3A_855] {strides = array<i32>} : memref<1792xi32, #tpu.memory_space<vmem>>, vector<16xi32>,
    tpu.vector_store %arg9[%swap3A_855], %broadcast_in_dim3A_485 {strides = array<i32>} : memref<1792xi32, #tpu.memory_space<vmem>>, vector<16xi32>,
    %swap3A_857 = arith.constant 1184 : index
    %swap3A_858 = tpu.vector_load %arg9[%swap3A_857] {strides = array<i32>} : memref<1792xi32, #tpu.memory_space<vmem>>, vector<16xi32>,
    tpu.vector_store %arg9[%swap3A_857], %broadcast_in_dim3A_485 {strides = array<i32>} : memref<1792xi32, #tpu.memory_space<vmem>>, vector<16xi32>,
    %swap3A_859 = arith.constant 1200 : index
    %swap3A_860 = tpu.vector_load %arg9[%swap3A_859] {strides = array<i32>} : memref<1792xi32, #tpu.memory_space<vmem>>, vector<16xi32>,
    tpu.vector_store %arg9[%swap3A_859], %broadcast_in_dim3A_485 {strides = array<i32>} : memref<1792xi32, #tpu.memory_space<vmem>>, vector<16xi32>,
    %swap3A_861 = arith.constant 1216 : index
    %swap3A_862 = tpu.vector_load %arg9[%swap3A_861] {strides = array<i32>} : memref<1792xi32, #tpu.memory_space<vmem>>, vector<16xi32>,
    tpu.vector_store %arg9[%swap3A_861], %broadcast_in_dim3A_485 {strides = array<i32>} : memref<1792xi32, #tpu.memory_space<vmem>>, vector<16xi32>,
    %swap3A_863 = arith.constant 1232 : index
    %swap3A_864 = tpu.vector_load %arg9[%swap3A_863] {strides = array<i32>} : memref<1792xi32, #tpu.memory_space<vmem>>, vector<16xi32>,
    tpu.vector_store %arg9[%swap3A_863], %broadcast_in_dim3A_485 {strides = array<i32>} : memref<1792xi32, #tpu.memory_space<vmem>>, vector<16xi32>,
    %swap3A_865 = arith.constant 1248 : index
    %swap3A_866 = tpu.vector_load %arg9[%swap3A_865] {strides = array<i32>} : memref<1792xi32, #tpu.memory_space<vmem>>, vector<16xi32>,
    tpu.vector_store %arg9[%swap3A_865], %broadcast_in_dim3A_485 {strides = array<i32>} : memref<1792xi32, #tpu.memory_space<vmem>>, vector<16xi32>,
    %swap3A_867 = arith.constant 1264 : index
    %swap3A_868 = tpu.vector_load %arg9[%swap3A_867] {strides = array<i32>} : memref<1792xi32, #tpu.memory_space<vmem>>, vector<16xi32>,
    tpu.vector_store %arg9[%swap3A_867], %broadcast_in_dim3A_485 {strides = array<i32>} : memref<1792xi32, #tpu.memory_space<vmem>>, vector<16xi32>,
    %swap3A_869 = arith.constant 1280 : index
    %swap3A_870 = tpu.vector_load %arg9[%swap3A_869] {strides = array<i32>} : memref<1792xi32, #tpu.memory_space<vmem>>, vector<16xi32>,
    tpu.vector_store %arg9[%swap3A_869], %broadcast_in_dim3A_485 {strides = array<i32>} : memref<1792xi32, #tpu.memory_space<vmem>>, vector<16xi32>,
    %swap3A_871 = arith.constant 1296 : index
    %swap3A_872 = tpu.vector_load %arg9[%swap3A_871] {strides = array<i32>} : memref<1792xi32, #tpu.memory_space<vmem>>, vector<16xi32>,
    tpu.vector_store %arg9[%swap3A_871], %broadcast_in_dim3A_485 {strides = array<i32>} : memref<1792xi32, #tpu.memory_space<vmem>>, vector<16xi32>,
    %swap3A_873 = arith.constant 1312 : index
    %swap3A_874 = tpu.vector_load %arg9[%swap3A_873] {strides = array<i32>} : memref<1792xi32, #tpu.memory_space<vmem>>, vector<16xi32>,
    tpu.vector_store %arg9[%swap3A_873], %broadcast_in_dim3A_485 {strides = array<i32>} : memref<1792xi32, #tpu.memory_space<vmem>>, vector<16xi32>,
    %swap3A_875 = arith.constant 1328 : index
    %swap3A_876 = tpu.vector_load %arg9[%swap3A_875] {strides = array<i32>} : memref<1792xi32, #tpu.memory_space<vmem>>, vector<16xi32>,
    tpu.vector_store %arg9[%swap3A_875], %broadcast_in_dim3A_485 {strides = array<i32>} : memref<1792xi32, #tpu.memory_space<vmem>>, vector<16xi32>,
    %swap3A_877 = arith.constant 1344 : index
    %swap3A_878 = tpu.vector_load %arg9[%swap3A_877] {strides = array<i32>} : memref<1792xi32, #tpu.memory_space<vmem>>, vector<16xi32>,
    tpu.vector_store %arg9[%swap3A_877], %broadcast_in_dim3A_485 {strides = array<i32>} : memref<1792xi32, #tpu.memory_space<vmem>>, vector<16xi32>,
    %swap3A_879 = arith.constant 1360 : index
    %swap3A_880 = tpu.vector_load %arg9[%swap3A_879] {strides = array<i32>} : memref<1792xi32, #tpu.memory_space<vmem>>, vector<16xi32>,
    tpu.vector_store %arg9[%swap3A_879], %broadcast_in_dim3A_485 {strides = array<i32>} : memref<1792xi32, #tpu.memory_space<vmem>>, vector<16xi32>,
    %swap3A_881 = arith.constant 1376 : index
    %swap3A_882 = tpu.vector_load %arg9[%swap3A_881] {strides = array<i32>} : memref<1792xi32, #tpu.memory_space<vmem>>, vector<16xi32>,
    tpu.vector_store %arg9[%swap3A_881], %broadcast_in_dim3A_485 {strides = array<i32>} : memref<1792xi32, #tpu.memory_space<vmem>>, vector<16xi32>,
    %swap3A_883 = arith.constant 1392 : index
    %swap3A_884 = tpu.vector_load %arg9[%swap3A_883] {strides = array<i32>} : memref<1792xi32, #tpu.memory_space<vmem>>, vector<16xi32>,
    tpu.vector_store %arg9[%swap3A_883], %broadcast_in_dim3A_485 {strides = array<i32>} : memref<1792xi32, #tpu.memory_space<vmem>>, vector<16xi32>,
    %swap3A_885 = arith.constant 1408 : index
    %swap3A_886 = tpu.vector_load %arg9[%swap3A_885] {strides = array<i32>} : memref<1792xi32, #tpu.memory_space<vmem>>, vector<16xi32>,
    tpu.vector_store %arg9[%swap3A_885], %broadcast_in_dim3A_485 {strides = array<i32>} : memref<1792xi32, #tpu.memory_space<vmem>>, vector<16xi32>,
    %swap3A_887 = arith.constant 1424 : index
    %swap3A_888 = tpu.vector_load %arg9[%swap3A_887] {strides = array<i32>} : memref<1792xi32, #tpu.memory_space<vmem>>, vector<16xi32>,
    tpu.vector_store %arg9[%swap3A_887], %broadcast_in_dim3A_485 {strides = array<i32>} : memref<1792xi32, #tpu.memory_space<vmem>>, vector<16xi32>,
    %swap3A_889 = arith.constant 1440 : index
    %swap3A_890 = tpu.vector_load %arg9[%swap3A_889] {strides = array<i32>} : memref<1792xi32, #tpu.memory_space<vmem>>, vector<16xi32>,
    tpu.vector_store %arg9[%swap3A_889], %broadcast_in_dim3A_485 {strides = array<i32>} : memref<1792xi32, #tpu.memory_space<vmem>>, vector<16xi32>,
    %swap3A_891 = arith.constant 1456 : index
    %swap3A_892 = tpu.vector_load %arg9[%swap3A_891] {strides = array<i32>} : memref<1792xi32, #tpu.memory_space<vmem>>, vector<16xi32>,
    tpu.vector_store %arg9[%swap3A_891], %broadcast_in_dim3A_485 {strides = array<i32>} : memref<1792xi32, #tpu.memory_space<vmem>>, vector<16xi32>,
    %swap3A_893 = arith.constant 1472 : index
    %swap3A_894 = tpu.vector_load %arg9[%swap3A_893] {strides = array<i32>} : memref<1792xi32, #tpu.memory_space<vmem>>, vector<16xi32>,
    tpu.vector_store %arg9[%swap3A_893], %broadcast_in_dim3A_485 {strides = array<i32>} : memref<1792xi32, #tpu.memory_space<vmem>>, vector<16xi32>,
    %swap3A_895 = arith.constant 1488 : index
    %swap3A_896 = tpu.vector_load %arg9[%swap3A_895] {strides = array<i32>} : memref<1792xi32, #tpu.memory_space<vmem>>, vector<16xi32>,
    tpu.vector_store %arg9[%swap3A_895], %broadcast_in_dim3A_485 {strides = array<i32>} : memref<1792xi32, #tpu.memory_space<vmem>>, vector<16xi32>,
    %swap3A_897 = arith.constant 1504 : index
    %swap3A_898 = tpu.vector_load %arg9[%swap3A_897] {strides = array<i32>} : memref<1792xi32, #tpu.memory_space<vmem>>, vector<16xi32>,
    tpu.vector_store %arg9[%swap3A_897], %broadcast_in_dim3A_485 {strides = array<i32>} : memref<1792xi32, #tpu.memory_space<vmem>>, vector<16xi32>,
    %swap3A_899 = arith.constant 1520 : index
    %swap3A_900 = tpu.vector_load %arg9[%swap3A_899] {strides = array<i32>} : memref<1792xi32, #tpu.memory_space<vmem>>, vector<16xi32>,
    tpu.vector_store %arg9[%swap3A_899], %broadcast_in_dim3A_485 {strides = array<i32>} : memref<1792xi32, #tpu.memory_space<vmem>>, vector<16xi32>,
    %swap3A_901 = arith.constant 1536 : index
    %swap3A_902 = tpu.vector_load %arg9[%swap3A_901] {strides = array<i32>} : memref<1792xi32, #tpu.memory_space<vmem>>, vector<16xi32>,
    tpu.vector_store %arg9[%swap3A_901], %broadcast_in_dim3A_485 {strides = array<i32>} : memref<1792xi32, #tpu.memory_space<vmem>>, vector<16xi32>,
    %swap3A_903 = arith.constant 1552 : index
    %swap3A_904 = tpu.vector_load %arg9[%swap3A_903] {strides = array<i32>} : memref<1792xi32, #tpu.memory_space<vmem>>, vector<16xi32>,
    tpu.vector_store %arg9[%swap3A_903], %broadcast_in_dim3A_485 {strides = array<i32>} : memref<1792xi32, #tpu.memory_space<vmem>>, vector<16xi32>,
    %swap3A_905 = arith.constant 1568 : index
    %swap3A_906 = tpu.vector_load %arg9[%swap3A_905] {strides = array<i32>} : memref<1792xi32, #tpu.memory_space<vmem>>, vector<16xi32>,
    tpu.vector_store %arg9[%swap3A_905], %broadcast_in_dim3A_485 {strides = array<i32>} : memref<1792xi32, #tpu.memory_space<vmem>>, vector<16xi32>,
    %swap3A_907 = arith.constant 1584 : index
    %swap3A_908 = tpu.vector_load %arg9[%swap3A_907] {strides = array<i32>} : memref<1792xi32, #tpu.memory_space<vmem>>, vector<16xi32>,
    tpu.vector_store %arg9[%swap3A_907], %broadcast_in_dim3A_485 {strides = array<i32>} : memref<1792xi32, #tpu.memory_space<vmem>>, vector<16xi32>,
    %swap3A_909 = arith.constant 1600 : index
    %swap3A_910 = tpu.vector_load %arg9[%swap3A_909] {strides = array<i32>} : memref<1792xi32, #tpu.memory_space<vmem>>, vector<16xi32>,
    tpu.vector_store %arg9[%swap3A_909], %broadcast_in_dim3A_485 {strides = array<i32>} : memref<1792xi32, #tpu.memory_space<vmem>>, vector<16xi32>,
    %swap3A_911 = arith.constant 1616 : index
    %swap3A_912 = tpu.vector_load %arg9[%swap3A_911] {strides = array<i32>} : memref<1792xi32, #tpu.memory_space<vmem>>, vector<16xi32>,
    tpu.vector_store %arg9[%swap3A_911], %broadcast_in_dim3A_485 {strides = array<i32>} : memref<1792xi32, #tpu.memory_space<vmem>>, vector<16xi32>,
    %swap3A_913 = arith.constant 1632 : index
    %swap3A_914 = tpu.vector_load %arg9[%swap3A_913] {strides = array<i32>} : memref<1792xi32, #tpu.memory_space<vmem>>, vector<16xi32>,
    tpu.vector_store %arg9[%swap3A_913], %broadcast_in_dim3A_485 {strides = array<i32>} : memref<1792xi32, #tpu.memory_space<vmem>>, vector<16xi32>,
    %swap3A_915 = arith.constant 1648 : index
    %swap3A_916 = tpu.vector_load %arg9[%swap3A_915] {strides = array<i32>} : memref<1792xi32, #tpu.memory_space<vmem>>, vector<16xi32>,
    tpu.vector_store %arg9[%swap3A_915], %broadcast_in_dim3A_485 {strides = array<i32>} : memref<1792xi32, #tpu.memory_space<vmem>>, vector<16xi32>,
    %swap3A_917 = arith.constant 1664 : index
    %swap3A_918 = tpu.vector_load %arg9[%swap3A_917] {strides = array<i32>} : memref<1792xi32, #tpu.memory_space<vmem>>, vector<16xi32>,
    tpu.vector_store %arg9[%swap3A_917], %broadcast_in_dim3A_485 {strides = array<i32>} : memref<1792xi32, #tpu.memory_space<vmem>>, vector<16xi32>,
    %swap3A_919 = arith.constant 1680 : index
    %swap3A_920 = tpu.vector_load %arg9[%swap3A_919] {strides = array<i32>} : memref<1792xi32, #tpu.memory_space<vmem>>, vector<16xi32>,
    tpu.vector_store %arg9[%swap3A_919], %broadcast_in_dim3A_485 {strides = array<i32>} : memref<1792xi32, #tpu.memory_space<vmem>>, vector<16xi32>,
    %swap3A_921 = arith.constant 1696 : index
    %swap3A_922 = tpu.vector_load %arg9[%swap3A_921] {strides = array<i32>} : memref<1792xi32, #tpu.memory_space<vmem>>, vector<16xi32>,
    tpu.vector_store %arg9[%swap3A_921], %broadcast_in_dim3A_485 {strides = array<i32>} : memref<1792xi32, #tpu.memory_space<vmem>>, vector<16xi32>,
    %swap3A_923 = arith.constant 1712 : index
    %swap3A_924 = tpu.vector_load %arg9[%swap3A_923] {strides = array<i32>} : memref<1792xi32, #tpu.memory_space<vmem>>, vector<16xi32>,
    tpu.vector_store %arg9[%swap3A_923], %broadcast_in_dim3A_485 {strides = array<i32>} : memref<1792xi32, #tpu.memory_space<vmem>>, vector<16xi32>,
    %swap3A_925 = arith.constant 1728 : index
    %swap3A_926 = tpu.vector_load %arg9[%swap3A_925] {strides = array<i32>} : memref<1792xi32, #tpu.memory_space<vmem>>, vector<16xi32>,
    tpu.vector_store %arg9[%swap3A_925], %broadcast_in_dim3A_485 {strides = array<i32>} : memref<1792xi32, #tpu.memory_space<vmem>>, vector<16xi32>,
    %swap3A_927 = arith.constant 1744 : index
    %swap3A_928 = tpu.vector_load %arg9[%swap3A_927] {strides = array<i32>} : memref<1792xi32, #tpu.memory_space<vmem>>, vector<16xi32>,
    tpu.vector_store %arg9[%swap3A_927], %broadcast_in_dim3A_485 {strides = array<i32>} : memref<1792xi32, #tpu.memory_space<vmem>>, vector<16xi32>,
    %swap3A_929 = arith.constant 1760 : index
    %swap3A_930 = tpu.vector_load %arg9[%swap3A_929] {strides = array<i32>} : memref<1792xi32, #tpu.memory_space<vmem>>, vector<16xi32>,
    tpu.vector_store %arg9[%swap3A_929], %broadcast_in_dim3A_485 {strides = array<i32>} : memref<1792xi32, #tpu.memory_space<vmem>>, vector<16xi32>,
    %swap3A_931 = arith.constant 1776 : index
    %swap3A_932 = tpu.vector_load %arg9[%swap3A_931] {strides = array<i32>} : memref<1792xi32, #tpu.memory_space<vmem>>, vector<16xi32>,
    tpu.vector_store %arg9[%swap3A_931], %broadcast_in_dim3A_485 {strides = array<i32>} : memref<1792xi32, #tpu.memory_space<vmem>>, vector<16xi32>,
    %scan3A = arith.constant 0 : i32
    %scan3A_933 = arith.constant 0 : i32
    %scan3A_934 = arith.constant 15 : i32
    %scan3A_935 = arith.addi %scan3A_933, %scan3A_934 : i32
    %scan3A_936 = arith.constant 1 : i32
    scf.for %scan3A_1629 = %scan3A_933 to %scan3A_935 step %scan3A_936  : i32 {
      %mul3A_1630 = arith.constant 2 : i32
      %mul3A_1631 = arith.muli %mul3A_1630, %scan3A_1629 : i32
      %add3A_1632 = arith.constant 0 : i32
      %add3A_1633 = arith.addi %mul3A_1631, %add3A_1632 : i32
      %mul3A_1634 = arith.constant 32768 : i32
      %mul3A_1635 = arith.muli %add3A_1633, %mul3A_1634 : i32
      %add3A_1636 = arith.addi %mul3A_2, %mul3A_1635 : i32
      %dma_wait3A_1637 = tpu.memref_slice %arg2[%add3A_1636] : memref<33554432xf32, #tpu.memory_space<hbm>> -> memref<32768xf32, #tpu.memory_space<hbm>>
      %dma_wait3A_1638 = tpu.memref_slice %arg2[%add3A_1636] : memref<33554432xf32, #tpu.memory_space<hbm>> -> memref<32768xf32, #tpu.memory_space<hbm>>
      tpu.wait_dma2 semaphore(%arg13 : memref<!tpu.dma_semaphore, #tpu.memory_space<semaphore_mem>>) src(%dma_wait3A_1638 : memref<32768xf32, #tpu.memory_space<hbm>>) dst(%arg6 : memref<32768xf32, #tpu.memory_space<vmem>>)
      %parallel_loop3A_1639 = arith.constant 0 : i32
      %parallel_loop3A_1640 = arith.constant 1024 : i32
      %parallel_loop3A_1641 = arith.constant 1 : i32
      scf.for %parallel_loop3A_1668 = %parallel_loop3A_1639 to %parallel_loop3A_1640 step %parallel_loop3A_1641  : i32 {
        %parallel_loop3A_1669 = arith.constant 2 : i32
        %parallel_loop3A_1670 = arith.muli %parallel_loop3A_1669, %parallel_loop3A_1668 : i32
        %parallel_loop3A_1671 = arith.constant 0 : i32
        %parallel_loop3A_1672 = arith.addi %parallel_loop3A_1670, %parallel_loop3A_1671 : i32
        %parallel_loop3A_1673 = arith.constant 16 : i32
        %parallel_loop3A_1674 = arith.muli %parallel_loop3A_1672, %parallel_loop3A_1673 : i32
        %parallel_loop3A_1675 = arith.index_cast %parallel_loop3A_1674 : i32 to index
        %parallel_loop3A_1676 = tpu.vector_load %arg6[%parallel_loop3A_1675] {strides = array<i32>} : memref<32768xf32, #tpu.memory_space<vmem>>, vector<16xf32>,
        %parallel_loop3A_1677 = arith.mulf %parallel_loop3A_1676, %div3A : vector<16xf32>
        %parallel_loop3A_1678 = arith.subf %parallel_loop3A_1677, %sub3A_481 : vector<16xf32>
        %parallel_loop3A_1679 = arith.fptosi %parallel_loop3A_1678 : vector<16xf32> to vector<16xi32>
        tpu.vector_store_idx %arg8[%parallel_loop3A_1679], %broadcast_in_dim3A_483 {add = true} : memref<1792xi32, #tpu.memory_space<vmem>>[vector<16xi32>], vector<16xi32>,
        %parallel_loop3A_1680 = arith.constant 2 : i32
        %parallel_loop3A_1681 = arith.muli %parallel_loop3A_1680, %parallel_loop3A_1668 : i32
        %parallel_loop3A_1682 = arith.constant 1 : i32
        %parallel_loop3A_1683 = arith.addi %parallel_loop3A_1681, %parallel_loop3A_1682 : i32
        %parallel_loop3A_1684 = arith.constant 16 : i32
        %parallel_loop3A_1685 = arith.muli %parallel_loop3A_1683, %parallel_loop3A_1684 : i32
        %parallel_loop3A_1686 = arith.index_cast %parallel_loop3A_1685 : i32 to index
        %parallel_loop3A_1687 = tpu.vector_load %arg6[%parallel_loop3A_1686] {strides = array<i32>} : memref<32768xf32, #tpu.memory_space<vmem>>, vector<16xf32>,
        %parallel_loop3A_1688 = arith.mulf %parallel_loop3A_1687, %div3A : vector<16xf32>
        %parallel_loop3A_1689 = arith.subf %parallel_loop3A_1688, %sub3A_481 : vector<16xf32>
        %parallel_loop3A_1690 = arith.fptosi %parallel_loop3A_1689 : vector<16xf32> to vector<16xi32>
        tpu.vector_store_idx %arg9[%parallel_loop3A_1690], %broadcast_in_dim3A_483 {add = true} : memref<1792xi32, #tpu.memory_space<vmem>>[vector<16xi32>], vector<16xi32>,
      } {sc.loop_unroll_factor = 16 : i64, sc.parallel_access}
      %add3A_1642 = arith.constant 2 : i32
      %add3A_1643 = arith.addi %add3A_1633, %add3A_1642 : i32
      %mul3A_1644 = arith.constant 32768 : i32
      %mul3A_1645 = arith.muli %add3A_1643, %mul3A_1644 : i32
      %add3A_1646 = arith.addi %mul3A_2, %mul3A_1645 : i32
      %dma_start3A_1647 = tpu.memref_slice %arg2[%add3A_1646] : memref<33554432xf32, #tpu.memory_space<hbm>> -> memref<32768xf32, #tpu.memory_space<hbm>>
      %dma_start3A_1648 = tpu.memref_slice %arg2[%add3A_1646] : memref<33554432xf32, #tpu.memory_space<hbm>> -> memref<32768xf32, #tpu.memory_space<hbm>>
      tpu.enqueue_dma source(%dma_start3A_1648 : memref<32768xf32, #tpu.memory_space<hbm>>) target(%arg6 : memref<32768xf32, #tpu.memory_space<vmem>>) target_semaphore(%arg13 : memref<!tpu.dma_semaphore, #tpu.memory_space<semaphore_mem>>)
      %mul3A_1649 = arith.constant 2 : i32
      %mul3A_1650 = arith.muli %mul3A_1649, %scan3A_1629 : i32
      %add3A_1651 = arith.constant 1 : i32
      %add3A_1652 = arith.addi %mul3A_1650, %add3A_1651 : i32
      %mul3A_1653 = arith.constant 32768 : i32
      %mul3A_1654 = arith.muli %add3A_1652, %mul3A_1653 : i32
      %add3A_1655 = arith.addi %mul3A_2, %mul3A_1654 : i32
      %dma_wait3A_1656 = tpu.memref_slice %arg2[%add3A_1655] : memref<33554432xf32, #tpu.memory_space<hbm>> -> memref<32768xf32, #tpu.memory_space<hbm>>
      %dma_wait3A_1657 = tpu.memref_slice %arg2[%add3A_1655] : memref<33554432xf32, #tpu.memory_space<hbm>> -> memref<32768xf32, #tpu.memory_space<hbm>>
      tpu.wait_dma2 semaphore(%arg14 : memref<!tpu.dma_semaphore, #tpu.memory_space<semaphore_mem>>) src(%dma_wait3A_1657 : memref<32768xf32, #tpu.memory_space<hbm>>) dst(%arg7 : memref<32768xf32, #tpu.memory_space<vmem>>)
      %parallel_loop3A_1658 = arith.constant 0 : i32
      %parallel_loop3A_1659 = arith.constant 1024 : i32
      %parallel_loop3A_1660 = arith.constant 1 : i32
      scf.for %parallel_loop3A_1668 = %parallel_loop3A_1658 to %parallel_loop3A_1659 step %parallel_loop3A_1660  : i32 {
        %parallel_loop3A_1669 = arith.constant 2 : i32
        %parallel_loop3A_1670 = arith.muli %parallel_loop3A_1669, %parallel_loop3A_1668 : i32
        %parallel_loop3A_1671 = arith.constant 0 : i32
        %parallel_loop3A_1672 = arith.addi %parallel_loop3A_1670, %parallel_loop3A_1671 : i32
        %parallel_loop3A_1673 = arith.constant 16 : i32
        %parallel_loop3A_1674 = arith.muli %parallel_loop3A_1672, %parallel_loop3A_1673 : i32
        %parallel_loop3A_1675 = arith.index_cast %parallel_loop3A_1674 : i32 to index
        %parallel_loop3A_1676 = tpu.vector_load %arg7[%parallel_loop3A_1675] {strides = array<i32>} : memref<32768xf32, #tpu.memory_space<vmem>>, vector<16xf32>,
        %parallel_loop3A_1677 = arith.mulf %parallel_loop3A_1676, %div3A : vector<16xf32>
        %parallel_loop3A_1678 = arith.subf %parallel_loop3A_1677, %sub3A_481 : vector<16xf32>
        %parallel_loop3A_1679 = arith.fptosi %parallel_loop3A_1678 : vector<16xf32> to vector<16xi32>
        tpu.vector_store_idx %arg8[%parallel_loop3A_1679], %broadcast_in_dim3A_483 {add = true} : memref<1792xi32, #tpu.memory_space<vmem>>[vector<16xi32>], vector<16xi32>,
        %parallel_loop3A_1680 = arith.constant 2 : i32
        %parallel_loop3A_1681 = arith.muli %parallel_loop3A_1680, %parallel_loop3A_1668 : i32
        %parallel_loop3A_1682 = arith.constant 1 : i32
        %parallel_loop3A_1683 = arith.addi %parallel_loop3A_1681, %parallel_loop3A_1682 : i32
        %parallel_loop3A_1684 = arith.constant 16 : i32
        %parallel_loop3A_1685 = arith.muli %parallel_loop3A_1683, %parallel_loop3A_1684 : i32
        %parallel_loop3A_1686 = arith.index_cast %parallel_loop3A_1685 : i32 to index
        %parallel_loop3A_1687 = tpu.vector_load %arg7[%parallel_loop3A_1686] {strides = array<i32>} : memref<32768xf32, #tpu.memory_space<vmem>>, vector<16xf32>,
        %parallel_loop3A_1688 = arith.mulf %parallel_loop3A_1687, %div3A : vector<16xf32>
        %parallel_loop3A_1689 = arith.subf %parallel_loop3A_1688, %sub3A_481 : vector<16xf32>
        %parallel_loop3A_1690 = arith.fptosi %parallel_loop3A_1689 : vector<16xf32> to vector<16xi32>
        tpu.vector_store_idx %arg9[%parallel_loop3A_1690], %broadcast_in_dim3A_483 {add = true} : memref<1792xi32, #tpu.memory_space<vmem>>[vector<16xi32>], vector<16xi32>,
      } {sc.loop_unroll_factor = 16 : i64, sc.parallel_access}
      %add3A_1661 = arith.constant 2 : i32
      %add3A_1662 = arith.addi %add3A_1652, %add3A_1661 : i32
      %mul3A_1663 = arith.constant 32768 : i32
      %mul3A_1664 = arith.muli %add3A_1662, %mul3A_1663 : i32
      %add3A_1665 = arith.addi %mul3A_2, %mul3A_1664 : i32
      %dma_start3A_1666 = tpu.memref_slice %arg2[%add3A_1665] : memref<33554432xf32, #tpu.memory_space<hbm>> -> memref<32768xf32, #tpu.memory_space<hbm>>
      %dma_start3A_1667 = tpu.memref_slice %arg2[%add3A_1665] : memref<33554432xf32, #tpu.memory_space<hbm>> -> memref<32768xf32, #tpu.memory_space<hbm>>
      tpu.enqueue_dma source(%dma_start3A_1667 : memref<32768xf32, #tpu.memory_space<hbm>>) target(%arg7 : memref<32768xf32, #tpu.memory_space<vmem>>) target_semaphore(%arg14 : memref<!tpu.dma_semaphore, #tpu.memory_space<semaphore_mem>>)
    }
    %scan3A_937 = arith.constant 15 : i32
    %add3A_938 = arith.constant 983040 : i32
    %add3A_939 = arith.addi %mul3A_2, %add3A_938 : i32
    %dma_wait3A = tpu.memref_slice %arg2[%add3A_939] : memref<33554432xf32, #tpu.memory_space<hbm>> -> memref<32768xf32, #tpu.memory_space<hbm>>
    %dma_wait3A_940 = tpu.memref_slice %arg2[%add3A_939] : memref<33554432xf32, #tpu.memory_space<hbm>> -> memref<32768xf32, #tpu.memory_space<hbm>>
    tpu.wait_dma2 semaphore(%arg13 : memref<!tpu.dma_semaphore, #tpu.memory_space<semaphore_mem>>) src(%dma_wait3A_940 : memref<32768xf32, #tpu.memory_space<hbm>>) dst(%arg6 : memref<32768xf32, #tpu.memory_space<vmem>>)
    %parallel_loop3A = arith.constant 0 : i32
    %parallel_loop3A_941 = arith.constant 1024 : i32
    %parallel_loop3A_942 = arith.constant 1 : i32
    scf.for %parallel_loop3A_1629 = %parallel_loop3A to %parallel_loop3A_941 step %parallel_loop3A_942  : i32 {
      %parallel_loop3A_1630 = arith.constant 2 : i32
      %parallel_loop3A_1631 = arith.muli %parallel_loop3A_1630, %parallel_loop3A_1629 : i32
      %parallel_loop3A_1632 = arith.constant 0 : i32
      %parallel_loop3A_1633 = arith.addi %parallel_loop3A_1631, %parallel_loop3A_1632 : i32
      %parallel_loop3A_1634 = arith.constant 16 : i32
      %parallel_loop3A_1635 = arith.muli %parallel_loop3A_1633, %parallel_loop3A_1634 : i32
      %parallel_loop3A_1636 = arith.index_cast %parallel_loop3A_1635 : i32 to index
      %parallel_loop3A_1637 = tpu.vector_load %arg6[%parallel_loop3A_1636] {strides = array<i32>} : memref<32768xf32, #tpu.memory_space<vmem>>, vector<16xf32>,
      %parallel_loop3A_1638 = arith.mulf %parallel_loop3A_1637, %div3A : vector<16xf32>
      %parallel_loop3A_1639 = arith.subf %parallel_loop3A_1638, %sub3A_481 : vector<16xf32>
      %parallel_loop3A_1640 = arith.fptosi %parallel_loop3A_1639 : vector<16xf32> to vector<16xi32>
      tpu.vector_store_idx %arg8[%parallel_loop3A_1640], %broadcast_in_dim3A_483 {add = true} : memref<1792xi32, #tpu.memory_space<vmem>>[vector<16xi32>], vector<16xi32>,
      %parallel_loop3A_1641 = arith.constant 2 : i32
      %parallel_loop3A_1642 = arith.muli %parallel_loop3A_1641, %parallel_loop3A_1629 : i32
      %parallel_loop3A_1643 = arith.constant 1 : i32
      %parallel_loop3A_1644 = arith.addi %parallel_loop3A_1642, %parallel_loop3A_1643 : i32
      %parallel_loop3A_1645 = arith.constant 16 : i32
      %parallel_loop3A_1646 = arith.muli %parallel_loop3A_1644, %parallel_loop3A_1645 : i32
      %parallel_loop3A_1647 = arith.index_cast %parallel_loop3A_1646 : i32 to index
      %parallel_loop3A_1648 = tpu.vector_load %arg6[%parallel_loop3A_1647] {strides = array<i32>} : memref<32768xf32, #tpu.memory_space<vmem>>, vector<16xf32>,
      %parallel_loop3A_1649 = arith.mulf %parallel_loop3A_1648, %div3A : vector<16xf32>
      %parallel_loop3A_1650 = arith.subf %parallel_loop3A_1649, %sub3A_481 : vector<16xf32>
      %parallel_loop3A_1651 = arith.fptosi %parallel_loop3A_1650 : vector<16xf32> to vector<16xi32>
      tpu.vector_store_idx %arg9[%parallel_loop3A_1651], %broadcast_in_dim3A_483 {add = true} : memref<1792xi32, #tpu.memory_space<vmem>>[vector<16xi32>], vector<16xi32>,
    } {sc.loop_unroll_factor = 16 : i64, sc.parallel_access}
    %add3A_943 = arith.constant 1015808 : i32
    %add3A_944 = arith.addi %mul3A_2, %add3A_943 : i32
    %dma_wait3A_945 = tpu.memref_slice %arg2[%add3A_944] : memref<33554432xf32, #tpu.memory_space<hbm>> -> memref<32768xf32, #tpu.memory_space<hbm>>
    %dma_wait3A_946 = tpu.memref_slice %arg2[%add3A_944] : memref<33554432xf32, #tpu.memory_space<hbm>> -> memref<32768xf32, #tpu.memory_space<hbm>>
    tpu.wait_dma2 semaphore(%arg14 : memref<!tpu.dma_semaphore, #tpu.memory_space<semaphore_mem>>) src(%dma_wait3A_946 : memref<32768xf32, #tpu.memory_space<hbm>>) dst(%arg7 : memref<32768xf32, #tpu.memory_space<vmem>>)
    %parallel_loop3A_947 = arith.constant 0 : i32
    %parallel_loop3A_948 = arith.constant 1024 : i32
    %parallel_loop3A_949 = arith.constant 1 : i32
    scf.for %parallel_loop3A_1629 = %parallel_loop3A_947 to %parallel_loop3A_948 step %parallel_loop3A_949  : i32 {
      %parallel_loop3A_1630 = arith.constant 2 : i32
      %parallel_loop3A_1631 = arith.muli %parallel_loop3A_1630, %parallel_loop3A_1629 : i32
      %parallel_loop3A_1632 = arith.constant 0 : i32
      %parallel_loop3A_1633 = arith.addi %parallel_loop3A_1631, %parallel_loop3A_1632 : i32
      %parallel_loop3A_1634 = arith.constant 16 : i32
      %parallel_loop3A_1635 = arith.muli %parallel_loop3A_1633, %parallel_loop3A_1634 : i32
      %parallel_loop3A_1636 = arith.index_cast %parallel_loop3A_1635 : i32 to index
      %parallel_loop3A_1637 = tpu.vector_load %arg7[%parallel_loop3A_1636] {strides = array<i32>} : memref<32768xf32, #tpu.memory_space<vmem>>, vector<16xf32>,
      %parallel_loop3A_1638 = arith.mulf %parallel_loop3A_1637, %div3A : vector<16xf32>
      %parallel_loop3A_1639 = arith.subf %parallel_loop3A_1638, %sub3A_481 : vector<16xf32>
      %parallel_loop3A_1640 = arith.fptosi %parallel_loop3A_1639 : vector<16xf32> to vector<16xi32>
      tpu.vector_store_idx %arg8[%parallel_loop3A_1640], %broadcast_in_dim3A_483 {add = true} : memref<1792xi32, #tpu.memory_space<vmem>>[vector<16xi32>], vector<16xi32>,
      %parallel_loop3A_1641 = arith.constant 2 : i32
      %parallel_loop3A_1642 = arith.muli %parallel_loop3A_1641, %parallel_loop3A_1629 : i32
      %parallel_loop3A_1643 = arith.constant 1 : i32
      %parallel_loop3A_1644 = arith.addi %parallel_loop3A_1642, %parallel_loop3A_1643 : i32
      %parallel_loop3A_1645 = arith.constant 16 : i32
      %parallel_loop3A_1646 = arith.muli %parallel_loop3A_1644, %parallel_loop3A_1645 : i32
      %parallel_loop3A_1647 = arith.index_cast %parallel_loop3A_1646 : i32 to index
      %parallel_loop3A_1648 = tpu.vector_load %arg7[%parallel_loop3A_1647] {strides = array<i32>} : memref<32768xf32, #tpu.memory_space<vmem>>, vector<16xf32>,
      %parallel_loop3A_1649 = arith.mulf %parallel_loop3A_1648, %div3A : vector<16xf32>
      %parallel_loop3A_1650 = arith.subf %parallel_loop3A_1649, %sub3A_481 : vector<16xf32>
      %parallel_loop3A_1651 = arith.fptosi %parallel_loop3A_1650 : vector<16xf32> to vector<16xi32>
      tpu.vector_store_idx %arg9[%parallel_loop3A_1651], %broadcast_in_dim3A_483 {add = true} : memref<1792xi32, #tpu.memory_space<vmem>>[vector<16xi32>], vector<16xi32>,
    } {sc.loop_unroll_factor = 16 : i64, sc.parallel_access}
    %get3A_950 = arith.constant 0 : index
    %get3A_951 = tpu.vector_load %arg8[%get3A_950] {strides = array<i32>} : memref<1792xi32, #tpu.memory_space<vmem>>, vector<16xi32>,
    %get3A_952 = arith.constant 0 : index
    %get3A_953 = tpu.vector_load %arg9[%get3A_952] {strides = array<i32>} : memref<1792xi32, #tpu.memory_space<vmem>>, vector<16xi32>,
    %add3A_954 = arith.addi %get3A_951, %get3A_953 : vector<16xi32>
    %get3A_955 = arith.constant 112 : index
    %get3A_956 = tpu.vector_load %arg8[%get3A_955] {strides = array<i32>} : memref<1792xi32, #tpu.memory_space<vmem>>, vector<16xi32>,
    %add3A_957 = arith.addi %add3A_954, %get3A_956 : vector<16xi32>
    %get3A_958 = arith.constant 112 : index
    %get3A_959 = tpu.vector_load %arg9[%get3A_958] {strides = array<i32>} : memref<1792xi32, #tpu.memory_space<vmem>>, vector<16xi32>,
    %add3A_960 = arith.addi %add3A_957, %get3A_959 : vector<16xi32>
    %get3A_961 = arith.constant 224 : index
    %get3A_962 = tpu.vector_load %arg8[%get3A_961] {strides = array<i32>} : memref<1792xi32, #tpu.memory_space<vmem>>, vector<16xi32>,
    %add3A_963 = arith.addi %add3A_960, %get3A_962 : vector<16xi32>
    %get3A_964 = arith.constant 224 : index
    %get3A_965 = tpu.vector_load %arg9[%get3A_964] {strides = array<i32>} : memref<1792xi32, #tpu.memory_space<vmem>>, vector<16xi32>,
    %add3A_966 = arith.addi %add3A_963, %get3A_965 : vector<16xi32>
    %get3A_967 = arith.constant 336 : index
    %get3A_968 = tpu.vector_load %arg8[%get3A_967] {strides = array<i32>} : memref<1792xi32, #tpu.memory_space<vmem>>, vector<16xi32>,
    %add3A_969 = arith.addi %add3A_966, %get3A_968 : vector<16xi32>
    %get3A_970 = arith.constant 336 : index
    %get3A_971 = tpu.vector_load %arg9[%get3A_970] {strides = array<i32>} : memref<1792xi32, #tpu.memory_space<vmem>>, vector<16xi32>,
    %add3A_972 = arith.addi %add3A_969, %get3A_971 : vector<16xi32>
    %get3A_973 = arith.constant 448 : index
    %get3A_974 = tpu.vector_load %arg8[%get3A_973] {strides = array<i32>} : memref<1792xi32, #tpu.memory_space<vmem>>, vector<16xi32>,
    %add3A_975 = arith.addi %add3A_972, %get3A_974 : vector<16xi32>
    %get3A_976 = arith.constant 448 : index
    %get3A_977 = tpu.vector_load %arg9[%get3A_976] {strides = array<i32>} : memref<1792xi32, #tpu.memory_space<vmem>>, vector<16xi32>,
    %add3A_978 = arith.addi %add3A_975, %get3A_977 : vector<16xi32>
    %get3A_979 = arith.constant 560 : index
    %get3A_980 = tpu.vector_load %arg8[%get3A_979] {strides = array<i32>} : memref<1792xi32, #tpu.memory_space<vmem>>, vector<16xi32>,
    %add3A_981 = arith.addi %add3A_978, %get3A_980 : vector<16xi32>
    %get3A_982 = arith.constant 560 : index
    %get3A_983 = tpu.vector_load %arg9[%get3A_982] {strides = array<i32>} : memref<1792xi32, #tpu.memory_space<vmem>>, vector<16xi32>,
    %add3A_984 = arith.addi %add3A_981, %get3A_983 : vector<16xi32>
    %get3A_985 = arith.constant 672 : index
    %get3A_986 = tpu.vector_load %arg8[%get3A_985] {strides = array<i32>} : memref<1792xi32, #tpu.memory_space<vmem>>, vector<16xi32>,
    %add3A_987 = arith.addi %add3A_984, %get3A_986 : vector<16xi32>
    %get3A_988 = arith.constant 672 : index
    %get3A_989 = tpu.vector_load %arg9[%get3A_988] {strides = array<i32>} : memref<1792xi32, #tpu.memory_space<vmem>>, vector<16xi32>,
    %add3A_990 = arith.addi %add3A_987, %get3A_989 : vector<16xi32>
    %get3A_991 = arith.constant 784 : index
    %get3A_992 = tpu.vector_load %arg8[%get3A_991] {strides = array<i32>} : memref<1792xi32, #tpu.memory_space<vmem>>, vector<16xi32>,
    %add3A_993 = arith.addi %add3A_990, %get3A_992 : vector<16xi32>
    %get3A_994 = arith.constant 784 : index
    %get3A_995 = tpu.vector_load %arg9[%get3A_994] {strides = array<i32>} : memref<1792xi32, #tpu.memory_space<vmem>>, vector<16xi32>,
    %add3A_996 = arith.addi %add3A_993, %get3A_995 : vector<16xi32>
    %get3A_997 = arith.constant 896 : index
    %get3A_998 = tpu.vector_load %arg8[%get3A_997] {strides = array<i32>} : memref<1792xi32, #tpu.memory_space<vmem>>, vector<16xi32>,
    %add3A_999 = arith.addi %add3A_996, %get3A_998 : vector<16xi32>
    %get3A_1000 = arith.constant 896 : index
    %get3A_1001 = tpu.vector_load %arg9[%get3A_1000] {strides = array<i32>} : memref<1792xi32, #tpu.memory_space<vmem>>, vector<16xi32>,
    %add3A_1002 = arith.addi %add3A_999, %get3A_1001 : vector<16xi32>
    %get3A_1003 = arith.constant 1008 : index
    %get3A_1004 = tpu.vector_load %arg8[%get3A_1003] {strides = array<i32>} : memref<1792xi32, #tpu.memory_space<vmem>>, vector<16xi32>,
    %add3A_1005 = arith.addi %add3A_1002, %get3A_1004 : vector<16xi32>
    %get3A_1006 = arith.constant 1008 : index
    %get3A_1007 = tpu.vector_load %arg9[%get3A_1006] {strides = array<i32>} : memref<1792xi32, #tpu.memory_space<vmem>>, vector<16xi32>,
    %add3A_1008 = arith.addi %add3A_1005, %get3A_1007 : vector<16xi32>
    %get3A_1009 = arith.constant 1120 : index
    %get3A_1010 = tpu.vector_load %arg8[%get3A_1009] {strides = array<i32>} : memref<1792xi32, #tpu.memory_space<vmem>>, vector<16xi32>,
    %add3A_1011 = arith.addi %add3A_1008, %get3A_1010 : vector<16xi32>
    %get3A_1012 = arith.constant 1120 : index
    %get3A_1013 = tpu.vector_load %arg9[%get3A_1012] {strides = array<i32>} : memref<1792xi32, #tpu.memory_space<vmem>>, vector<16xi32>,
    %add3A_1014 = arith.addi %add3A_1011, %get3A_1013 : vector<16xi32>
    %get3A_1015 = arith.constant 1232 : index
    %get3A_1016 = tpu.vector_load %arg8[%get3A_1015] {strides = array<i32>} : memref<1792xi32, #tpu.memory_space<vmem>>, vector<16xi32>,
    %add3A_1017 = arith.addi %add3A_1014, %get3A_1016 : vector<16xi32>
    %get3A_1018 = arith.constant 1232 : index
    %get3A_1019 = tpu.vector_load %arg9[%get3A_1018] {strides = array<i32>} : memref<1792xi32, #tpu.memory_space<vmem>>, vector<16xi32>,
    %add3A_1020 = arith.addi %add3A_1017, %get3A_1019 : vector<16xi32>
    %get3A_1021 = arith.constant 1344 : index
    %get3A_1022 = tpu.vector_load %arg8[%get3A_1021] {strides = array<i32>} : memref<1792xi32, #tpu.memory_space<vmem>>, vector<16xi32>,
    %add3A_1023 = arith.addi %add3A_1020, %get3A_1022 : vector<16xi32>
    %get3A_1024 = arith.constant 1344 : index
    %get3A_1025 = tpu.vector_load %arg9[%get3A_1024] {strides = array<i32>} : memref<1792xi32, #tpu.memory_space<vmem>>, vector<16xi32>,
    %add3A_1026 = arith.addi %add3A_1023, %get3A_1025 : vector<16xi32>
    %get3A_1027 = arith.constant 1456 : index
    %get3A_1028 = tpu.vector_load %arg8[%get3A_1027] {strides = array<i32>} : memref<1792xi32, #tpu.memory_space<vmem>>, vector<16xi32>,
    %add3A_1029 = arith.addi %add3A_1026, %get3A_1028 : vector<16xi32>
    %get3A_1030 = arith.constant 1456 : index
    %get3A_1031 = tpu.vector_load %arg9[%get3A_1030] {strides = array<i32>} : memref<1792xi32, #tpu.memory_space<vmem>>, vector<16xi32>,
    %add3A_1032 = arith.addi %add3A_1029, %get3A_1031 : vector<16xi32>
    %get3A_1033 = arith.constant 1568 : index
    %get3A_1034 = tpu.vector_load %arg8[%get3A_1033] {strides = array<i32>} : memref<1792xi32, #tpu.memory_space<vmem>>, vector<16xi32>,
    %add3A_1035 = arith.addi %add3A_1032, %get3A_1034 : vector<16xi32>
    %get3A_1036 = arith.constant 1568 : index
    %get3A_1037 = tpu.vector_load %arg9[%get3A_1036] {strides = array<i32>} : memref<1792xi32, #tpu.memory_space<vmem>>, vector<16xi32>,
    %add3A_1038 = arith.addi %add3A_1035, %get3A_1037 : vector<16xi32>
    %get3A_1039 = arith.constant 1680 : index
    %get3A_1040 = tpu.vector_load %arg8[%get3A_1039] {strides = array<i32>} : memref<1792xi32, #tpu.memory_space<vmem>>, vector<16xi32>,
    %add3A_1041 = arith.addi %add3A_1038, %get3A_1040 : vector<16xi32>
    %get3A_1042 = arith.constant 1680 : index
    %get3A_1043 = tpu.vector_load %arg9[%get3A_1042] {strides = array<i32>} : memref<1792xi32, #tpu.memory_space<vmem>>, vector<16xi32>,
    %add3A_1044 = arith.addi %add3A_1041, %get3A_1043 : vector<16xi32>
    %swap3A_1045 = arith.constant 0 : index
    %swap3A_1046 = tpu.vector_load %arg12[%swap3A_1045] {strides = array<i32>} : memref<112xi32, #tpu.memory_space<vmem>>, vector<16xi32>,
    tpu.vector_store %arg12[%swap3A_1045], %add3A_1044 {strides = array<i32>} : memref<112xi32, #tpu.memory_space<vmem>>, vector<16xi32>,
    %get3A_1047 = arith.constant 16 : index
    %get3A_1048 = tpu.vector_load %arg8[%get3A_1047] {strides = array<i32>} : memref<1792xi32, #tpu.memory_space<vmem>>, vector<16xi32>,
    %get3A_1049 = arith.constant 16 : index
    %get3A_1050 = tpu.vector_load %arg9[%get3A_1049] {strides = array<i32>} : memref<1792xi32, #tpu.memory_space<vmem>>, vector<16xi32>,
    %add3A_1051 = arith.addi %get3A_1048, %get3A_1050 : vector<16xi32>
    %get3A_1052 = arith.constant 128 : index
    %get3A_1053 = tpu.vector_load %arg8[%get3A_1052] {strides = array<i32>} : memref<1792xi32, #tpu.memory_space<vmem>>, vector<16xi32>,
    %add3A_1054 = arith.addi %add3A_1051, %get3A_1053 : vector<16xi32>
    %get3A_1055 = arith.constant 128 : index
    %get3A_1056 = tpu.vector_load %arg9[%get3A_1055] {strides = array<i32>} : memref<1792xi32, #tpu.memory_space<vmem>>, vector<16xi32>,
    %add3A_1057 = arith.addi %add3A_1054, %get3A_1056 : vector<16xi32>
    %get3A_1058 = arith.constant 240 : index
    %get3A_1059 = tpu.vector_load %arg8[%get3A_1058] {strides = array<i32>} : memref<1792xi32, #tpu.memory_space<vmem>>, vector<16xi32>,
    %add3A_1060 = arith.addi %add3A_1057, %get3A_1059 : vector<16xi32>
    %get3A_1061 = arith.constant 240 : index
    %get3A_1062 = tpu.vector_load %arg9[%get3A_1061] {strides = array<i32>} : memref<1792xi32, #tpu.memory_space<vmem>>, vector<16xi32>,
    %add3A_1063 = arith.addi %add3A_1060, %get3A_1062 : vector<16xi32>
    %get3A_1064 = arith.constant 352 : index
    %get3A_1065 = tpu.vector_load %arg8[%get3A_1064] {strides = array<i32>} : memref<1792xi32, #tpu.memory_space<vmem>>, vector<16xi32>,
    %add3A_1066 = arith.addi %add3A_1063, %get3A_1065 : vector<16xi32>
    %get3A_1067 = arith.constant 352 : index
    %get3A_1068 = tpu.vector_load %arg9[%get3A_1067] {strides = array<i32>} : memref<1792xi32, #tpu.memory_space<vmem>>, vector<16xi32>,
    %add3A_1069 = arith.addi %add3A_1066, %get3A_1068 : vector<16xi32>
    %get3A_1070 = arith.constant 464 : index
    %get3A_1071 = tpu.vector_load %arg8[%get3A_1070] {strides = array<i32>} : memref<1792xi32, #tpu.memory_space<vmem>>, vector<16xi32>,
    %add3A_1072 = arith.addi %add3A_1069, %get3A_1071 : vector<16xi32>
    %get3A_1073 = arith.constant 464 : index
    %get3A_1074 = tpu.vector_load %arg9[%get3A_1073] {strides = array<i32>} : memref<1792xi32, #tpu.memory_space<vmem>>, vector<16xi32>,
    %add3A_1075 = arith.addi %add3A_1072, %get3A_1074 : vector<16xi32>
    %get3A_1076 = arith.constant 576 : index
    %get3A_1077 = tpu.vector_load %arg8[%get3A_1076] {strides = array<i32>} : memref<1792xi32, #tpu.memory_space<vmem>>, vector<16xi32>,
    %add3A_1078 = arith.addi %add3A_1075, %get3A_1077 : vector<16xi32>
    %get3A_1079 = arith.constant 576 : index
    %get3A_1080 = tpu.vector_load %arg9[%get3A_1079] {strides = array<i32>} : memref<1792xi32, #tpu.memory_space<vmem>>, vector<16xi32>,
    %add3A_1081 = arith.addi %add3A_1078, %get3A_1080 : vector<16xi32>
    %get3A_1082 = arith.constant 688 : index
    %get3A_1083 = tpu.vector_load %arg8[%get3A_1082] {strides = array<i32>} : memref<1792xi32, #tpu.memory_space<vmem>>, vector<16xi32>,
    %add3A_1084 = arith.addi %add3A_1081, %get3A_1083 : vector<16xi32>
    %get3A_1085 = arith.constant 688 : index
    %get3A_1086 = tpu.vector_load %arg9[%get3A_1085] {strides = array<i32>} : memref<1792xi32, #tpu.memory_space<vmem>>, vector<16xi32>,
    %add3A_1087 = arith.addi %add3A_1084, %get3A_1086 : vector<16xi32>
    %get3A_1088 = arith.constant 800 : index
    %get3A_1089 = tpu.vector_load %arg8[%get3A_1088] {strides = array<i32>} : memref<1792xi32, #tpu.memory_space<vmem>>, vector<16xi32>,
    %add3A_1090 = arith.addi %add3A_1087, %get3A_1089 : vector<16xi32>
    %get3A_1091 = arith.constant 800 : index
    %get3A_1092 = tpu.vector_load %arg9[%get3A_1091] {strides = array<i32>} : memref<1792xi32, #tpu.memory_space<vmem>>, vector<16xi32>,
    %add3A_1093 = arith.addi %add3A_1090, %get3A_1092 : vector<16xi32>
    %get3A_1094 = arith.constant 912 : index
    %get3A_1095 = tpu.vector_load %arg8[%get3A_1094] {strides = array<i32>} : memref<1792xi32, #tpu.memory_space<vmem>>, vector<16xi32>,
    %add3A_1096 = arith.addi %add3A_1093, %get3A_1095 : vector<16xi32>
    %get3A_1097 = arith.constant 912 : index
    %get3A_1098 = tpu.vector_load %arg9[%get3A_1097] {strides = array<i32>} : memref<1792xi32, #tpu.memory_space<vmem>>, vector<16xi32>,
    %add3A_1099 = arith.addi %add3A_1096, %get3A_1098 : vector<16xi32>
    %get3A_1100 = arith.constant 1024 : index
    %get3A_1101 = tpu.vector_load %arg8[%get3A_1100] {strides = array<i32>} : memref<1792xi32, #tpu.memory_space<vmem>>, vector<16xi32>,
    %add3A_1102 = arith.addi %add3A_1099, %get3A_1101 : vector<16xi32>
    %get3A_1103 = arith.constant 1024 : index
    %get3A_1104 = tpu.vector_load %arg9[%get3A_1103] {strides = array<i32>} : memref<1792xi32, #tpu.memory_space<vmem>>, vector<16xi32>,
    %add3A_1105 = arith.addi %add3A_1102, %get3A_1104 : vector<16xi32>
    %get3A_1106 = arith.constant 1136 : index
    %get3A_1107 = tpu.vector_load %arg8[%get3A_1106] {strides = array<i32>} : memref<1792xi32, #tpu.memory_space<vmem>>, vector<16xi32>,
    %add3A_1108 = arith.addi %add3A_1105, %get3A_1107 : vector<16xi32>
    %get3A_1109 = arith.constant 1136 : index
    %get3A_1110 = tpu.vector_load %arg9[%get3A_1109] {strides = array<i32>} : memref<1792xi32, #tpu.memory_space<vmem>>, vector<16xi32>,
    %add3A_1111 = arith.addi %add3A_1108, %get3A_1110 : vector<16xi32>
    %get3A_1112 = arith.constant 1248 : index
    %get3A_1113 = tpu.vector_load %arg8[%get3A_1112] {strides = array<i32>} : memref<1792xi32, #tpu.memory_space<vmem>>, vector<16xi32>,
    %add3A_1114 = arith.addi %add3A_1111, %get3A_1113 : vector<16xi32>
    %get3A_1115 = arith.constant 1248 : index
    %get3A_1116 = tpu.vector_load %arg9[%get3A_1115] {strides = array<i32>} : memref<1792xi32, #tpu.memory_space<vmem>>, vector<16xi32>,
    %add3A_1117 = arith.addi %add3A_1114, %get3A_1116 : vector<16xi32>
    %get3A_1118 = arith.constant 1360 : index
    %get3A_1119 = tpu.vector_load %arg8[%get3A_1118] {strides = array<i32>} : memref<1792xi32, #tpu.memory_space<vmem>>, vector<16xi32>,
    %add3A_1120 = arith.addi %add3A_1117, %get3A_1119 : vector<16xi32>
    %get3A_1121 = arith.constant 1360 : index
    %get3A_1122 = tpu.vector_load %arg9[%get3A_1121] {strides = array<i32>} : memref<1792xi32, #tpu.memory_space<vmem>>, vector<16xi32>,
    %add3A_1123 = arith.addi %add3A_1120, %get3A_1122 : vector<16xi32>
    %get3A_1124 = arith.constant 1472 : index
    %get3A_1125 = tpu.vector_load %arg8[%get3A_1124] {strides = array<i32>} : memref<1792xi32, #tpu.memory_space<vmem>>, vector<16xi32>,
    %add3A_1126 = arith.addi %add3A_1123, %get3A_1125 : vector<16xi32>
    %get3A_1127 = arith.constant 1472 : index
    %get3A_1128 = tpu.vector_load %arg9[%get3A_1127] {strides = array<i32>} : memref<1792xi32, #tpu.memory_space<vmem>>, vector<16xi32>,
    %add3A_1129 = arith.addi %add3A_1126, %get3A_1128 : vector<16xi32>
    %get3A_1130 = arith.constant 1584 : index
    %get3A_1131 = tpu.vector_load %arg8[%get3A_1130] {strides = array<i32>} : memref<1792xi32, #tpu.memory_space<vmem>>, vector<16xi32>,
    %add3A_1132 = arith.addi %add3A_1129, %get3A_1131 : vector<16xi32>
    %get3A_1133 = arith.constant 1584 : index
    %get3A_1134 = tpu.vector_load %arg9[%get3A_1133] {strides = array<i32>} : memref<1792xi32, #tpu.memory_space<vmem>>, vector<16xi32>,
    %add3A_1135 = arith.addi %add3A_1132, %get3A_1134 : vector<16xi32>
    %get3A_1136 = arith.constant 1696 : index
    %get3A_1137 = tpu.vector_load %arg8[%get3A_1136] {strides = array<i32>} : memref<1792xi32, #tpu.memory_space<vmem>>, vector<16xi32>,
    %add3A_1138 = arith.addi %add3A_1135, %get3A_1137 : vector<16xi32>
    %get3A_1139 = arith.constant 1696 : index
    %get3A_1140 = tpu.vector_load %arg9[%get3A_1139] {strides = array<i32>} : memref<1792xi32, #tpu.memory_space<vmem>>, vector<16xi32>,
    %add3A_1141 = arith.addi %add3A_1138, %get3A_1140 : vector<16xi32>
    %swap3A_1142 = arith.constant 16 : index
    %swap3A_1143 = tpu.vector_load %arg12[%swap3A_1142] {strides = array<i32>} : memref<112xi32, #tpu.memory_space<vmem>>, vector<16xi32>,
    tpu.vector_store %arg12[%swap3A_1142], %add3A_1141 {strides = array<i32>} : memref<112xi32, #tpu.memory_space<vmem>>, vector<16xi32>,
    %get3A_1144 = arith.constant 32 : index
    %get3A_1145 = tpu.vector_load %arg8[%get3A_1144] {strides = array<i32>} : memref<1792xi32, #tpu.memory_space<vmem>>, vector<16xi32>,
    %get3A_1146 = arith.constant 32 : index
    %get3A_1147 = tpu.vector_load %arg9[%get3A_1146] {strides = array<i32>} : memref<1792xi32, #tpu.memory_space<vmem>>, vector<16xi32>,
    %add3A_1148 = arith.addi %get3A_1145, %get3A_1147 : vector<16xi32>
    %get3A_1149 = arith.constant 144 : index
    %get3A_1150 = tpu.vector_load %arg8[%get3A_1149] {strides = array<i32>} : memref<1792xi32, #tpu.memory_space<vmem>>, vector<16xi32>,
    %add3A_1151 = arith.addi %add3A_1148, %get3A_1150 : vector<16xi32>
    %get3A_1152 = arith.constant 144 : index
    %get3A_1153 = tpu.vector_load %arg9[%get3A_1152] {strides = array<i32>} : memref<1792xi32, #tpu.memory_space<vmem>>, vector<16xi32>,
    %add3A_1154 = arith.addi %add3A_1151, %get3A_1153 : vector<16xi32>
    %get3A_1155 = arith.constant 256 : index
    %get3A_1156 = tpu.vector_load %arg8[%get3A_1155] {strides = array<i32>} : memref<1792xi32, #tpu.memory_space<vmem>>, vector<16xi32>,
    %add3A_1157 = arith.addi %add3A_1154, %get3A_1156 : vector<16xi32>
    %get3A_1158 = arith.constant 256 : index
    %get3A_1159 = tpu.vector_load %arg9[%get3A_1158] {strides = array<i32>} : memref<1792xi32, #tpu.memory_space<vmem>>, vector<16xi32>,
    %add3A_1160 = arith.addi %add3A_1157, %get3A_1159 : vector<16xi32>
    %get3A_1161 = arith.constant 368 : index
    %get3A_1162 = tpu.vector_load %arg8[%get3A_1161] {strides = array<i32>} : memref<1792xi32, #tpu.memory_space<vmem>>, vector<16xi32>,
    %add3A_1163 = arith.addi %add3A_1160, %get3A_1162 : vector<16xi32>
    %get3A_1164 = arith.constant 368 : index
    %get3A_1165 = tpu.vector_load %arg9[%get3A_1164] {strides = array<i32>} : memref<1792xi32, #tpu.memory_space<vmem>>, vector<16xi32>,
    %add3A_1166 = arith.addi %add3A_1163, %get3A_1165 : vector<16xi32>
    %get3A_1167 = arith.constant 480 : index
    %get3A_1168 = tpu.vector_load %arg8[%get3A_1167] {strides = array<i32>} : memref<1792xi32, #tpu.memory_space<vmem>>, vector<16xi32>,
    %add3A_1169 = arith.addi %add3A_1166, %get3A_1168 : vector<16xi32>
    %get3A_1170 = arith.constant 480 : index
    %get3A_1171 = tpu.vector_load %arg9[%get3A_1170] {strides = array<i32>} : memref<1792xi32, #tpu.memory_space<vmem>>, vector<16xi32>,
    %add3A_1172 = arith.addi %add3A_1169, %get3A_1171 : vector<16xi32>
    %get3A_1173 = arith.constant 592 : index
    %get3A_1174 = tpu.vector_load %arg8[%get3A_1173] {strides = array<i32>} : memref<1792xi32, #tpu.memory_space<vmem>>, vector<16xi32>,
    %add3A_1175 = arith.addi %add3A_1172, %get3A_1174 : vector<16xi32>
    %get3A_1176 = arith.constant 592 : index
    %get3A_1177 = tpu.vector_load %arg9[%get3A_1176] {strides = array<i32>} : memref<1792xi32, #tpu.memory_space<vmem>>, vector<16xi32>,
    %add3A_1178 = arith.addi %add3A_1175, %get3A_1177 : vector<16xi32>
    %get3A_1179 = arith.constant 704 : index
    %get3A_1180 = tpu.vector_load %arg8[%get3A_1179] {strides = array<i32>} : memref<1792xi32, #tpu.memory_space<vmem>>, vector<16xi32>,
    %add3A_1181 = arith.addi %add3A_1178, %get3A_1180 : vector<16xi32>
    %get3A_1182 = arith.constant 704 : index
    %get3A_1183 = tpu.vector_load %arg9[%get3A_1182] {strides = array<i32>} : memref<1792xi32, #tpu.memory_space<vmem>>, vector<16xi32>,
    %add3A_1184 = arith.addi %add3A_1181, %get3A_1183 : vector<16xi32>
    %get3A_1185 = arith.constant 816 : index
    %get3A_1186 = tpu.vector_load %arg8[%get3A_1185] {strides = array<i32>} : memref<1792xi32, #tpu.memory_space<vmem>>, vector<16xi32>,
    %add3A_1187 = arith.addi %add3A_1184, %get3A_1186 : vector<16xi32>
    %get3A_1188 = arith.constant 816 : index
    %get3A_1189 = tpu.vector_load %arg9[%get3A_1188] {strides = array<i32>} : memref<1792xi32, #tpu.memory_space<vmem>>, vector<16xi32>,
    %add3A_1190 = arith.addi %add3A_1187, %get3A_1189 : vector<16xi32>
    %get3A_1191 = arith.constant 928 : index
    %get3A_1192 = tpu.vector_load %arg8[%get3A_1191] {strides = array<i32>} : memref<1792xi32, #tpu.memory_space<vmem>>, vector<16xi32>,
    %add3A_1193 = arith.addi %add3A_1190, %get3A_1192 : vector<16xi32>
    %get3A_1194 = arith.constant 928 : index
    %get3A_1195 = tpu.vector_load %arg9[%get3A_1194] {strides = array<i32>} : memref<1792xi32, #tpu.memory_space<vmem>>, vector<16xi32>,
    %add3A_1196 = arith.addi %add3A_1193, %get3A_1195 : vector<16xi32>
    %get3A_1197 = arith.constant 1040 : index
    %get3A_1198 = tpu.vector_load %arg8[%get3A_1197] {strides = array<i32>} : memref<1792xi32, #tpu.memory_space<vmem>>, vector<16xi32>,
    %add3A_1199 = arith.addi %add3A_1196, %get3A_1198 : vector<16xi32>
    %get3A_1200 = arith.constant 1040 : index
    %get3A_1201 = tpu.vector_load %arg9[%get3A_1200] {strides = array<i32>} : memref<1792xi32, #tpu.memory_space<vmem>>, vector<16xi32>,
    %add3A_1202 = arith.addi %add3A_1199, %get3A_1201 : vector<16xi32>
    %get3A_1203 = arith.constant 1152 : index
    %get3A_1204 = tpu.vector_load %arg8[%get3A_1203] {strides = array<i32>} : memref<1792xi32, #tpu.memory_space<vmem>>, vector<16xi32>,
    %add3A_1205 = arith.addi %add3A_1202, %get3A_1204 : vector<16xi32>
    %get3A_1206 = arith.constant 1152 : index
    %get3A_1207 = tpu.vector_load %arg9[%get3A_1206] {strides = array<i32>} : memref<1792xi32, #tpu.memory_space<vmem>>, vector<16xi32>,
    %add3A_1208 = arith.addi %add3A_1205, %get3A_1207 : vector<16xi32>
    %get3A_1209 = arith.constant 1264 : index
    %get3A_1210 = tpu.vector_load %arg8[%get3A_1209] {strides = array<i32>} : memref<1792xi32, #tpu.memory_space<vmem>>, vector<16xi32>,
    %add3A_1211 = arith.addi %add3A_1208, %get3A_1210 : vector<16xi32>
    %get3A_1212 = arith.constant 1264 : index
    %get3A_1213 = tpu.vector_load %arg9[%get3A_1212] {strides = array<i32>} : memref<1792xi32, #tpu.memory_space<vmem>>, vector<16xi32>,
    %add3A_1214 = arith.addi %add3A_1211, %get3A_1213 : vector<16xi32>
    %get3A_1215 = arith.constant 1376 : index
    %get3A_1216 = tpu.vector_load %arg8[%get3A_1215] {strides = array<i32>} : memref<1792xi32, #tpu.memory_space<vmem>>, vector<16xi32>,
    %add3A_1217 = arith.addi %add3A_1214, %get3A_1216 : vector<16xi32>
    %get3A_1218 = arith.constant 1376 : index
    %get3A_1219 = tpu.vector_load %arg9[%get3A_1218] {strides = array<i32>} : memref<1792xi32, #tpu.memory_space<vmem>>, vector<16xi32>,
    %add3A_1220 = arith.addi %add3A_1217, %get3A_1219 : vector<16xi32>
    %get3A_1221 = arith.constant 1488 : index
    %get3A_1222 = tpu.vector_load %arg8[%get3A_1221] {strides = array<i32>} : memref<1792xi32, #tpu.memory_space<vmem>>, vector<16xi32>,
    %add3A_1223 = arith.addi %add3A_1220, %get3A_1222 : vector<16xi32>
    %get3A_1224 = arith.constant 1488 : index
    %get3A_1225 = tpu.vector_load %arg9[%get3A_1224] {strides = array<i32>} : memref<1792xi32, #tpu.memory_space<vmem>>, vector<16xi32>,
    %add3A_1226 = arith.addi %add3A_1223, %get3A_1225 : vector<16xi32>
    %get3A_1227 = arith.constant 1600 : index
    %get3A_1228 = tpu.vector_load %arg8[%get3A_1227] {strides = array<i32>} : memref<1792xi32, #tpu.memory_space<vmem>>, vector<16xi32>,
    %add3A_1229 = arith.addi %add3A_1226, %get3A_1228 : vector<16xi32>
    %get3A_1230 = arith.constant 1600 : index
    %get3A_1231 = tpu.vector_load %arg9[%get3A_1230] {strides = array<i32>} : memref<1792xi32, #tpu.memory_space<vmem>>, vector<16xi32>,
    %add3A_1232 = arith.addi %add3A_1229, %get3A_1231 : vector<16xi32>
    %get3A_1233 = arith.constant 1712 : index
    %get3A_1234 = tpu.vector_load %arg8[%get3A_1233] {strides = array<i32>} : memref<1792xi32, #tpu.memory_space<vmem>>, vector<16xi32>,
    %add3A_1235 = arith.addi %add3A_1232, %get3A_1234 : vector<16xi32>
    %get3A_1236 = arith.constant 1712 : index
    %get3A_1237 = tpu.vector_load %arg9[%get3A_1236] {strides = array<i32>} : memref<1792xi32, #tpu.memory_space<vmem>>, vector<16xi32>,
    %add3A_1238 = arith.addi %add3A_1235, %get3A_1237 : vector<16xi32>
    %swap3A_1239 = arith.constant 32 : index
    %swap3A_1240 = tpu.vector_load %arg12[%swap3A_1239] {strides = array<i32>} : memref<112xi32, #tpu.memory_space<vmem>>, vector<16xi32>,
    tpu.vector_store %arg12[%swap3A_1239], %add3A_1238 {strides = array<i32>} : memref<112xi32, #tpu.memory_space<vmem>>, vector<16xi32>,
    %get3A_1241 = arith.constant 48 : index
    %get3A_1242 = tpu.vector_load %arg8[%get3A_1241] {strides = array<i32>} : memref<1792xi32, #tpu.memory_space<vmem>>, vector<16xi32>,
    %get3A_1243 = arith.constant 48 : index
    %get3A_1244 = tpu.vector_load %arg9[%get3A_1243] {strides = array<i32>} : memref<1792xi32, #tpu.memory_space<vmem>>, vector<16xi32>,
    %add3A_1245 = arith.addi %get3A_1242, %get3A_1244 : vector<16xi32>
    %get3A_1246 = arith.constant 160 : index
    %get3A_1247 = tpu.vector_load %arg8[%get3A_1246] {strides = array<i32>} : memref<1792xi32, #tpu.memory_space<vmem>>, vector<16xi32>,
    %add3A_1248 = arith.addi %add3A_1245, %get3A_1247 : vector<16xi32>
    %get3A_1249 = arith.constant 160 : index
    %get3A_1250 = tpu.vector_load %arg9[%get3A_1249] {strides = array<i32>} : memref<1792xi32, #tpu.memory_space<vmem>>, vector<16xi32>,
    %add3A_1251 = arith.addi %add3A_1248, %get3A_1250 : vector<16xi32>
    %get3A_1252 = arith.constant 272 : index
    %get3A_1253 = tpu.vector_load %arg8[%get3A_1252] {strides = array<i32>} : memref<1792xi32, #tpu.memory_space<vmem>>, vector<16xi32>,
    %add3A_1254 = arith.addi %add3A_1251, %get3A_1253 : vector<16xi32>
    %get3A_1255 = arith.constant 272 : index
    %get3A_1256 = tpu.vector_load %arg9[%get3A_1255] {strides = array<i32>} : memref<1792xi32, #tpu.memory_space<vmem>>, vector<16xi32>,
    %add3A_1257 = arith.addi %add3A_1254, %get3A_1256 : vector<16xi32>
    %get3A_1258 = arith.constant 384 : index
    %get3A_1259 = tpu.vector_load %arg8[%get3A_1258] {strides = array<i32>} : memref<1792xi32, #tpu.memory_space<vmem>>, vector<16xi32>,
    %add3A_1260 = arith.addi %add3A_1257, %get3A_1259 : vector<16xi32>
    %get3A_1261 = arith.constant 384 : index
    %get3A_1262 = tpu.vector_load %arg9[%get3A_1261] {strides = array<i32>} : memref<1792xi32, #tpu.memory_space<vmem>>, vector<16xi32>,
    %add3A_1263 = arith.addi %add3A_1260, %get3A_1262 : vector<16xi32>
    %get3A_1264 = arith.constant 496 : index
    %get3A_1265 = tpu.vector_load %arg8[%get3A_1264] {strides = array<i32>} : memref<1792xi32, #tpu.memory_space<vmem>>, vector<16xi32>,
    %add3A_1266 = arith.addi %add3A_1263, %get3A_1265 : vector<16xi32>
    %get3A_1267 = arith.constant 496 : index
    %get3A_1268 = tpu.vector_load %arg9[%get3A_1267] {strides = array<i32>} : memref<1792xi32, #tpu.memory_space<vmem>>, vector<16xi32>,
    %add3A_1269 = arith.addi %add3A_1266, %get3A_1268 : vector<16xi32>
    %get3A_1270 = arith.constant 608 : index
    %get3A_1271 = tpu.vector_load %arg8[%get3A_1270] {strides = array<i32>} : memref<1792xi32, #tpu.memory_space<vmem>>, vector<16xi32>,
    %add3A_1272 = arith.addi %add3A_1269, %get3A_1271 : vector<16xi32>
    %get3A_1273 = arith.constant 608 : index
    %get3A_1274 = tpu.vector_load %arg9[%get3A_1273] {strides = array<i32>} : memref<1792xi32, #tpu.memory_space<vmem>>, vector<16xi32>,
    %add3A_1275 = arith.addi %add3A_1272, %get3A_1274 : vector<16xi32>
    %get3A_1276 = arith.constant 720 : index
    %get3A_1277 = tpu.vector_load %arg8[%get3A_1276] {strides = array<i32>} : memref<1792xi32, #tpu.memory_space<vmem>>, vector<16xi32>,
    %add3A_1278 = arith.addi %add3A_1275, %get3A_1277 : vector<16xi32>
    %get3A_1279 = arith.constant 720 : index
    %get3A_1280 = tpu.vector_load %arg9[%get3A_1279] {strides = array<i32>} : memref<1792xi32, #tpu.memory_space<vmem>>, vector<16xi32>,
    %add3A_1281 = arith.addi %add3A_1278, %get3A_1280 : vector<16xi32>
    %get3A_1282 = arith.constant 832 : index
    %get3A_1283 = tpu.vector_load %arg8[%get3A_1282] {strides = array<i32>} : memref<1792xi32, #tpu.memory_space<vmem>>, vector<16xi32>,
    %add3A_1284 = arith.addi %add3A_1281, %get3A_1283 : vector<16xi32>
    %get3A_1285 = arith.constant 832 : index
    %get3A_1286 = tpu.vector_load %arg9[%get3A_1285] {strides = array<i32>} : memref<1792xi32, #tpu.memory_space<vmem>>, vector<16xi32>,
    %add3A_1287 = arith.addi %add3A_1284, %get3A_1286 : vector<16xi32>
    %get3A_1288 = arith.constant 944 : index
    %get3A_1289 = tpu.vector_load %arg8[%get3A_1288] {strides = array<i32>} : memref<1792xi32, #tpu.memory_space<vmem>>, vector<16xi32>,
    %add3A_1290 = arith.addi %add3A_1287, %get3A_1289 : vector<16xi32>
    %get3A_1291 = arith.constant 944 : index
    %get3A_1292 = tpu.vector_load %arg9[%get3A_1291] {strides = array<i32>} : memref<1792xi32, #tpu.memory_space<vmem>>, vector<16xi32>,
    %add3A_1293 = arith.addi %add3A_1290, %get3A_1292 : vector<16xi32>
    %get3A_1294 = arith.constant 1056 : index
    %get3A_1295 = tpu.vector_load %arg8[%get3A_1294] {strides = array<i32>} : memref<1792xi32, #tpu.memory_space<vmem>>, vector<16xi32>,
    %add3A_1296 = arith.addi %add3A_1293, %get3A_1295 : vector<16xi32>
    %get3A_1297 = arith.constant 1056 : index
    %get3A_1298 = tpu.vector_load %arg9[%get3A_1297] {strides = array<i32>} : memref<1792xi32, #tpu.memory_space<vmem>>, vector<16xi32>,
    %add3A_1299 = arith.addi %add3A_1296, %get3A_1298 : vector<16xi32>
    %get3A_1300 = arith.constant 1168 : index
    %get3A_1301 = tpu.vector_load %arg8[%get3A_1300] {strides = array<i32>} : memref<1792xi32, #tpu.memory_space<vmem>>, vector<16xi32>,
    %add3A_1302 = arith.addi %add3A_1299, %get3A_1301 : vector<16xi32>
    %get3A_1303 = arith.constant 1168 : index
    %get3A_1304 = tpu.vector_load %arg9[%get3A_1303] {strides = array<i32>} : memref<1792xi32, #tpu.memory_space<vmem>>, vector<16xi32>,
    %add3A_1305 = arith.addi %add3A_1302, %get3A_1304 : vector<16xi32>
    %get3A_1306 = arith.constant 1280 : index
    %get3A_1307 = tpu.vector_load %arg8[%get3A_1306] {strides = array<i32>} : memref<1792xi32, #tpu.memory_space<vmem>>, vector<16xi32>,
    %add3A_1308 = arith.addi %add3A_1305, %get3A_1307 : vector<16xi32>
    %get3A_1309 = arith.constant 1280 : index
    %get3A_1310 = tpu.vector_load %arg9[%get3A_1309] {strides = array<i32>} : memref<1792xi32, #tpu.memory_space<vmem>>, vector<16xi32>,
    %add3A_1311 = arith.addi %add3A_1308, %get3A_1310 : vector<16xi32>
    %get3A_1312 = arith.constant 1392 : index
    %get3A_1313 = tpu.vector_load %arg8[%get3A_1312] {strides = array<i32>} : memref<1792xi32, #tpu.memory_space<vmem>>, vector<16xi32>,
    %add3A_1314 = arith.addi %add3A_1311, %get3A_1313 : vector<16xi32>
    %get3A_1315 = arith.constant 1392 : index
    %get3A_1316 = tpu.vector_load %arg9[%get3A_1315] {strides = array<i32>} : memref<1792xi32, #tpu.memory_space<vmem>>, vector<16xi32>,
    %add3A_1317 = arith.addi %add3A_1314, %get3A_1316 : vector<16xi32>
    %get3A_1318 = arith.constant 1504 : index
    %get3A_1319 = tpu.vector_load %arg8[%get3A_1318] {strides = array<i32>} : memref<1792xi32, #tpu.memory_space<vmem>>, vector<16xi32>,
    %add3A_1320 = arith.addi %add3A_1317, %get3A_1319 : vector<16xi32>
    %get3A_1321 = arith.constant 1504 : index
    %get3A_1322 = tpu.vector_load %arg9[%get3A_1321] {strides = array<i32>} : memref<1792xi32, #tpu.memory_space<vmem>>, vector<16xi32>,
    %add3A_1323 = arith.addi %add3A_1320, %get3A_1322 : vector<16xi32>
    %get3A_1324 = arith.constant 1616 : index
    %get3A_1325 = tpu.vector_load %arg8[%get3A_1324] {strides = array<i32>} : memref<1792xi32, #tpu.memory_space<vmem>>, vector<16xi32>,
    %add3A_1326 = arith.addi %add3A_1323, %get3A_1325 : vector<16xi32>
    %get3A_1327 = arith.constant 1616 : index
    %get3A_1328 = tpu.vector_load %arg9[%get3A_1327] {strides = array<i32>} : memref<1792xi32, #tpu.memory_space<vmem>>, vector<16xi32>,
    %add3A_1329 = arith.addi %add3A_1326, %get3A_1328 : vector<16xi32>
    %get3A_1330 = arith.constant 1728 : index
    %get3A_1331 = tpu.vector_load %arg8[%get3A_1330] {strides = array<i32>} : memref<1792xi32, #tpu.memory_space<vmem>>, vector<16xi32>,
    %add3A_1332 = arith.addi %add3A_1329, %get3A_1331 : vector<16xi32>
    %get3A_1333 = arith.constant 1728 : index
    %get3A_1334 = tpu.vector_load %arg9[%get3A_1333] {strides = array<i32>} : memref<1792xi32, #tpu.memory_space<vmem>>, vector<16xi32>,
    %add3A_1335 = arith.addi %add3A_1332, %get3A_1334 : vector<16xi32>
    %swap3A_1336 = arith.constant 48 : index
    %swap3A_1337 = tpu.vector_load %arg12[%swap3A_1336] {strides = array<i32>} : memref<112xi32, #tpu.memory_space<vmem>>, vector<16xi32>,
    tpu.vector_store %arg12[%swap3A_1336], %add3A_1335 {strides = array<i32>} : memref<112xi32, #tpu.memory_space<vmem>>, vector<16xi32>,
    %get3A_1338 = arith.constant 64 : index
    %get3A_1339 = tpu.vector_load %arg8[%get3A_1338] {strides = array<i32>} : memref<1792xi32, #tpu.memory_space<vmem>>, vector<16xi32>,
    %get3A_1340 = arith.constant 64 : index
    %get3A_1341 = tpu.vector_load %arg9[%get3A_1340] {strides = array<i32>} : memref<1792xi32, #tpu.memory_space<vmem>>, vector<16xi32>,
    %add3A_1342 = arith.addi %get3A_1339, %get3A_1341 : vector<16xi32>
    %get3A_1343 = arith.constant 176 : index
    %get3A_1344 = tpu.vector_load %arg8[%get3A_1343] {strides = array<i32>} : memref<1792xi32, #tpu.memory_space<vmem>>, vector<16xi32>,
    %add3A_1345 = arith.addi %add3A_1342, %get3A_1344 : vector<16xi32>
    %get3A_1346 = arith.constant 176 : index
    %get3A_1347 = tpu.vector_load %arg9[%get3A_1346] {strides = array<i32>} : memref<1792xi32, #tpu.memory_space<vmem>>, vector<16xi32>,
    %add3A_1348 = arith.addi %add3A_1345, %get3A_1347 : vector<16xi32>
    %get3A_1349 = arith.constant 288 : index
    %get3A_1350 = tpu.vector_load %arg8[%get3A_1349] {strides = array<i32>} : memref<1792xi32, #tpu.memory_space<vmem>>, vector<16xi32>,
    %add3A_1351 = arith.addi %add3A_1348, %get3A_1350 : vector<16xi32>
    %get3A_1352 = arith.constant 288 : index
    %get3A_1353 = tpu.vector_load %arg9[%get3A_1352] {strides = array<i32>} : memref<1792xi32, #tpu.memory_space<vmem>>, vector<16xi32>,
    %add3A_1354 = arith.addi %add3A_1351, %get3A_1353 : vector<16xi32>
    %get3A_1355 = arith.constant 400 : index
    %get3A_1356 = tpu.vector_load %arg8[%get3A_1355] {strides = array<i32>} : memref<1792xi32, #tpu.memory_space<vmem>>, vector<16xi32>,
    %add3A_1357 = arith.addi %add3A_1354, %get3A_1356 : vector<16xi32>
    %get3A_1358 = arith.constant 400 : index
    %get3A_1359 = tpu.vector_load %arg9[%get3A_1358] {strides = array<i32>} : memref<1792xi32, #tpu.memory_space<vmem>>, vector<16xi32>,
    %add3A_1360 = arith.addi %add3A_1357, %get3A_1359 : vector<16xi32>
    %get3A_1361 = arith.constant 512 : index
    %get3A_1362 = tpu.vector_load %arg8[%get3A_1361] {strides = array<i32>} : memref<1792xi32, #tpu.memory_space<vmem>>, vector<16xi32>,
    %add3A_1363 = arith.addi %add3A_1360, %get3A_1362 : vector<16xi32>
    %get3A_1364 = arith.constant 512 : index
    %get3A_1365 = tpu.vector_load %arg9[%get3A_1364] {strides = array<i32>} : memref<1792xi32, #tpu.memory_space<vmem>>, vector<16xi32>,
    %add3A_1366 = arith.addi %add3A_1363, %get3A_1365 : vector<16xi32>
    %get3A_1367 = arith.constant 624 : index
    %get3A_1368 = tpu.vector_load %arg8[%get3A_1367] {strides = array<i32>} : memref<1792xi32, #tpu.memory_space<vmem>>, vector<16xi32>,
    %add3A_1369 = arith.addi %add3A_1366, %get3A_1368 : vector<16xi32>
    %get3A_1370 = arith.constant 624 : index
    %get3A_1371 = tpu.vector_load %arg9[%get3A_1370] {strides = array<i32>} : memref<1792xi32, #tpu.memory_space<vmem>>, vector<16xi32>,
    %add3A_1372 = arith.addi %add3A_1369, %get3A_1371 : vector<16xi32>
    %get3A_1373 = arith.constant 736 : index
    %get3A_1374 = tpu.vector_load %arg8[%get3A_1373] {strides = array<i32>} : memref<1792xi32, #tpu.memory_space<vmem>>, vector<16xi32>,
    %add3A_1375 = arith.addi %add3A_1372, %get3A_1374 : vector<16xi32>
    %get3A_1376 = arith.constant 736 : index
    %get3A_1377 = tpu.vector_load %arg9[%get3A_1376] {strides = array<i32>} : memref<1792xi32, #tpu.memory_space<vmem>>, vector<16xi32>,
    %add3A_1378 = arith.addi %add3A_1375, %get3A_1377 : vector<16xi32>
    %get3A_1379 = arith.constant 848 : index
    %get3A_1380 = tpu.vector_load %arg8[%get3A_1379] {strides = array<i32>} : memref<1792xi32, #tpu.memory_space<vmem>>, vector<16xi32>,
    %add3A_1381 = arith.addi %add3A_1378, %get3A_1380 : vector<16xi32>
    %get3A_1382 = arith.constant 848 : index
    %get3A_1383 = tpu.vector_load %arg9[%get3A_1382] {strides = array<i32>} : memref<1792xi32, #tpu.memory_space<vmem>>, vector<16xi32>,
    %add3A_1384 = arith.addi %add3A_1381, %get3A_1383 : vector<16xi32>
    %get3A_1385 = arith.constant 960 : index
    %get3A_1386 = tpu.vector_load %arg8[%get3A_1385] {strides = array<i32>} : memref<1792xi32, #tpu.memory_space<vmem>>, vector<16xi32>,
    %add3A_1387 = arith.addi %add3A_1384, %get3A_1386 : vector<16xi32>
    %get3A_1388 = arith.constant 960 : index
    %get3A_1389 = tpu.vector_load %arg9[%get3A_1388] {strides = array<i32>} : memref<1792xi32, #tpu.memory_space<vmem>>, vector<16xi32>,
    %add3A_1390 = arith.addi %add3A_1387, %get3A_1389 : vector<16xi32>
    %get3A_1391 = arith.constant 1072 : index
    %get3A_1392 = tpu.vector_load %arg8[%get3A_1391] {strides = array<i32>} : memref<1792xi32, #tpu.memory_space<vmem>>, vector<16xi32>,
    %add3A_1393 = arith.addi %add3A_1390, %get3A_1392 : vector<16xi32>
    %get3A_1394 = arith.constant 1072 : index
    %get3A_1395 = tpu.vector_load %arg9[%get3A_1394] {strides = array<i32>} : memref<1792xi32, #tpu.memory_space<vmem>>, vector<16xi32>,
    %add3A_1396 = arith.addi %add3A_1393, %get3A_1395 : vector<16xi32>
    %get3A_1397 = arith.constant 1184 : index
    %get3A_1398 = tpu.vector_load %arg8[%get3A_1397] {strides = array<i32>} : memref<1792xi32, #tpu.memory_space<vmem>>, vector<16xi32>,
    %add3A_1399 = arith.addi %add3A_1396, %get3A_1398 : vector<16xi32>
    %get3A_1400 = arith.constant 1184 : index
    %get3A_1401 = tpu.vector_load %arg9[%get3A_1400] {strides = array<i32>} : memref<1792xi32, #tpu.memory_space<vmem>>, vector<16xi32>,
    %add3A_1402 = arith.addi %add3A_1399, %get3A_1401 : vector<16xi32>
    %get3A_1403 = arith.constant 1296 : index
    %get3A_1404 = tpu.vector_load %arg8[%get3A_1403] {strides = array<i32>} : memref<1792xi32, #tpu.memory_space<vmem>>, vector<16xi32>,
    %add3A_1405 = arith.addi %add3A_1402, %get3A_1404 : vector<16xi32>
    %get3A_1406 = arith.constant 1296 : index
    %get3A_1407 = tpu.vector_load %arg9[%get3A_1406] {strides = array<i32>} : memref<1792xi32, #tpu.memory_space<vmem>>, vector<16xi32>,
    %add3A_1408 = arith.addi %add3A_1405, %get3A_1407 : vector<16xi32>
    %get3A_1409 = arith.constant 1408 : index
    %get3A_1410 = tpu.vector_load %arg8[%get3A_1409] {strides = array<i32>} : memref<1792xi32, #tpu.memory_space<vmem>>, vector<16xi32>,
    %add3A_1411 = arith.addi %add3A_1408, %get3A_1410 : vector<16xi32>
    %get3A_1412 = arith.constant 1408 : index
    %get3A_1413 = tpu.vector_load %arg9[%get3A_1412] {strides = array<i32>} : memref<1792xi32, #tpu.memory_space<vmem>>, vector<16xi32>,
    %add3A_1414 = arith.addi %add3A_1411, %get3A_1413 : vector<16xi32>
    %get3A_1415 = arith.constant 1520 : index
    %get3A_1416 = tpu.vector_load %arg8[%get3A_1415] {strides = array<i32>} : memref<1792xi32, #tpu.memory_space<vmem>>, vector<16xi32>,
    %add3A_1417 = arith.addi %add3A_1414, %get3A_1416 : vector<16xi32>
    %get3A_1418 = arith.constant 1520 : index
    %get3A_1419 = tpu.vector_load %arg9[%get3A_1418] {strides = array<i32>} : memref<1792xi32, #tpu.memory_space<vmem>>, vector<16xi32>,
    %add3A_1420 = arith.addi %add3A_1417, %get3A_1419 : vector<16xi32>
    %get3A_1421 = arith.constant 1632 : index
    %get3A_1422 = tpu.vector_load %arg8[%get3A_1421] {strides = array<i32>} : memref<1792xi32, #tpu.memory_space<vmem>>, vector<16xi32>,
    %add3A_1423 = arith.addi %add3A_1420, %get3A_1422 : vector<16xi32>
    %get3A_1424 = arith.constant 1632 : index
    %get3A_1425 = tpu.vector_load %arg9[%get3A_1424] {strides = array<i32>} : memref<1792xi32, #tpu.memory_space<vmem>>, vector<16xi32>,
    %add3A_1426 = arith.addi %add3A_1423, %get3A_1425 : vector<16xi32>
    %get3A_1427 = arith.constant 1744 : index
    %get3A_1428 = tpu.vector_load %arg8[%get3A_1427] {strides = array<i32>} : memref<1792xi32, #tpu.memory_space<vmem>>, vector<16xi32>,
    %add3A_1429 = arith.addi %add3A_1426, %get3A_1428 : vector<16xi32>
    %get3A_1430 = arith.constant 1744 : index
    %get3A_1431 = tpu.vector_load %arg9[%get3A_1430] {strides = array<i32>} : memref<1792xi32, #tpu.memory_space<vmem>>, vector<16xi32>,
    %add3A_1432 = arith.addi %add3A_1429, %get3A_1431 : vector<16xi32>
    %swap3A_1433 = arith.constant 64 : index
    %swap3A_1434 = tpu.vector_load %arg12[%swap3A_1433] {strides = array<i32>} : memref<112xi32, #tpu.memory_space<vmem>>, vector<16xi32>,
    tpu.vector_store %arg12[%swap3A_1433], %add3A_1432 {strides = array<i32>} : memref<112xi32, #tpu.memory_space<vmem>>, vector<16xi32>,
    %get3A_1435 = arith.constant 80 : index
    %get3A_1436 = tpu.vector_load %arg8[%get3A_1435] {strides = array<i32>} : memref<1792xi32, #tpu.memory_space<vmem>>, vector<16xi32>,
    %get3A_1437 = arith.constant 80 : index
    %get3A_1438 = tpu.vector_load %arg9[%get3A_1437] {strides = array<i32>} : memref<1792xi32, #tpu.memory_space<vmem>>, vector<16xi32>,
    %add3A_1439 = arith.addi %get3A_1436, %get3A_1438 : vector<16xi32>
    %get3A_1440 = arith.constant 192 : index
    %get3A_1441 = tpu.vector_load %arg8[%get3A_1440] {strides = array<i32>} : memref<1792xi32, #tpu.memory_space<vmem>>, vector<16xi32>,
    %add3A_1442 = arith.addi %add3A_1439, %get3A_1441 : vector<16xi32>
    %get3A_1443 = arith.constant 192 : index
    %get3A_1444 = tpu.vector_load %arg9[%get3A_1443] {strides = array<i32>} : memref<1792xi32, #tpu.memory_space<vmem>>, vector<16xi32>,
    %add3A_1445 = arith.addi %add3A_1442, %get3A_1444 : vector<16xi32>
    %get3A_1446 = arith.constant 304 : index
    %get3A_1447 = tpu.vector_load %arg8[%get3A_1446] {strides = array<i32>} : memref<1792xi32, #tpu.memory_space<vmem>>, vector<16xi32>,
    %add3A_1448 = arith.addi %add3A_1445, %get3A_1447 : vector<16xi32>
    %get3A_1449 = arith.constant 304 : index
    %get3A_1450 = tpu.vector_load %arg9[%get3A_1449] {strides = array<i32>} : memref<1792xi32, #tpu.memory_space<vmem>>, vector<16xi32>,
    %add3A_1451 = arith.addi %add3A_1448, %get3A_1450 : vector<16xi32>
    %get3A_1452 = arith.constant 416 : index
    %get3A_1453 = tpu.vector_load %arg8[%get3A_1452] {strides = array<i32>} : memref<1792xi32, #tpu.memory_space<vmem>>, vector<16xi32>,
    %add3A_1454 = arith.addi %add3A_1451, %get3A_1453 : vector<16xi32>
    %get3A_1455 = arith.constant 416 : index
    %get3A_1456 = tpu.vector_load %arg9[%get3A_1455] {strides = array<i32>} : memref<1792xi32, #tpu.memory_space<vmem>>, vector<16xi32>,
    %add3A_1457 = arith.addi %add3A_1454, %get3A_1456 : vector<16xi32>
    %get3A_1458 = arith.constant 528 : index
    %get3A_1459 = tpu.vector_load %arg8[%get3A_1458] {strides = array<i32>} : memref<1792xi32, #tpu.memory_space<vmem>>, vector<16xi32>,
    %add3A_1460 = arith.addi %add3A_1457, %get3A_1459 : vector<16xi32>
    %get3A_1461 = arith.constant 528 : index
    %get3A_1462 = tpu.vector_load %arg9[%get3A_1461] {strides = array<i32>} : memref<1792xi32, #tpu.memory_space<vmem>>, vector<16xi32>,
    %add3A_1463 = arith.addi %add3A_1460, %get3A_1462 : vector<16xi32>
    %get3A_1464 = arith.constant 640 : index
    %get3A_1465 = tpu.vector_load %arg8[%get3A_1464] {strides = array<i32>} : memref<1792xi32, #tpu.memory_space<vmem>>, vector<16xi32>,
    %add3A_1466 = arith.addi %add3A_1463, %get3A_1465 : vector<16xi32>
    %get3A_1467 = arith.constant 640 : index
    %get3A_1468 = tpu.vector_load %arg9[%get3A_1467] {strides = array<i32>} : memref<1792xi32, #tpu.memory_space<vmem>>, vector<16xi32>,
    %add3A_1469 = arith.addi %add3A_1466, %get3A_1468 : vector<16xi32>
    %get3A_1470 = arith.constant 752 : index
    %get3A_1471 = tpu.vector_load %arg8[%get3A_1470] {strides = array<i32>} : memref<1792xi32, #tpu.memory_space<vmem>>, vector<16xi32>,
    %add3A_1472 = arith.addi %add3A_1469, %get3A_1471 : vector<16xi32>
    %get3A_1473 = arith.constant 752 : index
    %get3A_1474 = tpu.vector_load %arg9[%get3A_1473] {strides = array<i32>} : memref<1792xi32, #tpu.memory_space<vmem>>, vector<16xi32>,
    %add3A_1475 = arith.addi %add3A_1472, %get3A_1474 : vector<16xi32>
    %get3A_1476 = arith.constant 864 : index
    %get3A_1477 = tpu.vector_load %arg8[%get3A_1476] {strides = array<i32>} : memref<1792xi32, #tpu.memory_space<vmem>>, vector<16xi32>,
    %add3A_1478 = arith.addi %add3A_1475, %get3A_1477 : vector<16xi32>
    %get3A_1479 = arith.constant 864 : index
    %get3A_1480 = tpu.vector_load %arg9[%get3A_1479] {strides = array<i32>} : memref<1792xi32, #tpu.memory_space<vmem>>, vector<16xi32>,
    %add3A_1481 = arith.addi %add3A_1478, %get3A_1480 : vector<16xi32>
    %get3A_1482 = arith.constant 976 : index
    %get3A_1483 = tpu.vector_load %arg8[%get3A_1482] {strides = array<i32>} : memref<1792xi32, #tpu.memory_space<vmem>>, vector<16xi32>,
    %add3A_1484 = arith.addi %add3A_1481, %get3A_1483 : vector<16xi32>
    %get3A_1485 = arith.constant 976 : index
    %get3A_1486 = tpu.vector_load %arg9[%get3A_1485] {strides = array<i32>} : memref<1792xi32, #tpu.memory_space<vmem>>, vector<16xi32>,
    %add3A_1487 = arith.addi %add3A_1484, %get3A_1486 : vector<16xi32>
    %get3A_1488 = arith.constant 1088 : index
    %get3A_1489 = tpu.vector_load %arg8[%get3A_1488] {strides = array<i32>} : memref<1792xi32, #tpu.memory_space<vmem>>, vector<16xi32>,
    %add3A_1490 = arith.addi %add3A_1487, %get3A_1489 : vector<16xi32>
    %get3A_1491 = arith.constant 1088 : index
    %get3A_1492 = tpu.vector_load %arg9[%get3A_1491] {strides = array<i32>} : memref<1792xi32, #tpu.memory_space<vmem>>, vector<16xi32>,
    %add3A_1493 = arith.addi %add3A_1490, %get3A_1492 : vector<16xi32>
    %get3A_1494 = arith.constant 1200 : index
    %get3A_1495 = tpu.vector_load %arg8[%get3A_1494] {strides = array<i32>} : memref<1792xi32, #tpu.memory_space<vmem>>, vector<16xi32>,
    %add3A_1496 = arith.addi %add3A_1493, %get3A_1495 : vector<16xi32>
    %get3A_1497 = arith.constant 1200 : index
    %get3A_1498 = tpu.vector_load %arg9[%get3A_1497] {strides = array<i32>} : memref<1792xi32, #tpu.memory_space<vmem>>, vector<16xi32>,
    %add3A_1499 = arith.addi %add3A_1496, %get3A_1498 : vector<16xi32>
    %get3A_1500 = arith.constant 1312 : index
    %get3A_1501 = tpu.vector_load %arg8[%get3A_1500] {strides = array<i32>} : memref<1792xi32, #tpu.memory_space<vmem>>, vector<16xi32>,
    %add3A_1502 = arith.addi %add3A_1499, %get3A_1501 : vector<16xi32>
    %get3A_1503 = arith.constant 1312 : index
    %get3A_1504 = tpu.vector_load %arg9[%get3A_1503] {strides = array<i32>} : memref<1792xi32, #tpu.memory_space<vmem>>, vector<16xi32>,
    %add3A_1505 = arith.addi %add3A_1502, %get3A_1504 : vector<16xi32>
    %get3A_1506 = arith.constant 1424 : index
    %get3A_1507 = tpu.vector_load %arg8[%get3A_1506] {strides = array<i32>} : memref<1792xi32, #tpu.memory_space<vmem>>, vector<16xi32>,
    %add3A_1508 = arith.addi %add3A_1505, %get3A_1507 : vector<16xi32>
    %get3A_1509 = arith.constant 1424 : index
    %get3A_1510 = tpu.vector_load %arg9[%get3A_1509] {strides = array<i32>} : memref<1792xi32, #tpu.memory_space<vmem>>, vector<16xi32>,
    %add3A_1511 = arith.addi %add3A_1508, %get3A_1510 : vector<16xi32>
    %get3A_1512 = arith.constant 1536 : index
    %get3A_1513 = tpu.vector_load %arg8[%get3A_1512] {strides = array<i32>} : memref<1792xi32, #tpu.memory_space<vmem>>, vector<16xi32>,
    %add3A_1514 = arith.addi %add3A_1511, %get3A_1513 : vector<16xi32>
    %get3A_1515 = arith.constant 1536 : index
    %get3A_1516 = tpu.vector_load %arg9[%get3A_1515] {strides = array<i32>} : memref<1792xi32, #tpu.memory_space<vmem>>, vector<16xi32>,
    %add3A_1517 = arith.addi %add3A_1514, %get3A_1516 : vector<16xi32>
    %get3A_1518 = arith.constant 1648 : index
    %get3A_1519 = tpu.vector_load %arg8[%get3A_1518] {strides = array<i32>} : memref<1792xi32, #tpu.memory_space<vmem>>, vector<16xi32>,
    %add3A_1520 = arith.addi %add3A_1517, %get3A_1519 : vector<16xi32>
    %get3A_1521 = arith.constant 1648 : index
    %get3A_1522 = tpu.vector_load %arg9[%get3A_1521] {strides = array<i32>} : memref<1792xi32, #tpu.memory_space<vmem>>, vector<16xi32>,
    %add3A_1523 = arith.addi %add3A_1520, %get3A_1522 : vector<16xi32>
    %get3A_1524 = arith.constant 1760 : index
    %get3A_1525 = tpu.vector_load %arg8[%get3A_1524] {strides = array<i32>} : memref<1792xi32, #tpu.memory_space<vmem>>, vector<16xi32>,
    %add3A_1526 = arith.addi %add3A_1523, %get3A_1525 : vector<16xi32>
    %get3A_1527 = arith.constant 1760 : index
    %get3A_1528 = tpu.vector_load %arg9[%get3A_1527] {strides = array<i32>} : memref<1792xi32, #tpu.memory_space<vmem>>, vector<16xi32>,
    %add3A_1529 = arith.addi %add3A_1526, %get3A_1528 : vector<16xi32>
    %swap3A_1530 = arith.constant 80 : index
    %swap3A_1531 = tpu.vector_load %arg12[%swap3A_1530] {strides = array<i32>} : memref<112xi32, #tpu.memory_space<vmem>>, vector<16xi32>,
    tpu.vector_store %arg12[%swap3A_1530], %add3A_1529 {strides = array<i32>} : memref<112xi32, #tpu.memory_space<vmem>>, vector<16xi32>,
    %get3A_1532 = arith.constant 96 : index
    %get3A_1533 = tpu.vector_load %arg8[%get3A_1532] {strides = array<i32>} : memref<1792xi32, #tpu.memory_space<vmem>>, vector<16xi32>,
    %get3A_1534 = arith.constant 96 : index
    %get3A_1535 = tpu.vector_load %arg9[%get3A_1534] {strides = array<i32>} : memref<1792xi32, #tpu.memory_space<vmem>>, vector<16xi32>,
    %add3A_1536 = arith.addi %get3A_1533, %get3A_1535 : vector<16xi32>
    %get3A_1537 = arith.constant 208 : index
    %get3A_1538 = tpu.vector_load %arg8[%get3A_1537] {strides = array<i32>} : memref<1792xi32, #tpu.memory_space<vmem>>, vector<16xi32>,
    %add3A_1539 = arith.addi %add3A_1536, %get3A_1538 : vector<16xi32>
    %get3A_1540 = arith.constant 208 : index
    %get3A_1541 = tpu.vector_load %arg9[%get3A_1540] {strides = array<i32>} : memref<1792xi32, #tpu.memory_space<vmem>>, vector<16xi32>,
    %add3A_1542 = arith.addi %add3A_1539, %get3A_1541 : vector<16xi32>
    %get3A_1543 = arith.constant 320 : index
    %get3A_1544 = tpu.vector_load %arg8[%get3A_1543] {strides = array<i32>} : memref<1792xi32, #tpu.memory_space<vmem>>, vector<16xi32>,
    %add3A_1545 = arith.addi %add3A_1542, %get3A_1544 : vector<16xi32>
    %get3A_1546 = arith.constant 320 : index
    %get3A_1547 = tpu.vector_load %arg9[%get3A_1546] {strides = array<i32>} : memref<1792xi32, #tpu.memory_space<vmem>>, vector<16xi32>,
    %add3A_1548 = arith.addi %add3A_1545, %get3A_1547 : vector<16xi32>
    %get3A_1549 = arith.constant 432 : index
    %get3A_1550 = tpu.vector_load %arg8[%get3A_1549] {strides = array<i32>} : memref<1792xi32, #tpu.memory_space<vmem>>, vector<16xi32>,
    %add3A_1551 = arith.addi %add3A_1548, %get3A_1550 : vector<16xi32>
    %get3A_1552 = arith.constant 432 : index
    %get3A_1553 = tpu.vector_load %arg9[%get3A_1552] {strides = array<i32>} : memref<1792xi32, #tpu.memory_space<vmem>>, vector<16xi32>,
    %add3A_1554 = arith.addi %add3A_1551, %get3A_1553 : vector<16xi32>
    %get3A_1555 = arith.constant 544 : index
    %get3A_1556 = tpu.vector_load %arg8[%get3A_1555] {strides = array<i32>} : memref<1792xi32, #tpu.memory_space<vmem>>, vector<16xi32>,
    %add3A_1557 = arith.addi %add3A_1554, %get3A_1556 : vector<16xi32>
    %get3A_1558 = arith.constant 544 : index
    %get3A_1559 = tpu.vector_load %arg9[%get3A_1558] {strides = array<i32>} : memref<1792xi32, #tpu.memory_space<vmem>>, vector<16xi32>,
    %add3A_1560 = arith.addi %add3A_1557, %get3A_1559 : vector<16xi32>
    %get3A_1561 = arith.constant 656 : index
    %get3A_1562 = tpu.vector_load %arg8[%get3A_1561] {strides = array<i32>} : memref<1792xi32, #tpu.memory_space<vmem>>, vector<16xi32>,
    %add3A_1563 = arith.addi %add3A_1560, %get3A_1562 : vector<16xi32>
    %get3A_1564 = arith.constant 656 : index
    %get3A_1565 = tpu.vector_load %arg9[%get3A_1564] {strides = array<i32>} : memref<1792xi32, #tpu.memory_space<vmem>>, vector<16xi32>,
    %add3A_1566 = arith.addi %add3A_1563, %get3A_1565 : vector<16xi32>
    %get3A_1567 = arith.constant 768 : index
    %get3A_1568 = tpu.vector_load %arg8[%get3A_1567] {strides = array<i32>} : memref<1792xi32, #tpu.memory_space<vmem>>, vector<16xi32>,
    %add3A_1569 = arith.addi %add3A_1566, %get3A_1568 : vector<16xi32>
    %get3A_1570 = arith.constant 768 : index
    %get3A_1571 = tpu.vector_load %arg9[%get3A_1570] {strides = array<i32>} : memref<1792xi32, #tpu.memory_space<vmem>>, vector<16xi32>,
    %add3A_1572 = arith.addi %add3A_1569, %get3A_1571 : vector<16xi32>
    %get3A_1573 = arith.constant 880 : index
    %get3A_1574 = tpu.vector_load %arg8[%get3A_1573] {strides = array<i32>} : memref<1792xi32, #tpu.memory_space<vmem>>, vector<16xi32>,
    %add3A_1575 = arith.addi %add3A_1572, %get3A_1574 : vector<16xi32>
    %get3A_1576 = arith.constant 880 : index
    %get3A_1577 = tpu.vector_load %arg9[%get3A_1576] {strides = array<i32>} : memref<1792xi32, #tpu.memory_space<vmem>>, vector<16xi32>,
    %add3A_1578 = arith.addi %add3A_1575, %get3A_1577 : vector<16xi32>
    %get3A_1579 = arith.constant 992 : index
    %get3A_1580 = tpu.vector_load %arg8[%get3A_1579] {strides = array<i32>} : memref<1792xi32, #tpu.memory_space<vmem>>, vector<16xi32>,
    %add3A_1581 = arith.addi %add3A_1578, %get3A_1580 : vector<16xi32>
    %get3A_1582 = arith.constant 992 : index
    %get3A_1583 = tpu.vector_load %arg9[%get3A_1582] {strides = array<i32>} : memref<1792xi32, #tpu.memory_space<vmem>>, vector<16xi32>,
    %add3A_1584 = arith.addi %add3A_1581, %get3A_1583 : vector<16xi32>
    %get3A_1585 = arith.constant 1104 : index
    %get3A_1586 = tpu.vector_load %arg8[%get3A_1585] {strides = array<i32>} : memref<1792xi32, #tpu.memory_space<vmem>>, vector<16xi32>,
    %add3A_1587 = arith.addi %add3A_1584, %get3A_1586 : vector<16xi32>
    %get3A_1588 = arith.constant 1104 : index
    %get3A_1589 = tpu.vector_load %arg9[%get3A_1588] {strides = array<i32>} : memref<1792xi32, #tpu.memory_space<vmem>>, vector<16xi32>,
    %add3A_1590 = arith.addi %add3A_1587, %get3A_1589 : vector<16xi32>
    %get3A_1591 = arith.constant 1216 : index
    %get3A_1592 = tpu.vector_load %arg8[%get3A_1591] {strides = array<i32>} : memref<1792xi32, #tpu.memory_space<vmem>>, vector<16xi32>,
    %add3A_1593 = arith.addi %add3A_1590, %get3A_1592 : vector<16xi32>
    %get3A_1594 = arith.constant 1216 : index
    %get3A_1595 = tpu.vector_load %arg9[%get3A_1594] {strides = array<i32>} : memref<1792xi32, #tpu.memory_space<vmem>>, vector<16xi32>,
    %add3A_1596 = arith.addi %add3A_1593, %get3A_1595 : vector<16xi32>
    %get3A_1597 = arith.constant 1328 : index
    %get3A_1598 = tpu.vector_load %arg8[%get3A_1597] {strides = array<i32>} : memref<1792xi32, #tpu.memory_space<vmem>>, vector<16xi32>,
    %add3A_1599 = arith.addi %add3A_1596, %get3A_1598 : vector<16xi32>
    %get3A_1600 = arith.constant 1328 : index
    %get3A_1601 = tpu.vector_load %arg9[%get3A_1600] {strides = array<i32>} : memref<1792xi32, #tpu.memory_space<vmem>>, vector<16xi32>,
    %add3A_1602 = arith.addi %add3A_1599, %get3A_1601 : vector<16xi32>
    %get3A_1603 = arith.constant 1440 : index
    %get3A_1604 = tpu.vector_load %arg8[%get3A_1603] {strides = array<i32>} : memref<1792xi32, #tpu.memory_space<vmem>>, vector<16xi32>,
    %add3A_1605 = arith.addi %add3A_1602, %get3A_1604 : vector<16xi32>
    %get3A_1606 = arith.constant 1440 : index
    %get3A_1607 = tpu.vector_load %arg9[%get3A_1606] {strides = array<i32>} : memref<1792xi32, #tpu.memory_space<vmem>>, vector<16xi32>,
    %add3A_1608 = arith.addi %add3A_1605, %get3A_1607 : vector<16xi32>
    %get3A_1609 = arith.constant 1552 : index
    %get3A_1610 = tpu.vector_load %arg8[%get3A_1609] {strides = array<i32>} : memref<1792xi32, #tpu.memory_space<vmem>>, vector<16xi32>,
    %add3A_1611 = arith.addi %add3A_1608, %get3A_1610 : vector<16xi32>
    %get3A_1612 = arith.constant 1552 : index
    %get3A_1613 = tpu.vector_load %arg9[%get3A_1612] {strides = array<i32>} : memref<1792xi32, #tpu.memory_space<vmem>>, vector<16xi32>,
    %add3A_1614 = arith.addi %add3A_1611, %get3A_1613 : vector<16xi32>
    %get3A_1615 = arith.constant 1664 : index
    %get3A_1616 = tpu.vector_load %arg8[%get3A_1615] {strides = array<i32>} : memref<1792xi32, #tpu.memory_space<vmem>>, vector<16xi32>,
    %add3A_1617 = arith.addi %add3A_1614, %get3A_1616 : vector<16xi32>
    %get3A_1618 = arith.constant 1664 : index
    %get3A_1619 = tpu.vector_load %arg9[%get3A_1618] {strides = array<i32>} : memref<1792xi32, #tpu.memory_space<vmem>>, vector<16xi32>,
    %add3A_1620 = arith.addi %add3A_1617, %get3A_1619 : vector<16xi32>
    %get3A_1621 = arith.constant 1776 : index
    %get3A_1622 = tpu.vector_load %arg8[%get3A_1621] {strides = array<i32>} : memref<1792xi32, #tpu.memory_space<vmem>>, vector<16xi32>,
    %add3A_1623 = arith.addi %add3A_1620, %get3A_1622 : vector<16xi32>
    %get3A_1624 = arith.constant 1776 : index
    %get3A_1625 = tpu.vector_load %arg9[%get3A_1624] {strides = array<i32>} : memref<1792xi32, #tpu.memory_space<vmem>>, vector<16xi32>,
    %add3A_1626 = arith.addi %add3A_1623, %get3A_1625 : vector<16xi32>
    %swap3A_1627 = arith.constant 96 : index
    %swap3A_1628 = tpu.vector_load %arg12[%swap3A_1627] {strides = array<i32>} : memref<112xi32, #tpu.memory_space<vmem>>, vector<16xi32>,
    tpu.vector_store %arg12[%swap3A_1627], %add3A_1626 {strides = array<i32>} : memref<112xi32, #tpu.memory_space<vmem>>, vector<16xi32>,
    "tpu.region"() ({
      %run_scoped3A = tpu.sem_alloc : memref<!tpu.dma_semaphore, #tpu.memory_space<semaphore_mem>>
      %dma_start3A_1629 = arith.constant 0 : i32
      %dma_start3A_1630 = tpu.memref_slice %arg5[%add3A, %dma_start3A_1629] : memref<32x112xi32, #tpu.memory_space<hbm>> -> memref<1x112xi32, #tpu.memory_space<hbm>>
      %dma_start3A_1631 = tpu.memref_squeeze %dma_start3A_1630 : memref<1x112xi32, #tpu.memory_space<hbm>> -> memref<112xi32, #tpu.memory_space<hbm>>
      %dma_start3A_1632 = arith.constant 0 : i32
      %dma_start3A_1633 = tpu.memref_slice %arg5[%add3A, %dma_start3A_1632] : memref<32x112xi32, #tpu.memory_space<hbm>> -> memref<1x112xi32, #tpu.memory_space<hbm>>
      %dma_start3A_1634 = tpu.memref_squeeze %dma_start3A_1633 : memref<1x112xi32, #tpu.memory_space<hbm>> -> memref<112xi32, #tpu.memory_space<hbm>>
      tpu.enqueue_dma source(%arg12 : memref<112xi32, #tpu.memory_space<vmem>>) target(%dma_start3A_1634 : memref<112xi32, #tpu.memory_space<hbm>>) target_semaphore(%run_scoped3A : memref<!tpu.dma_semaphore, #tpu.memory_space<semaphore_mem>>)
      %dma_wait3A_1635 = arith.constant 0 : i32
      %dma_wait3A_1636 = tpu.memref_slice %arg5[%add3A, %dma_wait3A_1635] : memref<32x112xi32, #tpu.memory_space<hbm>> -> memref<1x112xi32, #tpu.memory_space<hbm>>
      %dma_wait3A_1637 = tpu.memref_squeeze %dma_wait3A_1636 : memref<1x112xi32, #tpu.memory_space<hbm>> -> memref<112xi32, #tpu.memory_space<hbm>>
      %dma_wait3A_1638 = arith.constant 0 : i32
      %dma_wait3A_1639 = tpu.memref_slice %arg5[%add3A, %dma_wait3A_1638] : memref<32x112xi32, #tpu.memory_space<hbm>> -> memref<1x112xi32, #tpu.memory_space<hbm>>
      %dma_wait3A_1640 = tpu.memref_squeeze %dma_wait3A_1639 : memref<1x112xi32, #tpu.memory_space<hbm>> -> memref<112xi32, #tpu.memory_space<hbm>>
      tpu.wait_dma2 semaphore(%run_scoped3A : memref<!tpu.dma_semaphore, #tpu.memory_space<semaphore_mem>>) src(%arg12 : memref<112xi32, #tpu.memory_space<vmem>>) dst(%dma_wait3A_1640 : memref<112xi32, #tpu.memory_space<hbm>>)
      tpu.yield
    }) : () -> ()
    return
  }
}

</mosaic_0001>

<sc_bundles>
// kernel: kernel.4.cloned.1.call-start
scs
__scs_entry_jumppad:
0x0: {  	(pc) =	sbr.rel $0x88, $3  }
0x1: {  	(tag) =	ssettag $0x0;
	lr =	simm.s32 $0x1  }
0x2: {  	[smem:$0x3F9D] =	sst lr;
	_ =	strace $0xD0000000  }
0x3: {  	_ = 	snop  }
0x4: {  	_ = 	snop  }
0x5: {  	_ = 	snop  }
0x6: {  	_ = 	snop  }
0x7: {  	_ = 	snop  }
__scs_overlays_trampoline_lowered:
0x8: {  	[smem:$0x3FAC] =	sst s0  }
0x9: {  	[smem:$0x3FAD] =	sst s1  }
0xa: {  	[smem:$0x3FAE] =	sst s2  }
0xb: {  	[smem:$0x3FAF] =	sst s3  }
0xc: {  	[smem:$0x3FB0] =	sst s4  }
0xd: {  	[smem:$0x3FB1] =	sst s5  }
0xe: {  	[smem:$0x3FB2] =	sst s6  }
0xf: {  	[smem:$0x3FB3] =	sst s7  }
0x10: {  	[smem:$0x3FB4] =	sst s8  }
0x11: {  	[smem:$0x3FB5] =	sst s9;
	s0 =	simm.s32 @!p0 $0x0  }
0x12: {  	s1 =	sld [smem:$0x3F9B];
	s0 =	simm.s32 @p0 $0x1  }
0x13: {  	[smem:$0x3FB6] =	sst s0;
	s0 =	simm.s32 @!p1 $0x0  }
0x14: {  	s2 =	sld [smem:$0x3F9A];
	s0 =	simm.s32 @p1 $0x1  }
0x15: {  	[smem:$0x3FB7] =	sst s0;
	s0 =	simm.s32 @!p2 $0x0  }
0x16: {  	s3 =	sld [smem:$0x3FDB];
	s0 =	simm.s32 @p2 $0x1  }
0x17: {  	s4 =	simm.s32 $0x1BF5;
	[smem:$0x3FB9] =	sst s0  }
0x18: {  	s0 =	sld [smem:$0x3F9C];
	_ =	swait.ge [sflag:s4], $0x0  }
0x19: {  	s7 =	sld [smem:$0x3F9D]  }
0x1a: {  	s8 =	sadd.s32 $0xFFFFE003, lr  }
0x1b: {  	s9 =	sadd.s32 $0xFFFFFEF7, lr;
	s5 =	simm.s32 $0xFFFFFFFF;
	p2 =	slt.u32 s8, $0xFFFFF086  }
0x1c: {  	p1 =	slt.u32 s9, $0xF7A;
	s5 =	simm.s32 @!p2 $0x0  }
0x1d: {  	s5 =	simm.s32 @p1 $0x1;
	p0 =	seq.s32 s7, s2  }
0x1e: {  	s7 =	smul.u32 @!p0 $0xF7A, s2;
	p2 =	seq.s32 @!p0 s5, $0x0  }
0x1f: {  	s9 =	smul.u32 $0xF7A, s1;
	s8 =	simm.s32 @!p0 $0x1BF5;
	p2 =	por !p2, p0  }
0x20: {  	[sflag:s8] =	ssyncset.s32 @!p0 $0xFFFFF086;
	s6 =	sadd.s32 @!p0 s3, s7;
	s7 =	simm.s32 @!p0 $0x108  }
0x21: {  	s3 =	sadd.s32 s3, s9;
	s6 =	sadd.s32 @!p0 $0x88, s6;
	s7 =	simm.s32 @p2 $0x1082  }
0x22: {  	[simem:s7], [sflag:s8] =	dma.local @!p0 [hbm:s6], $0xF7A  }
0x23: {  	s9 =	sor.u32 $0xD0000000, s2;
	s6 =	simm.s32 $0x108;
	_ =	swait.ge @!p0 [sflag:s8], $0x0  }
0x24: {  	s3 =	sadd.s32 $0x88, s3;
	s6 =	simm.s32 @!p1 $0x1082;
	[sflag:s4] =	ssyncset.s32 $0xFFFFF086  }
0x25: {  	[simem:s6], [sflag:s4] =	dma.local [hbm:s3], $0xF7A  }
0x26: {  	[smem:$0x3F9D] =	sst s1;
	(tag) =	ssettag s2;
	_ =	strace s9  }
0x27: {  	s1 =	sld [smem:$0x3FAD]  }
0x28: {  	s2 =	sld [smem:$0x3FAE]  }
0x29: {  	s4 =	sld [smem:$0x3FB0]  }
0x2a: {  	p0 =	seq.s32 s5, $0x0;
	s5 =	sld [smem:$0x3FB1]  }
0x2b: {  	s6 =	sld [smem:$0x3FB2]  }
0x2c: {  	s7 =	sld [smem:$0x3FB3]  }
0x2d: {  	s3 =	simm.s32 $0x108;
	s8 =	sld [smem:$0x3FB4]  }
0x2e: {  	s3 =	simm.s32 @!p0 $0x1082;
	s9 =	sld [smem:$0x3FB5]  }
0x2f: {  	lr =	sadd.s32 s0, s3;
	s0 =	sld [smem:$0x3FAC]  }
0x30: {  	s3 =	sld [smem:$0x3FAF]  }
0x31: {  	[smem:$0x3FB8] =	sst s10  }
0x32: {  	s10 =	sld [smem:$0x3FB6];
	_ =	sdelay $0x3  }
0x33: {  	p0 =	seq.s32 s10, $0x1;
	s10 =	sld [smem:$0x3FB8];
	_ =	sdelay $0x3  }
0x34: {  	[smem:$0x3FB8] =	sst s10  }
0x35: {  	s10 =	sld [smem:$0x3FB7];
	_ =	sdelay $0x3  }
0x36: {  	p1 =	seq.s32 s10, $0x1;
	s10 =	sld [smem:$0x3FB8];
	_ =	sdelay $0x3  }
0x37: {  	[smem:$0x3FB8] =	sst s10  }
0x38: {  	s10 =	sld [smem:$0x3FB9]  }
0x39: {  	_ = 	snop;
	(pc) =	sbr.ind lr, $3  }
0x3a: {  	_ = 	snop  }
0x3b: {  	_ = 	snop  }
0x3c: {  	p2 =	seq.s32 s10, $0x1;
	s10 =	sld [smem:$0x3FB8]  }
0x3d: {  	_ =	shalt  }
0x3e: {  	_ =	shalt  }
0x3f: {  	_ =	shalt  }
0x40: {  	_ =	shalt  }
0x41: {  	_ =	shalt  }
0x42: {  	_ =	shalt  }
0x43: {  	_ =	shalt  }
0x44: {  	_ =	shalt  }
0x45: {  	_ =	shalt  }
0x46: {  	_ =	shalt  }
0x47: {  	_ =	shalt  }
0x48: {  	_ =	shalt  }
0x49: {  	_ =	shalt  }
0x4a: {  	_ =	shalt  }
0x4b: {  	_ =	shalt  }
0x4c: {  	_ =	shalt  }
0x4d: {  	_ =	shalt  }
0x4e: {  	_ =	shalt  }
0x4f: {  	_ =	shalt  }
0x50: {  	_ =	shalt  }
0x51: {  	_ =	shalt  }
0x52: {  	_ =	shalt  }
0x53: {  	_ =	shalt  }
0x54: {  	_ =	shalt  }
0x55: {  	_ =	shalt  }
0x56: {  	_ =	shalt  }
0x57: {  	_ =	shalt  }
0x58: {  	_ =	shalt  }
0x59: {  	_ =	shalt  }
0x5a: {  	_ =	shalt  }
0x5b: {  	_ =	shalt  }
0x5c: {  	_ =	shalt  }
0x5d: {  	_ =	shalt  }
0x5e: {  	_ =	shalt  }
0x5f: {  	_ =	shalt  }
0x60: {  	_ =	shalt  }
0x61: {  	_ =	shalt  }
0x62: {  	_ =	shalt  }
0x63: {  	_ =	shalt  }
0x64: {  	_ =	shalt  }
0x65: {  	_ =	shalt  }
0x66: {  	_ =	shalt  }
0x67: {  	_ =	shalt  }
0x68: {  	_ =	shalt  }
0x69: {  	_ =	shalt  }
0x6a: {  	_ =	shalt  }
0x6b: {  	_ =	shalt  }
0x6c: {  	_ =	shalt  }
0x6d: {  	_ =	shalt  }
0x6e: {  	_ =	shalt  }
0x6f: {  	_ =	shalt  }
0x70: {  	_ =	shalt  }
0x71: {  	_ =	shalt  }
0x72: {  	_ =	shalt  }
0x73: {  	_ =	shalt  }
0x74: {  	_ =	shalt  }
0x75: {  	_ =	shalt  }
0x76: {  	_ =	shalt  }
0x77: {  	_ =	shalt  }
0x78: {  	_ =	shalt  }
0x79: {  	_ =	shalt  }
0x7a: {  	_ =	shalt  }
0x7b: {  	_ =	shalt  }
0x7c: {  	_ =	shalt  }
0x7d: {  	_ =	shalt  }
0x7e: {  	_ =	shalt  }
0x7f: {  	_ =	shalt  }
0x80: {  	_ =	shalt  }
0x81: {  	_ =	shalt  }
0x82: {  	_ =	shalt  }
0x83: {  	_ =	shalt  }
0x84: {  	_ =	shalt  }
0x85: {  	_ =	shalt  }
0x86: {  	_ =	shalt  }
0x87: {  	_ =	shalt  }
.Lfunc_end0:
.L_simem_size_0:
called_computation_lowered:
.L_overlay_start_0:
0x88: {  	s2 =	sld [smem:$0x3FD9]  }
0x89: {  	s3 =	sld [smem:$0x3FFE];
	_ =	sdelay $0x1  }
0x8a: {  	s1 =	srdreg.scid  }
0x8b: {  	s0 =	sand.u32 $0x1, s1  }
0x8c: {  	s17 =	sshll.u32 s0, $0xA;
	s2 =	sadd.s32 s3, s2  }
0x8d: {  	s2 =	sadd.s32 s2, s17  }
0x8e: {  	[smem:$0x3FC4] =	sst s2  }
0x8f: {  	_ = 	snop  }
0x90: {  	s2 =	sld [smem:$0x3FC9];
	(tm) =	ssettm $0x1  }
0x91: {  	s18 =	sld [smem:$0x3FFB];
	_ =	sdelay $0x3  }
0x92: {  	_ =	strace s18  }
0x93: {  	s3 =	sld [smem:$0x3FFC];
	_ =	sdelay $0x3  }
0x94: {  	_ =	strace s3  }
0x95: {  	s3 =	sld [smem:$0x3FFD];
	_ =	sdelay $0x3  }
0x96: {  	_ =	strace s3  }
0x97: {  	_ =	strace $0x8FFFFFFF  }
0x98: {  	s19 =	sld [smem:$0x3FDB];
	_ =	sdelay $0x1  }
0x99: {  	s4 =	simm.s32 $_scs_section_size  }
0x9a: {  	s5 =	simm.s32 $_size__tile_overlayer_lowered;
	s6 =	simm.s32 $_tile_overlayer_lowered  }
0x9b: {  	s22 =	simm.s32 $0x1BFF;
	s21 =	sshll.u32 s6, $0x1;
	s3 =	sadd.s32 s4, s19  }
0x9c: {  	s7 =	simm.s32 $0x0;
	s20 =	sshll.u32 s5, $0x1;
	s5 =	sadd.s32 s21, s3  }
0x9d: {  	[timem:s7], [sflag:s22] =	dma.local [hbm:s5], s20  }
0x9e: {  	_ =	swait.ge [sflag:s22], s20  }
0x9f: {  	s4 =	ssub.s32 $0x0, s20;
	[sflag:s22] =	ssyncset.done $0x0  }
0xa0: {  	[sflag:s22] =	ssyncadd.s32 s4;
	_ =	sdelay $0x1  }
0xa1: {  	s23 =	simm.s32 $0x1B8B  }
0xa2: {  	_ =	swait.ge [sflag:s23], $0x1  }
0xa3: {  	[sflag:s23] =	ssyncset.done $0x0  }
0xa4: {  	s25 =	simm.s32 $0x1B8E;
	s24 =	sld [smem:$0x3FFE];
	[sflag:s23] =	ssyncadd.s32 $0xFFFFFFFF  }
0xa5: {  	s26 =	simm.s32 $execute0_lowered;
	[smem:$0x3FD2] =	sst s25  }
0xa6: {  	s5 =	sshll.u32 s26, $0x1;
	_ =	strace $0x80000046;
	[dreg:$0x1] =	wrdreg $0xFFFFFFFF  }
0xa7: {  	s28 =	simm.s32 $_size_execute0_lowered;
	s3 =	sadd.s32 s3, s5;
	[dreg:$0x0] =	wrdreg $0x0  }
0xa8: {  	s5 =	sshll.u32 s28, $0x1;
	[dreg:$0x2] =	wrdreg s3  }
0xa9: {  	[dreg:$0x3] =	wrdreg s5  }
0xaa: {  	[dreg:$0x4] =	wrdreg $0xC0  }
0xab: {  	_ =	task [dreg:s7], $0x5FFFF  }
0xac: {  	[dreg:$0x1] =	wrdreg $0xFFFFFFFF  }
0xad: {  	[dreg:$0x0] =	wrdreg $0x60  }
0xae: {  	[dreg:$0x2] =	wrdreg s2  }
0xaf: {  	[dreg:$0x3] =	wrdreg s24  }
0xb0: {  	[dreg:$0x4] =	wrdreg $0x9  }
0xb1: {  	_ =	task.clear_ibuf [dreg:s7], $0x5FFFF;
	_ =	strace $0x90000046  }
0xb2: {  	s29 =	simm.s32 $0x9;
	_ =	strace $0x80000048  }
0xb3: {  	_ =	swait.ge [sflag:s29], $0x1  }
0xb4: {  	[sflag:s29] =	ssyncadd.s32 $0xFFFFFFFF  }
0xb5: {  	_ =	strace $0x90000048  }
0xb6: {  	_ =	sfence  }
0xb7: {  	s30 =	sld [smem:$0x0];
	_ =	sdelay $0x2  }
0xb8: {  	s31 =	sshll.u32 s1, $0xD;
	s1 =	sshrl.u32 s1, $0x2  }
0xb9: {  	s3 =	sand.u32 $0x4000, s31;
	s1 =	sadd.s32 s1, s30  }
0xba: {  	s0 =	sor.u32 s3, s0;
	s1 =	sshll.u32 s1, $0x11  }
0xbb: {  	s0 =	sor.u32 s1, s0  }
0xbc: {  	s0 =	sadd.s32 $0x8F2B, s0  }
0xbd: {  	[sflag:s0] =	ssyncadd.remote.s32 $0x1  }
0xbe: {  	_ =	sfence.sel $0xFFFF  }
0xbf: {  	[dreg:$0x0] =	wrdreg $0xFFFFFFFF;
	(pc) =	sbr.abs _section_cstart, $3  }
0xc0: {  	[dreg:$0x1] =	wrdreg $0xFFFFFFFF  }
0xc1: {  	_ =	task.clear_ibuf [dreg:s7], $0x2FFFF;
	_ =	strace $0x9FFFFFFF  }
0xc2: {  	(tm) =	ssettm $0x7FFFFFFF  }
0xc3: {  	_ =	shalt  }
tec
execute0_lowered:
.L_overlay_start_1:
0x0: {  	(tag) =	ssettag $0x1  }
0x1: {  	s1 =	rddreg [dreg:$0x0]  }
0x2: {  	s4 =	rddreg [dreg:$0x1];
	s2 =	srdreg.scid  }
0x3: {  	s0 =	rddreg [dreg:$0x2];
	s3 =	simm.s32 $0x0;
	s11 =	simm.s32 $0x1  }
0x4: {  	s12 =	simm.s32 $0x2;
	s13 =	simm.s32 $0x10000;
	s14 =	simm.s32 $0x3  }
0x5: {  	s15 =	simm.s32 $0x0;
	s5 =	sand.u32 $0x1, s2;
	s2 =	stileid.u32  }
0x6: {  	[smem:$0x7FF] =	sst s3;
	s6 =	sshll.u32 s5, $0x4;
	s5 =	ssub.s32 $0x2, s5  }
0x7: {  	_ =	strace $0x80000047;
	s6 =	sor.u32 s2, s6;
	s31 =	sshrl.u32 s5, $0x1  }
0x8: {  	s7 =	sshll.u32 s6, $0x5;
	s30 =	sshll.u32 s6, $0x11;
	s9 =	sshll.u32 s6, $0x14  }
0x9: {  	s10 =	ssub.s32 s5, s31;
	s8 =	sadd.s32 s7, s4;
	s4 =	sadd.s32 s1, s30  }
0xa: {  	s6 =	sor.u32 $0x10000, s9;
	s7 =	sor.u32 $0x18000, s9;
	s9 =	smax.u32 s10, $0x1  }
0xb: {  	s10 =	simm.s32 $0x8000;
	s5 =	sadd.s32 $0x1000, s4;
	s8 =	sadd.s32 $0x400, s8  }
.LBB2_1:
0xc: {  	[tilespmem:s3], [sflag:$0x1] =	stream.linear.gather [hbm4b:s4+s3], $0x8000, $0x38;
	v0 =	vimm.f32 $+Inf;
	v1 =	vimm.f32 $-Inf;
	[tilespmem:$0x10100] =	vst v63  }
0xd: {  	v3 =	vimm.f32 $-Inf;
	v4 =	vimm.f32 $-Inf;
	v5 =	vimm.f32 $-Inf;
	s16 =	simm.s32 $0x0  }
0xe: {  	v2 =	vimm.f32 $+Inf;
	v6 =	vimm.f32 $+Inf;
	v7 =	vimm.f32 $+Inf;
	[tilespmem:s10], [sflag:$0x2] =	stream.linear.gather [hbm4b:s5+s3], $0x8000, $0x38;
	[tilespmem:$0x10100] =	vst v63  }
.LBB2_2:
0xf: {  	_ =	swait.ge [sflag:s11], $0x8000  }
0x10: {  	[sflag:s11] =	ssyncset.done $0x0  }
0x11: {  	s18 =	simm.s32 $0x0;
	[sflag:s11] =	ssyncadd.s32 $0xFFFF8000  }
0x12: {  	v10 =	vld [tilespmem:s18+$0x40]  }
0x13: {  	v13 =	vld [tilespmem:s18+$0x50]  }
0x14: {  	v12 =	vld [tilespmem:s18+$0x0]  }
0x15: {  	v14 =	vld [tilespmem:s18+$0x10]  }
0x16: {  	v11 =	vld [tilespmem:s18+$0x20]  }
0x17: {  	s17 =	simm.s32 $0x200;
	v8 =	vld [tilespmem:s18+$0x60]  }
.LBB2_3:
0x18: {  	p0 =	sne.s32 s17, $0x1FE00;
	v9 =	vld [tilespmem:s18+$0x30];
	v15 =	vmov v13  }
0x19: {  	v7 =	vmin.f32 v7, v12;
	v5 =	vmax.f32 v5, v12;
	v16 =	vld [tilespmem:s18+$0x70];
	s18 =	sshra.s32 s17, $0x2  }
0x1a: {  	v7 =	vmin.f32 v7, v10;
	v5 =	vmax.f32 v5, v10;
	v10 =	vld [tilespmem:s18+$0x40]  }
.Ltmp0:
0x1b: {  	v6 =	vmin.f32 v6, v14;
	v4 =	vmax.f32 v4, v14;
	v13 =	vld [tilespmem:s18+$0x50];
	v2 =	vmin.f32 v2, v11;
	(pc) =	sbr.rel @p0 .LBB2_3-.Ltmp0, $4  }
0x1c: {  	v6 =	vmin.f32 v6, v15;
	v4 =	vmax.f32 v4, v15;
	v12 =	vld [tilespmem:s18+$0x0];
	v2 =	vmin.f32 v2, v8  }
0x1d: {  	v3 =	vmax.f32 v3, v11;
	v14 =	vld [tilespmem:s18+$0x10];
	v0 =	vmin.f32 v0, v9;
	v1 =	vmax.f32 v1, v9  }
0x1e: {  	v3 =	vmax.f32 v3, v8;
	v11 =	vld [tilespmem:s18+$0x20];
	v0 =	vmin.f32 v0, v16;
	v1 =	vmax.f32 v1, v16  }
0x1f: {  	s17 =	sadd.s32 $0x200, s17;
	v8 =	vld [tilespmem:s18+$0x60]  }
0x20: {  	s17 =	sshll.u32 s16, $0x10  }
0x21: {  	s19 =	sadd.s32 s17, s6  }
0x22: {  	s19 =	sshrl.u32 s19, $0x3  }
0x23: {  	v15 =	vld [tilespmem:s18+$0x30];
	s31 =	simm.s32 $0x0;
	s30 =	sadd.s32 s1, s19  }
0x24: {  	v16 =	vld [tilespmem:s18+$0x70];
	[tilespmem:s31], [sflag:$0x1] =	stream.linear.gather [hbm4b:s30+s31], $0x8000, $0x38  }
0x25: {  	_ =	swait.ge [sflag:s12], $0x8000  }
0x26: {  	[sflag:s12] =	ssyncset.done $0x0  }
0x27: {  	s18 =	simm.s32 $0x0;
	[sflag:s12] =	ssyncadd.s32 $0xFFFF8000  }
0x28: {  	v7 =	vmin.f32 v7, v12;
	v9 =	vld [tilespmem:s18+$0x8040]  }
0x29: {  	v17 =	vmax.f32 v5, v12;
	v5 =	vmin.f32 v7, v10;
	v6 =	vmin.f32 v6, v14;
	v12 =	vld [tilespmem:s18+$0x8050]  }
0x2a: {  	v7 =	vmax.f32 v17, v10;
	v10 =	vmax.f32 v4, v14;
	v4 =	vmin.f32 v6, v13;
	v14 =	vld [tilespmem:s18+$0x8000]  }
0x2b: {  	v6 =	vmax.f32 v10, v13;
	v2 =	vmin.f32 v2, v11;
	v3 =	vmax.f32 v3, v11;
	v11 =	vld [tilespmem:s18+$0x8010]  }
0x2c: {  	v2 =	vmin.f32 v2, v8;
	v10 =	vmin.f32 v0, v15;
	v1 =	vmax.f32 v1, v15;
	v0 =	vld [tilespmem:s18+$0x8020]  }
0x2d: {  	s19 =	simm.s32 $0x200;
	v3 =	vmax.f32 v3, v8;
	v8 =	vmin.f32 v10, v16;
	v10 =	vmax.f32 v1, v16;
	v1 =	vld [tilespmem:s18+$0x8060]  }
.LBB2_5:
0x2e: {  	p0 =	sne.s32 s19, $0x1FE00;
	v13 =	vld [tilespmem:s18+$0x8030];
	v15 =	vmov v12  }
0x2f: {  	v5 =	vmin.f32 v5, v14;
	v7 =	vmax.f32 v7, v14;
	v16 =	vld [tilespmem:s18+$0x8070];
	s18 =	sshra.s32 s19, $0x2  }
0x30: {  	v5 =	vmin.f32 v5, v9;
	v7 =	vmax.f32 v7, v9;
	v9 =	vld [tilespmem:s18+$0x8040]  }
.Ltmp1:
0x31: {  	v4 =	vmin.f32 v4, v11;
	v6 =	vmax.f32 v6, v11;
	v12 =	vld [tilespmem:s18+$0x8050];
	v2 =	vmin.f32 v2, v0;
	(pc) =	sbr.rel @p0 .LBB2_5-.Ltmp1, $4  }
0x32: {  	v4 =	vmin.f32 v4, v15;
	v6 =	vmax.f32 v6, v15;
	v14 =	vld [tilespmem:s18+$0x8000];
	v2 =	vmin.f32 v2, v1  }
0x33: {  	v3 =	vmax.f32 v3, v0;
	v11 =	vld [tilespmem:s18+$0x8010];
	v8 =	vmin.f32 v8, v13;
	v10 =	vmax.f32 v10, v13  }
0x34: {  	v3 =	vmax.f32 v3, v1;
	v0 =	vld [tilespmem:s18+$0x8020];
	v8 =	vmin.f32 v8, v16;
	v10 =	vmax.f32 v10, v16  }
0x35: {  	s19 =	sadd.s32 $0x200, s19;
	v1 =	vld [tilespmem:s18+$0x8060]  }
0x36: {  	v13 =	vld [tilespmem:s18+$0x8030];
	s16 =	sadd.s32 $0x1, s16  }
0x37: {  	v15 =	vld [tilespmem:s18+$0x8070];
	v5 =	vmin.f32 v5, v14;
	v61 =	vmax.f32 v7, v14;
	p0 =	sne.s32 s16, $0xF  }
.Ltmp2:
0x38: {  	v7 =	vmin.f32 v5, v9;
	v5 =	vmax.f32 v61, v9;
	(pc) =	sbr.rel @p0 .LBB2_2-.Ltmp2, $4  }
0x39: {  	s17 =	sadd.s32 s17, s7;
	v4 =	vmin.f32 v4, v11;
	v62 =	vmax.f32 v6, v11;
	v2 =	vmin.f32 v2, v0  }
0x3a: {  	s17 =	sshrl.u32 s17, $0x3;
	v6 =	vmin.f32 v4, v12;
	v4 =	vmax.f32 v62, v12;
	v0 =	vmax.f32 v3, v0  }
0x3b: {  	s17 =	sadd.s32 s1, s17;
	v2 =	vmin.f32 v2, v1;
	v8 =	vmin.f32 v8, v13;
	v63 =	vmax.f32 v10, v13  }
0x3c: {  	[tilespmem:s10], [sflag:$0x2] =	stream.linear.gather [hbm4b:s17+s3], $0x8000, $0x38;
	v3 =	vmax.f32 v0, v1;
	v0 =	vmin.f32 v8, v15;
	v1 =	vmax.f32 v63, v15;
	[tilespmem:$0x10100] =	vst v63  }
0x3d: {  	_ =	swait.ge [sflag:s11], $0x8000  }
0x3e: {  	[sflag:s11] =	ssyncset.done $0x0  }
0x3f: {  	s16 =	simm.s32 $0x0;
	[sflag:s11] =	ssyncadd.s32 $0xFFFF8000  }
0x40: {  	v9 =	vld [tilespmem:s16+$0x40]  }
0x41: {  	v12 =	vld [tilespmem:s16+$0x50]  }
0x42: {  	v11 =	vld [tilespmem:s16+$0x0]  }
0x43: {  	v13 =	vld [tilespmem:s16+$0x10]  }
0x44: {  	v10 =	vld [tilespmem:s16+$0x20]  }
0x45: {  	s17 =	simm.s32 $0x200;
	v8 =	vld [tilespmem:s16+$0x60]  }
.LBB2_8:
0x46: {  	p0 =	sne.s32 s17, $0x1FE00;
	v14 =	vld [tilespmem:s16+$0x30];
	v15 =	vmov v12  }
0x47: {  	v7 =	vmin.f32 v7, v11;
	v5 =	vmax.f32 v5, v11;
	v16 =	vld [tilespmem:s16+$0x70];
	s16 =	sshra.s32 s17, $0x2  }
0x48: {  	v7 =	vmin.f32 v7, v9;
	v5 =	vmax.f32 v5, v9;
	v9 =	vld [tilespmem:s16+$0x40]  }
.Ltmp3:
0x49: {  	v6 =	vmin.f32 v6, v13;
	v4 =	vmax.f32 v4, v13;
	v12 =	vld [tilespmem:s16+$0x50];
	v2 =	vmin.f32 v2, v10;
	(pc) =	sbr.rel @p0 .LBB2_8-.Ltmp3, $4  }
0x4a: {  	v6 =	vmin.f32 v6, v15;
	v4 =	vmax.f32 v4, v15;
	v11 =	vld [tilespmem:s16+$0x0];
	v2 =	vmin.f32 v2, v8  }
0x4b: {  	v3 =	vmax.f32 v3, v10;
	v13 =	vld [tilespmem:s16+$0x10];
	v0 =	vmin.f32 v0, v14;
	v1 =	vmax.f32 v1, v14  }
0x4c: {  	v3 =	vmax.f32 v3, v8;
	v10 =	vld [tilespmem:s16+$0x20];
	v0 =	vmin.f32 v0, v16;
	v1 =	vmax.f32 v1, v16  }
0x4d: {  	s17 =	sadd.s32 $0x200, s17;
	v8 =	vld [tilespmem:s16+$0x60]  }
0x4e: {  	v14 =	vld [tilespmem:s16+$0x30]  }
0x4f: {  	v15 =	vld [tilespmem:s16+$0x70];
	_ =	swait.ge [sflag:s12], $0x8000  }
0x50: {  	[sflag:s12] =	ssyncset.done $0x0  }
0x51: {  	s16 =	simm.s32 $0x0;
	[sflag:s12] =	ssyncadd.s32 $0xFFFF8000  }
0x52: {  	v16 =	vmin.f32 v7, v11;
	v7 =	vld [tilespmem:s16+$0x8040]  }
0x53: {  	v17 =	vmax.f32 v5, v11;
	v11 =	vmin.f32 v16, v9;
	v6 =	vmin.f32 v6, v13;
	v5 =	vld [tilespmem:s16+$0x8050]  }
0x54: {  	v9 =	vmax.f32 v17, v9;
	v63 =	vmax.f32 v4, v13;
	v4 =	vmin.f32 v6, v12;
	v13 =	vld [tilespmem:s16+$0x8000]  }
0x55: {  	v6 =	vmax.f32 v63, v12;
	v2 =	vmin.f32 v2, v10;
	v3 =	vmax.f32 v3, v10;
	v12 =	vld [tilespmem:s16+$0x8010]  }
0x56: {  	v2 =	vmin.f32 v2, v8;
	v10 =	vmin.f32 v0, v14;
	v1 =	vmax.f32 v1, v14;
	v0 =	vld [tilespmem:s16+$0x8020]  }
0x57: {  	s17 =	simm.s32 $0x200;
	v3 =	vmax.f32 v3, v8;
	v8 =	vmin.f32 v10, v15;
	v10 =	vmax.f32 v1, v15;
	v1 =	vld [tilespmem:s16+$0x8060]  }
.LBB2_10:
0x58: {  	p0 =	sne.s32 s17, $0x1FE00;
	v14 =	vld [tilespmem:s16+$0x8030];
	v15 =	vmov v5  }
0x59: {  	v5 =	vmin.f32 v11, v13;
	v9 =	vmax.f32 v9, v13;
	v16 =	vld [tilespmem:s16+$0x8070];
	s16 =	sshra.s32 s17, $0x2  }
0x5a: {  	v11 =	vmin.f32 v5, v7;
	v9 =	vmax.f32 v9, v7;
	v7 =	vld [tilespmem:s16+$0x8040]  }
.Ltmp4:
0x5b: {  	v4 =	vmin.f32 v4, v12;
	v6 =	vmax.f32 v6, v12;
	v5 =	vld [tilespmem:s16+$0x8050];
	v2 =	vmin.f32 v2, v0;
	(pc) =	sbr.rel @p0 .LBB2_10-.Ltmp4, $4  }
0x5c: {  	v4 =	vmin.f32 v4, v15;
	v6 =	vmax.f32 v6, v15;
	v13 =	vld [tilespmem:s16+$0x8000];
	v2 =	vmin.f32 v2, v1  }
0x5d: {  	v3 =	vmax.f32 v3, v0;
	v12 =	vld [tilespmem:s16+$0x8010];
	v8 =	vmin.f32 v8, v14;
	v10 =	vmax.f32 v10, v14  }
0x5e: {  	v3 =	vmax.f32 v3, v1;
	v0 =	vld [tilespmem:s16+$0x8020];
	v8 =	vmin.f32 v8, v16;
	v10 =	vmax.f32 v10, v16  }
0x5f: {  	s17 =	sadd.s32 $0x200, s17;
	v1 =	vld [tilespmem:s16+$0x8060]  }
0x60: {  	_ = 	snop  }
0x61: {  	v14 =	vld [tilespmem:s16+$0x8030];
	v11 =	vmin.f32 v11, v13  }
0x62: {  	v55 =	vld [tilespmem:s16+$0x8070];
	v9 =	vmax.f32 v9, v13;
	v11 =	vmin.f32 v11, v7  }
0x63: {  	v56 =	vmax.f32 v9, v7;
	v4 =	vmin.f32 v4, v12;
	v6 =	vmax.f32 v6, v12  }
0x64: {  	v2 =	vmin.f32 v2, v0;
	v4 =	vmin.f32 v4, v5;
	v58 =	vmax.f32 v3, v0  }
0x65: {  	v57 =	vmax.f32 v6, v5;
	v2 =	vmin.f32 v2, v1;
	v0 =	vmax.f32 v58, v1  }
0x66: {  	v61 =	vmin.f32 v11, v4;
	v62 =	vmax.f32 v56, v57;
	v59 =	vmin.f32 v8, v14  }
0x67: {  	v60 =	vmax.f32 v10, v14;
	v1 =	vmin.f32 v61, v2;
	v3 =	vmin.f32 v59, v55  }
0x68: {  	s15 =	sadd.s32 $0x1, s15;
	v0 =	vmax.f32 v62, v0;
	v63 =	vmax.f32 v60, v55;
	v1 =	vmin.f32 v1, v3  }
0x69: {  	p0 =	sne.s32 s15, s9;
	v0 =	vmax.f32 v0, v63;
	[tilespmem:$0x10000] =	vst v1  }
.Ltmp5:
0x6a: {  	[tilespmem:$0x10080] =	vst v0;
	(pc) =	sbr.rel @p0 .LBB2_1-.Ltmp5, $4  }
0x6b: {  	[hbm4b:s8+s3] =	stream.linear.scatter [tilespmem:s13], [sflag:$0x3], $0x100, $0x38;
	[tilespmem:$0x10100] =	vst v63  }
0x6c: {  	_ =	swait.ge [sflag:s14], $0x100  }
0x6d: {  	[sflag:s14] =	ssyncset.done $0x0  }
0x6e: {  	[sflag:s14] =	ssyncadd.s32 $0xFFFFFF00  }
0x6f: {  	_ =	sfence.sel $0x180000  }
0x70: {  	[bflag:$0x0] =	sbarrier.arrive $0xFFFF  }
0x71: {  	p0 =	sne.s32 s2, $0x0;
	_ =	strace $0x90000047  }
0x72: {  	s0 =	sadd.s32 @!p0 $0x100000, s0;
	[bflag:$0x2] =	sbarrier.arrive $0xFFFF  }
0x73: {  	[sflag:s0] =	ssyncadd.tile.s32 @!p0 $0x1;
	_ =	shalt  }
.Lfunc_end2:
_tile_overlayer_lowered:
.L_overlay_start_2:
0x74: {  	(tag) =	ssettag $0x2  }
0x75: {  	s0 =	rddreg [dreg:$0x0];
	s2 =	stileid.u32  }
0x76: {  	s1 =	rddreg [dreg:$0x1];
	p0 =	sne.s32 s2, $0x0  }
0x77: {  	s3 =	rddreg [dreg:$0x2];
	[bflag:$0x3] =	sbarrier.arrive $0xFFFF;
	s2 =	simm.s32 @!p0 $0x1C03  }
0x78: {  	[timem:s3], [sflag:s2] =	dma.local @!p0 [hbm:s0], s1  }
0x79: {  	s0 =	simm.s32 @!p0 $0x3  }
0x7a: {  	_ =	swait.ge @!p0 [sflag:s0], s1  }
0x7b: {  	s1 =	ssub.s32 @!p0 $0x0, s1;
	[sflag:s0] =	ssyncset.done @!p0 $0x0  }
0x7c: {  	[sflag:s0] =	ssyncadd.s32 @!p0 s1  }
0x7d: {  	[bflag:$0x3] =	sbarrier.arrive $0xFFFF  }
0x7e: {  	_ =	shalt  }

// kernel: kernel.7.cloned.1.call-start
scs
__scs_entry_jumppad:
0x0: {  	(pc) =	sbr.rel $0x88, $3  }
0x1: {  	(tag) =	ssettag $0x0;
	lr =	simm.s32 $0x1  }
0x2: {  	[smem:$0x3F9D] =	sst lr;
	_ =	strace $0xD0000000  }
0x3: {  	_ = 	snop  }
0x4: {  	_ = 	snop  }
0x5: {  	_ = 	snop  }
0x6: {  	_ = 	snop  }
0x7: {  	_ = 	snop  }
__scs_overlays_trampoline_lowered:
0x8: {  	[smem:$0x3FAC] =	sst s0  }
0x9: {  	[smem:$0x3FAD] =	sst s1  }
0xa: {  	[smem:$0x3FAE] =	sst s2  }
0xb: {  	[smem:$0x3FAF] =	sst s3  }
0xc: {  	[smem:$0x3FB0] =	sst s4  }
0xd: {  	[smem:$0x3FB1] =	sst s5  }
0xe: {  	[smem:$0x3FB2] =	sst s6  }
0xf: {  	[smem:$0x3FB3] =	sst s7  }
0x10: {  	[smem:$0x3FB4] =	sst s8  }
0x11: {  	[smem:$0x3FB5] =	sst s9;
	s0 =	simm.s32 @!p0 $0x0  }
0x12: {  	s1 =	sld [smem:$0x3F9B];
	s0 =	simm.s32 @p0 $0x1  }
0x13: {  	[smem:$0x3FB6] =	sst s0;
	s0 =	simm.s32 @!p1 $0x0  }
0x14: {  	s2 =	sld [smem:$0x3F9A];
	s0 =	simm.s32 @p1 $0x1  }
0x15: {  	[smem:$0x3FB7] =	sst s0;
	s0 =	simm.s32 @!p2 $0x0  }
0x16: {  	s3 =	sld [smem:$0x3FDB];
	s0 =	simm.s32 @p2 $0x1  }
0x17: {  	s4 =	simm.s32 $0x1BF5;
	[smem:$0x3FB9] =	sst s0  }
0x18: {  	s0 =	sld [smem:$0x3F9C];
	_ =	swait.ge [sflag:s4], $0x0  }
0x19: {  	s7 =	sld [smem:$0x3F9D]  }
0x1a: {  	s8 =	sadd.s32 $0xFFFFE003, lr  }
0x1b: {  	s9 =	sadd.s32 $0xFFFFFEF7, lr;
	s5 =	simm.s32 $0xFFFFFFFF;
	p2 =	slt.u32 s8, $0xFFFFF086  }
0x1c: {  	p1 =	slt.u32 s9, $0xF7A;
	s5 =	simm.s32 @!p2 $0x0  }
0x1d: {  	s5 =	simm.s32 @p1 $0x1;
	p0 =	seq.s32 s7, s2  }
0x1e: {  	s7 =	smul.u32 @!p0 $0xF7A, s2;
	p2 =	seq.s32 @!p0 s5, $0x0  }
0x1f: {  	s9 =	smul.u32 $0xF7A, s1;
	s8 =	simm.s32 @!p0 $0x1BF5;
	p2 =	por !p2, p0  }
0x20: {  	[sflag:s8] =	ssyncset.s32 @!p0 $0xFFFFF086;
	s6 =	sadd.s32 @!p0 s3, s7;
	s7 =	simm.s32 @!p0 $0x108  }
0x21: {  	s3 =	sadd.s32 s3, s9;
	s6 =	sadd.s32 @!p0 $0x88, s6;
	s7 =	simm.s32 @p2 $0x1082  }
0x22: {  	[simem:s7], [sflag:s8] =	dma.local @!p0 [hbm:s6], $0xF7A  }
0x23: {  	s9 =	sor.u32 $0xD0000000, s2;
	s6 =	simm.s32 $0x108;
	_ =	swait.ge @!p0 [sflag:s8], $0x0  }
0x24: {  	s3 =	sadd.s32 $0x88, s3;
	s6 =	simm.s32 @!p1 $0x1082;
	[sflag:s4] =	ssyncset.s32 $0xFFFFF086  }
0x25: {  	[simem:s6], [sflag:s4] =	dma.local [hbm:s3], $0xF7A  }
0x26: {  	[smem:$0x3F9D] =	sst s1;
	(tag) =	ssettag s2;
	_ =	strace s9  }
0x27: {  	s1 =	sld [smem:$0x3FAD]  }
0x28: {  	s2 =	sld [smem:$0x3FAE]  }
0x29: {  	s4 =	sld [smem:$0x3FB0]  }
0x2a: {  	p0 =	seq.s32 s5, $0x0;
	s5 =	sld [smem:$0x3FB1]  }
0x2b: {  	s6 =	sld [smem:$0x3FB2]  }
0x2c: {  	s7 =	sld [smem:$0x3FB3]  }
0x2d: {  	s3 =	simm.s32 $0x108;
	s8 =	sld [smem:$0x3FB4]  }
0x2e: {  	s3 =	simm.s32 @!p0 $0x1082;
	s9 =	sld [smem:$0x3FB5]  }
0x2f: {  	lr =	sadd.s32 s0, s3;
	s0 =	sld [smem:$0x3FAC]  }
0x30: {  	s3 =	sld [smem:$0x3FAF]  }
0x31: {  	[smem:$0x3FB8] =	sst s10  }
0x32: {  	s10 =	sld [smem:$0x3FB6];
	_ =	sdelay $0x3  }
0x33: {  	p0 =	seq.s32 s10, $0x1;
	s10 =	sld [smem:$0x3FB8];
	_ =	sdelay $0x3  }
0x34: {  	[smem:$0x3FB8] =	sst s10  }
0x35: {  	s10 =	sld [smem:$0x3FB7];
	_ =	sdelay $0x3  }
0x36: {  	p1 =	seq.s32 s10, $0x1;
	s10 =	sld [smem:$0x3FB8];
	_ =	sdelay $0x3  }
0x37: {  	[smem:$0x3FB8] =	sst s10  }
0x38: {  	s10 =	sld [smem:$0x3FB9]  }
0x39: {  	_ = 	snop;
	(pc) =	sbr.ind lr, $3  }
0x3a: {  	_ = 	snop  }
0x3b: {  	_ = 	snop  }
0x3c: {  	p2 =	seq.s32 s10, $0x1;
	s10 =	sld [smem:$0x3FB8]  }
0x3d: {  	_ =	shalt  }
0x3e: {  	_ =	shalt  }
0x3f: {  	_ =	shalt  }
0x40: {  	_ =	shalt  }
0x41: {  	_ =	shalt  }
0x42: {  	_ =	shalt  }
0x43: {  	_ =	shalt  }
0x44: {  	_ =	shalt  }
0x45: {  	_ =	shalt  }
0x46: {  	_ =	shalt  }
0x47: {  	_ =	shalt  }
0x48: {  	_ =	shalt  }
0x49: {  	_ =	shalt  }
0x4a: {  	_ =	shalt  }
0x4b: {  	_ =	shalt  }
0x4c: {  	_ =	shalt  }
0x4d: {  	_ =	shalt  }
0x4e: {  	_ =	shalt  }
0x4f: {  	_ =	shalt  }
0x50: {  	_ =	shalt  }
0x51: {  	_ =	shalt  }
0x52: {  	_ =	shalt  }
0x53: {  	_ =	shalt  }
0x54: {  	_ =	shalt  }
0x55: {  	_ =	shalt  }
0x56: {  	_ =	shalt  }
0x57: {  	_ =	shalt  }
0x58: {  	_ =	shalt  }
0x59: {  	_ =	shalt  }
0x5a: {  	_ =	shalt  }
0x5b: {  	_ =	shalt  }
0x5c: {  	_ =	shalt  }
0x5d: {  	_ =	shalt  }
0x5e: {  	_ =	shalt  }
0x5f: {  	_ =	shalt  }
0x60: {  	_ =	shalt  }
0x61: {  	_ =	shalt  }
0x62: {  	_ =	shalt  }
0x63: {  	_ =	shalt  }
0x64: {  	_ =	shalt  }
0x65: {  	_ =	shalt  }
0x66: {  	_ =	shalt  }
0x67: {  	_ =	shalt  }
0x68: {  	_ =	shalt  }
0x69: {  	_ =	shalt  }
0x6a: {  	_ =	shalt  }
0x6b: {  	_ =	shalt  }
0x6c: {  	_ =	shalt  }
0x6d: {  	_ =	shalt  }
0x6e: {  	_ =	shalt  }
0x6f: {  	_ =	shalt  }
0x70: {  	_ =	shalt  }
0x71: {  	_ =	shalt  }
0x72: {  	_ =	shalt  }
0x73: {  	_ =	shalt  }
0x74: {  	_ =	shalt  }
0x75: {  	_ =	shalt  }
0x76: {  	_ =	shalt  }
0x77: {  	_ =	shalt  }
0x78: {  	_ =	shalt  }
0x79: {  	_ =	shalt  }
0x7a: {  	_ =	shalt  }
0x7b: {  	_ =	shalt  }
0x7c: {  	_ =	shalt  }
0x7d: {  	_ =	shalt  }
0x7e: {  	_ =	shalt  }
0x7f: {  	_ =	shalt  }
0x80: {  	_ =	shalt  }
0x81: {  	_ =	shalt  }
0x82: {  	_ =	shalt  }
0x83: {  	_ =	shalt  }
0x84: {  	_ =	shalt  }
0x85: {  	_ =	shalt  }
0x86: {  	_ =	shalt  }
0x87: {  	_ =	shalt  }
.Lfunc_end0:
.L_simem_size_0:
called_computation.1_lowered:
.L_overlay_start_0:
0x88: {  	s2 =	sld [smem:$0x3FD9]  }
0x89: {  	s3 =	sld [smem:$0x3FFE];
	_ =	sdelay $0x1  }
0x8a: {  	s1 =	srdreg.scid  }
0x8b: {  	s0 =	sand.u32 $0x1, s1  }
0x8c: {  	s17 =	sshll.u32 s0, $0xA;
	s2 =	sadd.s32 s3, s2  }
0x8d: {  	s2 =	sadd.s32 s2, s17  }
0x8e: {  	[smem:$0x3FC4] =	sst s2  }
0x8f: {  	_ = 	snop  }
0x90: {  	s2 =	sld [smem:$0x3FC9];
	(tm) =	ssettm $0x1  }
0x91: {  	s18 =	sld [smem:$0x3FFB];
	_ =	sdelay $0x3  }
0x92: {  	_ =	strace s18  }
0x93: {  	s3 =	sld [smem:$0x3FFC];
	_ =	sdelay $0x3  }
0x94: {  	_ =	strace s3  }
0x95: {  	s3 =	sld [smem:$0x3FFD];
	_ =	sdelay $0x3  }
0x96: {  	_ =	strace s3  }
0x97: {  	_ =	strace $0x8FFFFFFF  }
0x98: {  	s19 =	sld [smem:$0x3FDB];
	_ =	sdelay $0x1  }
0x99: {  	s4 =	simm.s32 $_scs_section_size  }
0x9a: {  	s5 =	simm.s32 $_size__tile_overlayer_lowered;
	s6 =	simm.s32 $_tile_overlayer_lowered  }
0x9b: {  	s22 =	simm.s32 $0x1BFF;
	s21 =	sshll.u32 s6, $0x1;
	s3 =	sadd.s32 s4, s19  }
0x9c: {  	s7 =	simm.s32 $0x0;
	s20 =	sshll.u32 s5, $0x1;
	s5 =	sadd.s32 s21, s3  }
0x9d: {  	[timem:s7], [sflag:s22] =	dma.local [hbm:s5], s20  }
0x9e: {  	_ =	swait.ge [sflag:s22], s20  }
0x9f: {  	s4 =	ssub.s32 $0x0, s20;
	[sflag:s22] =	ssyncset.done $0x0  }
0xa0: {  	[sflag:s22] =	ssyncadd.s32 s4;
	_ =	sdelay $0x1  }
0xa1: {  	s23 =	simm.s32 $0x1B8B  }
0xa2: {  	_ =	swait.ge [sflag:s23], $0x1  }
0xa3: {  	[sflag:s23] =	ssyncset.done $0x0  }
0xa4: {  	s25 =	simm.s32 $0x1B8E;
	s24 =	sld [smem:$0x3FFE];
	[sflag:s23] =	ssyncadd.s32 $0xFFFFFFFF  }
0xa5: {  	s26 =	simm.s32 $execute0_lowered;
	[smem:$0x3FD2] =	sst s25  }
0xa6: {  	s5 =	sshll.u32 s26, $0x1;
	_ =	strace $0x80000049;
	[dreg:$0x1] =	wrdreg $0xFFFFFFFF  }
0xa7: {  	s28 =	simm.s32 $_size_execute0_lowered;
	s3 =	sadd.s32 s3, s5;
	[dreg:$0x0] =	wrdreg $0x0  }
0xa8: {  	s5 =	sshll.u32 s28, $0x1;
	[dreg:$0x2] =	wrdreg s3  }
0xa9: {  	[dreg:$0x3] =	wrdreg s5  }
0xaa: {  	[dreg:$0x4] =	wrdreg $0xC0  }
0xab: {  	_ =	task [dreg:s7], $0x5FFFF  }
0xac: {  	[dreg:$0x1] =	wrdreg $0xFFFFFFFF  }
0xad: {  	[dreg:$0x0] =	wrdreg $0x60  }
0xae: {  	[dreg:$0x2] =	wrdreg s2  }
0xaf: {  	[dreg:$0x3] =	wrdreg s24  }
0xb0: {  	[dreg:$0x4] =	wrdreg $0x9  }
0xb1: {  	_ =	task.clear_ibuf [dreg:s7], $0x5FFFF;
	_ =	strace $0x90000049  }
0xb2: {  	s29 =	simm.s32 $0x9;
	_ =	strace $0x8000004B  }
0xb3: {  	_ =	swait.ge [sflag:s29], $0x1  }
0xb4: {  	[sflag:s29] =	ssyncadd.s32 $0xFFFFFFFF  }
0xb5: {  	_ =	strace $0x9000004B  }
0xb6: {  	_ =	sfence  }
0xb7: {  	s30 =	sld [smem:$0x0];
	_ =	sdelay $0x2  }
0xb8: {  	s31 =	sshll.u32 s1, $0xD;
	s1 =	sshrl.u32 s1, $0x2  }
0xb9: {  	s3 =	sand.u32 $0x4000, s31;
	s1 =	sadd.s32 s1, s30  }
0xba: {  	s0 =	sor.u32 s3, s0;
	s1 =	sshll.u32 s1, $0x11  }
0xbb: {  	s0 =	sor.u32 s1, s0  }
0xbc: {  	s0 =	sadd.s32 $0x8F2B, s0  }
0xbd: {  	[sflag:s0] =	ssyncadd.remote.s32 $0x1  }
0xbe: {  	_ =	sfence.sel $0xFFFF  }
0xbf: {  	[dreg:$0x0] =	wrdreg $0xFFFFFFFF;
	(pc) =	sbr.abs _section_cstart, $3  }
0xc0: {  	[dreg:$0x1] =	wrdreg $0xFFFFFFFF  }
0xc1: {  	_ =	task.clear_ibuf [dreg:s7], $0x2FFFF;
	_ =	strace $0x9FFFFFFF  }
0xc2: {  	(tm) =	ssettm $0x7FFFFFFF  }
0xc3: {  	_ =	shalt  }
tec
execute0_lowered:
.L_overlay_start_1:
0x0: {  	(tag) =	ssettag $0x1  }
0x1: {  	v0 =	vimm.f32 $-1.680000000e+03;
	vm0 =	vcmask $0x300  }
0x2: {  	vm14 =	vcmask $0x704;
	v0 =	vsel vm0, $0x80000000, v0  }
0x3: {  	vm15 =	vcmask $0xB08;
	v0 =	vsel vm14, $0xC2E00000, v0  }
0x4: {  	s1 =	rddreg [dreg:$0x0];
	vm4 =	vcmask $0xF0C;
	v0 =	vsel vm15, $0xC3600000, v0  }
0x5: {  	s0 =	rddreg [dreg:$0x1];
	s2 =	simm.s32 $0x0;
	vm5 =	vcmask $0x1310;
	v0 =	vsel vm4, $0xC3A80000, v0  }
0x6: {  	s3 =	srdreg.scid;
	s28 =	stileid.u32;
	vm6 =	vcmask $0x1714;
	s12 =	simm.s32 $0x8000;
	v0 =	vsel vm5, $0xC3E00000, v0  }
0x7: {  	vm7 =	vcmask $0x1B18;
	s14 =	simm.s32 $0x3;
	s16 =	simm.s32 $0x1;
	s17 =	simm.s32 $0x10000;
	v0 =	vsel vm6, $0xC40C0000, v0  }
0x8: {  	vm8 =	vcmask $0x1F1C;
	s18 =	simm.s32 $0x10700;
	s19 =	simm.s32 $0x2;
	s21 =	simm.s32 $0x0;
	v0 =	vsel vm7, $0xC4280000, v0  }
0x9: {  	vm9 =	vcmask $0x2320;
	[smem:$0x7FF] =	sst s2;
	s4 =	sadd.s32 $0x400, s0;
	s3 =	sand.u32 $0x1, s3;
	v0 =	vsel vm8, $0xC4440000, v0  }
0xa: {  	vm10 =	vcmask $0x2724;
	s5 =	sadd.s32 $0x800, s0;
	_ =	strace $0x8000004A;
	[dreg:$0x3] =	wrdreg s4;
	v0 =	vsel vm9, $0xC4600000, v0  }
0xb: {  	vm11 =	vcmask $0x2B28;
	s6 =	sshll.u32 s28, $0x4;
	[dreg:$0x4] =	wrdreg s5;
	s7 =	sshll.u32 s3, $0x4;
	v0 =	vsel vm10, $0xC47C0000, v0  }
0xc: {  	vm12 =	vcmask $0x2F2C;
	s6 =	sand.u32 $0x70, s6;
	s3 =	ssub.s32 $0x2, s3;
	s7 =	sor.u32 s28, s7;
	v0 =	vsel vm11, $0xC48C0000, v0  }
0xd: {  	vm13 =	vcmask $0x3330;
	s0 =	sadd.s32 s6, s0;
	s29 =	sshrl.u32 s3, $0x1;
	s8 =	sshll.u32 s7, $0x11;
	v0 =	vsel vm12, $0xC49A0000, v0  }
0xe: {  	vm14 =	vcmask $0x3734;
	s3 =	ssub.s32 s3, s29;
	s30 =	sshll.u32 s7, $0x4;
	s9 =	sshll.u32 s7, $0x14;
	v0 =	vsel vm13, $0xC4A80000, v0  }
0xf: {  	vm15 =	vcmask $0x3B38;
	s6 =	sadd.s32 s1, s8;
	s10 =	sand.u32 $0x180, s30;
	s8 =	sor.u32 $0x10000, s9;
	v0 =	vsel vm14, $0xC4B60000, v0  }
0x10: {  	s9 =	sor.u32 $0x18000, s9;
	s31 =	sadd.s32 $0x1000, s6;
	s0 =	sadd.s32 s10, s0;
	v0 =	vsel vm15, $0xC4C40000, v0  }
0x11: {  	v1 =	vimm.s32 $0x0;
	v2 =	vimm.s32 $0x1;
	s11 =	smax.u32 s3, $0x1;
	[dreg:$0x5] =	wrdreg s31;
	s10 =	sadd.s32 $0xA00, s0;
	[tilespmem:$0x1FFF0] =	vst v0  }
.LBB2_1:
0x12: {  	[tilespmem:s2], [sflag:$0x1] =	stream.linear.gather [hbm4b:s6+s2], $0x8000, $0x38;
	[tilespmem:$0x13080] =	vst v63  }
0x13: {  	s0 =	rddreg [dreg:$0x5]  }
0x14: {  	[tilespmem:s12], [sflag:$0x2] =	stream.linear.gather [hbm4b:s0+s2], $0x8000, $0x38;
	[tilespmem:$0x13080] =	vst v63  }
0x15: {  	s29 =	rddreg [dreg:$0x3];
	s3 =	simm.s32 $0x10E00  }
0x16: {  	[tilespmem:s3], [sflag:$0x3] =	stream.linear.gather [hbm4b:s29+s2], $0x2000, $0x38;
	[tilespmem:$0x13080] =	vst v63  }
0x17: {  	_ =	swait.ge [sflag:s14], $0x2000  }
0x18: {  	[sflag:s14] =	ssyncset.done $0x0  }
0x19: {  	s31 =	simm.s32 $0x12E00;
	s30 =	rddreg [dreg:$0x4];
	[sflag:s14] =	ssyncadd.s32 $0xFFFFE000  }
0x1a: {  	[tilespmem:s31], [sflag:$0x3] =	stream.linear.gather [hbm4b:s30+s2], $0x180, $0x38;
	[tilespmem:$0x13080] =	vst v63  }
0x1b: {  	_ =	swait.ge [sflag:s14], $0x180  }
0x1c: {  	[sflag:s14] =	ssyncset.done $0x0  }
0x1d: {  	[sflag:s14] =	ssyncadd.s32 $0xFFFFFE80  }
0x1e: {  	[tilespmem:$0x10000] =	vst v1  }
0x1f: {  	[tilespmem:$0x10010] =	vst v1  }
0x20: {  	[tilespmem:$0x10020] =	vst v1  }
0x21: {  	[tilespmem:$0x10030] =	vst v1  }
0x22: {  	[tilespmem:$0x10040] =	vst v1  }
0x23: {  	[tilespmem:$0x10050] =	vst v1  }
0x24: {  	[tilespmem:$0x10060] =	vst v1  }
0x25: {  	[tilespmem:$0x10070] =	vst v1  }
0x26: {  	[tilespmem:$0x10080] =	vst v1  }
0x27: {  	[tilespmem:$0x10090] =	vst v1  }
0x28: {  	[tilespmem:$0x100A0] =	vst v1  }
0x29: {  	[tilespmem:$0x100B0] =	vst v1  }
0x2a: {  	[tilespmem:$0x100C0] =	vst v1  }
0x2b: {  	[tilespmem:$0x100D0] =	vst v1  }
0x2c: {  	[tilespmem:$0x100E0] =	vst v1  }
0x2d: {  	[tilespmem:$0x100F0] =	vst v1  }
0x2e: {  	[tilespmem:$0x10100] =	vst v1  }
0x2f: {  	[tilespmem:$0x10110] =	vst v1  }
0x30: {  	[tilespmem:$0x10120] =	vst v1  }
0x31: {  	[tilespmem:$0x10130] =	vst v1  }
0x32: {  	[tilespmem:$0x10140] =	vst v1  }
0x33: {  	[tilespmem:$0x10150] =	vst v1  }
0x34: {  	[tilespmem:$0x10160] =	vst v1  }
0x35: {  	[tilespmem:$0x10170] =	vst v1  }
0x36: {  	[tilespmem:$0x10180] =	vst v1  }
0x37: {  	[tilespmem:$0x10190] =	vst v1  }
0x38: {  	[tilespmem:$0x101A0] =	vst v1  }
0x39: {  	[tilespmem:$0x101B0] =	vst v1  }
0x3a: {  	[tilespmem:$0x101C0] =	vst v1  }
0x3b: {  	[tilespmem:$0x101D0] =	vst v1  }
0x3c: {  	[tilespmem:$0x101E0] =	vst v1  }
0x3d: {  	[tilespmem:$0x101F0] =	vst v1  }
0x3e: {  	[tilespmem:$0x10200] =	vst v1  }
0x3f: {  	[tilespmem:$0x10210] =	vst v1  }
0x40: {  	[tilespmem:$0x10220] =	vst v1  }
0x41: {  	[tilespmem:$0x10230] =	vst v1  }
0x42: {  	[tilespmem:$0x10240] =	vst v1  }
0x43: {  	[tilespmem:$0x10250] =	vst v1  }
0x44: {  	[tilespmem:$0x10260] =	vst v1  }
0x45: {  	[tilespmem:$0x10270] =	vst v1  }
0x46: {  	[tilespmem:$0x10280] =	vst v1  }
0x47: {  	[tilespmem:$0x10290] =	vst v1  }
0x48: {  	[tilespmem:$0x102A0] =	vst v1  }
0x49: {  	[tilespmem:$0x102B0] =	vst v1  }
0x4a: {  	[tilespmem:$0x102C0] =	vst v1  }
0x4b: {  	[tilespmem:$0x102D0] =	vst v1  }
0x4c: {  	[tilespmem:$0x102E0] =	vst v1  }
0x4d: {  	[tilespmem:$0x102F0] =	vst v1  }
0x4e: {  	[tilespmem:$0x10300] =	vst v1  }
0x4f: {  	[tilespmem:$0x10310] =	vst v1  }
0x50: {  	[tilespmem:$0x10320] =	vst v1  }
0x51: {  	[tilespmem:$0x10330] =	vst v1  }
0x52: {  	[tilespmem:$0x10340] =	vst v1  }
0x53: {  	[tilespmem:$0x10350] =	vst v1  }
0x54: {  	[tilespmem:$0x10360] =	vst v1  }
0x55: {  	[tilespmem:$0x10370] =	vst v1  }
0x56: {  	[tilespmem:$0x10380] =	vst v1  }
0x57: {  	[tilespmem:$0x10390] =	vst v1  }
0x58: {  	[tilespmem:$0x103A0] =	vst v1  }
0x59: {  	[tilespmem:$0x103B0] =	vst v1  }
0x5a: {  	[tilespmem:$0x103C0] =	vst v1  }
0x5b: {  	[tilespmem:$0x103D0] =	vst v1  }
0x5c: {  	[tilespmem:$0x103E0] =	vst v1  }
0x5d: {  	[tilespmem:$0x103F0] =	vst v1  }
0x5e: {  	[tilespmem:$0x10400] =	vst v1  }
0x5f: {  	[tilespmem:$0x10410] =	vst v1  }
0x60: {  	[tilespmem:$0x10420] =	vst v1  }
0x61: {  	[tilespmem:$0x10430] =	vst v1  }
0x62: {  	[tilespmem:$0x10440] =	vst v1  }
0x63: {  	[tilespmem:$0x10450] =	vst v1  }
0x64: {  	[tilespmem:$0x10460] =	vst v1  }
0x65: {  	[tilespmem:$0x10470] =	vst v1  }
0x66: {  	[tilespmem:$0x10480] =	vst v1  }
0x67: {  	[tilespmem:$0x10490] =	vst v1  }
0x68: {  	[tilespmem:$0x104A0] =	vst v1  }
0x69: {  	[tilespmem:$0x104B0] =	vst v1  }
0x6a: {  	[tilespmem:$0x104C0] =	vst v1  }
0x6b: {  	[tilespmem:$0x104D0] =	vst v1  }
0x6c: {  	[tilespmem:$0x104E0] =	vst v1  }
0x6d: {  	[tilespmem:$0x104F0] =	vst v1  }
0x6e: {  	[tilespmem:$0x10500] =	vst v1  }
0x6f: {  	[tilespmem:$0x10510] =	vst v1  }
0x70: {  	[tilespmem:$0x10520] =	vst v1  }
0x71: {  	[tilespmem:$0x10530] =	vst v1  }
0x72: {  	[tilespmem:$0x10540] =	vst v1  }
0x73: {  	[tilespmem:$0x10550] =	vst v1  }
0x74: {  	[tilespmem:$0x10560] =	vst v1  }
0x75: {  	[tilespmem:$0x10570] =	vst v1  }
0x76: {  	[tilespmem:$0x10580] =	vst v1  }
0x77: {  	[tilespmem:$0x10590] =	vst v1  }
0x78: {  	[tilespmem:$0x105A0] =	vst v1  }
0x79: {  	[tilespmem:$0x105B0] =	vst v1  }
0x7a: {  	[tilespmem:$0x105C0] =	vst v1  }
0x7b: {  	[tilespmem:$0x105D0] =	vst v1  }
0x7c: {  	[tilespmem:$0x105E0] =	vst v1  }
0x7d: {  	[tilespmem:$0x105F0] =	vst v1  }
0x7e: {  	[tilespmem:$0x10600] =	vst v1  }
0x7f: {  	[tilespmem:$0x10610] =	vst v1  }
0x80: {  	[tilespmem:$0x10620] =	vst v1  }
0x81: {  	[tilespmem:$0x10630] =	vst v1  }
0x82: {  	[tilespmem:$0x10640] =	vst v1  }
0x83: {  	[tilespmem:$0x10650] =	vst v1  }
0x84: {  	[tilespmem:$0x10660] =	vst v1  }
0x85: {  	[tilespmem:$0x10670] =	vst v1  }
0x86: {  	[tilespmem:$0x10680] =	vst v1  }
0x87: {  	[tilespmem:$0x10690] =	vst v1  }
0x88: {  	[tilespmem:$0x106A0] =	vst v1  }
0x89: {  	[tilespmem:$0x106B0] =	vst v1  }
0x8a: {  	[tilespmem:$0x106C0] =	vst v1  }
0x8b: {  	[tilespmem:$0x106D0] =	vst v1  }
0x8c: {  	[tilespmem:$0x106E0] =	vst v1  }
0x8d: {  	[tilespmem:$0x106F0] =	vst v1  }
0x8e: {  	[tilespmem:$0x10700] =	vst v1  }
0x8f: {  	[tilespmem:$0x10710] =	vst v1  }
0x90: {  	[tilespmem:$0x10720] =	vst v1  }
0x91: {  	[tilespmem:$0x10730] =	vst v1  }
0x92: {  	[tilespmem:$0x10740] =	vst v1  }
0x93: {  	[tilespmem:$0x10750] =	vst v1  }
0x94: {  	[tilespmem:$0x10760] =	vst v1  }
0x95: {  	[tilespmem:$0x10770] =	vst v1  }
0x96: {  	[tilespmem:$0x10780] =	vst v1  }
0x97: {  	[tilespmem:$0x10790] =	vst v1  }
0x98: {  	[tilespmem:$0x107A0] =	vst v1  }
0x99: {  	[tilespmem:$0x107B0] =	vst v1  }
0x9a: {  	[tilespmem:$0x107C0] =	vst v1;
	v0 =	vld [tilespmem:$0x10E00]  }
0x9b: {  	[tilespmem:$0x107D0] =	vst v1;
	v3 =	vld [tilespmem:$0x10E80]  }
0x9c: {  	[tilespmem:$0x107E0] =	vst v1;
	v4 =	vld [tilespmem:$0x10F00]  }
0x9d: {  	[tilespmem:$0x107F0] =	vst v1;
	v5 =	vld [tilespmem:$0x10F80]  }
0x9e: {  	[tilespmem:$0x10800] =	vst v1;
	v6 =	vld [tilespmem:$0x11000]  }
0x9f: {  	[tilespmem:$0x10810] =	vst v1;
	v7 =	vld [tilespmem:$0x11080]  }
0xa0: {  	[tilespmem:$0x10820] =	vst v1;
	v8 =	vld [tilespmem:$0x11100]  }
0xa1: {  	[tilespmem:$0x10830] =	vst v1;
	v9 =	vld [tilespmem:$0x11180]  }
0xa2: {  	[tilespmem:$0x10840] =	vst v1;
	v10 =	vld [tilespmem:$0x11200]  }
0xa3: {  	[tilespmem:$0x10850] =	vst v1;
	v11 =	vld [tilespmem:$0x11280]  }
0xa4: {  	[tilespmem:$0x10860] =	vst v1;
	v12 =	vld [tilespmem:$0x11300]  }
0xa5: {  	[tilespmem:$0x10870] =	vst v1;
	v13 =	vld [tilespmem:$0x11380]  }
0xa6: {  	[tilespmem:$0x10880] =	vst v1;
	v14 =	vld [tilespmem:$0x11400]  }
0xa7: {  	[tilespmem:$0x10890] =	vst v1;
	v15 =	vld [tilespmem:$0x11480]  }
0xa8: {  	[tilespmem:$0x108A0] =	vst v1;
	v16 =	vld [tilespmem:$0x11500]  }
0xa9: {  	[tilespmem:$0x108B0] =	vst v1;
	v17 =	vld [tilespmem:$0x11580]  }
0xaa: {  	[tilespmem:$0x108C0] =	vst v1;
	v18 =	vld [tilespmem:$0x11600]  }
0xab: {  	[tilespmem:$0x108D0] =	vst v1;
	v19 =	vld [tilespmem:$0x11680]  }
0xac: {  	[tilespmem:$0x108E0] =	vst v1;
	v20 =	vld [tilespmem:$0x11700]  }
0xad: {  	[tilespmem:$0x108F0] =	vst v1;
	v21 =	vld [tilespmem:$0x11780]  }
0xae: {  	[tilespmem:$0x10900] =	vst v1;
	v22 =	vld [tilespmem:$0x11800]  }
0xaf: {  	[tilespmem:$0x10910] =	vst v1;
	v23 =	vld [tilespmem:$0x11880]  }
0xb0: {  	[tilespmem:$0x10920] =	vst v1;
	v24 =	vld [tilespmem:$0x11900]  }
0xb1: {  	[tilespmem:$0x10930] =	vst v1;
	v25 =	vld [tilespmem:$0x11980]  }
0xb2: {  	[tilespmem:$0x10940] =	vst v1;
	v26 =	vld [tilespmem:$0x11A00]  }
0xb3: {  	[tilespmem:$0x10950] =	vst v1;
	v27 =	vld [tilespmem:$0x11A80]  }
0xb4: {  	[tilespmem:$0x10960] =	vst v1;
	v28 =	vld [tilespmem:$0x11B00]  }
0xb5: {  	[tilespmem:$0x10970] =	vst v1;
	v29 =	vld [tilespmem:$0x11B80]  }
0xb6: {  	[tilespmem:$0x10980] =	vst v1;
	v30 =	vld [tilespmem:$0x11C00]  }
0xb7: {  	[tilespmem:$0x10990] =	vst v1;
	v31 =	vld [tilespmem:$0x11C80]  }
0xb8: {  	[tilespmem:$0x109A0] =	vst v1;
	v32 =	vld [tilespmem:$0x11D00]  }
0xb9: {  	[tilespmem:$0x109B0] =	vst v1;
	v33 =	vld [tilespmem:$0x11D80]  }
0xba: {  	[tilespmem:$0x109C0] =	vst v1;
	v34 =	vld [tilespmem:$0x11E00]  }
0xbb: {  	[tilespmem:$0x109D0] =	vst v1;
	v35 =	vld [tilespmem:$0x11E80]  }
0xbc: {  	[tilespmem:$0x109E0] =	vst v1;
	v36 =	vld [tilespmem:$0x11F00]  }
0xbd: {  	[tilespmem:$0x109F0] =	vst v1;
	v37 =	vld [tilespmem:$0x11F80]  }
0xbe: {  	[tilespmem:$0x10A00] =	vst v1;
	v38 =	vld [tilespmem:$0x12000]  }
0xbf: {  	[tilespmem:$0x10A10] =	vst v1;
	v45 =	vld [tilespmem:$0x12280];
	v0 =	vmin.f32 v0, v4  }
0xc0: {  	[tilespmem:$0x10A20] =	vst v1;
	v46 =	vld [tilespmem:$0x12300];
	v3 =	vmax.f32 v3, v5;
	v0 =	vmin.f32 v0, v6  }
0xc1: {  	[tilespmem:$0x10A30] =	vst v1;
	v47 =	vld [tilespmem:$0x12380];
	v3 =	vmax.f32 v3, v7;
	v0 =	vmin.f32 v0, v8  }
0xc2: {  	[tilespmem:$0x10A40] =	vst v1;
	v48 =	vld [tilespmem:$0x12400];
	v3 =	vmax.f32 v3, v9;
	v0 =	vmin.f32 v0, v10  }
0xc3: {  	[tilespmem:$0x10A50] =	vst v1;
	v49 =	vld [tilespmem:$0x12480];
	v3 =	vmax.f32 v3, v11;
	v0 =	vmin.f32 v0, v12  }
0xc4: {  	[tilespmem:$0x10A60] =	vst v1;
	v50 =	vld [tilespmem:$0x12500];
	v3 =	vmax.f32 v3, v13;
	v0 =	vmin.f32 v0, v14  }
0xc5: {  	[tilespmem:$0x10A70] =	vst v1;
	v51 =	vld [tilespmem:$0x12580];
	v3 =	vmax.f32 v3, v15;
	v0 =	vmin.f32 v0, v16  }
0xc6: {  	[tilespmem:$0x10A80] =	vst v1;
	v52 =	vld [tilespmem:$0x12600];
	v3 =	vmax.f32 v3, v17;
	v0 =	vmin.f32 v0, v18  }
0xc7: {  	[tilespmem:$0x10A90] =	vst v1;
	v53 =	vld [tilespmem:$0x12680];
	v3 =	vmax.f32 v3, v19;
	v0 =	vmin.f32 v0, v20  }
0xc8: {  	[tilespmem:$0x10AA0] =	vst v1;
	v54 =	vld [tilespmem:$0x12700];
	v3 =	vmax.f32 v3, v21;
	v0 =	vmin.f32 v0, v22  }
0xc9: {  	[tilespmem:$0x10AB0] =	vst v1;
	v55 =	vld [tilespmem:$0x12780];
	v3 =	vmax.f32 v3, v23;
	v0 =	vmin.f32 v0, v24  }
0xca: {  	[tilespmem:$0x10AC0] =	vst v1;
	v4 =	vld [tilespmem:$0x12080];
	v3 =	vmax.f32 v3, v25;
	v0 =	vmin.f32 v0, v26  }
0xcb: {  	[tilespmem:$0x10AD0] =	vst v1;
	v5 =	vld [tilespmem:$0x12100];
	v3 =	vmax.f32 v3, v27;
	v0 =	vmin.f32 v0, v28  }
0xcc: {  	[tilespmem:$0x10AE0] =	vst v1;
	v6 =	vld [tilespmem:$0x12180];
	v3 =	vmax.f32 v3, v29;
	v0 =	vmin.f32 v0, v30  }
0xcd: {  	[tilespmem:$0x10AF0] =	vst v1;
	v7 =	vld [tilespmem:$0x12200];
	v3 =	vmax.f32 v3, v31;
	v0 =	vmin.f32 v0, v32  }
0xce: {  	[tilespmem:$0x10B00] =	vst v1;
	v56 =	vld [tilespmem:$0x12800];
	v3 =	vmax.f32 v3, v33;
	v0 =	vmin.f32 v0, v34  }
0xcf: {  	[tilespmem:$0x10B10] =	vst v1;
	v57 =	vld [tilespmem:$0x12880];
	v3 =	vmax.f32 v3, v35;
	v0 =	vmin.f32 v0, v36  }
0xd0: {  	[tilespmem:$0x10B20] =	vst v1;
	v58 =	vld [tilespmem:$0x12900];
	v3 =	vmax.f32 v3, v37;
	v0 =	vmin.f32 v0, v38  }
0xd1: {  	[tilespmem:$0x10B30] =	vst v1;
	v59 =	vld [tilespmem:$0x12B80];
	v3 =	vmax.f32 v3, v4;
	v0 =	vmin.f32 v0, v5  }
0xd2: {  	[tilespmem:$0x10B40] =	vst v1;
	v60 =	vld [tilespmem:$0x12C00];
	v3 =	vmax.f32 v3, v6;
	v0 =	vmin.f32 v0, v7  }
0xd3: {  	[tilespmem:$0x10B50] =	vst v1;
	v4 =	vld [tilespmem:$0x12980];
	v3 =	vmax.f32 v3, v45;
	v0 =	vmin.f32 v0, v46  }
0xd4: {  	[tilespmem:$0x10B60] =	vst v1;
	v5 =	vld [tilespmem:$0x12A00];
	v3 =	vmax.f32 v3, v47;
	v0 =	vmin.f32 v0, v48  }
0xd5: {  	[tilespmem:$0x10B70] =	vst v1;
	v6 =	vld [tilespmem:$0x12A80];
	v3 =	vmax.f32 v3, v49;
	v0 =	vmin.f32 v0, v50  }
0xd6: {  	[tilespmem:$0x10B80] =	vst v1;
	v7 =	vld [tilespmem:$0x12B00];
	v3 =	vmax.f32 v3, v51;
	v0 =	vmin.f32 v0, v52  }
0xd7: {  	[tilespmem:$0x10B90] =	vst v1;
	v61 =	vld [tilespmem:$0x12C80];
	v3 =	vmax.f32 v3, v53;
	v0 =	vmin.f32 v0, v54  }
0xd8: {  	[tilespmem:$0x10BA0] =	vst v1;
	v62 =	vld [tilespmem:$0x12D00];
	v3 =	vmax.f32 v3, v55;
	v0 =	vmin.f32 v0, v56  }
0xd9: {  	[tilespmem:$0x10BB0] =	vst v1;
	v63 =	vld [tilespmem:$0x12D80];
	v3 =	vmax.f32 v3, v57;
	v0 =	vmin.f32 v0, v58  }
0xda: {  	[tilespmem:$0x10BC0] =	vst v1;
	v3 =	vmax.f32 v3, v4;
	v0 =	vmin.f32 v0, v5  }
0xdb: {  	[tilespmem:$0x10BD0] =	vst v1;
	v3 =	vmax.f32 v3, v6;
	v0 =	vmin.f32 v0, v7  }
0xdc: {  	[tilespmem:$0x10BE0] =	vst v1;
	v3 =	vmax.f32 v3, v59;
	v0 =	vmin.f32 v0, v60  }
0xdd: {  	[tilespmem:$0x10BF0] =	vst v1;
	v3 =	vmax.f32 v3, v61;
	v0 =	vmin.f32 v0, v62  }
0xde: {  	[tilespmem:$0x10C00] =	vst v1;
	v3 =	vmax.f32 v3, v63;
	(xrf0) =	vmin.scan.msk.f32 $0xffff, v0  }
0xdf: {  	[tilespmem:$0x10C10] =	vst v1;
	(xrf0) =	vmax.scan.msk.f32 $0xffff, v3  }
0xe0: {  	[tilespmem:$0x10C20] =	vst v1  }
0xe1: {  	[tilespmem:$0x10C30] =	vst v1;
	v0 =	vld [tilespmem:$0x12E00]  }
0xe2: {  	[tilespmem:$0x10C40] =	vst v1;
	v3 =	vld [tilespmem:$0x12E80]  }
0xe3: {  	[tilespmem:$0x10C50] =	vst v1  }
0xe4: {  	[tilespmem:$0x10C60] =	vst v1;
	v4, _, _ =	vpop (xrf0)  }
0xe5: {  	[tilespmem:$0x10C70] =	vst v1;
	v5, _, _ =	vpop (xrf0)  }
0xe6: {  	[tilespmem:$0x10C80] =	vst v1;
	v4 =	vbroadcast v4, $0xF;
	v5 =	vbroadcast v5, $0xF  }
0xe7: {  	[tilespmem:$0x10C90] =	vst v1;
	vm0 =	veq.f32 v0, v3  }
0xe8: {  	[tilespmem:$0x10CA0] =	vst v1;
	v0 =	vsel vm0, v4, v0;
	v3 =	vsel vm0, v5, v3  }
0xe9: {  	[tilespmem:$0x10CB0] =	vst v1;
	v3 =	vsub.f32 v3, v0  }
0xea: {  	[tilespmem:$0x10CC0] =	vst v1  }
0xeb: {  	[tilespmem:$0x10CD0] =	vst v1;
	vm15 =	veq.f32 v3, $0.0e+00  }
0xec: {  	[tilespmem:$0x10CE0] =	vst v1;
	v3 =	vsel vm15, $0x3F800000, v3  }
0xed: {  	[tilespmem:$0x10CF0] =	vst v1;
	(erf) = vrcp.f32 v3  }
0xee: {  	[tilespmem:$0x10D00] =	vst v1  }
0xef: {  	[tilespmem:$0x10D10] =	vst v1  }
0xf0: {  	[tilespmem:$0x10D20] =	vst v1  }
0xf1: {  	[tilespmem:$0x10D30] =	vst v1  }
0xf2: {  	[tilespmem:$0x10D40] =	vst v1;
	v3 =	vld [tilespmem:$0x12F00]  }
0xf3: {  	[tilespmem:$0x10D50] =	vst v1  }
0xf4: {  	[tilespmem:$0x10D60] =	vst v1  }
0xf5: {  	[tilespmem:$0x10D70] =	vst v1  }
0xf6: {  	[tilespmem:$0x10D80] =	vst v1;
	v4 =	vpop (erf)  }
0xf7: {  	[tilespmem:$0x10D90] =	vst v1;
	v4 =	vmul.f32 v4, v3;
	v3 =	vld [tilespmem:$0x1FFF0]  }
0xf8: {  	[tilespmem:$0x10DA0] =	vst v1  }
0xf9: {  	[tilespmem:$0x10DB0] =	vst v1  }
0xfa: {  	[tilespmem:$0x10DC0] =	vst v1;
	v0 =	vmul.f32 v4, v0  }
0xfb: {  	[tilespmem:$0x10DD0] =	vst v1  }
0xfc: {  	[tilespmem:$0x10DE0] =	vst v1;
	v3 =	vadd.f32 v3, v0  }
0xfd: {  	s22 =	simm.s32 $0x0;
	[tilespmem:$0x10DF0] =	vst v1  }
.LBB2_2:
0xfe: {  	_ =	swait.ge [sflag:s16], $0x8000  }
0xff: {  	[sflag:s16] =	ssyncset.done $0x0  }
0x100: {  	s23 =	simm.s32 $0x100;
	[sflag:s16] =	ssyncadd.s32 $0xFFFF8000  }
0x101: {  	v0 =	vld [tilespmem:s23+$0xE0]  }
0x102: {  	v5 =	vld [tilespmem:s23+$0xFFFFFF20]  }
0x103: {  	v6 =	vld [tilespmem:s23+$0xFFFFFF40]  }
0x104: {  	v7 =	vld [tilespmem:s23+$0xFFFFFF60]  }
0x105: {  	v8 =	vld [tilespmem:s23+$0xFFFFFF80]  }
0x106: {  	v9 =	vld [tilespmem:s23+$0xFFFFFFA0]  }
0x107: {  	v10 =	vld [tilespmem:s23+$0xFFFFFFC0]  }
0x108: {  	v11 =	vld [tilespmem:s23+$0xFFFFFFE0]  }
0x109: {  	v12 =	vld [tilespmem:s23+$0x0]  }
0x10a: {  	v13 =	vld [tilespmem:s23+$0x20]  }
0x10b: {  	v14 =	vld [tilespmem:s23+$0x40]  }
0x10c: {  	v15 =	vld [tilespmem:s23+$0xFFFFFF00]  }
0x10d: {  	v16 =	vld [tilespmem:s23+$0x60]  }
0x10e: {  	v17 =	vld [tilespmem:s23+$0x80]  }
0x10f: {  	v18 =	vld [tilespmem:s23+$0xA0]  }
0x110: {  	s24 =	simm.s32 $0x300;
	v19 =	vld [tilespmem:s23+$0xC0]  }
0x111: {  	v20 =	vld [tilespmem:s24+$0xFFFFFF20]  }
0x112: {  	v21 =	vld [tilespmem:s24+$0xFFFFFF40]  }
0x113: {  	v22 =	vld [tilespmem:s24+$0xFFFFFF60]  }
0x114: {  	v23 =	vld [tilespmem:s24+$0xFFFFFF80]  }
0x115: {  	v24 =	vld [tilespmem:s24+$0xFFFFFFA0];
	v0 =	vmul.f32 v0, v4;
	v5 =	vmul.f32 v5, v4  }
0x116: {  	v25 =	vld [tilespmem:s24+$0xFFFFFFC0];
	v6 =	vmul.f32 v6, v4;
	v7 =	vmul.f32 v7, v4  }
0x117: {  	v26 =	vld [tilespmem:s24+$0xFFFFFFE0];
	v8 =	vmul.f32 v8, v4;
	v9 =	vmul.f32 v9, v4;
	v0 =	vsub.f32 v0, v3  }
0x118: {  	v27 =	vld [tilespmem:s24+$0x0];
	v11 =	vmul.f32 v11, v4;
	v12 =	vmul.f32 v12, v4;
	v5 =	vsub.f32 v5, v3  }
0x119: {  	v28 =	vld [tilespmem:s24+$0x20];
	v15 =	vmul.f32 v15, v4;
	v6 =	vsub.f32 v6, v3;
	v0 =	vtrunc.f32 v0  }
0x11a: {  	v29 =	vld [tilespmem:s24+$0x40];
	v8 =	vsub.f32 v8, v3;
	v5 =	vtrunc.f32 v5;
	v0 =	vcvt.f32.s32 v0  }
0x11b: {  	v30 =	vld [tilespmem:s24+$0x60];
	v9 =	vsub.f32 v9, v3;
	v6 =	vtrunc.f32 v6;
	v5 =	vcvt.f32.s32 v5  }
0x11c: {  	v31 =	vld [tilespmem:s24+$0xFFFFFF00];
	v11 =	vsub.f32 v11, v3;
	v8 =	vtrunc.f32 v8;
	v6 =	vcvt.f32.s32 v6  }
0x11d: {  	v32 =	vld [tilespmem:s24+$0x80];
	v9 =	vtrunc.f32 v9;
	v8 =	vcvt.f32.s32 v8  }
0x11e: {  	v33 =	vld [tilespmem:s24+$0xA0];
	v11 =	vtrunc.f32 v11;
	v9 =	vcvt.f32.s32 v9  }
0x11f: {  	v34 =	vld [tilespmem:s24+$0xC0];
	v13 =	vmul.f32 v13, v4;
	v11 =	vcvt.f32.s32 v11  }
0x120: {  	v14 =	vmul.f32 v14, v4;
	v15 =	vsub.f32 v15, v3;
	[tilespmem:v0+s17+$0x0] =	vst.idx.add.s32.msk $0xffff, v2  }
0x121: {  	v12 =	vsub.f32 v12, v3;
	v13 =	vsub.f32 v13, v3;
	[tilespmem:v5+s17+$0x0] =	vst.idx.add.s32.msk $0xffff, v2  }
0x122: {  	v16 =	vmul.f32 v16, v4;
	v15 =	vtrunc.f32 v15;
	[tilespmem:v6+s17+$0x0] =	vst.idx.add.s32.msk $0xffff, v2  }
0x123: {  	v12 =	vtrunc.f32 v12;
	v13 =	vtrunc.f32 v13;
	[tilespmem:v8+s17+$0x0] =	vst.idx.add.s32.msk $0xffff, v2  }
0x124: {  	v15 =	vcvt.f32.s32 v15;
	v12 =	vcvt.f32.s32 v12;
	[tilespmem:v9+s17+$0x0] =	vst.idx.add.s32.msk $0xffff, v2  }
0x125: {  	s0 =	simm.s32 $0x1E0;
	v13 =	vcvt.f32.s32 v13;
	v0 =	vsub.f32 v7, v3;
	v7 =	vmul.f32 v10, v4;
	[tilespmem:v11+s17+$0x0] =	vst.idx.add.s32.msk $0xffff, v2  }
0x126: {  	s0 =	sor.u32 $0x70, s0;
	v5 =	vmul.f32 v18, v4;
	v6 =	vsub.f32 v14, v3;
	v14 =	vsub.f32 v16, v3;
	v16 =	vld [tilespmem:s24+$0xE0]  }
0x127: {  	v10 =	vld [tilespmem:s0+$0x0];
	v0 =	vtrunc.f32 v0;
	v7 =	vsub.f32 v7, v3  }
0x128: {  	v9 =	vld [tilespmem:s23+$0xFFFFFF50];
	v6 =	vtrunc.f32 v6;
	v5 =	vsub.f32 v5, v3;
	v0 =	vcvt.f32.s32 v0  }
0x129: {  	v11 =	vld [tilespmem:s23+$0xFFFFFF90];
	v6 =	vcvt.f32.s32 v6;
	v7 =	vtrunc.f32 v7  }
0x12a: {  	[tilespmem:v15+s17+$0x0] =	vst.idx.add.s32.msk $0xffff, v2;
	v5 =	vtrunc.f32 v5;
	v7 =	vcvt.f32.s32 v7  }
0x12b: {  	s25 =	simm.s32 $0xA0;
	[tilespmem:v12+s17+$0x0] =	vst.idx.add.s32.msk $0xffff, v2;
	v5 =	vcvt.f32.s32 v5;
	v16 =	vmul.f32 v16, v4  }
0x12c: {  	[tilespmem:v13+s17+$0x0] =	vst.idx.add.s32.msk $0xffff, v2;
	s0 =	sor.u32 $0x30, s25;
	v10 =	vmul.f32 v10, v4  }
0x12d: {  	v17 =	vmul.f32 v17, v4;
	v12 =	vld [tilespmem:s0+$0x0];
	v9 =	vmul.f32 v9, v4;
	v16 =	vsub.f32 v16, v3  }
0x12e: {  	v11 =	vmul.f32 v11, v4;
	v10 =	vsub.f32 v10, v3;
	[tilespmem:v0+s17+$0x0] =	vst.idx.add.s32.msk $0xffff, v2  }
0x12f: {  	v15 =	vmul.f32 v19, v4;
	v19 =	vsub.f32 v9, v3;
	[tilespmem:v6+s17+$0x0] =	vst.idx.add.s32.msk $0xffff, v2;
	v16 =	vtrunc.f32 v16  }
0x130: {  	v11 =	vsub.f32 v11, v3;
	v10 =	vtrunc.f32 v10;
	v16 =	vcvt.f32.s32 v16;
	[tilespmem:v7+s17+$0x0] =	vst.idx.add.s32.msk $0xffff, v2  }
0x131: {  	v8 =	vsub.f32 v15, v3;
	v10 =	vcvt.f32.s32 v10;
	[tilespmem:v5+s17+$0x0] =	vst.idx.add.s32.msk $0xffff, v2  }
0x132: {  	s3 =	simm.s32 $0xC0;
	v0 =	vsub.f32 v17, v3;
	v19 =	vtrunc.f32 v19;
	v11 =	vtrunc.f32 v11;
	v5 =	vld [tilespmem:s23+$0xFFFFFF10]  }
0x133: {  	s28 =	simm.s32 $0x120;
	s3 =	sor.u32 $0x50, s3;
	v7 =	vtrunc.f32 v8;
	v8 =	vld [tilespmem:s23+$0xFFFFFF30];
	v19 =	vcvt.f32.s32 v19  }
0x134: {  	v0 =	vtrunc.f32 v0;
	v11 =	vcvt.f32.s32 v11;
	v13 =	vld [tilespmem:s3+$0x0];
	s3 =	sor.u32 $0x30, s28  }
0x135: {  	v0 =	vcvt.f32.s32 v0;
	v6 =	vld [tilespmem:s3+$0x0]  }
0x136: {  	s13 =	simm.s32 $0xE0;
	v20 =	vmul.f32 v20, v4;
	v7 =	vcvt.f32.s32 v7;
	[tilespmem:v16+s17+$0x0] =	vst.idx.add.s32.msk $0xffff, v2  }
0x137: {  	s26 =	sor.u32 $0x70, s13;
	v22 =	vmul.f32 v22, v4;
	v12 =	vmul.f32 v12, v4;
	[tilespmem:v10+s18+$0x0] =	vst.idx.add.s32.msk $0xffff, v2  }
0x138: {  	v23 =	vmul.f32 v23, v4;
	v10 =	vtrunc.f32 v14;
	v14 =	vld [tilespmem:s26+$0x0]  }
0x139: {  	v12 =	vsub.f32 v12, v3;
	v8 =	vmul.f32 v8, v4;
	[tilespmem:v19+s18+$0x0] =	vst.idx.add.s32.msk $0xffff, v2  }
0x13a: {  	v24 =	vmul.f32 v24, v4;
	[tilespmem:v11+s18+$0x0] =	vst.idx.add.s32.msk $0xffff, v2;
	v10 =	vcvt.f32.s32 v10  }
0x13b: {  	v27 =	vmul.f32 v27, v4;
	v12 =	vtrunc.f32 v12;
	[tilespmem:v0+s17+$0x0] =	vst.idx.add.s32.msk $0xffff, v2;
	v17 =	vsub.f32 v8, v3  }
0x13c: {  	s29 =	simm.s32 $0x140;
	v31 =	vmul.f32 v31, v4;
	v12 =	vcvt.f32.s32 v12;
	[tilespmem:v7+s17+$0x0] =	vst.idx.add.s32.msk $0xffff, v2  }
0x13d: {  	v20 =	vsub.f32 v20, v3;
	s0 =	sor.u32 $0x50, s29;
	v15 =	vmul.f32 v5, v4;
	v0 =	vld [tilespmem:s23+$0x10];
	v17 =	vtrunc.f32 v17  }
0x13e: {  	v58 =	vmul.f32 v30, v4;
	v7 =	vld [tilespmem:s0+$0x0];
	v17 =	vcvt.f32.s32 v17  }
0x13f: {  	v20 =	vtrunc.f32 v20;
	v15 =	vsub.f32 v15, v3;
	v8 =	vld [tilespmem:s23+$0x90];
	v14 =	vmul.f32 v14, v4  }
0x140: {  	v16 =	vsub.f32 v22, v3;
	v22 =	vmul.f32 v25, v4;
	v19 =	vcvt.f32.s32 v20;
	[tilespmem:v10+s17+$0x0] =	vst.idx.add.s32.msk $0xffff, v2  }
0x141: {  	v13 =	vmul.f32 v13, v4;
	v15 =	vtrunc.f32 v15;
	v10 =	vld [tilespmem:s23+$0xFFFFFF70];
	v14 =	vsub.f32 v14, v3;
	s23 =	simm.s32 $0x3E0  }
0x142: {  	v16 =	vtrunc.f32 v16;
	v22 =	vsub.f32 v22, v3;
	[tilespmem:v12+s18+$0x0] =	vst.idx.add.s32.msk $0xffff, v2;
	v15 =	vcvt.f32.s32 v15;
	s5 =	sor.u32 $0x70, s23  }
0x143: {  	s4 =	simm.s32 $0x1C0;
	s3 =	simm.s32 $0x1A0;
	v13 =	vsub.f32 v13, v3;
	v12 =	vcvt.f32.s32 v16;
	v14 =	vtrunc.f32 v14;
	v56 =	vld [tilespmem:s5+$0x0]  }
0x144: {  	s0 =	sor.u32 $0x30, s3;
	s3 =	sor.u32 $0x50, s4;
	v22 =	vtrunc.f32 v22;
	v14 =	vcvt.f32.s32 v14;
	[tilespmem:v17+s18+$0x0] =	vst.idx.add.s32.msk $0xffff, v2;
	v17 =	vsub.f32 v31, v3  }
0x145: {  	s30 =	simm.s32 $0x160;
	v23 =	vsub.f32 v23, v3;
	v9 =	vld [tilespmem:s3+$0x0];
	v13 =	vtrunc.f32 v13;
	v22 =	vcvt.f32.s32 v22  }
0x146: {  	s31 =	sor.u32 $0x70, s30;
	v24 =	vsub.f32 v24, v3;
	v13 =	vcvt.f32.s32 v13;
	[tilespmem:v19+s17+$0x0] =	vst.idx.add.s32.msk $0xffff, v2;
	v17 =	vtrunc.f32 v17  }
0x147: {  	v5 =	vld [tilespmem:s31+$0x0];
	v18 =	vmul.f32 v10, v4;
	v11 =	vcvt.f32.s32 v17  }
0x148: {  	v23 =	vtrunc.f32 v23;
	[tilespmem:v15+s18+$0x0] =	vst.idx.add.s32.msk $0xffff, v2;
	v15 =	vtrunc.f32 v24;
	v17 =	vsub.f32 v27, v3  }
0x149: {  	[tilespmem:v12+s17+$0x0] =	vst.idx.add.s32.msk $0xffff, v2;
	v15 =	vcvt.f32.s32 v15;
	v18 =	vsub.f32 v18, v3;
	v57 =	vmul.f32 v56, v4  }
0x14a: {  	v17 =	vtrunc.f32 v17;
	[tilespmem:v14+s18+$0x0] =	vst.idx.add.s32.msk $0xffff, v2;
	v14 =	vcvt.f32.s32 v23  }
0x14b: {  	[tilespmem:v22+s17+$0x0] =	vst.idx.add.s32.msk $0xffff, v2;
	v18 =	vtrunc.f32 v18;
	v20 =	vsub.f32 v57, v3;
	v17 =	vcvt.f32.s32 v17  }
0x14c: {  	v21 =	vmul.f32 v21, v4;
	[tilespmem:v13+s18+$0x0] =	vst.idx.add.s32.msk $0xffff, v2;
	v18 =	vcvt.f32.s32 v18  }
0x14d: {  	v26 =	vmul.f32 v26, v4;
	v16 =	vtrunc.f32 v20;
	[tilespmem:v11+s17+$0x0] =	vst.idx.add.s32.msk $0xffff, v2;
	v11 =	vsub.f32 v58, v3  }
0x14e: {  	v28 =	vmul.f32 v28, v4;
	v10 =	vld [tilespmem:s0+$0x0];
	v13 =	vcvt.f32.s32 v16  }
0x14f: {  	v21 =	vsub.f32 v21, v3;
	[tilespmem:v15+s17+$0x0] =	vst.idx.add.s32.msk $0xffff, v2;
	v16 =	vmul.f32 v32, v4;
	v11 =	vtrunc.f32 v11  }
0x150: {  	v6 =	vmul.f32 v6, v4;
	[tilespmem:v14+s17+$0x0] =	vst.idx.add.s32.msk $0xffff, v2;
	v11 =	vcvt.f32.s32 v11  }
0x151: {  	s13 =	simm.s32 $0x2C0;
	v21 =	vtrunc.f32 v21;
	v23 =	vmul.f32 v34, v4;
	v12 =	vsub.f32 v16, v3;
	[tilespmem:v17+s17+$0x0] =	vst.idx.add.s32.msk $0xffff, v2  }
0x152: {  	v29 =	vmul.f32 v29, v4;
	s3 =	sor.u32 $0x50, s13;
	v6 =	vsub.f32 v6, v3;
	[tilespmem:v18+s18+$0x0] =	vst.idx.add.s32.msk $0xffff, v2;
	v18 =	vcvt.f32.s32 v21  }
0x153: {  	v19 =	vmul.f32 v33, v4;
	v14 =	vsub.f32 v23, v3;
	v17 =	vld [tilespmem:s3+$0x0];
	v12 =	vtrunc.f32 v12  }
0x154: {  	v6 =	vtrunc.f32 v6;
	v15 =	vld [tilespmem:s24+$0xFFFFFF90];
	v12 =	vcvt.f32.s32 v12  }
0x155: {  	v0 =	vmul.f32 v0, v4;
	v14 =	vtrunc.f32 v14;
	[tilespmem:v13+s18+$0x0] =	vst.idx.add.s32.msk $0xffff, v2;
	v13 =	vsub.f32 v19, v3  }
0x156: {  	v7 =	vmul.f32 v7, v4;
	v14 =	vcvt.f32.s32 v14;
	[tilespmem:v11+s17+$0x0] =	vst.idx.add.s32.msk $0xffff, v2  }
0x157: {  	s28 =	simm.s32 $0x360;
	v8 =	vmul.f32 v8, v4;
	v21 =	vsub.f32 v26, v3;
	v13 =	vtrunc.f32 v13;
	v11 =	vld [tilespmem:s24+$0xFFFFFF10]  }
0x158: {  	s29 =	sor.u32 $0x70, s28;
	v9 =	vmul.f32 v9, v4;
	v13 =	vcvt.f32.s32 v13;
	[tilespmem:v18+s17+$0x0] =	vst.idx.add.s32.msk $0xffff, v2;
	v18 =	vsub.f32 v29, v3  }
0x159: {  	v0 =	vsub.f32 v0, v3;
	v7 =	vsub.f32 v7, v3;
	v20 =	vtrunc.f32 v21;
	v60 =	vld [tilespmem:s29+$0x0]  }
0x15a: {  	v21 =	vsub.f32 v28, v3;
	v20 =	vcvt.f32.s32 v20;
	[tilespmem:v12+s17+$0x0] =	vst.idx.add.s32.msk $0xffff, v2;
	v16 =	vtrunc.f32 v18  }
0x15b: {  	v8 =	vsub.f32 v8, v3;
	v5 =	vmul.f32 v5, v4;
	v12 =	vld [tilespmem:s24+$0xFFFFFF30];
	v16 =	vcvt.f32.s32 v16  }
0x15c: {  	v9 =	vsub.f32 v9, v3;
	v0 =	vtrunc.f32 v0;
	v21 =	vtrunc.f32 v21;
	[tilespmem:v14+s17+$0x0] =	vst.idx.add.s32.msk $0xffff, v2  }
0x15d: {  	v5 =	vsub.f32 v5, v3;
	v10 =	vmul.f32 v10, v4;
	v18 =	vcvt.f32.s32 v21;
	v14 =	vld [tilespmem:s24+$0xFFFFFF70]  }
0x15e: {  	v7 =	vtrunc.f32 v7;
	v8 =	vtrunc.f32 v8;
	[tilespmem:v13+s17+$0x0] =	vst.idx.add.s32.msk $0xffff, v2  }
0x15f: {  	v9 =	vtrunc.f32 v9;
	v5 =	vtrunc.f32 v5;
	v10 =	vsub.f32 v10, v3;
	v13 =	vld [tilespmem:s24+$0xFFFFFF50]  }
0x160: {  	s7 =	simm.s32 $0x2A0;
	v0 =	vcvt.f32.s32 v0;
	v22 =	vcvt.f32.s32 v5;
	[tilespmem:v20+s17+$0x0] =	vst.idx.add.s32.msk $0xffff, v2  }
0x161: {  	s0 =	sor.u32 $0x30, s7;
	v5 =	vcvt.f32.s32 v8;
	v10 =	vtrunc.f32 v10;
	[tilespmem:v16+s17+$0x0] =	vst.idx.add.s32.msk $0xffff, v2  }
0x162: {  	s15 =	simm.s32 $0x2E0;
	v20 =	vcvt.f32.s32 v7;
	v7 =	vmul.f32 v11, v4;
	v16 =	vld [tilespmem:s0+$0x0]  }
0x163: {  	s20 =	sor.u32 $0x70, s15;
	v19 =	vcvt.f32.s32 v6;
	v8 =	vmul.f32 v12, v4;
	[tilespmem:v18+s17+$0x0] =	vst.idx.add.s32.msk $0xffff, v2  }
0x164: {  	s25 =	simm.s32 $0x320;
	v6 =	vcvt.f32.s32 v10;
	v10 =	vsub.f32 v7, v3;
	v18 =	vld [tilespmem:s20+$0x0];
	v11 =	vmul.f32 v13, v4  }
0x165: {  	s26 =	simm.s32 $0x340;
	s3 =	sor.u32 $0x30, s25;
	v21 =	vld [tilespmem:s24+$0x10];
	v7 =	vcvt.f32.s32 v9;
	v9 =	vmul.f32 v14, v4;
	v8 =	vsub.f32 v8, v3  }
0x166: {  	v63 =	vmul.f32 v60, v4;
	s0 =	sor.u32 $0x50, s26;
	v23 =	vld [tilespmem:s3+$0x0];
	v13 =	vmul.f32 v15, v4;
	v12 =	vsub.f32 v11, v3  }
0x167: {  	v59 =	vld [tilespmem:s0+$0x0];
	v11 =	vtrunc.f32 v8;
	v8 =	vsub.f32 v9, v3;
	v9 =	vmul.f32 v16, v4  }
0x168: {  	s30 =	simm.s32 $0x3A0;
	v10 =	vtrunc.f32 v10;
	v15 =	vmul.f32 v17, v4;
	v14 =	vsub.f32 v13, v3  }
0x169: {  	s31 =	simm.s32 $0x3C0;
	v61 =	vld [tilespmem:s24+$0x90];
	s0 =	sor.u32 $0x30, s30;
	v13 =	vtrunc.f32 v8;
	v8 =	vsub.f32 v9, v3;
	v9 =	vmul.f32 v18, v4  }
0x16a: {  	s3 =	sor.u32 $0x50, s31;
	v17 =	vmul.f32 v21, v4;
	v62 =	vld [tilespmem:s0+$0x0];
	v12 =	vtrunc.f32 v12;
	v16 =	vsub.f32 v15, v3  }
0x16b: {  	v18 =	vld [tilespmem:s3+$0x0];
	v15 =	vtrunc.f32 v8;
	v8 =	vsub.f32 v9, v3;
	v9 =	vmul.f32 v23, v4  }
0x16c: {  	[tilespmem:v0+s18+$0x0] =	vst.idx.add.s32.msk $0xffff, v2;
	v21 =	vsub.f32 v17, v3;
	v14 =	vtrunc.f32 v14;
	v23 =	vmul.f32 v59, v4  }
0x16d: {  	[tilespmem:v22+s18+$0x0] =	vst.idx.add.s32.msk $0xffff, v2;
	v16 =	vtrunc.f32 v16;
	v17 =	vtrunc.f32 v8;
	v9 =	vsub.f32 v9, v3  }
0x16e: {  	[tilespmem:v19+s18+$0x0] =	vst.idx.add.s32.msk $0xffff, v2;
	v8 =	vtrunc.f32 v21;
	v0 =	vsub.f32 v23, v3;
	v21 =	vmul.f32 v61, v4  }
0x16f: {  	s25 =	simm.s32 $0x500;
	s24 =	simm.s32 $0x10;
	v19 =	vsub.f32 v63, v3;
	[tilespmem:v20+s18+$0x0] =	vst.idx.add.s32.msk $0xffff, v2;
	v20 =	vmul.f32 v62, v4;
	v9 =	vtrunc.f32 v9  }
.LBB2_3:
0x170: {  	v22 =	vld [tilespmem:s25+$0xE0];
	s24 =	sadd.s32 $0x10, s24;
	v0 =	vtrunc.f32 v0;
	v21 =	vsub.f32 v21, v3;
	v18 =	vmul.f32 v18, v4  }
0x171: {  	v24 =	vcvt.f32.s32 v10;
	v23 =	vld [tilespmem:s25+$0xFFFFFF20];
	p0 =	slt.u32 s24, $0x3F0;
	v10 =	vtrunc.f32 v19;
	v19 =	vsub.f32 v20, v3  }
0x172: {  	v25 =	vcvt.f32.s32 v11;
	v20 =	vld [tilespmem:s25+$0xFFFFFF40];
	v11 =	vtrunc.f32 v21;
	v18 =	vsub.f32 v18, v3  }
0x173: {  	v26 =	vcvt.f32.s32 v12;
	v21 =	vld [tilespmem:s25+$0xFFFFFF60];
	v12 =	vtrunc.f32 v19  }
0x174: {  	v27 =	vcvt.f32.s32 v13;
	v19 =	vld [tilespmem:s25+$0xFFFFFF80];
	v13 =	vtrunc.f32 v18  }
0x175: {  	v14 =	vcvt.f32.s32 v14;
	v18 =	vld [tilespmem:s25+$0xFFFFFFA0];
	v22 =	vmul.f32 v22, v4  }
0x176: {  	v15 =	vcvt.f32.s32 v15;
	v23 =	vmul.f32 v23, v4;
	v28 =	vld [tilespmem:s25+$0xFFFFFFC0]  }
0x177: {  	v16 =	vcvt.f32.s32 v16;
	v20 =	vmul.f32 v20, v4;
	v29 =	vld [tilespmem:s25+$0xFFFFFFE0];
	v22 =	vsub.f32 v22, v3  }
0x178: {  	v17 =	vcvt.f32.s32 v17;
	v23 =	vsub.f32 v23, v3;
	v21 =	vmul.f32 v21, v4;
	v30 =	vld [tilespmem:s25+$0x0]  }
0x179: {  	v20 =	vsub.f32 v20, v3;
	v19 =	vmul.f32 v19, v4;
	v31 =	vld [tilespmem:s25+$0x20];
	v22 =	vtrunc.f32 v22  }
0x17a: {  	v21 =	vsub.f32 v21, v3;
	v18 =	vmul.f32 v18, v4;
	v32 =	vld [tilespmem:s25+$0x40];
	v22 =	vcvt.f32.s32 v22  }
0x17b: {  	v23 =	vtrunc.f32 v23;
	v19 =	vsub.f32 v19, v3;
	v28 =	vmul.f32 v28, v4;
	v33 =	vld [tilespmem:s25+$0x60]  }
0x17c: {  	v20 =	vtrunc.f32 v20;
	v18 =	vsub.f32 v18, v3;
	v29 =	vmul.f32 v29, v4;
	v34 =	vld [tilespmem:s25+$0x80]  }
0x17d: {  	v21 =	vtrunc.f32 v21;
	v28 =	vsub.f32 v28, v3;
	v30 =	vmul.f32 v30, v4;
	v35 =	vld [tilespmem:s25+$0xA0]  }
0x17e: {  	v19 =	vtrunc.f32 v19;
	v29 =	vsub.f32 v29, v3;
	v31 =	vmul.f32 v31, v4;
	v36 =	vld [tilespmem:s25+$0xC0]  }
0x17f: {  	s23 =	sadd.s32 $0x200, s23;
	v18 =	vtrunc.f32 v18;
	v37 =	vld [tilespmem:s25+$0xFFFFFF00];
	v30 =	vsub.f32 v30, v3;
	v32 =	vmul.f32 v32, v4  }
0x180: {  	s0 =	sadd.s32 $0xFFFFFEC0, s23;
	s3 =	sadd.s32 $0xFFFFFEE0, s23;
	s13 =	sor.u32 $0x70, s23;
	v28 =	vtrunc.f32 v28;
	v31 =	vsub.f32 v31, v3;
	v33 =	vmul.f32 v33, v4;
	[tilespmem:v22+s17+$0x0] =	vst.idx.add.s32.msk $0xffff, v2  }
0x181: {  	s15 =	sadd.s32 $0xFFFFFF00, s23;
	s26 =	sadd.s32 $0xFFFFFF40, s23;
	s28 =	sadd.s32 $0xFFFFFF60, s23;
	v22 =	vtrunc.f32 v29;
	v29 =	vsub.f32 v32, v3;
	v32 =	vmul.f32 v34, v4;
	v34 =	vld [tilespmem:s13+$0x0]  }
0x182: {  	s29 =	sadd.s32 $0xFFFFFF80, s23;
	s20 =	sadd.s32 $0xFFFFFFC0, s23;
	s4 =	sadd.s32 $0xFFFFFFE0, s23;
	v30 =	vtrunc.f32 v30;
	v33 =	vsub.f32 v33, v3;
	v35 =	vmul.f32 v35, v4;
	[tilespmem:v24+s18+$0x0] =	vst.idx.add.s32.msk $0xffff, v2  }
0x183: {  	s3 =	sor.u32 $0x50, s3;
	s13 =	sor.u32 $0x30, s0;
	s0 =	sor.u32 $0x70, s15;
	v24 =	vtrunc.f32 v31;
	v31 =	vsub.f32 v32, v3;
	v32 =	vmul.f32 v36, v4;
	[tilespmem:v25+s18+$0x0] =	vst.idx.add.s32.msk $0xffff, v2  }
0x184: {  	s31 =	sor.u32 $0x30, s26;
	s30 =	sor.u32 $0x50, s28;
	s29 =	sor.u32 $0x70, s29;
	v29 =	vtrunc.f32 v29;
	v25 =	vmul.f32 v37, v4;
	v35 =	vsub.f32 v35, v3;
	[tilespmem:v26+s18+$0x0] =	vst.idx.add.s32.msk $0xffff, v2  }
0x185: {  	s28 =	sor.u32 $0x30, s20;
	s26 =	sor.u32 $0x50, s4;
	v26 =	vtrunc.f32 v33;
	v31 =	vtrunc.f32 v31;
	v32 =	vsub.f32 v32, v3;
	[tilespmem:v27+s18+$0x0] =	vst.idx.add.s32.msk $0xffff, v2  }
0x186: {  	v25 =	vsub.f32 v25, v3;
	v27 =	vtrunc.f32 v35;
	v33 =	vmul.f32 v34, v4;
	[tilespmem:v14+s18+$0x0] =	vst.idx.add.s32.msk $0xffff, v2  }
0x187: {  	v14 =	vcvt.f32.s32 v23;
	v23 =	vtrunc.f32 v32;
	[tilespmem:v15+s18+$0x0] =	vst.idx.add.s32.msk $0xffff, v2  }
0x188: {  	v20 =	vcvt.f32.s32 v20;
	v15 =	vtrunc.f32 v25;
	v25 =	vsub.f32 v33, v3;
	[tilespmem:v16+s18+$0x0] =	vst.idx.add.s32.msk $0xffff, v2  }
0x189: {  	v16 =	vcvt.f32.s32 v21;
	v15 =	vcvt.f32.s32 v15;
	[tilespmem:v17+s18+$0x0] =	vst.idx.add.s32.msk $0xffff, v2  }
0x18a: {  	v17 =	vcvt.f32.s32 v19;
	v19 =	vtrunc.f32 v25;
	[tilespmem:v5+s18+$0x0] =	vst.idx.add.s32.msk $0xffff, v2  }
0x18b: {  	v18 =	vcvt.f32.s32 v18;
	v5 =	vcvt.f32.s32 v19;
	[tilespmem:v6+s18+$0x0] =	vst.idx.add.s32.msk $0xffff, v2  }
0x18c: {  	v21 =	vcvt.f32.s32 v22;
	v19 =	vcvt.f32.s32 v28;
	[tilespmem:v7+s18+$0x0] =	vst.idx.add.s32.msk $0xffff, v2  }
0x18d: {  	v22 =	vcvt.f32.s32 v24;
	[tilespmem:v14+s17+$0x0] =	vst.idx.add.s32.msk $0xffff, v2;
	v14 =	vcvt.f32.s32 v30  }
0x18e: {  	v24 =	vcvt.f32.s32 v26;
	[tilespmem:v20+s17+$0x0] =	vst.idx.add.s32.msk $0xffff, v2;
	v20 =	vcvt.f32.s32 v29  }
0x18f: {  	v25 =	vcvt.f32.s32 v27;
	[tilespmem:v15+s17+$0x0] =	vst.idx.add.s32.msk $0xffff, v2;
	v15 =	vcvt.f32.s32 v31  }
0x190: {  	v8 =	vcvt.f32.s32 v8;
	[tilespmem:v16+s17+$0x0] =	vst.idx.add.s32.msk $0xffff, v2;
	v16 =	vcvt.f32.s32 v23  }
0x191: {  	v9 =	vcvt.f32.s32 v9;
	v23 =	vcvt.f32.s32 v0;
	[tilespmem:v5+s18+$0x0] =	vst.idx.add.s32.msk $0xffff, v2  }
0x192: {  	v26 =	vcvt.f32.s32 v10;
	v5 =	vcvt.f32.s32 v11;
	[tilespmem:v17+s17+$0x0] =	vst.idx.add.s32.msk $0xffff, v2  }
0x193: {  	v6 =	vcvt.f32.s32 v12;
	v7 =	vcvt.f32.s32 v13;
	[tilespmem:v18+s17+$0x0] =	vst.idx.add.s32.msk $0xffff, v2  }
0x194: {  	[tilespmem:v19+s17+$0x0] =	vst.idx.add.s32.msk $0xffff, v2  }
0x195: {  	[tilespmem:v21+s17+$0x0] =	vst.idx.add.s32.msk $0xffff, v2  }
0x196: {  	[tilespmem:v14+s17+$0x0] =	vst.idx.add.s32.msk $0xffff, v2  }
0x197: {  	[tilespmem:v22+s17+$0x0] =	vst.idx.add.s32.msk $0xffff, v2  }
0x198: {  	[tilespmem:v20+s17+$0x0] =	vst.idx.add.s32.msk $0xffff, v2  }
0x199: {  	[tilespmem:v24+s17+$0x0] =	vst.idx.add.s32.msk $0xffff, v2  }
0x19a: {  	[tilespmem:v15+s17+$0x0] =	vst.idx.add.s32.msk $0xffff, v2  }
0x19b: {  	[tilespmem:v25+s17+$0x0] =	vst.idx.add.s32.msk $0xffff, v2  }
0x19c: {  	[tilespmem:v16+s17+$0x0] =	vst.idx.add.s32.msk $0xffff, v2  }
0x19d: {  	v0 =	vld [tilespmem:s25+$0xFFFFFF10]  }
0x19e: {  	v10 =	vld [tilespmem:s25+$0xFFFFFF30]  }
0x19f: {  	v11 =	vld [tilespmem:s25+$0xFFFFFF50]  }
0x1a0: {  	v12 =	vld [tilespmem:s25+$0xFFFFFF70]  }
0x1a1: {  	v13 =	vld [tilespmem:s25+$0xFFFFFF90]  }
0x1a2: {  	v0 =	vmul.f32 v0, v4;
	v14 =	vld [tilespmem:s13+$0x0]  }
0x1a3: {  	v10 =	vmul.f32 v10, v4;
	v15 =	vld [tilespmem:s3+$0x0]  }
0x1a4: {  	v0 =	vsub.f32 v0, v3;
	v11 =	vmul.f32 v11, v4;
	v16 =	vld [tilespmem:s0+$0x0]  }
0x1a5: {  	v17 =	vsub.f32 v10, v3;
	v12 =	vmul.f32 v12, v4;
	v18 =	vld [tilespmem:s25+$0x10]  }
0x1a6: {  	v10 =	vtrunc.f32 v0;
	v0 =	vsub.f32 v11, v3;
	v13 =	vmul.f32 v13, v4;
	v19 =	vld [tilespmem:s31+$0x0]  }
0x1a7: {  	v11 =	vtrunc.f32 v17;
	v17 =	vsub.f32 v12, v3;
	v14 =	vmul.f32 v14, v4;
	v20 =	vld [tilespmem:s30+$0x0]  }
0x1a8: {  	v12 =	vtrunc.f32 v0;
	v0 =	vsub.f32 v13, v3;
	v15 =	vmul.f32 v15, v4;
	v21 =	vld [tilespmem:s29+$0x0]  }
0x1a9: {  	v13 =	vtrunc.f32 v17;
	v17 =	vsub.f32 v14, v3;
	v16 =	vmul.f32 v16, v4;
	v22 =	vld [tilespmem:s25+$0x90]  }
0x1aa: {  	v14 =	vtrunc.f32 v0;
	v0 =	vsub.f32 v15, v3;
	v24 =	vmul.f32 v18, v4;
	v25 =	vld [tilespmem:s28+$0x0]  }
.Ltmp0:
0x1ab: {  	v15 =	vtrunc.f32 v17;
	v17 =	vsub.f32 v16, v3;
	v19 =	vmul.f32 v19, v4;
	v18 =	vld [tilespmem:s26+$0x0];
	(pc) =	sbr.rel @p0 .LBB2_3-.Ltmp0, $4  }
0x1ac: {  	v16 =	vtrunc.f32 v0;
	v0 =	vsub.f32 v24, v3;
	v20 =	vmul.f32 v20, v4;
	[tilespmem:v8+s18+$0x0] =	vst.idx.add.s32.msk $0xffff, v2  }
0x1ad: {  	v17 =	vtrunc.f32 v17;
	v19 =	vsub.f32 v19, v3;
	v24 =	vmul.f32 v21, v4;
	[tilespmem:v9+s18+$0x0] =	vst.idx.add.s32.msk $0xffff, v2  }
0x1ae: {  	v8 =	vtrunc.f32 v0;
	v0 =	vsub.f32 v20, v3;
	v21 =	vmul.f32 v22, v4;
	[tilespmem:v23+s18+$0x0] =	vst.idx.add.s32.msk $0xffff, v2  }
0x1af: {  	s25 =	sadd.s32 $0x200, s25;
	v9 =	vtrunc.f32 v19;
	v19 =	vsub.f32 v24, v3;
	v20 =	vmul.f32 v25, v4;
	[tilespmem:v26+s18+$0x0] =	vst.idx.add.s32.msk $0xffff, v2  }
0x1b0: {  	v10 =	vcvt.f32.s32 v10;
	_ =	sdelay $0x1  }
0x1b1: {  	v11 =	vcvt.f32.s32 v11  }
0x1b2: {  	v12 =	vcvt.f32.s32 v12  }
0x1b3: {  	v13 =	vcvt.f32.s32 v13;
	[tilespmem:v5+s18+$0x0] =	vst.idx.add.s32.msk $0xffff, v2  }
0x1b4: {  	v14 =	vcvt.f32.s32 v14;
	[tilespmem:v6+s18+$0x0] =	vst.idx.add.s32.msk $0xffff, v2  }
0x1b5: {  	[tilespmem:v10+s18+$0x0] =	vst.idx.add.s32.msk $0xffff, v2;
	v10 =	vcvt.f32.s32 v17  }
0x1b6: {  	v15 =	vcvt.f32.s32 v15;
	[tilespmem:v7+s18+$0x0] =	vst.idx.add.s32.msk $0xffff, v2  }
0x1b7: {  	v16 =	vcvt.f32.s32 v16;
	[tilespmem:v11+s18+$0x0] =	vst.idx.add.s32.msk $0xffff, v2  }
0x1b8: {  	v0 =	vtrunc.f32 v0;
	v8 =	vcvt.f32.s32 v8;
	[tilespmem:v12+s18+$0x0] =	vst.idx.add.s32.msk $0xffff, v2  }
0x1b9: {  	v9 =	vcvt.f32.s32 v9;
	[tilespmem:v13+s18+$0x0] =	vst.idx.add.s32.msk $0xffff, v2;
	v11 =	vsub.f32 v21, v3;
	v12 =	vmul.f32 v18, v4  }
0x1ba: {  	v0 =	vcvt.f32.s32 v0;
	[tilespmem:v14+s18+$0x0] =	vst.idx.add.s32.msk $0xffff, v2;
	v13 =	vtrunc.f32 v19;
	v14 =	vsub.f32 v20, v3  }
0x1bb: {  	v5 =	vcvt.f32.s32 v13;
	[tilespmem:v10+s18+$0x0] =	vst.idx.add.s32.msk $0xffff, v2;
	v10 =	vtrunc.f32 v11;
	v11 =	vsub.f32 v12, v3  }
0x1bc: {  	[tilespmem:v15+s18+$0x0] =	vst.idx.add.s32.msk $0xffff, v2;
	v12 =	vtrunc.f32 v14;
	v6 =	vcvt.f32.s32 v10  }
0x1bd: {  	[tilespmem:v16+s18+$0x0] =	vst.idx.add.s32.msk $0xffff, v2;
	v7 =	vcvt.f32.s32 v12;
	v10 =	vtrunc.f32 v11  }
0x1be: {  	[tilespmem:v8+s18+$0x0] =	vst.idx.add.s32.msk $0xffff, v2;
	v10 =	vcvt.f32.s32 v10  }
0x1bf: {  	[tilespmem:v9+s18+$0x0] =	vst.idx.add.s32.msk $0xffff, v2  }
0x1c0: {  	[tilespmem:v0+s18+$0x0] =	vst.idx.add.s32.msk $0xffff, v2  }
0x1c1: {  	s23 =	sshll.u32 s22, $0x10;
	[tilespmem:v5+s18+$0x0] =	vst.idx.add.s32.msk $0xffff, v2  }
0x1c2: {  	s0 =	sadd.s32 s23, s8;
	[tilespmem:v6+s18+$0x0] =	vst.idx.add.s32.msk $0xffff, v2  }
0x1c3: {  	s0 =	sshrl.u32 s0, $0x3;
	[tilespmem:v7+s18+$0x0] =	vst.idx.add.s32.msk $0xffff, v2  }
0x1c4: {  	s0 =	sadd.s32 s1, s0;
	[tilespmem:v10+s18+$0x0] =	vst.idx.add.s32.msk $0xffff, v2  }
0x1c5: {  	[tilespmem:s2], [sflag:$0x1] =	stream.linear.gather [hbm4b:s0+s2], $0x8000, $0x38;
	[tilespmem:$0x13080] =	vst v63  }
0x1c6: {  	_ =	swait.ge [sflag:s19], $0x8000  }
0x1c7: {  	[sflag:s19] =	ssyncset.done $0x0  }
0x1c8: {  	s24 =	simm.s32 $0x8100;
	[sflag:s19] =	ssyncadd.s32 $0xFFFF8000  }
0x1c9: {  	v0 =	vld [tilespmem:s24+$0xE0]  }
0x1ca: {  	v5 =	vld [tilespmem:s24+$0xFFFFFF20]  }
0x1cb: {  	v6 =	vld [tilespmem:s24+$0xFFFFFF40]  }
0x1cc: {  	v8 =	vld [tilespmem:s24+$0xFFFFFF80]  }
0x1cd: {  	v9 =	vld [tilespmem:s24+$0xFFFFFFA0]  }
0x1ce: {  	v11 =	vld [tilespmem:s24+$0xFFFFFFE0]  }
0x1cf: {  	v12 =	vld [tilespmem:s24+$0x0]  }
0x1d0: {  	v15 =	vld [tilespmem:s24+$0xFFFFFF00]  }
0x1d1: {  	v13 =	vld [tilespmem:s24+$0x20]  }
0x1d2: {  	v0 =	vmul.f32 v0, v4;
	v5 =	vmul.f32 v5, v4  }
0x1d3: {  	v6 =	vmul.f32 v6, v4;
	v8 =	vmul.f32 v8, v4  }
0x1d4: {  	v9 =	vmul.f32 v9, v4;
	v11 =	vmul.f32 v11, v4;
	v0 =	vsub.f32 v0, v3  }
0x1d5: {  	v12 =	vmul.f32 v12, v4;
	v15 =	vmul.f32 v15, v4;
	v5 =	vsub.f32 v5, v3  }
0x1d6: {  	v7 =	vld [tilespmem:s24+$0xFFFFFF60];
	v13 =	vmul.f32 v13, v4;
	v6 =	vsub.f32 v6, v3;
	v0 =	vtrunc.f32 v0  }
0x1d7: {  	v10 =	vld [tilespmem:s24+$0xFFFFFFC0];
	v15 =	vsub.f32 v15, v3;
	v5 =	vtrunc.f32 v5;
	v0 =	vcvt.f32.s32 v0  }
0x1d8: {  	v14 =	vld [tilespmem:s24+$0x40];
	v8 =	vsub.f32 v8, v3;
	v6 =	vtrunc.f32 v6;
	v5 =	vcvt.f32.s32 v5  }
0x1d9: {  	v16 =	vld [tilespmem:s24+$0x60];
	v9 =	vsub.f32 v9, v3;
	v15 =	vtrunc.f32 v15;
	v6 =	vcvt.f32.s32 v6  }
0x1da: {  	v17 =	vld [tilespmem:s24+$0x80];
	v11 =	vsub.f32 v11, v3;
	v8 =	vtrunc.f32 v8;
	v15 =	vcvt.f32.s32 v15  }
0x1db: {  	v18 =	vld [tilespmem:s24+$0xA0];
	v12 =	vsub.f32 v12, v3;
	v9 =	vtrunc.f32 v9;
	v8 =	vcvt.f32.s32 v8  }
0x1dc: {  	v19 =	vld [tilespmem:s24+$0xC0];
	v13 =	vsub.f32 v13, v3;
	v11 =	vtrunc.f32 v11;
	v9 =	vcvt.f32.s32 v9  }
0x1dd: {  	v12 =	vtrunc.f32 v12;
	v11 =	vcvt.f32.s32 v11;
	[tilespmem:v0+s17+$0x0] =	vst.idx.add.s32.msk $0xffff, v2  }
0x1de: {  	v13 =	vtrunc.f32 v13;
	v12 =	vcvt.f32.s32 v12;
	[tilespmem:v5+s17+$0x0] =	vst.idx.add.s32.msk $0xffff, v2  }
0x1df: {  	v7 =	vmul.f32 v7, v4;
	v13 =	vcvt.f32.s32 v13;
	[tilespmem:v6+s17+$0x0] =	vst.idx.add.s32.msk $0xffff, v2  }
0x1e0: {  	v14 =	vmul.f32 v14, v4;
	[tilespmem:v15+s17+$0x0] =	vst.idx.add.s32.msk $0xffff, v2  }
0x1e1: {  	v0 =	vsub.f32 v7, v3;
	v7 =	vmul.f32 v10, v4;
	[tilespmem:v8+s17+$0x0] =	vst.idx.add.s32.msk $0xffff, v2  }
0x1e2: {  	v5 =	vmul.f32 v18, v4;
	v6 =	vsub.f32 v14, v3;
	[tilespmem:v9+s17+$0x0] =	vst.idx.add.s32.msk $0xffff, v2  }
0x1e3: {  	[tilespmem:v11+s17+$0x0] =	vst.idx.add.s32.msk $0xffff, v2;
	v0 =	vtrunc.f32 v0;
	v7 =	vsub.f32 v7, v3  }
0x1e4: {  	s13 =	simm.s32 $0x1E0;
	[tilespmem:v12+s17+$0x0] =	vst.idx.add.s32.msk $0xffff, v2;
	v6 =	vtrunc.f32 v6;
	v5 =	vsub.f32 v5, v3;
	v0 =	vcvt.f32.s32 v0  }
0x1e5: {  	s0 =	sor.u32 $0x70, s13;
	[tilespmem:v13+s17+$0x0] =	vst.idx.add.s32.msk $0xffff, v2;
	v6 =	vcvt.f32.s32 v6;
	v7 =	vtrunc.f32 v7  }
0x1e6: {  	v10 =	vld [tilespmem:s0+$0x8000];
	v5 =	vtrunc.f32 v5;
	v7 =	vcvt.f32.s32 v7  }
0x1e7: {  	s15 =	simm.s32 $0xA0;
	v9 =	vld [tilespmem:s24+$0xFFFFFF50];
	v5 =	vcvt.f32.s32 v5  }
0x1e8: {  	s0 =	sor.u32 $0x30, s15;
	v11 =	vld [tilespmem:s24+$0xFFFFFF90]  }
0x1e9: {  	v12 =	vld [tilespmem:s0+$0x8000]  }
0x1ea: {  	[tilespmem:v0+s17+$0x0] =	vst.idx.add.s32.msk $0xffff, v2  }
0x1eb: {  	v15 =	vmul.f32 v19, v4;
	[tilespmem:v6+s17+$0x0] =	vst.idx.add.s32.msk $0xffff, v2  }
0x1ec: {  	[tilespmem:v7+s17+$0x0] =	vst.idx.add.s32.msk $0xffff, v2  }
0x1ed: {  	v8 =	vsub.f32 v15, v3;
	[tilespmem:v5+s17+$0x0] =	vst.idx.add.s32.msk $0xffff, v2  }
0x1ee: {  	s3 =	simm.s32 $0xC0;
	v5 =	vld [tilespmem:s24+$0xFFFFFF10]  }
0x1ef: {  	s25 =	simm.s32 $0x120;
	s3 =	sor.u32 $0x50, s3;
	v7 =	vtrunc.f32 v8;
	v8 =	vld [tilespmem:s24+$0xFFFFFF30]  }
0x1f0: {  	v16 =	vmul.f32 v16, v4;
	v13 =	vld [tilespmem:s3+$0x8000];
	s3 =	sor.u32 $0x30, s25  }
0x1f1: {  	s25 =	simm.s32 $0x8300;
	v6 =	vld [tilespmem:s3+$0x8000]  }
0x1f2: {  	v14 =	vsub.f32 v16, v3;
	v16 =	vld [tilespmem:s25+$0xE0]  }
0x1f3: {  	v20 =	vld [tilespmem:s25+$0xFFFFFF20]  }
0x1f4: {  	v21 =	vld [tilespmem:s25+$0xFFFFFF40]  }
0x1f5: {  	v22 =	vld [tilespmem:s25+$0xFFFFFF60]  }
0x1f6: {  	v10 =	vmul.f32 v10, v4;
	v23 =	vld [tilespmem:s25+$0xFFFFFF80]  }
0x1f7: {  	v24 =	vld [tilespmem:s25+$0xFFFFFFA0]  }
0x1f8: {  	v9 =	vmul.f32 v9, v4;
	v10 =	vsub.f32 v10, v3;
	v25 =	vld [tilespmem:s25+$0xFFFFFFC0]  }
0x1f9: {  	v11 =	vmul.f32 v11, v4;
	v26 =	vld [tilespmem:s25+$0xFFFFFFE0]  }
0x1fa: {  	v17 =	vmul.f32 v17, v4;
	v19 =	vsub.f32 v9, v3;
	v10 =	vtrunc.f32 v10;
	v27 =	vld [tilespmem:s25+$0x0]  }
0x1fb: {  	v11 =	vsub.f32 v11, v3;
	v10 =	vcvt.f32.s32 v10;
	v28 =	vld [tilespmem:s25+$0x20]  }
0x1fc: {  	v12 =	vmul.f32 v12, v4;
	v0 =	vsub.f32 v17, v3;
	v19 =	vtrunc.f32 v19;
	v29 =	vld [tilespmem:s25+$0x40]  }
0x1fd: {  	v11 =	vtrunc.f32 v11;
	v19 =	vcvt.f32.s32 v19;
	v30 =	vld [tilespmem:s25+$0x60]  }
0x1fe: {  	v0 =	vtrunc.f32 v0;
	v11 =	vcvt.f32.s32 v11;
	v31 =	vld [tilespmem:s25+$0xFFFFFF00]  }
0x1ff: {  	v0 =	vcvt.f32.s32 v0;
	v32 =	vld [tilespmem:s25+$0x80]  }
0x200: {  	s4 =	simm.s32 $0xE0;
	v12 =	vsub.f32 v12, v3;
	v33 =	vld [tilespmem:s25+$0xA0]  }
0x201: {  	s20 =	sor.u32 $0x70, s4;
	v7 =	vcvt.f32.s32 v7;
	[tilespmem:v10+s18+$0x0] =	vst.idx.add.s32.msk $0xffff, v2  }
0x202: {  	v12 =	vtrunc.f32 v12;
	v10 =	vtrunc.f32 v14;
	v14 =	vld [tilespmem:s20+$0x8000]  }
0x203: {  	v12 =	vcvt.f32.s32 v12;
	v15 =	vmul.f32 v5, v4;
	[tilespmem:v19+s18+$0x0] =	vst.idx.add.s32.msk $0xffff, v2  }
0x204: {  	v8 =	vmul.f32 v8, v4;
	v13 =	vmul.f32 v13, v4;
	[tilespmem:v11+s18+$0x0] =	vst.idx.add.s32.msk $0xffff, v2  }
0x205: {  	v10 =	vcvt.f32.s32 v10;
	[tilespmem:v0+s17+$0x0] =	vst.idx.add.s32.msk $0xffff, v2;
	v15 =	vsub.f32 v15, v3;
	v16 =	vmul.f32 v16, v4  }
0x206: {  	v34 =	vld [tilespmem:s25+$0xC0];
	v17 =	vsub.f32 v8, v3;
	v20 =	vmul.f32 v20, v4;
	v22 =	vmul.f32 v22, v4  }
0x207: {  	s26 =	simm.s32 $0x140;
	[tilespmem:v7+s17+$0x0] =	vst.idx.add.s32.msk $0xffff, v2;
	v23 =	vmul.f32 v23, v4;
	v24 =	vmul.f32 v24, v4  }
0x208: {  	s0 =	sor.u32 $0x50, s26;
	v0 =	vld [tilespmem:s24+$0x10];
	v15 =	vtrunc.f32 v15;
	v17 =	vtrunc.f32 v17;
	v16 =	vsub.f32 v16, v3  }
0x209: {  	v7 =	vld [tilespmem:s0+$0x8000];
	v15 =	vcvt.f32.s32 v15;
	v17 =	vcvt.f32.s32 v17  }
0x20a: {  	[tilespmem:v12+s18+$0x0] =	vst.idx.add.s32.msk $0xffff, v2;
	v14 =	vmul.f32 v14, v4;
	v16 =	vtrunc.f32 v16  }
0x20b: {  	v27 =	vmul.f32 v27, v4;
	v8 =	vld [tilespmem:s24+$0x90];
	v13 =	vsub.f32 v13, v3;
	v16 =	vcvt.f32.s32 v16  }
0x20c: {  	s31 =	simm.s32 $0x1C0;
	v31 =	vmul.f32 v31, v4;
	[tilespmem:v10+s17+$0x0] =	vst.idx.add.s32.msk $0xffff, v2;
	v14 =	vsub.f32 v14, v3  }
0x20d: {  	s3 =	sor.u32 $0x50, s31;
	v58 =	vmul.f32 v30, v4;
	v20 =	vsub.f32 v20, v3;
	v13 =	vtrunc.f32 v13;
	v10 =	vld [tilespmem:s24+$0xFFFFFF70]  }
0x20e: {  	v9 =	vld [tilespmem:s3+$0x8000];
	v24 =	vsub.f32 v24, v3;
	v13 =	vcvt.f32.s32 v13;
	v14 =	vtrunc.f32 v14  }
0x20f: {  	v20 =	vtrunc.f32 v20;
	v14 =	vcvt.f32.s32 v14;
	[tilespmem:v17+s18+$0x0] =	vst.idx.add.s32.msk $0xffff, v2;
	v17 =	vsub.f32 v31, v3  }
0x210: {  	s28 =	simm.s32 $0x160;
	v19 =	vcvt.f32.s32 v20;
	[tilespmem:v15+s18+$0x0] =	vst.idx.add.s32.msk $0xffff, v2;
	v15 =	vtrunc.f32 v24  }
0x211: {  	s29 =	sor.u32 $0x70, s28;
	s24 =	simm.s32 $0x3E0;
	v15 =	vcvt.f32.s32 v15;
	[tilespmem:v16+s17+$0x0] =	vst.idx.add.s32.msk $0xffff, v2;
	v16 =	vsub.f32 v22, v3;
	v17 =	vtrunc.f32 v17  }
0x212: {  	v23 =	vsub.f32 v23, v3;
	v5 =	vld [tilespmem:s29+$0x8000];
	s4 =	sor.u32 $0x70, s24;
	v18 =	vmul.f32 v10, v4;
	v11 =	vcvt.f32.s32 v17  }
0x213: {  	v22 =	vmul.f32 v25, v4;
	v56 =	vld [tilespmem:s4+$0x8000];
	v17 =	vsub.f32 v27, v3;
	v16 =	vtrunc.f32 v16  }
0x214: {  	s30 =	simm.s32 $0x1A0;
	v23 =	vtrunc.f32 v23;
	[tilespmem:v13+s18+$0x0] =	vst.idx.add.s32.msk $0xffff, v2;
	v18 =	vsub.f32 v18, v3;
	v12 =	vcvt.f32.s32 v16  }
0x215: {  	s0 =	sor.u32 $0x30, s30;
	v22 =	vsub.f32 v22, v3;
	v17 =	vtrunc.f32 v17;
	[tilespmem:v14+s18+$0x0] =	vst.idx.add.s32.msk $0xffff, v2;
	v14 =	vcvt.f32.s32 v23  }
0x216: {  	v10 =	vld [tilespmem:s0+$0x8000];
	v18 =	vtrunc.f32 v18;
	v17 =	vcvt.f32.s32 v17  }
0x217: {  	[tilespmem:v19+s17+$0x0] =	vst.idx.add.s32.msk $0xffff, v2;
	v22 =	vtrunc.f32 v22;
	v18 =	vcvt.f32.s32 v18  }
0x218: {  	v22 =	vcvt.f32.s32 v22;
	v57 =	vmul.f32 v56, v4;
	[tilespmem:v11+s17+$0x0] =	vst.idx.add.s32.msk $0xffff, v2;
	v11 =	vsub.f32 v58, v3  }
0x219: {  	v21 =	vmul.f32 v21, v4;
	v26 =	vmul.f32 v26, v4;
	[tilespmem:v15+s17+$0x0] =	vst.idx.add.s32.msk $0xffff, v2  }
0x21a: {  	v28 =	vmul.f32 v28, v4;
	v20 =	vsub.f32 v57, v3;
	[tilespmem:v12+s17+$0x0] =	vst.idx.add.s32.msk $0xffff, v2;
	v11 =	vtrunc.f32 v11  }
0x21b: {  	v21 =	vsub.f32 v21, v3;
	v23 =	vmul.f32 v34, v4;
	[tilespmem:v14+s17+$0x0] =	vst.idx.add.s32.msk $0xffff, v2;
	v11 =	vcvt.f32.s32 v11  }
0x21c: {  	v29 =	vmul.f32 v29, v4;
	v16 =	vtrunc.f32 v20;
	[tilespmem:v17+s17+$0x0] =	vst.idx.add.s32.msk $0xffff, v2  }
0x21d: {  	v21 =	vtrunc.f32 v21;
	v14 =	vsub.f32 v23, v3;
	[tilespmem:v18+s18+$0x0] =	vst.idx.add.s32.msk $0xffff, v2;
	v13 =	vcvt.f32.s32 v16  }
0x21e: {  	s7 =	simm.s32 $0x2C0;
	v6 =	vmul.f32 v6, v4;
	v18 =	vcvt.f32.s32 v21;
	[tilespmem:v22+s17+$0x0] =	vst.idx.add.s32.msk $0xffff, v2  }
0x21f: {  	s3 =	sor.u32 $0x50, s7;
	v16 =	vmul.f32 v32, v4;
	v15 =	vld [tilespmem:s25+$0xFFFFFF90];
	v14 =	vtrunc.f32 v14  }
0x220: {  	v6 =	vsub.f32 v6, v3;
	v21 =	vsub.f32 v26, v3;
	v17 =	vld [tilespmem:s3+$0x8000];
	v14 =	vcvt.f32.s32 v14  }
0x221: {  	v19 =	vmul.f32 v33, v4;
	v12 =	vsub.f32 v16, v3;
	[tilespmem:v11+s17+$0x0] =	vst.idx.add.s32.msk $0xffff, v2  }
0x222: {  	v6 =	vtrunc.f32 v6;
	v20 =	vtrunc.f32 v21;
	v11 =	vld [tilespmem:s25+$0xFFFFFF10]  }
0x223: {  	s28 =	simm.s32 $0x360;
	v20 =	vcvt.f32.s32 v20;
	v12 =	vtrunc.f32 v12;
	[tilespmem:v13+s18+$0x0] =	vst.idx.add.s32.msk $0xffff, v2;
	v13 =	vsub.f32 v19, v3  }
0x224: {  	v0 =	vmul.f32 v0, v4;
	s29 =	sor.u32 $0x70, s28;
	v12 =	vcvt.f32.s32 v12;
	[tilespmem:v18+s17+$0x0] =	vst.idx.add.s32.msk $0xffff, v2  }
0x225: {  	v7 =	vmul.f32 v7, v4;
	v21 =	vsub.f32 v28, v3;
	v60 =	vld [tilespmem:s29+$0x8000];
	v13 =	vtrunc.f32 v13  }
0x226: {  	v8 =	vmul.f32 v8, v4;
	v18 =	vsub.f32 v29, v3;
	[tilespmem:v14+s17+$0x0] =	vst.idx.add.s32.msk $0xffff, v2;
	v13 =	vcvt.f32.s32 v13  }
0x227: {  	v9 =	vmul.f32 v9, v4;
	v21 =	vtrunc.f32 v21;
	v14 =	vld [tilespmem:s25+$0xFFFFFF70]  }
0x228: {  	v0 =	vsub.f32 v0, v3;
	v16 =	vtrunc.f32 v18;
	v18 =	vcvt.f32.s32 v21;
	v21 =	vld [tilespmem:s25+$0x10]  }
0x229: {  	v7 =	vsub.f32 v7, v3;
	v8 =	vsub.f32 v8, v3;
	v16 =	vcvt.f32.s32 v16;
	[tilespmem:v20+s17+$0x0] =	vst.idx.add.s32.msk $0xffff, v2  }
0x22a: {  	v5 =	vmul.f32 v5, v4;
	v10 =	vmul.f32 v10, v4;
	[tilespmem:v12+s17+$0x0] =	vst.idx.add.s32.msk $0xffff, v2  }
0x22b: {  	v9 =	vsub.f32 v9, v3;
	v0 =	vtrunc.f32 v0;
	v7 =	vtrunc.f32 v7;
	v12 =	vld [tilespmem:s25+$0xFFFFFF30]  }
0x22c: {  	v8 =	vtrunc.f32 v8;
	v5 =	vsub.f32 v5, v3;
	v10 =	vsub.f32 v10, v3;
	[tilespmem:v13+s17+$0x0] =	vst.idx.add.s32.msk $0xffff, v2  }
0x22d: {  	v9 =	vtrunc.f32 v9;
	v0 =	vcvt.f32.s32 v0;
	v13 =	vld [tilespmem:s25+$0xFFFFFF50]  }
0x22e: {  	s5 =	simm.s32 $0x2A0;
	v5 =	vtrunc.f32 v5;
	v10 =	vtrunc.f32 v10;
	[tilespmem:v18+s17+$0x0] =	vst.idx.add.s32.msk $0xffff, v2  }
0x22f: {  	s13 =	simm.s32 $0x2E0;
	s0 =	sor.u32 $0x30, s5;
	v22 =	vcvt.f32.s32 v5;
	v5 =	vcvt.f32.s32 v8;
	[tilespmem:v16+s17+$0x0] =	vst.idx.add.s32.msk $0xffff, v2  }
0x230: {  	s15 =	sor.u32 $0x70, s13;
	s26 =	simm.s32 $0x340;
	v20 =	vcvt.f32.s32 v7;
	v7 =	vmul.f32 v11, v4;
	v16 =	vld [tilespmem:s0+$0x8000]  }
0x231: {  	s30 =	simm.s32 $0x3A0;
	v19 =	vcvt.f32.s32 v6;
	v18 =	vld [tilespmem:s15+$0x8000];
	s0 =	sor.u32 $0x50, s26;
	v8 =	vmul.f32 v12, v4  }
0x232: {  	s20 =	simm.s32 $0x320;
	v6 =	vcvt.f32.s32 v10;
	v10 =	vsub.f32 v7, v3;
	v59 =	vld [tilespmem:s0+$0x8000];
	s0 =	sor.u32 $0x30, s30;
	v11 =	vmul.f32 v13, v4  }
0x233: {  	s3 =	sor.u32 $0x30, s20;
	v7 =	vcvt.f32.s32 v9;
	v9 =	vmul.f32 v14, v4;
	v62 =	vld [tilespmem:s0+$0x8000];
	v8 =	vsub.f32 v8, v3  }
0x234: {  	v63 =	vmul.f32 v60, v4;
	v23 =	vld [tilespmem:s3+$0x8000];
	v13 =	vmul.f32 v15, v4;
	v12 =	vsub.f32 v11, v3  }
0x235: {  	v11 =	vtrunc.f32 v8;
	v8 =	vsub.f32 v9, v3;
	v9 =	vmul.f32 v16, v4  }
0x236: {  	v61 =	vld [tilespmem:s25+$0x90];
	v10 =	vtrunc.f32 v10;
	v15 =	vmul.f32 v17, v4;
	v14 =	vsub.f32 v13, v3  }
0x237: {  	s31 =	simm.s32 $0x3C0;
	[tilespmem:v20+s18+$0x0] =	vst.idx.add.s32.msk $0xffff, v2;
	v13 =	vtrunc.f32 v8;
	v8 =	vsub.f32 v9, v3;
	v9 =	vmul.f32 v18, v4  }
0x238: {  	s3 =	sor.u32 $0x50, s31;
	v17 =	vmul.f32 v21, v4;
	v16 =	vsub.f32 v15, v3;
	v20 =	vmul.f32 v62, v4  }
0x239: {  	v18 =	vld [tilespmem:s3+$0x8000];
	v15 =	vtrunc.f32 v8;
	v8 =	vsub.f32 v9, v3;
	v9 =	vmul.f32 v23, v4  }
0x23a: {  	v21 =	vsub.f32 v17, v3;
	v12 =	vtrunc.f32 v12;
	v23 =	vmul.f32 v59, v4  }
0x23b: {  	[tilespmem:v0+s18+$0x0] =	vst.idx.add.s32.msk $0xffff, v2;
	v14 =	vtrunc.f32 v14;
	v17 =	vtrunc.f32 v8;
	v9 =	vsub.f32 v9, v3  }
0x23c: {  	[tilespmem:v22+s18+$0x0] =	vst.idx.add.s32.msk $0xffff, v2;
	v8 =	vtrunc.f32 v21;
	v0 =	vsub.f32 v23, v3;
	v21 =	vmul.f32 v61, v4  }
0x23d: {  	[tilespmem:v19+s18+$0x0] =	vst.idx.add.s32.msk $0xffff, v2;
	v19 =	vsub.f32 v63, v3;
	s25 =	simm.s32 $0x10;
	s26 =	simm.s32 $0x8500;
	v16 =	vtrunc.f32 v16;
	v9 =	vtrunc.f32 v9  }
.LBB2_5:
0x23e: {  	v22 =	vld [tilespmem:s26+$0xE0];
	s25 =	sadd.s32 $0x10, s25;
	v0 =	vtrunc.f32 v0;
	v21 =	vsub.f32 v21, v3;
	v18 =	vmul.f32 v18, v4  }
0x23f: {  	v24 =	vcvt.f32.s32 v10;
	v23 =	vld [tilespmem:s26+$0xFFFFFF20];
	p0 =	slt.u32 s25, $0x3F0;
	v10 =	vtrunc.f32 v19;
	v19 =	vsub.f32 v20, v3  }
0x240: {  	v25 =	vcvt.f32.s32 v11;
	v20 =	vld [tilespmem:s26+$0xFFFFFF40];
	v11 =	vtrunc.f32 v21;
	v18 =	vsub.f32 v18, v3  }
0x241: {  	v26 =	vcvt.f32.s32 v12;
	v21 =	vld [tilespmem:s26+$0xFFFFFF60];
	v12 =	vtrunc.f32 v19  }
0x242: {  	v27 =	vcvt.f32.s32 v13;
	v19 =	vld [tilespmem:s26+$0xFFFFFF80];
	v13 =	vtrunc.f32 v18  }
0x243: {  	v14 =	vcvt.f32.s32 v14;
	v18 =	vld [tilespmem:s26+$0xFFFFFFA0];
	v22 =	vmul.f32 v22, v4  }
0x244: {  	v15 =	vcvt.f32.s32 v15;
	v23 =	vmul.f32 v23, v4;
	v28 =	vld [tilespmem:s26+$0xFFFFFFC0]  }
0x245: {  	v16 =	vcvt.f32.s32 v16;
	v20 =	vmul.f32 v20, v4;
	v29 =	vld [tilespmem:s26+$0xFFFFFFE0];
	v22 =	vsub.f32 v22, v3  }
0x246: {  	v17 =	vcvt.f32.s32 v17;
	v23 =	vsub.f32 v23, v3;
	v21 =	vmul.f32 v21, v4;
	v30 =	vld [tilespmem:s26+$0x0]  }
0x247: {  	v20 =	vsub.f32 v20, v3;
	v19 =	vmul.f32 v19, v4;
	v31 =	vld [tilespmem:s26+$0x20];
	v22 =	vtrunc.f32 v22  }
0x248: {  	v21 =	vsub.f32 v21, v3;
	v18 =	vmul.f32 v18, v4;
	v32 =	vld [tilespmem:s26+$0x40];
	v22 =	vcvt.f32.s32 v22  }
0x249: {  	v23 =	vtrunc.f32 v23;
	v19 =	vsub.f32 v19, v3;
	v28 =	vmul.f32 v28, v4;
	v33 =	vld [tilespmem:s26+$0x60]  }
0x24a: {  	v20 =	vtrunc.f32 v20;
	v18 =	vsub.f32 v18, v3;
	v29 =	vmul.f32 v29, v4;
	v34 =	vld [tilespmem:s26+$0x80]  }
0x24b: {  	v21 =	vtrunc.f32 v21;
	v28 =	vsub.f32 v28, v3;
	v30 =	vmul.f32 v30, v4;
	v35 =	vld [tilespmem:s26+$0xA0]  }
0x24c: {  	v19 =	vtrunc.f32 v19;
	v29 =	vsub.f32 v29, v3;
	v31 =	vmul.f32 v31, v4;
	v36 =	vld [tilespmem:s26+$0xC0]  }
0x24d: {  	s24 =	sadd.s32 $0x200, s24;
	v18 =	vtrunc.f32 v18;
	v37 =	vld [tilespmem:s26+$0xFFFFFF00];
	v30 =	vsub.f32 v30, v3;
	v32 =	vmul.f32 v32, v4  }
0x24e: {  	s0 =	sadd.s32 $0xFFFFFEC0, s24;
	s3 =	sadd.s32 $0xFFFFFEE0, s24;
	s4 =	sor.u32 $0x70, s24;
	v28 =	vtrunc.f32 v28;
	v31 =	vsub.f32 v31, v3;
	v33 =	vmul.f32 v33, v4;
	[tilespmem:v22+s17+$0x0] =	vst.idx.add.s32.msk $0xffff, v2  }
0x24f: {  	s20 =	sadd.s32 $0xFFFFFF00, s24;
	s28 =	sadd.s32 $0xFFFFFF40, s24;
	s29 =	sadd.s32 $0xFFFFFF60, s24;
	v22 =	vtrunc.f32 v29;
	v29 =	vsub.f32 v32, v3;
	v32 =	vmul.f32 v34, v4;
	v34 =	vld [tilespmem:s4+$0x8000]  }
0x250: {  	s5 =	sadd.s32 $0xFFFFFFC0, s24;
	s7 =	sadd.s32 $0xFFFFFFE0, s24;
	v30 =	vtrunc.f32 v30;
	s4 =	sadd.s32 $0xFFFFFF80, s24;
	v33 =	vsub.f32 v33, v3;
	v35 =	vmul.f32 v35, v4;
	[tilespmem:v24+s18+$0x0] =	vst.idx.add.s32.msk $0xffff, v2  }
0x251: {  	s15 =	sor.u32 $0x30, s0;
	s13 =	sor.u32 $0x50, s3;
	s3 =	sor.u32 $0x70, s20;
	v24 =	vtrunc.f32 v31;
	v31 =	vsub.f32 v32, v3;
	v32 =	vmul.f32 v36, v4;
	[tilespmem:v25+s18+$0x0] =	vst.idx.add.s32.msk $0xffff, v2  }
0x252: {  	s0 =	sor.u32 $0x30, s28;
	s31 =	sor.u32 $0x50, s29;
	s30 =	sor.u32 $0x70, s4;
	v29 =	vtrunc.f32 v29;
	v25 =	vmul.f32 v37, v4;
	v35 =	vsub.f32 v35, v3;
	[tilespmem:v26+s18+$0x0] =	vst.idx.add.s32.msk $0xffff, v2  }
0x253: {  	s29 =	sor.u32 $0x30, s5;
	s28 =	sor.u32 $0x50, s7;
	v26 =	vtrunc.f32 v33;
	v31 =	vtrunc.f32 v31;
	v32 =	vsub.f32 v32, v3;
	[tilespmem:v27+s18+$0x0] =	vst.idx.add.s32.msk $0xffff, v2  }
0x254: {  	v25 =	vsub.f32 v25, v3;
	v27 =	vtrunc.f32 v35;
	v33 =	vmul.f32 v34, v4;
	[tilespmem:v14+s18+$0x0] =	vst.idx.add.s32.msk $0xffff, v2  }
0x255: {  	v14 =	vcvt.f32.s32 v23;
	v23 =	vtrunc.f32 v32;
	[tilespmem:v15+s18+$0x0] =	vst.idx.add.s32.msk $0xffff, v2  }
0x256: {  	v20 =	vcvt.f32.s32 v20;
	v15 =	vtrunc.f32 v25;
	v25 =	vsub.f32 v33, v3;
	[tilespmem:v16+s18+$0x0] =	vst.idx.add.s32.msk $0xffff, v2  }
0x257: {  	v16 =	vcvt.f32.s32 v21;
	v15 =	vcvt.f32.s32 v15;
	[tilespmem:v17+s18+$0x0] =	vst.idx.add.s32.msk $0xffff, v2  }
0x258: {  	v17 =	vcvt.f32.s32 v19;
	v19 =	vtrunc.f32 v25;
	[tilespmem:v5+s18+$0x0] =	vst.idx.add.s32.msk $0xffff, v2  }
0x259: {  	v18 =	vcvt.f32.s32 v18;
	v5 =	vcvt.f32.s32 v19;
	[tilespmem:v6+s18+$0x0] =	vst.idx.add.s32.msk $0xffff, v2  }
0x25a: {  	v21 =	vcvt.f32.s32 v22;
	v19 =	vcvt.f32.s32 v28;
	[tilespmem:v7+s18+$0x0] =	vst.idx.add.s32.msk $0xffff, v2  }
0x25b: {  	v22 =	vcvt.f32.s32 v24;
	[tilespmem:v14+s17+$0x0] =	vst.idx.add.s32.msk $0xffff, v2;
	v14 =	vcvt.f32.s32 v30  }
0x25c: {  	v24 =	vcvt.f32.s32 v26;
	[tilespmem:v20+s17+$0x0] =	vst.idx.add.s32.msk $0xffff, v2;
	v20 =	vcvt.f32.s32 v29  }
0x25d: {  	v25 =	vcvt.f32.s32 v27;
	[tilespmem:v15+s17+$0x0] =	vst.idx.add.s32.msk $0xffff, v2;
	v15 =	vcvt.f32.s32 v31  }
0x25e: {  	v8 =	vcvt.f32.s32 v8;
	[tilespmem:v16+s17+$0x0] =	vst.idx.add.s32.msk $0xffff, v2;
	v16 =	vcvt.f32.s32 v23  }
0x25f: {  	v9 =	vcvt.f32.s32 v9;
	v23 =	vcvt.f32.s32 v0;
	[tilespmem:v5+s18+$0x0] =	vst.idx.add.s32.msk $0xffff, v2  }
0x260: {  	v26 =	vcvt.f32.s32 v10;
	v5 =	vcvt.f32.s32 v11;
	[tilespmem:v17+s17+$0x0] =	vst.idx.add.s32.msk $0xffff, v2  }
0x261: {  	v6 =	vcvt.f32.s32 v12;
	v7 =	vcvt.f32.s32 v13;
	[tilespmem:v18+s17+$0x0] =	vst.idx.add.s32.msk $0xffff, v2  }
0x262: {  	[tilespmem:v19+s17+$0x0] =	vst.idx.add.s32.msk $0xffff, v2  }
0x263: {  	[tilespmem:v21+s17+$0x0] =	vst.idx.add.s32.msk $0xffff, v2  }
0x264: {  	[tilespmem:v14+s17+$0x0] =	vst.idx.add.s32.msk $0xffff, v2  }
0x265: {  	[tilespmem:v22+s17+$0x0] =	vst.idx.add.s32.msk $0xffff, v2  }
0x266: {  	[tilespmem:v20+s17+$0x0] =	vst.idx.add.s32.msk $0xffff, v2  }
0x267: {  	[tilespmem:v24+s17+$0x0] =	vst.idx.add.s32.msk $0xffff, v2  }
0x268: {  	[tilespmem:v15+s17+$0x0] =	vst.idx.add.s32.msk $0xffff, v2  }
0x269: {  	[tilespmem:v25+s17+$0x0] =	vst.idx.add.s32.msk $0xffff, v2  }
0x26a: {  	[tilespmem:v16+s17+$0x0] =	vst.idx.add.s32.msk $0xffff, v2  }
0x26b: {  	v0 =	vld [tilespmem:s26+$0xFFFFFF10]  }
0x26c: {  	v10 =	vld [tilespmem:s26+$0xFFFFFF30]  }
0x26d: {  	v11 =	vld [tilespmem:s26+$0xFFFFFF50]  }
0x26e: {  	v12 =	vld [tilespmem:s26+$0xFFFFFF70]  }
0x26f: {  	v13 =	vld [tilespmem:s26+$0xFFFFFF90]  }
0x270: {  	v0 =	vmul.f32 v0, v4;
	v14 =	vld [tilespmem:s15+$0x8000]  }
0x271: {  	v10 =	vmul.f32 v10, v4;
	v15 =	vld [tilespmem:s13+$0x8000]  }
0x272: {  	v0 =	vsub.f32 v0, v3;
	v11 =	vmul.f32 v11, v4;
	v16 =	vld [tilespmem:s3+$0x8000]  }
0x273: {  	v17 =	vsub.f32 v10, v3;
	v12 =	vmul.f32 v12, v4;
	v18 =	vld [tilespmem:s26+$0x10]  }
0x274: {  	v10 =	vtrunc.f32 v0;
	v0 =	vsub.f32 v11, v3;
	v13 =	vmul.f32 v13, v4;
	v19 =	vld [tilespmem:s0+$0x8000]  }
0x275: {  	v11 =	vtrunc.f32 v17;
	v17 =	vsub.f32 v12, v3;
	v14 =	vmul.f32 v14, v4;
	v20 =	vld [tilespmem:s31+$0x8000]  }
0x276: {  	v12 =	vtrunc.f32 v0;
	v0 =	vsub.f32 v13, v3;
	v15 =	vmul.f32 v15, v4;
	v21 =	vld [tilespmem:s30+$0x8000]  }
0x277: {  	v13 =	vtrunc.f32 v17;
	v17 =	vsub.f32 v14, v3;
	v16 =	vmul.f32 v16, v4;
	v22 =	vld [tilespmem:s26+$0x90]  }
0x278: {  	v14 =	vtrunc.f32 v0;
	v0 =	vsub.f32 v15, v3;
	v24 =	vmul.f32 v18, v4;
	v25 =	vld [tilespmem:s29+$0x8000]  }
.Ltmp1:
0x279: {  	v15 =	vtrunc.f32 v17;
	v17 =	vsub.f32 v16, v3;
	v19 =	vmul.f32 v19, v4;
	v18 =	vld [tilespmem:s28+$0x8000];
	(pc) =	sbr.rel @p0 .LBB2_5-.Ltmp1, $4  }
0x27a: {  	v16 =	vtrunc.f32 v0;
	v0 =	vsub.f32 v24, v3;
	v20 =	vmul.f32 v20, v4;
	[tilespmem:v8+s18+$0x0] =	vst.idx.add.s32.msk $0xffff, v2  }
0x27b: {  	v17 =	vtrunc.f32 v17;
	v19 =	vsub.f32 v19, v3;
	v24 =	vmul.f32 v21, v4;
	[tilespmem:v9+s18+$0x0] =	vst.idx.add.s32.msk $0xffff, v2  }
0x27c: {  	v8 =	vtrunc.f32 v0;
	v0 =	vsub.f32 v20, v3;
	v21 =	vmul.f32 v22, v4;
	[tilespmem:v23+s18+$0x0] =	vst.idx.add.s32.msk $0xffff, v2  }
0x27d: {  	s26 =	sadd.s32 $0x200, s26;
	v9 =	vtrunc.f32 v19;
	v19 =	vsub.f32 v24, v3;
	v20 =	vmul.f32 v25, v4;
	[tilespmem:v26+s18+$0x0] =	vst.idx.add.s32.msk $0xffff, v2  }
0x27e: {  	_ = 	snop  }
0x27f: {  	v10 =	vcvt.f32.s32 v10  }
0x280: {  	v11 =	vcvt.f32.s32 v11  }
0x281: {  	v12 =	vcvt.f32.s32 v12  }
0x282: {  	v13 =	vcvt.f32.s32 v13;
	[tilespmem:v5+s18+$0x0] =	vst.idx.add.s32.msk $0xffff, v2  }
0x283: {  	v14 =	vcvt.f32.s32 v14;
	[tilespmem:v6+s18+$0x0] =	vst.idx.add.s32.msk $0xffff, v2  }
0x284: {  	v15 =	vcvt.f32.s32 v15;
	[tilespmem:v7+s18+$0x0] =	vst.idx.add.s32.msk $0xffff, v2  }
0x285: {  	v16 =	vcvt.f32.s32 v16;
	[tilespmem:v10+s18+$0x0] =	vst.idx.add.s32.msk $0xffff, v2  }
0x286: {  	v55 =	vcvt.f32.s32 v17;
	[tilespmem:v11+s18+$0x0] =	vst.idx.add.s32.msk $0xffff, v2  }
0x287: {  	v0 =	vtrunc.f32 v0;
	v8 =	vcvt.f32.s32 v8;
	[tilespmem:v12+s18+$0x0] =	vst.idx.add.s32.msk $0xffff, v2  }
0x288: {  	v56 =	vsub.f32 v21, v3;
	v57 =	vmul.f32 v18, v4;
	v9 =	vcvt.f32.s32 v9;
	[tilespmem:v13+s18+$0x0] =	vst.idx.add.s32.msk $0xffff, v2  }
0x289: {  	v58 =	vtrunc.f32 v19;
	v59 =	vsub.f32 v20, v3;
	v0 =	vcvt.f32.s32 v0;
	[tilespmem:v14+s18+$0x0] =	vst.idx.add.s32.msk $0xffff, v2  }
0x28a: {  	v60 =	vtrunc.f32 v56;
	v61 =	vsub.f32 v57, v3;
	v5 =	vcvt.f32.s32 v58;
	[tilespmem:v15+s18+$0x0] =	vst.idx.add.s32.msk $0xffff, v2  }
0x28b: {  	v62 =	vtrunc.f32 v59;
	v6 =	vcvt.f32.s32 v60;
	[tilespmem:v16+s18+$0x0] =	vst.idx.add.s32.msk $0xffff, v2  }
0x28c: {  	v63 =	vtrunc.f32 v61;
	v7 =	vcvt.f32.s32 v62;
	[tilespmem:v55+s18+$0x0] =	vst.idx.add.s32.msk $0xffff, v2  }
0x28d: {  	v10 =	vcvt.f32.s32 v63;
	[tilespmem:v8+s18+$0x0] =	vst.idx.add.s32.msk $0xffff, v2  }
0x28e: {  	s22 =	sadd.s32 $0x1, s22;
	[tilespmem:v9+s18+$0x0] =	vst.idx.add.s32.msk $0xffff, v2  }
0x28f: {  	p0 =	sne.s32 s22, $0xF;
	[tilespmem:v0+s18+$0x0] =	vst.idx.add.s32.msk $0xffff, v2  }
.Ltmp2:
0x290: {  	[tilespmem:v5+s18+$0x0] =	vst.idx.add.s32.msk $0xffff, v2;
	(pc) =	sbr.rel @p0 .LBB2_2-.Ltmp2, $4  }
0x291: {  	s0 =	sadd.s32 s23, s9;
	[tilespmem:v6+s18+$0x0] =	vst.idx.add.s32.msk $0xffff, v2  }
0x292: {  	s0 =	sshrl.u32 s0, $0x3;
	[tilespmem:v7+s18+$0x0] =	vst.idx.add.s32.msk $0xffff, v2  }
0x293: {  	s0 =	sadd.s32 s1, s0;
	[tilespmem:v10+s18+$0x0] =	vst.idx.add.s32.msk $0xffff, v2  }
0x294: {  	[tilespmem:s12], [sflag:$0x2] =	stream.linear.gather [hbm4b:s0+s2], $0x8000, $0x38;
	[tilespmem:$0x13080] =	vst v63  }
0x295: {  	_ =	swait.ge [sflag:s16], $0x8000  }
0x296: {  	[sflag:s16] =	ssyncset.done $0x0  }
0x297: {  	s22 =	simm.s32 $0x100;
	[sflag:s16] =	ssyncadd.s32 $0xFFFF8000  }
0x298: {  	v0 =	vld [tilespmem:s22+$0xE0]  }
0x299: {  	v5 =	vld [tilespmem:s22+$0xFFFFFF20]  }
0x29a: {  	v6 =	vld [tilespmem:s22+$0xFFFFFF40]  }
0x29b: {  	v7 =	vld [tilespmem:s22+$0xFFFFFF60]  }
0x29c: {  	v8 =	vld [tilespmem:s22+$0xFFFFFF80]  }
0x29d: {  	v9 =	vld [tilespmem:s22+$0xFFFFFFA0]  }
0x29e: {  	v10 =	vld [tilespmem:s22+$0xFFFFFFC0]  }
0x29f: {  	v11 =	vld [tilespmem:s22+$0xFFFFFFE0]  }
0x2a0: {  	v12 =	vld [tilespmem:s22+$0x0]  }
0x2a1: {  	v13 =	vld [tilespmem:s22+$0x20]  }
0x2a2: {  	v14 =	vld [tilespmem:s22+$0x40]  }
0x2a3: {  	v15 =	vld [tilespmem:s22+$0xFFFFFF00]  }
0x2a4: {  	v16 =	vld [tilespmem:s22+$0x60]  }
0x2a5: {  	v17 =	vld [tilespmem:s22+$0x80]  }
0x2a6: {  	v18 =	vld [tilespmem:s22+$0xA0]  }
0x2a7: {  	s23 =	simm.s32 $0x300;
	v19 =	vld [tilespmem:s22+$0xC0]  }
0x2a8: {  	v20 =	vld [tilespmem:s23+$0xFFFFFF20]  }
0x2a9: {  	v21 =	vld [tilespmem:s23+$0xFFFFFF40]  }
0x2aa: {  	v22 =	vld [tilespmem:s23+$0xFFFFFF60]  }
0x2ab: {  	v23 =	vld [tilespmem:s23+$0xFFFFFF80]  }
0x2ac: {  	v24 =	vld [tilespmem:s23+$0xFFFFFFA0];
	v0 =	vmul.f32 v0, v4;
	v5 =	vmul.f32 v5, v4  }
0x2ad: {  	v25 =	vld [tilespmem:s23+$0xFFFFFFC0];
	v6 =	vmul.f32 v6, v4;
	v7 =	vmul.f32 v7, v4  }
0x2ae: {  	v26 =	vld [tilespmem:s23+$0xFFFFFFE0];
	v8 =	vmul.f32 v8, v4;
	v9 =	vmul.f32 v9, v4;
	v0 =	vsub.f32 v0, v3  }
0x2af: {  	v27 =	vld [tilespmem:s23+$0x0];
	v11 =	vmul.f32 v11, v4;
	v12 =	vmul.f32 v12, v4;
	v5 =	vsub.f32 v5, v3  }
0x2b0: {  	v28 =	vld [tilespmem:s23+$0x20];
	v15 =	vmul.f32 v15, v4;
	v6 =	vsub.f32 v6, v3;
	v0 =	vtrunc.f32 v0  }
0x2b1: {  	v29 =	vld [tilespmem:s23+$0x40];
	v8 =	vsub.f32 v8, v3;
	v5 =	vtrunc.f32 v5;
	v0 =	vcvt.f32.s32 v0  }
0x2b2: {  	v30 =	vld [tilespmem:s23+$0x60];
	v9 =	vsub.f32 v9, v3;
	v6 =	vtrunc.f32 v6;
	v5 =	vcvt.f32.s32 v5  }
0x2b3: {  	v31 =	vld [tilespmem:s23+$0xFFFFFF00];
	v11 =	vsub.f32 v11, v3;
	v8 =	vtrunc.f32 v8;
	v6 =	vcvt.f32.s32 v6  }
0x2b4: {  	v32 =	vld [tilespmem:s23+$0x80];
	v9 =	vtrunc.f32 v9;
	v8 =	vcvt.f32.s32 v8  }
0x2b5: {  	v33 =	vld [tilespmem:s23+$0xA0];
	v11 =	vtrunc.f32 v11;
	v9 =	vcvt.f32.s32 v9  }
0x2b6: {  	v34 =	vld [tilespmem:s23+$0xC0];
	v13 =	vmul.f32 v13, v4;
	v11 =	vcvt.f32.s32 v11  }
0x2b7: {  	v14 =	vmul.f32 v14, v4;
	v15 =	vsub.f32 v15, v3;
	[tilespmem:v0+s17+$0x0] =	vst.idx.add.s32.msk $0xffff, v2  }
0x2b8: {  	v12 =	vsub.f32 v12, v3;
	v13 =	vsub.f32 v13, v3;
	[tilespmem:v5+s17+$0x0] =	vst.idx.add.s32.msk $0xffff, v2  }
0x2b9: {  	v16 =	vmul.f32 v16, v4;
	v15 =	vtrunc.f32 v15;
	[tilespmem:v6+s17+$0x0] =	vst.idx.add.s32.msk $0xffff, v2  }
0x2ba: {  	v12 =	vtrunc.f32 v12;
	v13 =	vtrunc.f32 v13;
	[tilespmem:v8+s17+$0x0] =	vst.idx.add.s32.msk $0xffff, v2  }
0x2bb: {  	v15 =	vcvt.f32.s32 v15;
	v12 =	vcvt.f32.s32 v12;
	[tilespmem:v9+s17+$0x0] =	vst.idx.add.s32.msk $0xffff, v2  }
0x2bc: {  	s0 =	simm.s32 $0x1E0;
	v13 =	vcvt.f32.s32 v13;
	v0 =	vsub.f32 v7, v3;
	v7 =	vmul.f32 v10, v4;
	[tilespmem:v11+s17+$0x0] =	vst.idx.add.s32.msk $0xffff, v2  }
0x2bd: {  	s0 =	sor.u32 $0x70, s0;
	v5 =	vmul.f32 v18, v4;
	v6 =	vsub.f32 v14, v3;
	v14 =	vsub.f32 v16, v3;
	v16 =	vld [tilespmem:s23+$0xE0]  }
0x2be: {  	v10 =	vld [tilespmem:s0+$0x0];
	v0 =	vtrunc.f32 v0;
	v7 =	vsub.f32 v7, v3  }
0x2bf: {  	v9 =	vld [tilespmem:s22+$0xFFFFFF50];
	v6 =	vtrunc.f32 v6;
	v5 =	vsub.f32 v5, v3;
	v0 =	vcvt.f32.s32 v0  }
0x2c0: {  	v11 =	vld [tilespmem:s22+$0xFFFFFF90];
	v6 =	vcvt.f32.s32 v6;
	v7 =	vtrunc.f32 v7  }
0x2c1: {  	[tilespmem:v15+s17+$0x0] =	vst.idx.add.s32.msk $0xffff, v2;
	v5 =	vtrunc.f32 v5;
	v7 =	vcvt.f32.s32 v7  }
0x2c2: {  	s25 =	simm.s32 $0xA0;
	[tilespmem:v12+s17+$0x0] =	vst.idx.add.s32.msk $0xffff, v2;
	v5 =	vcvt.f32.s32 v5;
	v16 =	vmul.f32 v16, v4  }
0x2c3: {  	[tilespmem:v13+s17+$0x0] =	vst.idx.add.s32.msk $0xffff, v2;
	s0 =	sor.u32 $0x30, s25;
	v10 =	vmul.f32 v10, v4  }
0x2c4: {  	v17 =	vmul.f32 v17, v4;
	v12 =	vld [tilespmem:s0+$0x0];
	v9 =	vmul.f32 v9, v4;
	v16 =	vsub.f32 v16, v3  }
0x2c5: {  	v11 =	vmul.f32 v11, v4;
	v10 =	vsub.f32 v10, v3;
	[tilespmem:v0+s17+$0x0] =	vst.idx.add.s32.msk $0xffff, v2  }
0x2c6: {  	v15 =	vmul.f32 v19, v4;
	v19 =	vsub.f32 v9, v3;
	[tilespmem:v6+s17+$0x0] =	vst.idx.add.s32.msk $0xffff, v2;
	v16 =	vtrunc.f32 v16  }
0x2c7: {  	v11 =	vsub.f32 v11, v3;
	v10 =	vtrunc.f32 v10;
	v16 =	vcvt.f32.s32 v16;
	[tilespmem:v7+s17+$0x0] =	vst.idx.add.s32.msk $0xffff, v2  }
0x2c8: {  	v8 =	vsub.f32 v15, v3;
	v10 =	vcvt.f32.s32 v10;
	[tilespmem:v5+s17+$0x0] =	vst.idx.add.s32.msk $0xffff, v2  }
0x2c9: {  	s3 =	simm.s32 $0xC0;
	v0 =	vsub.f32 v17, v3;
	v19 =	vtrunc.f32 v19;
	v11 =	vtrunc.f32 v11;
	v5 =	vld [tilespmem:s22+$0xFFFFFF10]  }
0x2ca: {  	s28 =	simm.s32 $0x120;
	s3 =	sor.u32 $0x50, s3;
	v7 =	vtrunc.f32 v8;
	v8 =	vld [tilespmem:s22+$0xFFFFFF30];
	v19 =	vcvt.f32.s32 v19  }
0x2cb: {  	v0 =	vtrunc.f32 v0;
	v11 =	vcvt.f32.s32 v11;
	v13 =	vld [tilespmem:s3+$0x0];
	s3 =	sor.u32 $0x30, s28  }
0x2cc: {  	v0 =	vcvt.f32.s32 v0;
	v6 =	vld [tilespmem:s3+$0x0]  }
0x2cd: {  	s4 =	simm.s32 $0xE0;
	v20 =	vmul.f32 v20, v4;
	v7 =	vcvt.f32.s32 v7;
	[tilespmem:v16+s17+$0x0] =	vst.idx.add.s32.msk $0xffff, v2  }
0x2ce: {  	s26 =	sor.u32 $0x70, s4;
	v22 =	vmul.f32 v22, v4;
	v12 =	vmul.f32 v12, v4;
	[tilespmem:v10+s18+$0x0] =	vst.idx.add.s32.msk $0xffff, v2  }
0x2cf: {  	v23 =	vmul.f32 v23, v4;
	v10 =	vtrunc.f32 v14;
	v14 =	vld [tilespmem:s26+$0x0]  }
0x2d0: {  	v12 =	vsub.f32 v12, v3;
	v8 =	vmul.f32 v8, v4;
	[tilespmem:v19+s18+$0x0] =	vst.idx.add.s32.msk $0xffff, v2  }
0x2d1: {  	v24 =	vmul.f32 v24, v4;
	[tilespmem:v11+s18+$0x0] =	vst.idx.add.s32.msk $0xffff, v2;
	v10 =	vcvt.f32.s32 v10  }
0x2d2: {  	v27 =	vmul.f32 v27, v4;
	v12 =	vtrunc.f32 v12;
	[tilespmem:v0+s17+$0x0] =	vst.idx.add.s32.msk $0xffff, v2;
	v17 =	vsub.f32 v8, v3  }
0x2d3: {  	s29 =	simm.s32 $0x140;
	v31 =	vmul.f32 v31, v4;
	v12 =	vcvt.f32.s32 v12;
	[tilespmem:v7+s17+$0x0] =	vst.idx.add.s32.msk $0xffff, v2  }
0x2d4: {  	v20 =	vsub.f32 v20, v3;
	s0 =	sor.u32 $0x50, s29;
	v15 =	vmul.f32 v5, v4;
	v0 =	vld [tilespmem:s22+$0x10];
	v17 =	vtrunc.f32 v17  }
0x2d5: {  	v58 =	vmul.f32 v30, v4;
	v7 =	vld [tilespmem:s0+$0x0];
	v17 =	vcvt.f32.s32 v17  }
0x2d6: {  	v20 =	vtrunc.f32 v20;
	v15 =	vsub.f32 v15, v3;
	v8 =	vld [tilespmem:s22+$0x90];
	v14 =	vmul.f32 v14, v4  }
0x2d7: {  	v16 =	vsub.f32 v22, v3;
	v22 =	vmul.f32 v25, v4;
	v19 =	vcvt.f32.s32 v20;
	[tilespmem:v10+s17+$0x0] =	vst.idx.add.s32.msk $0xffff, v2  }
0x2d8: {  	v13 =	vmul.f32 v13, v4;
	v15 =	vtrunc.f32 v15;
	v10 =	vld [tilespmem:s22+$0xFFFFFF70];
	v14 =	vsub.f32 v14, v3;
	s22 =	simm.s32 $0x3E0  }
0x2d9: {  	v16 =	vtrunc.f32 v16;
	v22 =	vsub.f32 v22, v3;
	[tilespmem:v12+s18+$0x0] =	vst.idx.add.s32.msk $0xffff, v2;
	v15 =	vcvt.f32.s32 v15;
	s7 =	sor.u32 $0x70, s22  }
0x2da: {  	s5 =	simm.s32 $0x1C0;
	v13 =	vsub.f32 v13, v3;
	v12 =	vcvt.f32.s32 v16;
	v14 =	vtrunc.f32 v14;
	v56 =	vld [tilespmem:s7+$0x0]  }
0x2db: {  	s3 =	sor.u32 $0x50, s5;
	v22 =	vtrunc.f32 v22;
	v14 =	vcvt.f32.s32 v14;
	[tilespmem:v17+s18+$0x0] =	vst.idx.add.s32.msk $0xffff, v2;
	v17 =	vsub.f32 v31, v3  }
0x2dc: {  	s30 =	simm.s32 $0x160;
	v23 =	vsub.f32 v23, v3;
	v9 =	vld [tilespmem:s3+$0x0];
	v13 =	vtrunc.f32 v13;
	v22 =	vcvt.f32.s32 v22  }
0x2dd: {  	s31 =	sor.u32 $0x70, s30;
	v24 =	vsub.f32 v24, v3;
	v13 =	vcvt.f32.s32 v13;
	[tilespmem:v19+s17+$0x0] =	vst.idx.add.s32.msk $0xffff, v2;
	v17 =	vtrunc.f32 v17  }
0x2de: {  	v5 =	vld [tilespmem:s31+$0x0];
	v18 =	vmul.f32 v10, v4;
	v11 =	vcvt.f32.s32 v17  }
0x2df: {  	v23 =	vtrunc.f32 v23;
	[tilespmem:v15+s18+$0x0] =	vst.idx.add.s32.msk $0xffff, v2;
	v15 =	vtrunc.f32 v24;
	v17 =	vsub.f32 v27, v3  }
0x2e0: {  	[tilespmem:v12+s17+$0x0] =	vst.idx.add.s32.msk $0xffff, v2;
	v15 =	vcvt.f32.s32 v15;
	v18 =	vsub.f32 v18, v3;
	v57 =	vmul.f32 v56, v4  }
0x2e1: {  	v17 =	vtrunc.f32 v17;
	[tilespmem:v14+s18+$0x0] =	vst.idx.add.s32.msk $0xffff, v2;
	v14 =	vcvt.f32.s32 v23  }
0x2e2: {  	[tilespmem:v22+s17+$0x0] =	vst.idx.add.s32.msk $0xffff, v2;
	v18 =	vtrunc.f32 v18;
	v20 =	vsub.f32 v57, v3;
	v17 =	vcvt.f32.s32 v17  }
0x2e3: {  	s4 =	simm.s32 $0x1A0;
	v21 =	vmul.f32 v21, v4;
	[tilespmem:v13+s18+$0x0] =	vst.idx.add.s32.msk $0xffff, v2;
	v18 =	vcvt.f32.s32 v18  }
0x2e4: {  	v26 =	vmul.f32 v26, v4;
	s0 =	sor.u32 $0x30, s4;
	v16 =	vtrunc.f32 v20;
	[tilespmem:v11+s17+$0x0] =	vst.idx.add.s32.msk $0xffff, v2;
	v11 =	vsub.f32 v58, v3  }
0x2e5: {  	v28 =	vmul.f32 v28, v4;
	v10 =	vld [tilespmem:s0+$0x0];
	v13 =	vcvt.f32.s32 v16  }
0x2e6: {  	v21 =	vsub.f32 v21, v3;
	[tilespmem:v15+s17+$0x0] =	vst.idx.add.s32.msk $0xffff, v2;
	v16 =	vmul.f32 v32, v4;
	v11 =	vtrunc.f32 v11  }
0x2e7: {  	v6 =	vmul.f32 v6, v4;
	[tilespmem:v14+s17+$0x0] =	vst.idx.add.s32.msk $0xffff, v2;
	v11 =	vcvt.f32.s32 v11  }
0x2e8: {  	s15 =	simm.s32 $0x2C0;
	v21 =	vtrunc.f32 v21;
	v23 =	vmul.f32 v34, v4;
	v12 =	vsub.f32 v16, v3;
	[tilespmem:v17+s17+$0x0] =	vst.idx.add.s32.msk $0xffff, v2  }
0x2e9: {  	v29 =	vmul.f32 v29, v4;
	s3 =	sor.u32 $0x50, s15;
	v6 =	vsub.f32 v6, v3;
	[tilespmem:v18+s18+$0x0] =	vst.idx.add.s32.msk $0xffff, v2;
	v18 =	vcvt.f32.s32 v21  }
0x2ea: {  	v19 =	vmul.f32 v33, v4;
	v14 =	vsub.f32 v23, v3;
	v17 =	vld [tilespmem:s3+$0x0];
	v12 =	vtrunc.f32 v12  }
0x2eb: {  	v6 =	vtrunc.f32 v6;
	v15 =	vld [tilespmem:s23+$0xFFFFFF90];
	v12 =	vcvt.f32.s32 v12  }
0x2ec: {  	v0 =	vmul.f32 v0, v4;
	v14 =	vtrunc.f32 v14;
	[tilespmem:v13+s18+$0x0] =	vst.idx.add.s32.msk $0xffff, v2;
	v13 =	vsub.f32 v19, v3  }
0x2ed: {  	v7 =	vmul.f32 v7, v4;
	v14 =	vcvt.f32.s32 v14;
	[tilespmem:v11+s17+$0x0] =	vst.idx.add.s32.msk $0xffff, v2  }
0x2ee: {  	s28 =	simm.s32 $0x360;
	v8 =	vmul.f32 v8, v4;
	v21 =	vsub.f32 v26, v3;
	v13 =	vtrunc.f32 v13;
	v11 =	vld [tilespmem:s23+$0xFFFFFF10]  }
0x2ef: {  	s29 =	sor.u32 $0x70, s28;
	v9 =	vmul.f32 v9, v4;
	v13 =	vcvt.f32.s32 v13;
	[tilespmem:v18+s17+$0x0] =	vst.idx.add.s32.msk $0xffff, v2;
	v18 =	vsub.f32 v29, v3  }
0x2f0: {  	v0 =	vsub.f32 v0, v3;
	v7 =	vsub.f32 v7, v3;
	v20 =	vtrunc.f32 v21;
	v60 =	vld [tilespmem:s29+$0x0]  }
0x2f1: {  	v21 =	vsub.f32 v28, v3;
	v20 =	vcvt.f32.s32 v20;
	[tilespmem:v12+s17+$0x0] =	vst.idx.add.s32.msk $0xffff, v2;
	v16 =	vtrunc.f32 v18  }
0x2f2: {  	v8 =	vsub.f32 v8, v3;
	v5 =	vmul.f32 v5, v4;
	v12 =	vld [tilespmem:s23+$0xFFFFFF30];
	v16 =	vcvt.f32.s32 v16  }
0x2f3: {  	v9 =	vsub.f32 v9, v3;
	v0 =	vtrunc.f32 v0;
	v21 =	vtrunc.f32 v21;
	[tilespmem:v14+s17+$0x0] =	vst.idx.add.s32.msk $0xffff, v2  }
0x2f4: {  	v5 =	vsub.f32 v5, v3;
	v10 =	vmul.f32 v10, v4;
	v18 =	vcvt.f32.s32 v21;
	v14 =	vld [tilespmem:s23+$0xFFFFFF70]  }
0x2f5: {  	v7 =	vtrunc.f32 v7;
	v8 =	vtrunc.f32 v8;
	[tilespmem:v13+s17+$0x0] =	vst.idx.add.s32.msk $0xffff, v2  }
0x2f6: {  	v9 =	vtrunc.f32 v9;
	v5 =	vtrunc.f32 v5;
	v10 =	vsub.f32 v10, v3;
	v13 =	vld [tilespmem:s23+$0xFFFFFF50]  }
0x2f7: {  	s13 =	simm.s32 $0x2A0;
	v0 =	vcvt.f32.s32 v0;
	v22 =	vcvt.f32.s32 v5;
	[tilespmem:v20+s17+$0x0] =	vst.idx.add.s32.msk $0xffff, v2  }
0x2f8: {  	s0 =	sor.u32 $0x30, s13;
	v5 =	vcvt.f32.s32 v8;
	v10 =	vtrunc.f32 v10;
	[tilespmem:v16+s17+$0x0] =	vst.idx.add.s32.msk $0xffff, v2  }
0x2f9: {  	s20 =	simm.s32 $0x2E0;
	v20 =	vcvt.f32.s32 v7;
	v7 =	vmul.f32 v11, v4;
	v16 =	vld [tilespmem:s0+$0x0]  }
0x2fa: {  	s24 =	sor.u32 $0x70, s20;
	v19 =	vcvt.f32.s32 v6;
	v8 =	vmul.f32 v12, v4;
	[tilespmem:v18+s17+$0x0] =	vst.idx.add.s32.msk $0xffff, v2  }
0x2fb: {  	s25 =	simm.s32 $0x320;
	v6 =	vcvt.f32.s32 v10;
	v10 =	vsub.f32 v7, v3;
	v18 =	vld [tilespmem:s24+$0x0];
	v11 =	vmul.f32 v13, v4  }
0x2fc: {  	s26 =	simm.s32 $0x340;
	s3 =	sor.u32 $0x30, s25;
	v21 =	vld [tilespmem:s23+$0x10];
	v7 =	vcvt.f32.s32 v9;
	v9 =	vmul.f32 v14, v4;
	v8 =	vsub.f32 v8, v3  }
0x2fd: {  	v63 =	vmul.f32 v60, v4;
	s0 =	sor.u32 $0x50, s26;
	v23 =	vld [tilespmem:s3+$0x0];
	v13 =	vmul.f32 v15, v4;
	v12 =	vsub.f32 v11, v3  }
0x2fe: {  	v59 =	vld [tilespmem:s0+$0x0];
	v11 =	vtrunc.f32 v8;
	v8 =	vsub.f32 v9, v3;
	v9 =	vmul.f32 v16, v4  }
0x2ff: {  	s30 =	simm.s32 $0x3A0;
	v10 =	vtrunc.f32 v10;
	v15 =	vmul.f32 v17, v4;
	v14 =	vsub.f32 v13, v3  }
0x300: {  	s31 =	simm.s32 $0x3C0;
	v61 =	vld [tilespmem:s23+$0x90];
	s0 =	sor.u32 $0x30, s30;
	v13 =	vtrunc.f32 v8;
	v8 =	vsub.f32 v9, v3;
	v9 =	vmul.f32 v18, v4  }
0x301: {  	s3 =	sor.u32 $0x50, s31;
	v17 =	vmul.f32 v21, v4;
	v62 =	vld [tilespmem:s0+$0x0];
	v12 =	vtrunc.f32 v12;
	v16 =	vsub.f32 v15, v3  }
0x302: {  	v18 =	vld [tilespmem:s3+$0x0];
	v15 =	vtrunc.f32 v8;
	v8 =	vsub.f32 v9, v3;
	v9 =	vmul.f32 v23, v4  }
0x303: {  	[tilespmem:v0+s18+$0x0] =	vst.idx.add.s32.msk $0xffff, v2;
	v21 =	vsub.f32 v17, v3;
	v14 =	vtrunc.f32 v14;
	v23 =	vmul.f32 v59, v4  }
0x304: {  	[tilespmem:v22+s18+$0x0] =	vst.idx.add.s32.msk $0xffff, v2;
	v16 =	vtrunc.f32 v16;
	v17 =	vtrunc.f32 v8;
	v9 =	vsub.f32 v9, v3  }
0x305: {  	[tilespmem:v19+s18+$0x0] =	vst.idx.add.s32.msk $0xffff, v2;
	v8 =	vtrunc.f32 v21;
	v0 =	vsub.f32 v23, v3;
	v21 =	vmul.f32 v61, v4  }
0x306: {  	s23 =	simm.s32 $0x10;
	v19 =	vsub.f32 v63, v3;
	s24 =	simm.s32 $0x500;
	[tilespmem:v20+s18+$0x0] =	vst.idx.add.s32.msk $0xffff, v2;
	v20 =	vmul.f32 v62, v4;
	v9 =	vtrunc.f32 v9  }
.LBB2_8:
0x307: {  	v22 =	vld [tilespmem:s24+$0xE0];
	s23 =	sadd.s32 $0x10, s23;
	v0 =	vtrunc.f32 v0;
	v21 =	vsub.f32 v21, v3;
	v18 =	vmul.f32 v18, v4  }
0x308: {  	v24 =	vcvt.f32.s32 v10;
	v23 =	vld [tilespmem:s24+$0xFFFFFF20];
	p0 =	slt.u32 s23, $0x3F0;
	v10 =	vtrunc.f32 v19;
	v19 =	vsub.f32 v20, v3  }
0x309: {  	v25 =	vcvt.f32.s32 v11;
	v20 =	vld [tilespmem:s24+$0xFFFFFF40];
	v11 =	vtrunc.f32 v21;
	v18 =	vsub.f32 v18, v3  }
0x30a: {  	v26 =	vcvt.f32.s32 v12;
	v21 =	vld [tilespmem:s24+$0xFFFFFF60];
	v12 =	vtrunc.f32 v19  }
0x30b: {  	v27 =	vcvt.f32.s32 v13;
	v19 =	vld [tilespmem:s24+$0xFFFFFF80];
	v13 =	vtrunc.f32 v18  }
0x30c: {  	v14 =	vcvt.f32.s32 v14;
	v18 =	vld [tilespmem:s24+$0xFFFFFFA0];
	v22 =	vmul.f32 v22, v4  }
0x30d: {  	v15 =	vcvt.f32.s32 v15;
	v23 =	vmul.f32 v23, v4;
	v28 =	vld [tilespmem:s24+$0xFFFFFFC0]  }
0x30e: {  	v16 =	vcvt.f32.s32 v16;
	v20 =	vmul.f32 v20, v4;
	v29 =	vld [tilespmem:s24+$0xFFFFFFE0];
	v22 =	vsub.f32 v22, v3  }
0x30f: {  	v17 =	vcvt.f32.s32 v17;
	v23 =	vsub.f32 v23, v3;
	v21 =	vmul.f32 v21, v4;
	v30 =	vld [tilespmem:s24+$0x0]  }
0x310: {  	v20 =	vsub.f32 v20, v3;
	v19 =	vmul.f32 v19, v4;
	v31 =	vld [tilespmem:s24+$0x20];
	v22 =	vtrunc.f32 v22  }
0x311: {  	v21 =	vsub.f32 v21, v3;
	v18 =	vmul.f32 v18, v4;
	v32 =	vld [tilespmem:s24+$0x40];
	v22 =	vcvt.f32.s32 v22  }
0x312: {  	v23 =	vtrunc.f32 v23;
	v19 =	vsub.f32 v19, v3;
	v28 =	vmul.f32 v28, v4;
	v33 =	vld [tilespmem:s24+$0x60]  }
0x313: {  	v20 =	vtrunc.f32 v20;
	v18 =	vsub.f32 v18, v3;
	v29 =	vmul.f32 v29, v4;
	v34 =	vld [tilespmem:s24+$0x80]  }
0x314: {  	v21 =	vtrunc.f32 v21;
	v28 =	vsub.f32 v28, v3;
	v30 =	vmul.f32 v30, v4;
	v35 =	vld [tilespmem:s24+$0xA0]  }
0x315: {  	v19 =	vtrunc.f32 v19;
	v29 =	vsub.f32 v29, v3;
	v31 =	vmul.f32 v31, v4;
	v36 =	vld [tilespmem:s24+$0xC0]  }
0x316: {  	s22 =	sadd.s32 $0x200, s22;
	v18 =	vtrunc.f32 v18;
	v37 =	vld [tilespmem:s24+$0xFFFFFF00];
	v30 =	vsub.f32 v30, v3;
	v32 =	vmul.f32 v32, v4  }
0x317: {  	s0 =	sadd.s32 $0xFFFFFEC0, s22;
	s3 =	sadd.s32 $0xFFFFFEE0, s22;
	s4 =	sor.u32 $0x70, s22;
	v28 =	vtrunc.f32 v28;
	v31 =	vsub.f32 v31, v3;
	v33 =	vmul.f32 v33, v4;
	[tilespmem:v22+s17+$0x0] =	vst.idx.add.s32.msk $0xffff, v2  }
0x318: {  	s5 =	sadd.s32 $0xFFFFFF00, s22;
	s7 =	sadd.s32 $0xFFFFFF40, s22;
	s20 =	sadd.s32 $0xFFFFFF60, s22;
	v22 =	vtrunc.f32 v29;
	v29 =	vsub.f32 v32, v3;
	v32 =	vmul.f32 v34, v4;
	v34 =	vld [tilespmem:s4+$0x0]  }
0x319: {  	s25 =	sadd.s32 $0xFFFFFFC0, s22;
	s30 =	sadd.s32 $0xFFFFFFE0, s22;
	v30 =	vtrunc.f32 v30;
	s4 =	sadd.s32 $0xFFFFFF80, s22;
	v33 =	vsub.f32 v33, v3;
	v35 =	vmul.f32 v35, v4;
	[tilespmem:v24+s18+$0x0] =	vst.idx.add.s32.msk $0xffff, v2  }
0x31a: {  	s15 =	sor.u32 $0x30, s0;
	s13 =	sor.u32 $0x50, s3;
	s3 =	sor.u32 $0x70, s5;
	v24 =	vtrunc.f32 v31;
	v31 =	vsub.f32 v32, v3;
	v32 =	vmul.f32 v36, v4;
	[tilespmem:v25+s18+$0x0] =	vst.idx.add.s32.msk $0xffff, v2  }
0x31b: {  	s0 =	sor.u32 $0x30, s7;
	s29 =	sor.u32 $0x50, s20;
	s28 =	sor.u32 $0x70, s4;
	v29 =	vtrunc.f32 v29;
	v25 =	vmul.f32 v37, v4;
	v35 =	vsub.f32 v35, v3;
	[tilespmem:v26+s18+$0x0] =	vst.idx.add.s32.msk $0xffff, v2  }
0x31c: {  	s26 =	sor.u32 $0x30, s25;
	s25 =	sor.u32 $0x50, s30;
	v26 =	vtrunc.f32 v33;
	v31 =	vtrunc.f32 v31;
	v32 =	vsub.f32 v32, v3;
	[tilespmem:v27+s18+$0x0] =	vst.idx.add.s32.msk $0xffff, v2  }
0x31d: {  	v25 =	vsub.f32 v25, v3;
	v27 =	vtrunc.f32 v35;
	v33 =	vmul.f32 v34, v4;
	[tilespmem:v14+s18+$0x0] =	vst.idx.add.s32.msk $0xffff, v2  }
0x31e: {  	v14 =	vcvt.f32.s32 v23;
	v23 =	vtrunc.f32 v32;
	[tilespmem:v15+s18+$0x0] =	vst.idx.add.s32.msk $0xffff, v2  }
0x31f: {  	v20 =	vcvt.f32.s32 v20;
	v15 =	vtrunc.f32 v25;
	v25 =	vsub.f32 v33, v3;
	[tilespmem:v16+s18+$0x0] =	vst.idx.add.s32.msk $0xffff, v2  }
0x320: {  	v16 =	vcvt.f32.s32 v21;
	v15 =	vcvt.f32.s32 v15;
	[tilespmem:v17+s18+$0x0] =	vst.idx.add.s32.msk $0xffff, v2  }
0x321: {  	v17 =	vcvt.f32.s32 v19;
	v19 =	vtrunc.f32 v25;
	[tilespmem:v5+s18+$0x0] =	vst.idx.add.s32.msk $0xffff, v2  }
0x322: {  	v18 =	vcvt.f32.s32 v18;
	v5 =	vcvt.f32.s32 v19;
	[tilespmem:v6+s18+$0x0] =	vst.idx.add.s32.msk $0xffff, v2  }
0x323: {  	v21 =	vcvt.f32.s32 v22;
	v19 =	vcvt.f32.s32 v28;
	[tilespmem:v7+s18+$0x0] =	vst.idx.add.s32.msk $0xffff, v2  }
0x324: {  	v22 =	vcvt.f32.s32 v24;
	[tilespmem:v14+s17+$0x0] =	vst.idx.add.s32.msk $0xffff, v2;
	v14 =	vcvt.f32.s32 v30  }
0x325: {  	v24 =	vcvt.f32.s32 v26;
	[tilespmem:v20+s17+$0x0] =	vst.idx.add.s32.msk $0xffff, v2;
	v20 =	vcvt.f32.s32 v29  }
0x326: {  	v25 =	vcvt.f32.s32 v27;
	[tilespmem:v15+s17+$0x0] =	vst.idx.add.s32.msk $0xffff, v2;
	v15 =	vcvt.f32.s32 v31  }
0x327: {  	v8 =	vcvt.f32.s32 v8;
	[tilespmem:v16+s17+$0x0] =	vst.idx.add.s32.msk $0xffff, v2;
	v16 =	vcvt.f32.s32 v23  }
0x328: {  	v9 =	vcvt.f32.s32 v9;
	v23 =	vcvt.f32.s32 v0;
	[tilespmem:v5+s18+$0x0] =	vst.idx.add.s32.msk $0xffff, v2  }
0x329: {  	v26 =	vcvt.f32.s32 v10;
	v5 =	vcvt.f32.s32 v11;
	[tilespmem:v17+s17+$0x0] =	vst.idx.add.s32.msk $0xffff, v2  }
0x32a: {  	v6 =	vcvt.f32.s32 v12;
	v7 =	vcvt.f32.s32 v13;
	[tilespmem:v18+s17+$0x0] =	vst.idx.add.s32.msk $0xffff, v2  }
0x32b: {  	[tilespmem:v19+s17+$0x0] =	vst.idx.add.s32.msk $0xffff, v2  }
0x32c: {  	[tilespmem:v21+s17+$0x0] =	vst.idx.add.s32.msk $0xffff, v2  }
0x32d: {  	[tilespmem:v14+s17+$0x0] =	vst.idx.add.s32.msk $0xffff, v2  }
0x32e: {  	[tilespmem:v22+s17+$0x0] =	vst.idx.add.s32.msk $0xffff, v2  }
0x32f: {  	[tilespmem:v20+s17+$0x0] =	vst.idx.add.s32.msk $0xffff, v2  }
0x330: {  	[tilespmem:v24+s17+$0x0] =	vst.idx.add.s32.msk $0xffff, v2  }
0x331: {  	[tilespmem:v15+s17+$0x0] =	vst.idx.add.s32.msk $0xffff, v2  }
0x332: {  	[tilespmem:v25+s17+$0x0] =	vst.idx.add.s32.msk $0xffff, v2  }
0x333: {  	[tilespmem:v16+s17+$0x0] =	vst.idx.add.s32.msk $0xffff, v2  }
0x334: {  	v0 =	vld [tilespmem:s24+$0xFFFFFF10]  }
0x335: {  	v10 =	vld [tilespmem:s24+$0xFFFFFF30]  }
0x336: {  	v11 =	vld [tilespmem:s24+$0xFFFFFF50]  }
0x337: {  	v12 =	vld [tilespmem:s24+$0xFFFFFF70]  }
0x338: {  	v13 =	vld [tilespmem:s24+$0xFFFFFF90]  }
0x339: {  	v0 =	vmul.f32 v0, v4;
	v14 =	vld [tilespmem:s15+$0x0]  }
0x33a: {  	v10 =	vmul.f32 v10, v4;
	v15 =	vld [tilespmem:s13+$0x0]  }
0x33b: {  	v0 =	vsub.f32 v0, v3;
	v11 =	vmul.f32 v11, v4;
	v16 =	vld [tilespmem:s3+$0x0]  }
0x33c: {  	v17 =	vsub.f32 v10, v3;
	v12 =	vmul.f32 v12, v4;
	v18 =	vld [tilespmem:s24+$0x10]  }
0x33d: {  	v10 =	vtrunc.f32 v0;
	v0 =	vsub.f32 v11, v3;
	v13 =	vmul.f32 v13, v4;
	v19 =	vld [tilespmem:s0+$0x0]  }
0x33e: {  	v11 =	vtrunc.f32 v17;
	v17 =	vsub.f32 v12, v3;
	v14 =	vmul.f32 v14, v4;
	v20 =	vld [tilespmem:s29+$0x0]  }
0x33f: {  	v12 =	vtrunc.f32 v0;
	v0 =	vsub.f32 v13, v3;
	v15 =	vmul.f32 v15, v4;
	v21 =	vld [tilespmem:s28+$0x0]  }
0x340: {  	v13 =	vtrunc.f32 v17;
	v17 =	vsub.f32 v14, v3;
	v16 =	vmul.f32 v16, v4;
	v22 =	vld [tilespmem:s24+$0x90]  }
0x341: {  	v14 =	vtrunc.f32 v0;
	v0 =	vsub.f32 v15, v3;
	v24 =	vmul.f32 v18, v4;
	v25 =	vld [tilespmem:s26+$0x0]  }
.Ltmp3:
0x342: {  	v15 =	vtrunc.f32 v17;
	v17 =	vsub.f32 v16, v3;
	v19 =	vmul.f32 v19, v4;
	v18 =	vld [tilespmem:s25+$0x0];
	(pc) =	sbr.rel @p0 .LBB2_8-.Ltmp3, $4  }
0x343: {  	v16 =	vtrunc.f32 v0;
	v0 =	vsub.f32 v24, v3;
	v20 =	vmul.f32 v20, v4;
	[tilespmem:v8+s18+$0x0] =	vst.idx.add.s32.msk $0xffff, v2  }
0x344: {  	v17 =	vtrunc.f32 v17;
	v19 =	vsub.f32 v19, v3;
	v24 =	vmul.f32 v21, v4;
	[tilespmem:v9+s18+$0x0] =	vst.idx.add.s32.msk $0xffff, v2  }
0x345: {  	v8 =	vtrunc.f32 v0;
	v0 =	vsub.f32 v20, v3;
	v21 =	vmul.f32 v22, v4;
	[tilespmem:v23+s18+$0x0] =	vst.idx.add.s32.msk $0xffff, v2  }
0x346: {  	s24 =	sadd.s32 $0x200, s24;
	v9 =	vtrunc.f32 v19;
	v19 =	vsub.f32 v24, v3;
	v20 =	vmul.f32 v25, v4;
	[tilespmem:v26+s18+$0x0] =	vst.idx.add.s32.msk $0xffff, v2  }
0x347: {  	v10 =	vcvt.f32.s32 v10;
	_ =	sdelay $0x1  }
0x348: {  	v11 =	vcvt.f32.s32 v11  }
0x349: {  	v12 =	vcvt.f32.s32 v12  }
0x34a: {  	v13 =	vcvt.f32.s32 v13;
	[tilespmem:v5+s18+$0x0] =	vst.idx.add.s32.msk $0xffff, v2  }
0x34b: {  	v14 =	vcvt.f32.s32 v14;
	[tilespmem:v6+s18+$0x0] =	vst.idx.add.s32.msk $0xffff, v2  }
0x34c: {  	[tilespmem:v10+s18+$0x0] =	vst.idx.add.s32.msk $0xffff, v2;
	v10 =	vcvt.f32.s32 v17  }
0x34d: {  	v15 =	vcvt.f32.s32 v15;
	[tilespmem:v7+s18+$0x0] =	vst.idx.add.s32.msk $0xffff, v2  }
0x34e: {  	v16 =	vcvt.f32.s32 v16;
	[tilespmem:v11+s18+$0x0] =	vst.idx.add.s32.msk $0xffff, v2  }
0x34f: {  	v0 =	vtrunc.f32 v0;
	v8 =	vcvt.f32.s32 v8;
	[tilespmem:v12+s18+$0x0] =	vst.idx.add.s32.msk $0xffff, v2  }
0x350: {  	v9 =	vcvt.f32.s32 v9;
	[tilespmem:v13+s18+$0x0] =	vst.idx.add.s32.msk $0xffff, v2;
	v11 =	vsub.f32 v21, v3;
	v12 =	vmul.f32 v18, v4  }
0x351: {  	v0 =	vcvt.f32.s32 v0;
	[tilespmem:v14+s18+$0x0] =	vst.idx.add.s32.msk $0xffff, v2;
	v13 =	vtrunc.f32 v19;
	v14 =	vsub.f32 v20, v3  }
0x352: {  	v5 =	vcvt.f32.s32 v13;
	[tilespmem:v10+s18+$0x0] =	vst.idx.add.s32.msk $0xffff, v2;
	v10 =	vtrunc.f32 v11;
	v11 =	vsub.f32 v12, v3  }
0x353: {  	[tilespmem:v15+s18+$0x0] =	vst.idx.add.s32.msk $0xffff, v2;
	v12 =	vtrunc.f32 v14;
	v6 =	vcvt.f32.s32 v10  }
0x354: {  	[tilespmem:v16+s18+$0x0] =	vst.idx.add.s32.msk $0xffff, v2;
	v7 =	vcvt.f32.s32 v12;
	v10 =	vtrunc.f32 v11  }
0x355: {  	[tilespmem:v8+s18+$0x0] =	vst.idx.add.s32.msk $0xffff, v2;
	v10 =	vcvt.f32.s32 v10  }
0x356: {  	[tilespmem:v9+s18+$0x0] =	vst.idx.add.s32.msk $0xffff, v2  }
0x357: {  	[tilespmem:v0+s18+$0x0] =	vst.idx.add.s32.msk $0xffff, v2  }
0x358: {  	[tilespmem:v5+s18+$0x0] =	vst.idx.add.s32.msk $0xffff, v2  }
0x359: {  	[tilespmem:v6+s18+$0x0] =	vst.idx.add.s32.msk $0xffff, v2  }
0x35a: {  	[tilespmem:v7+s18+$0x0] =	vst.idx.add.s32.msk $0xffff, v2  }
0x35b: {  	[tilespmem:v10+s18+$0x0] =	vst.idx.add.s32.msk $0xffff, v2  }
0x35c: {  	_ =	swait.ge [sflag:s19], $0x8000  }
0x35d: {  	[sflag:s19] =	ssyncset.done $0x0  }
0x35e: {  	s22 =	simm.s32 $0x8100;
	[sflag:s19] =	ssyncadd.s32 $0xFFFF8000  }
0x35f: {  	v0 =	vld [tilespmem:s22+$0xE0]  }
0x360: {  	v5 =	vld [tilespmem:s22+$0xFFFFFF20]  }
0x361: {  	v6 =	vld [tilespmem:s22+$0xFFFFFF40]  }
0x362: {  	v7 =	vld [tilespmem:s22+$0xFFFFFF60]  }
0x363: {  	v8 =	vld [tilespmem:s22+$0xFFFFFF80]  }
0x364: {  	v9 =	vld [tilespmem:s22+$0xFFFFFFA0]  }
0x365: {  	v10 =	vld [tilespmem:s22+$0xFFFFFFC0]  }
0x366: {  	v11 =	vld [tilespmem:s22+$0xFFFFFFE0]  }
0x367: {  	v12 =	vld [tilespmem:s22+$0x0]  }
0x368: {  	v13 =	vld [tilespmem:s22+$0x20]  }
0x369: {  	v14 =	vld [tilespmem:s22+$0x40]  }
0x36a: {  	v15 =	vld [tilespmem:s22+$0xFFFFFF00]  }
0x36b: {  	v16 =	vld [tilespmem:s22+$0x60]  }
0x36c: {  	v17 =	vld [tilespmem:s22+$0x80]  }
0x36d: {  	v18 =	vld [tilespmem:s22+$0xA0]  }
0x36e: {  	s23 =	simm.s32 $0x8300;
	v19 =	vld [tilespmem:s22+$0xC0]  }
0x36f: {  	v20 =	vld [tilespmem:s23+$0xFFFFFF20]  }
0x370: {  	v21 =	vld [tilespmem:s23+$0xFFFFFF40]  }
0x371: {  	v22 =	vld [tilespmem:s23+$0xFFFFFF60]  }
0x372: {  	v23 =	vld [tilespmem:s23+$0xFFFFFF80]  }
0x373: {  	v24 =	vld [tilespmem:s23+$0xFFFFFFA0];
	v0 =	vmul.f32 v0, v4;
	v5 =	vmul.f32 v5, v4  }
0x374: {  	v25 =	vld [tilespmem:s23+$0xFFFFFFC0];
	v6 =	vmul.f32 v6, v4;
	v7 =	vmul.f32 v7, v4  }
0x375: {  	v26 =	vld [tilespmem:s23+$0xFFFFFFE0];
	v8 =	vmul.f32 v8, v4;
	v9 =	vmul.f32 v9, v4;
	v0 =	vsub.f32 v0, v3  }
0x376: {  	v27 =	vld [tilespmem:s23+$0x0];
	v11 =	vmul.f32 v11, v4;
	v12 =	vmul.f32 v12, v4;
	v5 =	vsub.f32 v5, v3  }
0x377: {  	v28 =	vld [tilespmem:s23+$0x20];
	v15 =	vmul.f32 v15, v4;
	v6 =	vsub.f32 v6, v3;
	v0 =	vtrunc.f32 v0  }
0x378: {  	v29 =	vld [tilespmem:s23+$0x40];
	v8 =	vsub.f32 v8, v3;
	v5 =	vtrunc.f32 v5;
	v0 =	vcvt.f32.s32 v0  }
0x379: {  	v30 =	vld [tilespmem:s23+$0x60];
	v9 =	vsub.f32 v9, v3;
	v6 =	vtrunc.f32 v6;
	v5 =	vcvt.f32.s32 v5  }
0x37a: {  	v31 =	vld [tilespmem:s23+$0xFFFFFF00];
	v11 =	vsub.f32 v11, v3;
	v8 =	vtrunc.f32 v8;
	v6 =	vcvt.f32.s32 v6  }
0x37b: {  	v32 =	vld [tilespmem:s23+$0x80];
	v9 =	vtrunc.f32 v9;
	v8 =	vcvt.f32.s32 v8  }
0x37c: {  	v33 =	vld [tilespmem:s23+$0xA0];
	v11 =	vtrunc.f32 v11;
	v9 =	vcvt.f32.s32 v9  }
0x37d: {  	v34 =	vld [tilespmem:s23+$0xC0];
	v13 =	vmul.f32 v13, v4;
	v11 =	vcvt.f32.s32 v11  }
0x37e: {  	v14 =	vmul.f32 v14, v4;
	v15 =	vsub.f32 v15, v3;
	[tilespmem:v0+s17+$0x0] =	vst.idx.add.s32.msk $0xffff, v2  }
0x37f: {  	v12 =	vsub.f32 v12, v3;
	v13 =	vsub.f32 v13, v3;
	[tilespmem:v5+s17+$0x0] =	vst.idx.add.s32.msk $0xffff, v2  }
0x380: {  	v16 =	vmul.f32 v16, v4;
	v15 =	vtrunc.f32 v15;
	[tilespmem:v6+s17+$0x0] =	vst.idx.add.s32.msk $0xffff, v2  }
0x381: {  	v12 =	vtrunc.f32 v12;
	v13 =	vtrunc.f32 v13;
	[tilespmem:v8+s17+$0x0] =	vst.idx.add.s32.msk $0xffff, v2  }
0x382: {  	v15 =	vcvt.f32.s32 v15;
	v12 =	vcvt.f32.s32 v12;
	[tilespmem:v9+s17+$0x0] =	vst.idx.add.s32.msk $0xffff, v2  }
0x383: {  	s0 =	simm.s32 $0x1E0;
	v13 =	vcvt.f32.s32 v13;
	v0 =	vsub.f32 v7, v3;
	v7 =	vmul.f32 v10, v4;
	[tilespmem:v11+s17+$0x0] =	vst.idx.add.s32.msk $0xffff, v2  }
0x384: {  	s0 =	sor.u32 $0x70, s0;
	v5 =	vmul.f32 v18, v4;
	v6 =	vsub.f32 v14, v3;
	v14 =	vsub.f32 v16, v3;
	v16 =	vld [tilespmem:s23+$0xE0]  }
0x385: {  	v10 =	vld [tilespmem:s0+$0x8000];
	v0 =	vtrunc.f32 v0;
	v7 =	vsub.f32 v7, v3  }
0x386: {  	v9 =	vld [tilespmem:s22+$0xFFFFFF50];
	v6 =	vtrunc.f32 v6;
	v5 =	vsub.f32 v5, v3;
	v0 =	vcvt.f32.s32 v0  }
0x387: {  	v11 =	vld [tilespmem:s22+$0xFFFFFF90];
	v6 =	vcvt.f32.s32 v6;
	v7 =	vtrunc.f32 v7  }
0x388: {  	[tilespmem:v15+s17+$0x0] =	vst.idx.add.s32.msk $0xffff, v2;
	v5 =	vtrunc.f32 v5;
	v7 =	vcvt.f32.s32 v7  }
0x389: {  	s25 =	simm.s32 $0xA0;
	[tilespmem:v12+s17+$0x0] =	vst.idx.add.s32.msk $0xffff, v2;
	v5 =	vcvt.f32.s32 v5;
	v16 =	vmul.f32 v16, v4  }
0x38a: {  	[tilespmem:v13+s17+$0x0] =	vst.idx.add.s32.msk $0xffff, v2;
	s0 =	sor.u32 $0x30, s25;
	v10 =	vmul.f32 v10, v4  }
0x38b: {  	v17 =	vmul.f32 v17, v4;
	v12 =	vld [tilespmem:s0+$0x8000];
	v9 =	vmul.f32 v9, v4;
	v16 =	vsub.f32 v16, v3  }
0x38c: {  	v11 =	vmul.f32 v11, v4;
	v10 =	vsub.f32 v10, v3;
	[tilespmem:v0+s17+$0x0] =	vst.idx.add.s32.msk $0xffff, v2  }
0x38d: {  	v15 =	vmul.f32 v19, v4;
	v19 =	vsub.f32 v9, v3;
	[tilespmem:v6+s17+$0x0] =	vst.idx.add.s32.msk $0xffff, v2;
	v16 =	vtrunc.f32 v16  }
0x38e: {  	v11 =	vsub.f32 v11, v3;
	v10 =	vtrunc.f32 v10;
	v16 =	vcvt.f32.s32 v16;
	[tilespmem:v7+s17+$0x0] =	vst.idx.add.s32.msk $0xffff, v2  }
0x38f: {  	v8 =	vsub.f32 v15, v3;
	v10 =	vcvt.f32.s32 v10;
	[tilespmem:v5+s17+$0x0] =	vst.idx.add.s32.msk $0xffff, v2  }
0x390: {  	s3 =	simm.s32 $0xC0;
	v0 =	vsub.f32 v17, v3;
	v19 =	vtrunc.f32 v19;
	v11 =	vtrunc.f32 v11;
	v5 =	vld [tilespmem:s22+$0xFFFFFF10]  }
0x391: {  	s28 =	simm.s32 $0x120;
	s3 =	sor.u32 $0x50, s3;
	v7 =	vtrunc.f32 v8;
	v8 =	vld [tilespmem:s22+$0xFFFFFF30];
	v19 =	vcvt.f32.s32 v19  }
0x392: {  	v0 =	vtrunc.f32 v0;
	v11 =	vcvt.f32.s32 v11;
	v13 =	vld [tilespmem:s3+$0x8000];
	s3 =	sor.u32 $0x30, s28  }
0x393: {  	v0 =	vcvt.f32.s32 v0;
	v6 =	vld [tilespmem:s3+$0x8000]  }
0x394: {  	s4 =	simm.s32 $0xE0;
	v20 =	vmul.f32 v20, v4;
	v7 =	vcvt.f32.s32 v7;
	[tilespmem:v16+s17+$0x0] =	vst.idx.add.s32.msk $0xffff, v2  }
0x395: {  	s26 =	sor.u32 $0x70, s4;
	v22 =	vmul.f32 v22, v4;
	v12 =	vmul.f32 v12, v4;
	[tilespmem:v10+s18+$0x0] =	vst.idx.add.s32.msk $0xffff, v2  }
0x396: {  	v23 =	vmul.f32 v23, v4;
	v10 =	vtrunc.f32 v14;
	v14 =	vld [tilespmem:s26+$0x8000]  }
0x397: {  	v12 =	vsub.f32 v12, v3;
	v8 =	vmul.f32 v8, v4;
	[tilespmem:v19+s18+$0x0] =	vst.idx.add.s32.msk $0xffff, v2  }
0x398: {  	v24 =	vmul.f32 v24, v4;
	[tilespmem:v11+s18+$0x0] =	vst.idx.add.s32.msk $0xffff, v2;
	v10 =	vcvt.f32.s32 v10  }
0x399: {  	v27 =	vmul.f32 v27, v4;
	v12 =	vtrunc.f32 v12;
	[tilespmem:v0+s17+$0x0] =	vst.idx.add.s32.msk $0xffff, v2;
	v17 =	vsub.f32 v8, v3  }
0x39a: {  	s29 =	simm.s32 $0x140;
	v31 =	vmul.f32 v31, v4;
	v12 =	vcvt.f32.s32 v12;
	[tilespmem:v7+s17+$0x0] =	vst.idx.add.s32.msk $0xffff, v2  }
0x39b: {  	v20 =	vsub.f32 v20, v3;
	s0 =	sor.u32 $0x50, s29;
	v15 =	vmul.f32 v5, v4;
	v0 =	vld [tilespmem:s22+$0x10];
	v17 =	vtrunc.f32 v17  }
0x39c: {  	v58 =	vmul.f32 v30, v4;
	v7 =	vld [tilespmem:s0+$0x8000];
	v17 =	vcvt.f32.s32 v17  }
0x39d: {  	v20 =	vtrunc.f32 v20;
	v15 =	vsub.f32 v15, v3;
	v8 =	vld [tilespmem:s22+$0x90];
	v14 =	vmul.f32 v14, v4  }
0x39e: {  	v16 =	vsub.f32 v22, v3;
	v22 =	vmul.f32 v25, v4;
	v19 =	vcvt.f32.s32 v20;
	[tilespmem:v10+s17+$0x0] =	vst.idx.add.s32.msk $0xffff, v2  }
0x39f: {  	v13 =	vmul.f32 v13, v4;
	v15 =	vtrunc.f32 v15;
	v10 =	vld [tilespmem:s22+$0xFFFFFF70];
	v14 =	vsub.f32 v14, v3;
	s22 =	simm.s32 $0x3E0  }
0x3a0: {  	v16 =	vtrunc.f32 v16;
	v22 =	vsub.f32 v22, v3;
	[tilespmem:v12+s18+$0x0] =	vst.idx.add.s32.msk $0xffff, v2;
	v15 =	vcvt.f32.s32 v15;
	s7 =	sor.u32 $0x70, s22  }
0x3a1: {  	s5 =	simm.s32 $0x1C0;
	v13 =	vsub.f32 v13, v3;
	v12 =	vcvt.f32.s32 v16;
	v14 =	vtrunc.f32 v14;
	v56 =	vld [tilespmem:s7+$0x8000]  }
0x3a2: {  	s3 =	sor.u32 $0x50, s5;
	v22 =	vtrunc.f32 v22;
	v14 =	vcvt.f32.s32 v14;
	[tilespmem:v17+s18+$0x0] =	vst.idx.add.s32.msk $0xffff, v2;
	v17 =	vsub.f32 v31, v3  }
0x3a3: {  	s30 =	simm.s32 $0x160;
	v23 =	vsub.f32 v23, v3;
	v9 =	vld [tilespmem:s3+$0x8000];
	v13 =	vtrunc.f32 v13;
	v22 =	vcvt.f32.s32 v22  }
0x3a4: {  	s31 =	sor.u32 $0x70, s30;
	v24 =	vsub.f32 v24, v3;
	v13 =	vcvt.f32.s32 v13;
	[tilespmem:v19+s17+$0x0] =	vst.idx.add.s32.msk $0xffff, v2;
	v17 =	vtrunc.f32 v17  }
0x3a5: {  	v5 =	vld [tilespmem:s31+$0x8000];
	v18 =	vmul.f32 v10, v4;
	v11 =	vcvt.f32.s32 v17  }
0x3a6: {  	v23 =	vtrunc.f32 v23;
	[tilespmem:v15+s18+$0x0] =	vst.idx.add.s32.msk $0xffff, v2;
	v15 =	vtrunc.f32 v24;
	v17 =	vsub.f32 v27, v3  }
0x3a7: {  	[tilespmem:v12+s17+$0x0] =	vst.idx.add.s32.msk $0xffff, v2;
	v15 =	vcvt.f32.s32 v15;
	v18 =	vsub.f32 v18, v3;
	v57 =	vmul.f32 v56, v4  }
0x3a8: {  	v17 =	vtrunc.f32 v17;
	[tilespmem:v14+s18+$0x0] =	vst.idx.add.s32.msk $0xffff, v2;
	v14 =	vcvt.f32.s32 v23  }
0x3a9: {  	[tilespmem:v22+s17+$0x0] =	vst.idx.add.s32.msk $0xffff, v2;
	v18 =	vtrunc.f32 v18;
	v20 =	vsub.f32 v57, v3;
	v17 =	vcvt.f32.s32 v17  }
0x3aa: {  	s4 =	simm.s32 $0x1A0;
	v21 =	vmul.f32 v21, v4;
	[tilespmem:v13+s18+$0x0] =	vst.idx.add.s32.msk $0xffff, v2;
	v18 =	vcvt.f32.s32 v18  }
0x3ab: {  	v26 =	vmul.f32 v26, v4;
	s0 =	sor.u32 $0x30, s4;
	v16 =	vtrunc.f32 v20;
	[tilespmem:v11+s17+$0x0] =	vst.idx.add.s32.msk $0xffff, v2;
	v11 =	vsub.f32 v58, v3  }
0x3ac: {  	v28 =	vmul.f32 v28, v4;
	v10 =	vld [tilespmem:s0+$0x8000];
	v13 =	vcvt.f32.s32 v16  }
0x3ad: {  	v21 =	vsub.f32 v21, v3;
	[tilespmem:v15+s17+$0x0] =	vst.idx.add.s32.msk $0xffff, v2;
	v16 =	vmul.f32 v32, v4;
	v11 =	vtrunc.f32 v11  }
0x3ae: {  	v6 =	vmul.f32 v6, v4;
	[tilespmem:v14+s17+$0x0] =	vst.idx.add.s32.msk $0xffff, v2;
	v11 =	vcvt.f32.s32 v11  }
0x3af: {  	s15 =	simm.s32 $0x2C0;
	v21 =	vtrunc.f32 v21;
	v23 =	vmul.f32 v34, v4;
	v12 =	vsub.f32 v16, v3;
	[tilespmem:v17+s17+$0x0] =	vst.idx.add.s32.msk $0xffff, v2  }
0x3b0: {  	v29 =	vmul.f32 v29, v4;
	s3 =	sor.u32 $0x50, s15;
	v6 =	vsub.f32 v6, v3;
	[tilespmem:v18+s18+$0x0] =	vst.idx.add.s32.msk $0xffff, v2;
	v18 =	vcvt.f32.s32 v21  }
0x3b1: {  	v19 =	vmul.f32 v33, v4;
	v14 =	vsub.f32 v23, v3;
	v17 =	vld [tilespmem:s3+$0x8000];
	v12 =	vtrunc.f32 v12  }
0x3b2: {  	v6 =	vtrunc.f32 v6;
	v15 =	vld [tilespmem:s23+$0xFFFFFF90];
	v12 =	vcvt.f32.s32 v12  }
0x3b3: {  	v0 =	vmul.f32 v0, v4;
	v14 =	vtrunc.f32 v14;
	[tilespmem:v13+s18+$0x0] =	vst.idx.add.s32.msk $0xffff, v2;
	v13 =	vsub.f32 v19, v3  }
0x3b4: {  	v7 =	vmul.f32 v7, v4;
	v14 =	vcvt.f32.s32 v14;
	[tilespmem:v11+s17+$0x0] =	vst.idx.add.s32.msk $0xffff, v2  }
0x3b5: {  	s28 =	simm.s32 $0x360;
	v8 =	vmul.f32 v8, v4;
	v21 =	vsub.f32 v26, v3;
	v13 =	vtrunc.f32 v13;
	v11 =	vld [tilespmem:s23+$0xFFFFFF10]  }
0x3b6: {  	s29 =	sor.u32 $0x70, s28;
	v9 =	vmul.f32 v9, v4;
	v13 =	vcvt.f32.s32 v13;
	[tilespmem:v18+s17+$0x0] =	vst.idx.add.s32.msk $0xffff, v2;
	v18 =	vsub.f32 v29, v3  }
0x3b7: {  	v0 =	vsub.f32 v0, v3;
	v7 =	vsub.f32 v7, v3;
	v20 =	vtrunc.f32 v21;
	v60 =	vld [tilespmem:s29+$0x8000]  }
0x3b8: {  	v21 =	vsub.f32 v28, v3;
	v20 =	vcvt.f32.s32 v20;
	[tilespmem:v12+s17+$0x0] =	vst.idx.add.s32.msk $0xffff, v2;
	v16 =	vtrunc.f32 v18  }
0x3b9: {  	v8 =	vsub.f32 v8, v3;
	v5 =	vmul.f32 v5, v4;
	v12 =	vld [tilespmem:s23+$0xFFFFFF30];
	v16 =	vcvt.f32.s32 v16  }
0x3ba: {  	v9 =	vsub.f32 v9, v3;
	v0 =	vtrunc.f32 v0;
	v21 =	vtrunc.f32 v21;
	[tilespmem:v14+s17+$0x0] =	vst.idx.add.s32.msk $0xffff, v2  }
0x3bb: {  	v5 =	vsub.f32 v5, v3;
	v10 =	vmul.f32 v10, v4;
	v18 =	vcvt.f32.s32 v21;
	v14 =	vld [tilespmem:s23+$0xFFFFFF70]  }
0x3bc: {  	v7 =	vtrunc.f32 v7;
	v8 =	vtrunc.f32 v8;
	[tilespmem:v13+s17+$0x0] =	vst.idx.add.s32.msk $0xffff, v2  }
0x3bd: {  	v9 =	vtrunc.f32 v9;
	v5 =	vtrunc.f32 v5;
	v10 =	vsub.f32 v10, v3;
	v13 =	vld [tilespmem:s23+$0xFFFFFF50]  }
0x3be: {  	s13 =	simm.s32 $0x2A0;
	v0 =	vcvt.f32.s32 v0;
	v22 =	vcvt.f32.s32 v5;
	[tilespmem:v20+s17+$0x0] =	vst.idx.add.s32.msk $0xffff, v2  }
0x3bf: {  	s0 =	sor.u32 $0x30, s13;
	v5 =	vcvt.f32.s32 v8;
	v10 =	vtrunc.f32 v10;
	[tilespmem:v16+s17+$0x0] =	vst.idx.add.s32.msk $0xffff, v2  }
0x3c0: {  	s20 =	simm.s32 $0x2E0;
	v20 =	vcvt.f32.s32 v7;
	v7 =	vmul.f32 v11, v4;
	v16 =	vld [tilespmem:s0+$0x8000]  }
0x3c1: {  	s24 =	sor.u32 $0x70, s20;
	v19 =	vcvt.f32.s32 v6;
	v8 =	vmul.f32 v12, v4;
	[tilespmem:v18+s17+$0x0] =	vst.idx.add.s32.msk $0xffff, v2  }
0x3c2: {  	s25 =	simm.s32 $0x320;
	v6 =	vcvt.f32.s32 v10;
	v10 =	vsub.f32 v7, v3;
	v18 =	vld [tilespmem:s24+$0x8000];
	v11 =	vmul.f32 v13, v4  }
0x3c3: {  	s26 =	simm.s32 $0x340;
	s3 =	sor.u32 $0x30, s25;
	v21 =	vld [tilespmem:s23+$0x10];
	v7 =	vcvt.f32.s32 v9;
	v9 =	vmul.f32 v14, v4;
	v8 =	vsub.f32 v8, v3  }
0x3c4: {  	v63 =	vmul.f32 v60, v4;
	s0 =	sor.u32 $0x50, s26;
	v23 =	vld [tilespmem:s3+$0x8000];
	v13 =	vmul.f32 v15, v4;
	v12 =	vsub.f32 v11, v3  }
0x3c5: {  	v59 =	vld [tilespmem:s0+$0x8000];
	v11 =	vtrunc.f32 v8;
	v8 =	vsub.f32 v9, v3;
	v9 =	vmul.f32 v16, v4  }
0x3c6: {  	s30 =	simm.s32 $0x3A0;
	v10 =	vtrunc.f32 v10;
	v15 =	vmul.f32 v17, v4;
	v14 =	vsub.f32 v13, v3  }
0x3c7: {  	s31 =	simm.s32 $0x3C0;
	v61 =	vld [tilespmem:s23+$0x90];
	s0 =	sor.u32 $0x30, s30;
	v13 =	vtrunc.f32 v8;
	v8 =	vsub.f32 v9, v3;
	v9 =	vmul.f32 v18, v4  }
0x3c8: {  	s3 =	sor.u32 $0x50, s31;
	v17 =	vmul.f32 v21, v4;
	v62 =	vld [tilespmem:s0+$0x8000];
	v12 =	vtrunc.f32 v12;
	v16 =	vsub.f32 v15, v3  }
0x3c9: {  	v18 =	vld [tilespmem:s3+$0x8000];
	v15 =	vtrunc.f32 v8;
	v8 =	vsub.f32 v9, v3;
	v9 =	vmul.f32 v23, v4  }
0x3ca: {  	[tilespmem:v0+s18+$0x0] =	vst.idx.add.s32.msk $0xffff, v2;
	v21 =	vsub.f32 v17, v3;
	v14 =	vtrunc.f32 v14;
	v23 =	vmul.f32 v59, v4  }
0x3cb: {  	[tilespmem:v22+s18+$0x0] =	vst.idx.add.s32.msk $0xffff, v2;
	v16 =	vtrunc.f32 v16;
	v17 =	vtrunc.f32 v8;
	v9 =	vsub.f32 v9, v3  }
0x3cc: {  	[tilespmem:v19+s18+$0x0] =	vst.idx.add.s32.msk $0xffff, v2;
	v8 =	vtrunc.f32 v21;
	v0 =	vsub.f32 v23, v3;
	v21 =	vmul.f32 v61, v4  }
0x3cd: {  	s23 =	simm.s32 $0x10;
	v19 =	vsub.f32 v63, v3;
	s24 =	simm.s32 $0x8500;
	[tilespmem:v20+s18+$0x0] =	vst.idx.add.s32.msk $0xffff, v2;
	v20 =	vmul.f32 v62, v4;
	v9 =	vtrunc.f32 v9  }
.LBB2_10:
0x3ce: {  	v22 =	vld [tilespmem:s24+$0xE0];
	s23 =	sadd.s32 $0x10, s23;
	v0 =	vtrunc.f32 v0;
	v21 =	vsub.f32 v21, v3;
	v18 =	vmul.f32 v18, v4  }
0x3cf: {  	v24 =	vcvt.f32.s32 v10;
	v23 =	vld [tilespmem:s24+$0xFFFFFF20];
	p0 =	slt.u32 s23, $0x3F0;
	v10 =	vtrunc.f32 v19;
	v19 =	vsub.f32 v20, v3  }
0x3d0: {  	v25 =	vcvt.f32.s32 v11;
	v20 =	vld [tilespmem:s24+$0xFFFFFF40];
	v11 =	vtrunc.f32 v21;
	v18 =	vsub.f32 v18, v3  }
0x3d1: {  	v26 =	vcvt.f32.s32 v12;
	v21 =	vld [tilespmem:s24+$0xFFFFFF60];
	v12 =	vtrunc.f32 v19  }
0x3d2: {  	v27 =	vcvt.f32.s32 v13;
	v19 =	vld [tilespmem:s24+$0xFFFFFF80];
	v13 =	vtrunc.f32 v18  }
0x3d3: {  	v14 =	vcvt.f32.s32 v14;
	v18 =	vld [tilespmem:s24+$0xFFFFFFA0];
	v22 =	vmul.f32 v22, v4  }
0x3d4: {  	v15 =	vcvt.f32.s32 v15;
	v23 =	vmul.f32 v23, v4;
	v28 =	vld [tilespmem:s24+$0xFFFFFFC0]  }
0x3d5: {  	v16 =	vcvt.f32.s32 v16;
	v20 =	vmul.f32 v20, v4;
	v29 =	vld [tilespmem:s24+$0xFFFFFFE0];
	v22 =	vsub.f32 v22, v3  }
0x3d6: {  	v17 =	vcvt.f32.s32 v17;
	v23 =	vsub.f32 v23, v3;
	v21 =	vmul.f32 v21, v4;
	v30 =	vld [tilespmem:s24+$0x0]  }
0x3d7: {  	v20 =	vsub.f32 v20, v3;
	v19 =	vmul.f32 v19, v4;
	v31 =	vld [tilespmem:s24+$0x20];
	v22 =	vtrunc.f32 v22  }
0x3d8: {  	v21 =	vsub.f32 v21, v3;
	v18 =	vmul.f32 v18, v4;
	v32 =	vld [tilespmem:s24+$0x40];
	v22 =	vcvt.f32.s32 v22  }
0x3d9: {  	v23 =	vtrunc.f32 v23;
	v19 =	vsub.f32 v19, v3;
	v28 =	vmul.f32 v28, v4;
	v33 =	vld [tilespmem:s24+$0x60]  }
0x3da: {  	v20 =	vtrunc.f32 v20;
	v18 =	vsub.f32 v18, v3;
	v29 =	vmul.f32 v29, v4;
	v34 =	vld [tilespmem:s24+$0x80]  }
0x3db: {  	v21 =	vtrunc.f32 v21;
	v28 =	vsub.f32 v28, v3;
	v30 =	vmul.f32 v30, v4;
	v35 =	vld [tilespmem:s24+$0xA0]  }
0x3dc: {  	v19 =	vtrunc.f32 v19;
	v29 =	vsub.f32 v29, v3;
	v31 =	vmul.f32 v31, v4;
	v36 =	vld [tilespmem:s24+$0xC0]  }
0x3dd: {  	s22 =	sadd.s32 $0x200, s22;
	v18 =	vtrunc.f32 v18;
	v37 =	vld [tilespmem:s24+$0xFFFFFF00];
	v30 =	vsub.f32 v30, v3;
	v32 =	vmul.f32 v32, v4  }
0x3de: {  	s0 =	sadd.s32 $0xFFFFFEC0, s22;
	s3 =	sadd.s32 $0xFFFFFEE0, s22;
	s4 =	sor.u32 $0x70, s22;
	v28 =	vtrunc.f32 v28;
	v31 =	vsub.f32 v31, v3;
	v33 =	vmul.f32 v33, v4;
	[tilespmem:v22+s17+$0x0] =	vst.idx.add.s32.msk $0xffff, v2  }
0x3df: {  	s5 =	sadd.s32 $0xFFFFFF00, s22;
	s7 =	sadd.s32 $0xFFFFFF40, s22;
	s20 =	sadd.s32 $0xFFFFFF60, s22;
	v22 =	vtrunc.f32 v29;
	v29 =	vsub.f32 v32, v3;
	v32 =	vmul.f32 v34, v4;
	v34 =	vld [tilespmem:s4+$0x8000]  }
0x3e0: {  	s25 =	sadd.s32 $0xFFFFFFC0, s22;
	s30 =	sadd.s32 $0xFFFFFFE0, s22;
	v30 =	vtrunc.f32 v30;
	s4 =	sadd.s32 $0xFFFFFF80, s22;
	v33 =	vsub.f32 v33, v3;
	v35 =	vmul.f32 v35, v4;
	[tilespmem:v24+s18+$0x0] =	vst.idx.add.s32.msk $0xffff, v2  }
0x3e1: {  	s15 =	sor.u32 $0x30, s0;
	s13 =	sor.u32 $0x50, s3;
	s3 =	sor.u32 $0x70, s5;
	v24 =	vtrunc.f32 v31;
	v31 =	vsub.f32 v32, v3;
	v32 =	vmul.f32 v36, v4;
	[tilespmem:v25+s18+$0x0] =	vst.idx.add.s32.msk $0xffff, v2  }
0x3e2: {  	s0 =	sor.u32 $0x30, s7;
	s29 =	sor.u32 $0x50, s20;
	s28 =	sor.u32 $0x70, s4;
	v29 =	vtrunc.f32 v29;
	v25 =	vmul.f32 v37, v4;
	v35 =	vsub.f32 v35, v3;
	[tilespmem:v26+s18+$0x0] =	vst.idx.add.s32.msk $0xffff, v2  }
0x3e3: {  	s26 =	sor.u32 $0x30, s25;
	s25 =	sor.u32 $0x50, s30;
	v26 =	vtrunc.f32 v33;
	v31 =	vtrunc.f32 v31;
	v32 =	vsub.f32 v32, v3;
	[tilespmem:v27+s18+$0x0] =	vst.idx.add.s32.msk $0xffff, v2  }
0x3e4: {  	v25 =	vsub.f32 v25, v3;
	v27 =	vtrunc.f32 v35;
	v33 =	vmul.f32 v34, v4;
	[tilespmem:v14+s18+$0x0] =	vst.idx.add.s32.msk $0xffff, v2  }
0x3e5: {  	v14 =	vcvt.f32.s32 v23;
	v23 =	vtrunc.f32 v32;
	[tilespmem:v15+s18+$0x0] =	vst.idx.add.s32.msk $0xffff, v2  }
0x3e6: {  	v20 =	vcvt.f32.s32 v20;
	v15 =	vtrunc.f32 v25;
	v25 =	vsub.f32 v33, v3;
	[tilespmem:v16+s18+$0x0] =	vst.idx.add.s32.msk $0xffff, v2  }
0x3e7: {  	v16 =	vcvt.f32.s32 v21;
	v15 =	vcvt.f32.s32 v15;
	[tilespmem:v17+s18+$0x0] =	vst.idx.add.s32.msk $0xffff, v2  }
0x3e8: {  	v17 =	vcvt.f32.s32 v19;
	v19 =	vtrunc.f32 v25;
	[tilespmem:v5+s18+$0x0] =	vst.idx.add.s32.msk $0xffff, v2  }
0x3e9: {  	v18 =	vcvt.f32.s32 v18;
	v5 =	vcvt.f32.s32 v19;
	[tilespmem:v6+s18+$0x0] =	vst.idx.add.s32.msk $0xffff, v2  }
0x3ea: {  	v21 =	vcvt.f32.s32 v22;
	v19 =	vcvt.f32.s32 v28;
	[tilespmem:v7+s18+$0x0] =	vst.idx.add.s32.msk $0xffff, v2  }
0x3eb: {  	v22 =	vcvt.f32.s32 v24;
	[tilespmem:v14+s17+$0x0] =	vst.idx.add.s32.msk $0xffff, v2;
	v14 =	vcvt.f32.s32 v30  }
0x3ec: {  	v24 =	vcvt.f32.s32 v26;
	[tilespmem:v20+s17+$0x0] =	vst.idx.add.s32.msk $0xffff, v2;
	v20 =	vcvt.f32.s32 v29  }
0x3ed: {  	v25 =	vcvt.f32.s32 v27;
	[tilespmem:v15+s17+$0x0] =	vst.idx.add.s32.msk $0xffff, v2;
	v15 =	vcvt.f32.s32 v31  }
0x3ee: {  	v8 =	vcvt.f32.s32 v8;
	[tilespmem:v16+s17+$0x0] =	vst.idx.add.s32.msk $0xffff, v2;
	v16 =	vcvt.f32.s32 v23  }
0x3ef: {  	v9 =	vcvt.f32.s32 v9;
	v23 =	vcvt.f32.s32 v0;
	[tilespmem:v5+s18+$0x0] =	vst.idx.add.s32.msk $0xffff, v2  }
0x3f0: {  	v26 =	vcvt.f32.s32 v10;
	v5 =	vcvt.f32.s32 v11;
	[tilespmem:v17+s17+$0x0] =	vst.idx.add.s32.msk $0xffff, v2  }
0x3f1: {  	v6 =	vcvt.f32.s32 v12;
	v7 =	vcvt.f32.s32 v13;
	[tilespmem:v18+s17+$0x0] =	vst.idx.add.s32.msk $0xffff, v2  }
0x3f2: {  	[tilespmem:v19+s17+$0x0] =	vst.idx.add.s32.msk $0xffff, v2  }
0x3f3: {  	[tilespmem:v21+s17+$0x0] =	vst.idx.add.s32.msk $0xffff, v2  }
0x3f4: {  	[tilespmem:v14+s17+$0x0] =	vst.idx.add.s32.msk $0xffff, v2  }
0x3f5: {  	[tilespmem:v22+s17+$0x0] =	vst.idx.add.s32.msk $0xffff, v2  }
0x3f6: {  	[tilespmem:v20+s17+$0x0] =	vst.idx.add.s32.msk $0xffff, v2  }
0x3f7: {  	[tilespmem:v24+s17+$0x0] =	vst.idx.add.s32.msk $0xffff, v2  }
0x3f8: {  	[tilespmem:v15+s17+$0x0] =	vst.idx.add.s32.msk $0xffff, v2  }
0x3f9: {  	[tilespmem:v25+s17+$0x0] =	vst.idx.add.s32.msk $0xffff, v2  }
0x3fa: {  	[tilespmem:v16+s17+$0x0] =	vst.idx.add.s32.msk $0xffff, v2  }
0x3fb: {  	v0 =	vld [tilespmem:s24+$0xFFFFFF10]  }
0x3fc: {  	v10 =	vld [tilespmem:s24+$0xFFFFFF30]  }
0x3fd: {  	v11 =	vld [tilespmem:s24+$0xFFFFFF50]  }
0x3fe: {  	v12 =	vld [tilespmem:s24+$0xFFFFFF70]  }
0x3ff: {  	v13 =	vld [tilespmem:s24+$0xFFFFFF90]  }
0x400: {  	v0 =	vmul.f32 v0, v4;
	v14 =	vld [tilespmem:s15+$0x8000]  }
0x401: {  	v10 =	vmul.f32 v10, v4;
	v15 =	vld [tilespmem:s13+$0x8000]  }
0x402: {  	v0 =	vsub.f32 v0, v3;
	v11 =	vmul.f32 v11, v4;
	v16 =	vld [tilespmem:s3+$0x8000]  }
0x403: {  	v17 =	vsub.f32 v10, v3;
	v12 =	vmul.f32 v12, v4;
	v18 =	vld [tilespmem:s24+$0x10]  }
0x404: {  	v10 =	vtrunc.f32 v0;
	v0 =	vsub.f32 v11, v3;
	v13 =	vmul.f32 v13, v4;
	v19 =	vld [tilespmem:s0+$0x8000]  }
0x405: {  	v11 =	vtrunc.f32 v17;
	v17 =	vsub.f32 v12, v3;
	v14 =	vmul.f32 v14, v4;
	v20 =	vld [tilespmem:s29+$0x8000]  }
0x406: {  	v12 =	vtrunc.f32 v0;
	v0 =	vsub.f32 v13, v3;
	v15 =	vmul.f32 v15, v4;
	v21 =	vld [tilespmem:s28+$0x8000]  }
0x407: {  	v13 =	vtrunc.f32 v17;
	v17 =	vsub.f32 v14, v3;
	v16 =	vmul.f32 v16, v4;
	v22 =	vld [tilespmem:s24+$0x90]  }
0x408: {  	v14 =	vtrunc.f32 v0;
	v0 =	vsub.f32 v15, v3;
	v24 =	vmul.f32 v18, v4;
	v25 =	vld [tilespmem:s26+$0x8000]  }
.Ltmp4:
0x409: {  	v15 =	vtrunc.f32 v17;
	v17 =	vsub.f32 v16, v3;
	v19 =	vmul.f32 v19, v4;
	v18 =	vld [tilespmem:s25+$0x8000];
	(pc) =	sbr.rel @p0 .LBB2_10-.Ltmp4, $4  }
0x40a: {  	v16 =	vtrunc.f32 v0;
	v0 =	vsub.f32 v24, v3;
	v20 =	vmul.f32 v20, v4;
	[tilespmem:v8+s18+$0x0] =	vst.idx.add.s32.msk $0xffff, v2  }
0x40b: {  	v17 =	vtrunc.f32 v17;
	v19 =	vsub.f32 v19, v3;
	v24 =	vmul.f32 v21, v4;
	[tilespmem:v9+s18+$0x0] =	vst.idx.add.s32.msk $0xffff, v2  }
0x40c: {  	v8 =	vtrunc.f32 v0;
	v0 =	vsub.f32 v20, v3;
	v21 =	vmul.f32 v22, v4;
	[tilespmem:v23+s18+$0x0] =	vst.idx.add.s32.msk $0xffff, v2  }
0x40d: {  	s24 =	sadd.s32 $0x200, s24;
	v9 =	vtrunc.f32 v19;
	v19 =	vsub.f32 v24, v3;
	v20 =	vmul.f32 v25, v4;
	[tilespmem:v26+s18+$0x0] =	vst.idx.add.s32.msk $0xffff, v2  }
0x40e: {  	_ = 	snop  }
0x40f: {  	v10 =	vcvt.f32.s32 v10  }
0x410: {  	v11 =	vcvt.f32.s32 v11  }
0x411: {  	v12 =	vcvt.f32.s32 v12  }
0x412: {  	v13 =	vcvt.f32.s32 v13;
	[tilespmem:v5+s18+$0x0] =	vst.idx.add.s32.msk $0xffff, v2  }
0x413: {  	v14 =	vcvt.f32.s32 v14;
	[tilespmem:v6+s18+$0x0] =	vst.idx.add.s32.msk $0xffff, v2  }
0x414: {  	v15 =	vcvt.f32.s32 v15;
	[tilespmem:v7+s18+$0x0] =	vst.idx.add.s32.msk $0xffff, v2  }
0x415: {  	v16 =	vcvt.f32.s32 v16;
	[tilespmem:v10+s18+$0x0] =	vst.idx.add.s32.msk $0xffff, v2  }
0x416: {  	v55 =	vcvt.f32.s32 v17;
	[tilespmem:v11+s18+$0x0] =	vst.idx.add.s32.msk $0xffff, v2  }
0x417: {  	v0 =	vtrunc.f32 v0;
	v8 =	vcvt.f32.s32 v8;
	[tilespmem:v12+s18+$0x0] =	vst.idx.add.s32.msk $0xffff, v2  }
0x418: {  	v56 =	vsub.f32 v21, v3;
	v4 =	vmul.f32 v18, v4;
	v9 =	vcvt.f32.s32 v9;
	[tilespmem:v13+s18+$0x0] =	vst.idx.add.s32.msk $0xffff, v2  }
0x419: {  	v57 =	vtrunc.f32 v19;
	v58 =	vsub.f32 v20, v3;
	v0 =	vcvt.f32.s32 v0;
	[tilespmem:v14+s18+$0x0] =	vst.idx.add.s32.msk $0xffff, v2  }
0x41a: {  	v59 =	vtrunc.f32 v56;
	v3 =	vsub.f32 v4, v3;
	v60 =	vcvt.f32.s32 v57;
	[tilespmem:v15+s18+$0x0] =	vst.idx.add.s32.msk $0xffff, v2  }
0x41b: {  	v61 =	vtrunc.f32 v58;
	v62 =	vcvt.f32.s32 v59;
	[tilespmem:v16+s18+$0x0] =	vst.idx.add.s32.msk $0xffff, v2  }
0x41c: {  	v3 =	vtrunc.f32 v3;
	v5 =	vcvt.f32.s32 v61;
	[tilespmem:v55+s18+$0x0] =	vst.idx.add.s32.msk $0xffff, v2  }
0x41d: {  	v3 =	vcvt.f32.s32 v3;
	[tilespmem:v8+s18+$0x0] =	vst.idx.add.s32.msk $0xffff, v2  }
0x41e: {  	[tilespmem:v9+s18+$0x0] =	vst.idx.add.s32.msk $0xffff, v2  }
0x41f: {  	[tilespmem:v0+s18+$0x0] =	vst.idx.add.s32.msk $0xffff, v2  }
0x420: {  	[tilespmem:v60+s18+$0x0] =	vst.idx.add.s32.msk $0xffff, v2  }
0x421: {  	[tilespmem:v62+s18+$0x0] =	vst.idx.add.s32.msk $0xffff, v2  }
0x422: {  	[tilespmem:v5+s18+$0x0] =	vst.idx.add.s32.msk $0xffff, v2  }
0x423: {  	[tilespmem:v3+s18+$0x0] =	vst.idx.add.s32.msk $0xffff, v2  }
0x424: {  	v0 =	vld [tilespmem:$0x10D20];
	_ =	sdelay $0x4  }
0x425: {  	[tilespmem:$0x1FA00] =	vst v0;
	v0 =	vld [tilespmem:$0x10690];
	_ =	sdelay $0x4  }
0x426: {  	[tilespmem:$0x1FA10] =	vst v0;
	v0 =	vld [tilespmem:$0x10D90];
	_ =	sdelay $0x4  }
0x427: {  	[tilespmem:$0x1FA30] =	vst v0;
	v0 =	vld [tilespmem:$0x10010];
	_ =	sdelay $0x4  }
0x428: {  	[tilespmem:$0x1FA20] =	vst v0;
	v0 =	vld [tilespmem:$0x10080];
	_ =	sdelay $0x4  }
0x429: {  	[tilespmem:$0x1FA40] =	vst v0;
	v0 =	vld [tilespmem:$0x10780];
	_ =	sdelay $0x4  }
0x42a: {  	[tilespmem:$0x1FA50] =	vst v0;
	v0 =	vld [tilespmem:$0x100F0];
	_ =	sdelay $0x4  }
0x42b: {  	[tilespmem:$0x1FA60] =	vst v0;
	v0 =	vld [tilespmem:$0x107F0];
	_ =	sdelay $0x4  }
0x42c: {  	[tilespmem:$0x1FA70] =	vst v0;
	v0 =	vld [tilespmem:$0x10160];
	_ =	sdelay $0x4  }
0x42d: {  	[tilespmem:$0x1FA80] =	vst v0;
	v0 =	vld [tilespmem:$0x10860];
	_ =	sdelay $0x4  }
0x42e: {  	[tilespmem:$0x1FA90] =	vst v0;
	v0 =	vld [tilespmem:$0x101D0];
	_ =	sdelay $0x4  }
0x42f: {  	[tilespmem:$0x1FAA0] =	vst v0;
	v0 =	vld [tilespmem:$0x108D0];
	_ =	sdelay $0x4  }
0x430: {  	[tilespmem:$0x1FAB0] =	vst v0;
	v0 =	vld [tilespmem:$0x10240];
	_ =	sdelay $0x4  }
0x431: {  	[tilespmem:$0x1FAC0] =	vst v0;
	v0 =	vld [tilespmem:$0x10940];
	_ =	sdelay $0x4  }
0x432: {  	[tilespmem:$0x1FAD0] =	vst v0;
	v0 =	vld [tilespmem:$0x102B0];
	_ =	sdelay $0x4  }
0x433: {  	[tilespmem:$0x1FAE0] =	vst v0;
	v0 =	vld [tilespmem:$0x109B0];
	_ =	sdelay $0x4  }
0x434: {  	[tilespmem:$0x1FB00] =	vst v0;
	v0 =	vld [tilespmem:$0x10320];
	_ =	sdelay $0x4  }
0x435: {  	[tilespmem:$0x1FB20] =	vst v0;
	v0 =	vld [tilespmem:$0x10A20];
	_ =	sdelay $0x4  }
0x436: {  	[tilespmem:$0x1FB40] =	vst v0;
	v0 =	vld [tilespmem:$0x10390];
	_ =	sdelay $0x4  }
0x437: {  	[tilespmem:$0x1FB60] =	vst v0;
	v0 =	vld [tilespmem:$0x10A90];
	_ =	sdelay $0x4  }
0x438: {  	[tilespmem:$0x1FB80] =	vst v0;
	v0 =	vld [tilespmem:$0x10400];
	_ =	sdelay $0x2  }
0x439: {  	v18 =	vld [tilespmem:$0x10000]  }
0x43a: {  	v14 =	vld [tilespmem:$0x10700]  }
0x43b: {  	[tilespmem:$0x1FBA0] =	vst v0;
	v0 =	vld [tilespmem:$0x10B00]  }
0x43c: {  	v19 =	vld [tilespmem:$0x10070]  }
0x43d: {  	v20 =	vld [tilespmem:$0x10770]  }
0x43e: {  	v21 =	vld [tilespmem:$0x100E0]  }
0x43f: {  	v23 =	vld [tilespmem:$0x107E0]  }
0x440: {  	[tilespmem:$0x1FBC0] =	vst v0;
	v0 =	vld [tilespmem:$0x10470]  }
0x441: {  	v25 =	vld [tilespmem:$0x10150]  }
0x442: {  	v26 =	vld [tilespmem:$0x10850]  }
0x443: {  	v27 =	vld [tilespmem:$0x101C0]  }
0x444: {  	v29 =	vld [tilespmem:$0x108C0]  }
0x445: {  	[tilespmem:$0x1FBE0] =	vst v0;
	v0 =	vld [tilespmem:$0x10B70]  }
0x446: {  	v31 =	vld [tilespmem:$0x10230]  }
0x447: {  	v33 =	vld [tilespmem:$0x10930]  }
0x448: {  	v34 =	vld [tilespmem:$0x102A0]  }
0x449: {  	v35 =	vld [tilespmem:$0x109A0]  }
0x44a: {  	[tilespmem:$0x1FC00] =	vst v0;
	v0 =	vld [tilespmem:$0x104E0]  }
0x44b: {  	v36 =	vld [tilespmem:$0x10310]  }
0x44c: {  	v38 =	vld [tilespmem:$0x10A10]  }
0x44d: {  	v41 =	vld [tilespmem:$0x10380]  }
0x44e: {  	v42 =	vld [tilespmem:$0x10A80]  }
0x44f: {  	[tilespmem:$0x1FC20] =	vst v0;
	v0 =	vld [tilespmem:$0x10BE0]  }
0x450: {  	v45 =	vld [tilespmem:$0x103F0]  }
0x451: {  	v46 =	vld [tilespmem:$0x10AF0]  }
0x452: {  	v48 =	vld [tilespmem:$0x10460]  }
0x453: {  	v50 =	vld [tilespmem:$0x10B60]  }
0x454: {  	[tilespmem:$0x1FC50] =	vst v0;
	v0 =	vld [tilespmem:$0x10550]  }
0x455: {  	v51 =	vld [tilespmem:$0x104D0]  }
0x456: {  	v53 =	vld [tilespmem:$0x10BD0]  }
0x457: {  	v55 =	vld [tilespmem:$0x10540]  }
0x458: {  	v56 =	vld [tilespmem:$0x10C40]  }
0x459: {  	[tilespmem:$0x1FC80] =	vst v0;
	v0 =	vld [tilespmem:$0x10C50]  }
0x45a: {  	v59 =	vld [tilespmem:$0x105B0]  }
0x45b: {  	v60 =	vld [tilespmem:$0x10CB0]  }
0x45c: {  	v62 =	vld [tilespmem:$0x10620]  }
0x45d: {  	v61 =	vld [tilespmem:$0x10710]  }
0x45e: {  	[tilespmem:$0x1FCB0] =	vst v0;
	v0 =	vld [tilespmem:$0x105C0]  }
0x45f: {  	v15 =	vld [tilespmem:$0x10020]  }
0x460: {  	v13 =	vld [tilespmem:$0x10720]  }
0x461: {  	v16 =	vld [tilespmem:$0x10090]  }
0x462: {  	v24 =	vld [tilespmem:$0x10790]  }
0x463: {  	[tilespmem:$0x1FCE0] =	vst v0;
	v0 =	vld [tilespmem:$0x10CC0]  }
0x464: {  	v30 =	vld [tilespmem:$0x10100]  }
0x465: {  	v32 =	vld [tilespmem:$0x10800]  }
0x466: {  	v39 =	vld [tilespmem:$0x10170]  }
0x467: {  	v44 =	vld [tilespmem:$0x10870]  }
0x468: {  	[tilespmem:$0x1FD10] =	vst v0;
	v0 =	vld [tilespmem:$0x10630]  }
0x469: {  	v49 =	vld [tilespmem:$0x101E0]  }
0x46a: {  	v54 =	vld [tilespmem:$0x108E0]  }
0x46b: {  	v63 =	vld [tilespmem:$0x10490]  }
0x46c: {  	v57 =	vld [tilespmem:$0x10250]  }
0x46d: {  	[tilespmem:$0x1FD40] =	vst v0;
	v0 =	vld [tilespmem:$0x10D30]  }
0x46e: {  	v3 =	vld [tilespmem:$0x10030]  }
0x46f: {  	v4 =	vld [tilespmem:$0x100A0]  }
0x470: {  	[tilespmem:$0x1FC40] =	vst v63;
	v63 =	vld [tilespmem:$0x10B90]  }
0x471: {  	v5 =	vld [tilespmem:$0x107A0]  }
0x472: {  	[tilespmem:$0x1FD70] =	vst v0;
	v0 =	vld [tilespmem:$0x106A0]  }
0x473: {  	v6 =	vld [tilespmem:$0x10110]  }
0x474: {  	v7 =	vld [tilespmem:$0x10810]  }
0x475: {  	[tilespmem:$0x1FC70] =	vst v63;
	v63 =	vld [tilespmem:$0x10500]  }
0x476: {  	v8 =	vld [tilespmem:$0x10180]  }
0x477: {  	[tilespmem:$0x1FDA0] =	vst v0;
	v0 =	vld [tilespmem:$0x10DA0]  }
0x478: {  	v9 =	vld [tilespmem:$0x10880]  }
0x479: {  	v10 =	vld [tilespmem:$0x101F0]  }
0x47a: {  	[tilespmem:$0x1FCA0] =	vst v63;
	v63 =	vld [tilespmem:$0x10C00]  }
0x47b: {  	v11 =	vld [tilespmem:$0x108F0]  }
0x47c: {  	[tilespmem:$0x1FDD0] =	vst v0;
	v0 =	vld [tilespmem:$0x10950]  }
0x47d: {  	v12 =	vld [tilespmem:$0x10260]  }
0x47e: {  	v17 =	vld [tilespmem:$0x10960]  }
0x47f: {  	[tilespmem:$0x1FCD0] =	vst v63;
	v63 =	vld [tilespmem:$0x10570]  }
0x480: {  	v22 =	vld [tilespmem:$0x102D0]  }
0x481: {  	[tilespmem:$0x1FAF0] =	vst v0;
	v0 =	vld [tilespmem:$0x102C0]  }
0x482: {  	v28 =	vld [tilespmem:$0x109D0]  }
0x483: {  	v37 =	vld [tilespmem:$0x10340]  }
0x484: {  	[tilespmem:$0x1FD00] =	vst v63;
	v63 =	vld [tilespmem:$0x10C70]  }
0x485: {  	v40 =	vld [tilespmem:$0x10A40]  }
0x486: {  	[tilespmem:$0x1FB10] =	vst v0;
	v0 =	vld [tilespmem:$0x109C0]  }
0x487: {  	v43 =	vld [tilespmem:$0x103B0]  }
0x488: {  	v47 =	vld [tilespmem:$0x10AB0]  }
0x489: {  	[tilespmem:$0x1FD30] =	vst v63;
	v63 =	vld [tilespmem:$0x105E0]  }
0x48a: {  	v52 =	vld [tilespmem:$0x10420]  }
0x48b: {  	[tilespmem:$0x1FB30] =	vst v0;
	v0 =	vld [tilespmem:$0x10330]  }
0x48c: {  	v58 =	vld [tilespmem:$0x10B20]  }
0x48d: {  	v13 =	vadd.s32 v15, v13;
	v15 =	vld [tilespmem:$0x10910]  }
0x48e: {  	[tilespmem:$0x1FD60] =	vst v63;
	v63 =	vld [tilespmem:$0x10CE0]  }
0x48f: {  	v14 =	vadd.s32 v18, v14;
	v13 =	vadd.s32 v16, v13;
	v16 =	vld [tilespmem:$0x10280]  }
0x490: {  	v14 =	vadd.s32 v19, v14;
	[tilespmem:$0x1FB50] =	vst v0;
	v0 =	vld [tilespmem:$0x10A30]  }
0x491: {  	v14 =	vadd.s32 v20, v14;
	v20 =	vld [tilespmem:$0x10A60]  }
0x492: {  	v14 =	vadd.s32 v21, v14;
	v21 =	vld [tilespmem:$0x10970]  }
0x493: {  	[tilespmem:$0x1FD90] =	vst v63;
	v63 =	vld [tilespmem:$0x10650]  }
0x494: {  	v14 =	vadd.s32 v23, v14;
	v23 =	vld [tilespmem:$0x102E0]  }
0x495: {  	[tilespmem:$0x1FB70] =	vst v0;
	v0 =	vld [tilespmem:$0x103A0]  }
0x496: {  	v14 =	vadd.s32 v25, v14;
	v25 =	vld [tilespmem:$0x109E0]  }
0x497: {  	v14 =	vadd.s32 v26, v14;
	v26 =	vld [tilespmem:$0x10350]  }
0x498: {  	[tilespmem:$0x1FDC0] =	vst v63;
	v63 =	vld [tilespmem:$0x10D50]  }
0x499: {  	v14 =	vadd.s32 v27, v14;
	v27 =	vld [tilespmem:$0x10A50]  }
0x49a: {  	[tilespmem:$0x1FB90] =	vst v0;
	v0 =	vld [tilespmem:$0x10AA0]  }
0x49b: {  	v14 =	vadd.s32 v29, v14;
	v29 =	vld [tilespmem:$0x103C0]  }
0x49c: {  	[tilespmem:$0x1FEE0] =	vst v21;
	v21 =	vld [tilespmem:$0x10C10]  }
0x49d: {  	[tilespmem:$0x1FDF0] =	vst v63;
	v63 =	vld [tilespmem:$0x106C0]  }
0x49e: {  	v14 =	vadd.s32 v31, v14;
	v31 =	vld [tilespmem:$0x10AC0]  }
0x49f: {  	[tilespmem:$0x1FBB0] =	vst v0;
	v0 =	vld [tilespmem:$0x10410]  }
0x4a0: {  	[tilespmem:$0x1FEF0] =	vst v23;
	v23 =	vld [tilespmem:$0x10580]  }
0x4a1: {  	v14 =	vadd.s32 v33, v14;
	v33 =	vld [tilespmem:$0x10430]  }
0x4a2: {  	[tilespmem:$0x1FE10] =	vst v63;
	v63 =	vld [tilespmem:$0x10DC0]  }
0x4a3: {  	[tilespmem:$0x1FF00] =	vst v25;
	v25 =	vld [tilespmem:$0x10C80]  }
0x4a4: {  	[tilespmem:$0x1FBD0] =	vst v0;
	v0 =	vld [tilespmem:$0x10B10]  }
0x4a5: {  	v14 =	vadd.s32 v34, v14;
	v34 =	vld [tilespmem:$0x10B30]  }
0x4a6: {  	[tilespmem:$0x1FF10] =	vst v26;
	v26 =	vld [tilespmem:$0x105F0]  }
0x4a7: {  	[tilespmem:$0x1FE40] =	vst v63;
	v63 =	vld [tilespmem:$0x10040]  }
0x4a8: {  	v14 =	vadd.s32 v35, v14;
	v35 =	vld [tilespmem:$0x104A0]  }
0x4a9: {  	[tilespmem:$0x1FBF0] =	vst v0;
	v0 =	vld [tilespmem:$0x10480]  }
0x4aa: {  	[tilespmem:$0x1FF20] =	vst v27;
	v27 =	vld [tilespmem:$0x10CF0]  }
0x4ab: {  	v14 =	vadd.s32 v36, v14;
	v36 =	vld [tilespmem:$0x10BA0]  }
0x4ac: {  	[tilespmem:$0x1FE20] =	vst v63;
	v63 =	vld [tilespmem:$0x10740]  }
0x4ad: {  	[tilespmem:$0x1FF30] =	vst v29;
	v29 =	vld [tilespmem:$0x1FA00]  }
0x4ae: {  	[tilespmem:$0x1FC10] =	vst v0;
	v0 =	vld [tilespmem:$0x10B80]  }
0x4af: {  	[tilespmem:$0x1FFA0] =	vst v21;
	v21 =	vld [tilespmem:$0x103D0]  }
0x4b0: {  	v14 =	vadd.s32 v38, v14;
	v38 =	vld [tilespmem:$0x10750]  }
0x4b1: {  	[tilespmem:$0x1FE30] =	vst v63;
	v63 =	vld [tilespmem:$0x100B0]  }
0x4b2: {  	[tilespmem:$0x1FF40] =	vst v31;
	v31 =	vld [tilespmem:$0x107C0]  }
0x4b3: {  	[tilespmem:$0x1FC30] =	vst v0;
	v0 =	vld [tilespmem:$0x104F0]  }
0x4b4: {  	[tilespmem:$0x1FFB0] =	vst v23;
	v23 =	vld [tilespmem:$0x10AD0]  }
0x4b5: {  	[tilespmem:$0x1FF50] =	vst v33;
	v33 =	vld [tilespmem:$0x100C0]  }
0x4b6: {  	[tilespmem:$0x1FE50] =	vst v63;
	v63 =	vld [tilespmem:$0x107B0]  }
0x4b7: {  	v14 =	vadd.s32 v41, v14;
	v41 =	vld [tilespmem:$0x1FA30]  }
0x4b8: {  	[tilespmem:$0x1FC60] =	vst v0;
	v0 =	vld [tilespmem:$0x10BF0]  }
0x4b9: {  	[tilespmem:$0x1FF60] =	vst v34;
	v34 =	vld [tilespmem:$0x1FA10]  }
0x4ba: {  	v14 =	vadd.s32 v42, v14;
	[tilespmem:$0x1FF70] =	vst v35;
	v35 =	vld [tilespmem:$0x10050]  }
0x4bb: {  	v14 =	vadd.s32 v45, v14;
	[tilespmem:$0x1FE60] =	vst v63;
	v63 =	vld [tilespmem:$0x10120]  }
0x4bc: {  	v14 =	vadd.s32 v46, v14;
	v46 =	vld [tilespmem:$0x106D0]  }
0x4bd: {  	[tilespmem:$0x1FC90] =	vst v0;
	v0 =	vld [tilespmem:$0x10560]  }
0x4be: {  	[tilespmem:$0x1FF80] =	vst v36;
	v36 =	vld [tilespmem:$0x1FA20]  }
0x4bf: {  	v14 =	vadd.s32 v48, v14;
	v48 =	vld [tilespmem:$0x10D60]  }
0x4c0: {  	[tilespmem:$0x1FE70] =	vst v63;
	v63 =	vld [tilespmem:$0x10820]  }
0x4c1: {  	v14 =	vadd.s32 v50, v14;
	v50 =	vld [tilespmem:$0x10660]  }
0x4c2: {  	[tilespmem:$0x1FCC0] =	vst v0;
	v0 =	vld [tilespmem:$0x10C60]  }
0x4c3: {  	v42 =	vld [tilespmem:$0x1FA40]  }
0x4c4: {  	v14 =	vadd.s32 v51, v14;
	v35 =	vadd.s32 v35, v38;
	v38 =	vld [tilespmem:$0x1FF80]  }
0x4c5: {  	v14 =	vadd.s32 v53, v14;
	[tilespmem:$0x1FE80] =	vst v63;
	v63 =	vld [tilespmem:$0x10190]  }
0x4c6: {  	v14 =	vadd.s32 v55, v14;
	v18 =	vadd.s32 v36, v61;
	v36 =	vld [tilespmem:$0x101A0]  }
0x4c7: {  	v13 =	vadd.s32 v24, v13;
	v14 =	vadd.s32 v56, v14;
	[tilespmem:$0x1FCF0] =	vst v0;
	v0 =	vld [tilespmem:$0x105D0]  }
0x4c8: {  	v56 =	vadd.s32 v30, v13;
	v30 =	vld [tilespmem:$0x10980];
	v14 =	vadd.s32 v59, v14  }
0x4c9: {  	v14 =	vadd.s32 v60, v14;
	v53 =	vld [tilespmem:$0x1FA50]  }
0x4ca: {  	v14 =	vadd.s32 v62, v14;
	[tilespmem:$0x1FE90] =	vst v63;
	v63 =	vld [tilespmem:$0x10890]  }
0x4cb: {  	v14 =	vadd.s32 v29, v14;
	v29 =	vld [tilespmem:$0x10130]  }
0x4cc: {  	[tilespmem:$0x1FD20] =	vst v0;
	v0 =	vld [tilespmem:$0x10CD0]  }
0x4cd: {  	v14 =	vadd.s32 v34, v14;
	v34 =	vld [tilespmem:$0x10830]  }
0x4ce: {  	v51 =	vadd.s32 v41, v14;
	v14 =	vadd.s32 v42, v18;
	v42 =	vld [tilespmem:$0x108A0]  }
0x4cf: {  	v33 =	vadd.s32 v33, v35;
	[tilespmem:$0x1FEA0] =	vst v63;
	v63 =	vld [tilespmem:$0x10200]  }
0x4d0: {  	v31 =	vadd.s32 v31, v33;
	v18 =	vld [tilespmem:$0x10360]  }
0x4d1: {  	v29 =	vadd.s32 v29, v31;
	[tilespmem:$0x1FD50] =	vst v0;
	v0 =	vld [tilespmem:$0x10640]  }
0x4d2: {  	v29 =	vadd.s32 v34, v29;
	v34 =	vld [tilespmem:$0x1FF60]  }
0x4d3: {  	v29 =	vadd.s32 v36, v29;
	v36 =	vld [tilespmem:$0x1FF70]  }
0x4d4: {  	[tilespmem:$0x1FEB0] =	vst v63;
	v63 =	vld [tilespmem:$0x10900]  }
0x4d5: {  	v55 =	vld [tilespmem:$0x1FA70]  }
0x4d6: {  	[tilespmem:$0x1FD80] =	vst v0;
	v0 =	vld [tilespmem:$0x10D40]  }
0x4d7: {  	v59 =	vld [tilespmem:$0x1FA80]  }
0x4d8: {  	v60 =	vld [tilespmem:$0x1FA90]  }
0x4d9: {  	[tilespmem:$0x1FEC0] =	vst v63;
	v63 =	vld [tilespmem:$0x10270]  }
0x4da: {  	v61 =	vld [tilespmem:$0x1FAA0]  }
0x4db: {  	[tilespmem:$0x1FDB0] =	vst v0;
	v0 =	vld [tilespmem:$0x106B0]  }
0x4dc: {  	v62 =	vld [tilespmem:$0x1FAB0]  }
0x4dd: {  	v19 =	vld [tilespmem:$0x1FB20]  }
0x4de: {  	[tilespmem:$0x1FED0] =	vst v63;
	v63 =	vld [tilespmem:$0x10510]  }
0x4df: {  	[tilespmem:$0x1FFC0] =	vst v25;
	v25 =	vld [tilespmem:$0x1FB40]  }
0x4e0: {  	[tilespmem:$0x1FDE0] =	vst v0;
	v0 =	vld [tilespmem:$0x10DB0]  }
0x4e1: {  	[tilespmem:$0x1FFE0] =	vst v27;
	v27 =	vld [tilespmem:$0x1FB60]  }
0x4e2: {  	v29 =	vadd.s32 v42, v29;
	v42 =	vld [tilespmem:$0x1FEC0]  }
0x4e3: {  	[tilespmem:$0x1FF90] =	vst v63;
	v63 =	vld [tilespmem:$0x1FAC0]  }
0x4e4: {  	v13 =	vld [tilespmem:$0x1FB10]  }
0x4e5: {  	[tilespmem:$0x1FE00] =	vst v0;
	v0 =	vld [tilespmem:$0x10730]  }
0x4e6: {  	v24 =	vld [tilespmem:$0x1FB30]  }
0x4e7: {  	[tilespmem:$0x1FFD0] =	vst v26;
	v26 =	vld [tilespmem:$0x1FB50]  }
0x4e8: {  	v41 =	vld [tilespmem:$0x1FBB0]  }
0x4e9: {  	v14 =	vadd.s32 v53, v14;
	v53 =	vld [tilespmem:$0x1FC10]  }
0x4ea: {  	v0 =	vadd.s32 v3, v0;
	v3 =	vld [tilespmem:$0x1FA60]  }
0x4eb: {  	v0 =	vadd.s32 v4, v0;
	v4 =	vadd.s32 v32, v56;
	v32 =	vld [tilespmem:$0x109F0]  }
0x4ec: {  	v56 =	vld [tilespmem:$0x1FC40]  }
0x4ed: {  	v4 =	vadd.s32 v39, v4;
	v39 =	vld [tilespmem:$0x1FB90]  }
0x4ee: {  	v0 =	vadd.s32 v5, v0;
	v5 =	vld [tilespmem:$0x10D00]  }
0x4ef: {  	v0 =	vadd.s32 v6, v0;
	v4 =	vadd.s32 v44, v4;
	v44 =	vld [tilespmem:$0x1FBD0]  }
0x4f0: {  	v0 =	vadd.s32 v7, v0;
	v7 =	vld [tilespmem:$0x104B0]  }
0x4f1: {  	v4 =	vadd.s32 v49, v4;
	v49 =	vld [tilespmem:$0x1FBF0]  }
0x4f2: {  	v3 =	vadd.s32 v3, v14;
	v14 =	vld [tilespmem:$0x10210]  }
0x4f3: {  	v0 =	vadd.s32 v8, v0;
	v8 =	vld [tilespmem:$0x102F0]  }
0x4f4: {  	v4 =	vadd.s32 v54, v4;
	v54 =	vld [tilespmem:$0x1FC20]  }
0x4f5: {  	v0 =	vadd.s32 v9, v0;
	v9 =	vld [tilespmem:$0x1FAD0]  }
0x4f6: {  	v3 =	vadd.s32 v55, v3;
	v55 =	vld [tilespmem:$0x1FC30]  }
0x4f7: {  	v4 =	vadd.s32 v57, v4;
	v57 =	vld [tilespmem:$0x1FC50]  }
0x4f8: {  	v0 =	vadd.s32 v10, v0;
	v10 =	vld [tilespmem:$0x1FAE0]  }
0x4f9: {  	v3 =	vadd.s32 v59, v3;
	v59 =	vld [tilespmem:$0x1FC70]  }
0x4fa: {  	v0 =	vadd.s32 v11, v0;
	v11 =	vld [tilespmem:$0x1FAF0]  }
0x4fb: {  	v3 =	vadd.s32 v60, v3;
	v60 =	vld [tilespmem:$0x1FC80]  }
0x4fc: {  	v0 =	vadd.s32 v12, v0;
	v12 =	vld [tilespmem:$0x1FB00]  }
0x4fd: {  	v3 =	vadd.s32 v61, v3;
	v61 =	vld [tilespmem:$0x1FC90]  }
0x4fe: {  	v3 =	vadd.s32 v62, v3;
	v62 =	vld [tilespmem:$0x1FCA0]  }
0x4ff: {  	v0 =	vadd.s32 v17, v0;
	v17 =	vld [tilespmem:$0x1FCF0]  }
0x500: {  	v0 =	vadd.s32 v22, v0;
	v22 =	vld [tilespmem:$0x10C20]  }
0x501: {  	v3 =	vadd.s32 v63, v3;
	v63 =	vld [tilespmem:$0x1FCB0]  }
0x502: {  	v0 =	vadd.s32 v28, v0;
	v28 =	vld [tilespmem:$0x1FB70]  }
0x503: {  	v4 =	vadd.s32 v11, v4;
	v0 =	vadd.s32 v37, v0;
	v37 =	vld [tilespmem:$0x1FB80]  }
0x504: {  	v3 =	vadd.s32 v9, v3;
	v4 =	vadd.s32 v13, v4;
	v13 =	vld [tilespmem:$0x10BB0]  }
0x505: {  	v14 =	vadd.s32 v14, v29;
	v3 =	vadd.s32 v10, v3;
	v0 =	vadd.s32 v40, v0;
	v40 =	vld [tilespmem:$0x1FBA0]  }
0x506: {  	v14 =	vadd.s32 v15, v14;
	v3 =	vadd.s32 v12, v3;
	v12 =	vld [tilespmem:$0x1FCE0]  }
0x507: {  	v14 =	vadd.s32 v16, v14;
	v4 =	vadd.s32 v24, v4;
	v24 =	vld [tilespmem:$0x10440]  }
0x508: {  	v14 =	vadd.s32 v30, v14;
	v3 =	vadd.s32 v19, v3;
	v19 =	vld [tilespmem:$0x10520]  }
0x509: {  	v8 =	vadd.s32 v8, v14;
	v0 =	vadd.s32 v43, v0;
	v43 =	vld [tilespmem:$0x1FBC0]  }
0x50a: {  	v8 =	vadd.s32 v32, v8;
	v32 =	vld [tilespmem:$0x1FF50]  }
0x50b: {  	v3 =	vadd.s32 v25, v3;
	v25 =	vld [tilespmem:$0x10B40]  }
0x50c: {  	v0 =	vadd.s32 v47, v0;
	v47 =	vld [tilespmem:$0x1FBE0]  }
0x50d: {  	v4 =	vadd.s32 v26, v4;
	v26 =	vld [tilespmem:$0x10590]  }
0x50e: {  	v0 =	vadd.s32 v52, v0;
	v52 =	vld [tilespmem:$0x1FC00]  }
0x50f: {  	v3 =	vadd.s32 v27, v3;
	v27 =	vld [tilespmem:$0x10C90]  }
0x510: {  	v4 =	vadd.s32 v28, v4;
	v28 =	vld [tilespmem:$0x10600]  }
0x511: {  	v0 =	vadd.s32 v58, v0;
	v58 =	vld [tilespmem:$0x1FC60]  }
0x512: {  	v3 =	vadd.s32 v37, v3;
	v37 =	vld [tilespmem:$0x1FD00]  }
0x513: {  	v4 =	vadd.s32 v39, v4;
	v39 =	vld [tilespmem:$0x1FD10]  }
0x514: {  	v3 =	vadd.s32 v40, v3;
	v40 =	vld [tilespmem:$0x1FD20]  }
0x515: {  	v4 =	vadd.s32 v41, v4;
	v41 =	vld [tilespmem:$0x1FD30]  }
0x516: {  	v0 =	vadd.s32 v56, v0;
	v56 =	vld [tilespmem:$0x1FDC0]  }
0x517: {  	v3 =	vadd.s32 v43, v3;
	v43 =	vld [tilespmem:$0x1FD40]  }
0x518: {  	v4 =	vadd.s32 v44, v4;
	v44 =	vld [tilespmem:$0x1FD50]  }
0x519: {  	v0 =	vadd.s32 v59, v0;
	v59 =	vld [tilespmem:$0x1FDF0]  }
0x51a: {  	v6 =	vadd.s32 v62, v0;
	v0 =	vld [tilespmem:$0x10670]  }
0x51b: {  	v3 =	vadd.s32 v47, v3;
	v47 =	vld [tilespmem:$0x1FD60]  }
0x51c: {  	v4 =	vadd.s32 v49, v4;
	v49 =	vld [tilespmem:$0x1FD70]  }
0x51d: {  	v62 =	vld [tilespmem:$0x1FE10]  }
0x51e: {  	v3 =	vadd.s32 v52, v3;
	v52 =	vld [tilespmem:$0x1FD80]  }
0x51f: {  	v4 =	vadd.s32 v53, v4;
	v53 =	vld [tilespmem:$0x1FD90]  }
0x520: {  	v3 =	vadd.s32 v54, v3;
	v54 =	vld [tilespmem:$0x1FDA0]  }
0x521: {  	v4 =	vadd.s32 v55, v4;
	v55 =	vld [tilespmem:$0x1FDB0]  }
0x522: {  	v3 =	vadd.s32 v57, v3;
	v57 =	vld [tilespmem:$0x1FDD0]  }
0x523: {  	v4 =	vadd.s32 v58, v4;
	v58 =	vld [tilespmem:$0x1FDE0]  }
0x524: {  	v3 =	vadd.s32 v60, v3;
	v60 =	vld [tilespmem:$0x107D0]  }
0x525: {  	v4 =	vadd.s32 v61, v4;
	v61 =	vld [tilespmem:$0x1FE00]  }
0x526: {  	v9 =	vadd.s32 v63, v3;
	v3 =	vld [tilespmem:$0x1FCC0]  }
0x527: {  	v63 =	vld [tilespmem:$0x1FE20];
	v9 =	vadd.s32 v12, v9  }
0x528: {  	v12 =	vld [tilespmem:$0x10060];
	v9 =	vadd.s32 v39, v9  }
0x529: {  	v9 =	vadd.s32 v43, v9;
	v43 =	vld [tilespmem:$0x10300]  }
0x52a: {  	v9 =	vadd.s32 v49, v9;
	v49 =	vld [tilespmem:$0x1FE40]  }
0x52b: {  	v4 =	vadd.s32 v3, v4;
	v3 =	vld [tilespmem:$0x1FCD0]  }
0x52c: {  	v9 =	vadd.s32 v54, v9;
	v54 =	vld [tilespmem:$0x1FE60]  }
0x52d: {  	v10 =	vadd.s32 v17, v4;
	v4 =	vld [tilespmem:$0x106E0]  }
0x52e: {  	v17 =	vld [tilespmem:$0x10760]  }
0x52f: {  	v9 =	vadd.s32 v57, v9;
	v57 =	vld [tilespmem:$0x108B0];
	v10 =	vadd.s32 v40, v10  }
0x530: {  	v10 =	vadd.s32 v44, v10;
	v44 =	vld [tilespmem:$0x1FE30]  }
0x531: {  	v10 =	vadd.s32 v52, v10;
	v52 =	vld [tilespmem:$0x1FE50]  }
0x532: {  	v6 =	vadd.s32 v3, v6;
	v3 =	vld [tilespmem:$0x10D70]  }
0x533: {  	v10 =	vadd.s32 v55, v10;
	v55 =	vld [tilespmem:$0x101B0]  }
0x534: {  	v6 =	vadd.s32 v37, v6;
	v37 =	vld [tilespmem:$0x100D0]  }
0x535: {  	v10 =	vadd.s32 v58, v10;
	v58 =	vld [tilespmem:$0x1FE80]  }
0x536: {  	v11 =	vadd.s32 v41, v6;
	v6 =	vld [tilespmem:$0x10DE0]  }
0x537: {  	v10 =	vadd.s32 v61, v10;
	v61 =	vld [tilespmem:$0x10920]  }
0x538: {  	v41 =	vld [tilespmem:$0x10990]  }
0x539: {  	v11 =	vadd.s32 v47, v11;
	v47 =	vld [tilespmem:$0x10140]  }
0x53a: {  	v40 =	vadd.s32 v63, v44;
	v63 =	vld [tilespmem:$0x10290]  }
0x53b: {  	v44 =	vld [tilespmem:$0x1FED0]  }
0x53c: {  	v11 =	vadd.s32 v53, v11;
	v53 =	vld [tilespmem:$0x10840]  }
0x53d: {  	v40 =	vadd.s32 v52, v40;
	v52 =	vld [tilespmem:$0x10370]  }
0x53e: {  	v11 =	vadd.s32 v56, v11;
	v56 =	vld [tilespmem:$0x1FE70]  }
0x53f: {  	v40 =	vadd.s32 v54, v40;
	v54 =	vld [tilespmem:$0x10A70]  }
0x540: {  	v12 =	vadd.s32 v12, v17;
	v11 =	vadd.s32 v59, v11;
	v59 =	vld [tilespmem:$0x10220]  }
0x541: {  	v12 =	vadd.s32 v37, v12;
	v37 =	vld [tilespmem:$0x10C30]  }
0x542: {  	v12 =	vadd.s32 v60, v12;
	v60 =	vld [tilespmem:$0x1FE90]  }
0x543: {  	v11 =	vadd.s32 v62, v11;
	v62 =	vld [tilespmem:$0x1FEA0]  }
0x544: {  	v12 =	vadd.s32 v47, v12;
	v47 =	vld [tilespmem:$0x10A00]  }
0x545: {  	v11 =	vadd.s32 v49, v11;
	v49 =	vld [tilespmem:$0x1FEE0]  }
0x546: {  	v12 =	vadd.s32 v53, v12;
	v53 =	vld [tilespmem:$0x1FEF0]  }
0x547: {  	v35 =	vadd.s32 v56, v40;
	v40 =	vld [tilespmem:$0x1FEB0]  }
0x548: {  	v12 =	vadd.s32 v55, v12;
	v55 =	vld [tilespmem:$0x1FF00]  }
0x549: {  	v56 =	vld [tilespmem:$0x103E0]  }
0x54a: {  	v12 =	vadd.s32 v57, v12;
	v57 =	vld [tilespmem:$0x1FF10]  }
0x54b: {  	v35 =	vadd.s32 v58, v35;
	v58 =	vld [tilespmem:$0x10AE0]  }
0x54c: {  	v12 =	vadd.s32 v59, v12;
	v59 =	vld [tilespmem:$0x1FF20]  }
0x54d: {  	v35 =	vadd.s32 v60, v35;
	v60 =	vld [tilespmem:$0x10450]  }
0x54e: {  	v12 =	vadd.s32 v61, v12;
	v61 =	vld [tilespmem:$0x1FF30]  }
0x54f: {  	v35 =	vadd.s32 v62, v35;
	v62 =	vld [tilespmem:$0x10B50]  }
0x550: {  	v12 =	vadd.s32 v63, v12;
	v63 =	vld [tilespmem:$0x1FF40];
	v35 =	vadd.s32 v40, v35  }
0x551: {  	v40 =	vld [tilespmem:$0x105A0];
	v35 =	vadd.s32 v42, v35  }
0x552: {  	v12 =	vadd.s32 v41, v12;
	v41 =	vld [tilespmem:$0x1FF90];
	v33 =	vadd.s32 v44, v35  }
0x553: {  	v8 =	vadd.s32 v18, v8;
	v12 =	vadd.s32 v43, v12;
	v42 =	vld [tilespmem:$0x10CA0];
	v31 =	vadd.s32 v49, v33  }
0x554: {  	v8 =	vadd.s32 v20, v8;
	v43 =	vld [tilespmem:$0x1FFA0];
	v12 =	vadd.s32 v47, v12;
	v31 =	vadd.s32 v53, v31  }
0x555: {  	v8 =	vadd.s32 v21, v8;
	v35 =	vld [tilespmem:$0x10530];
	v12 =	vadd.s32 v52, v12;
	v31 =	vadd.s32 v55, v31  }
0x556: {  	v8 =	vadd.s32 v23, v8;
	v12 =	vadd.s32 v54, v12;
	v17 =	vadd.s32 v57, v31;
	v31 =	vld [tilespmem:$0x104C0]  }
0x557: {  	v8 =	vadd.s32 v24, v8;
	v33 =	vld [tilespmem:$0x10BC0];
	v12 =	vadd.s32 v56, v12;
	v17 =	vadd.s32 v59, v17  }
0x558: {  	v8 =	vadd.s32 v25, v8;
	v44 =	vld [tilespmem:$0x10610];
	v12 =	vadd.s32 v58, v12;
	v17 =	vadd.s32 v61, v17  }
0x559: {  	v7 =	vadd.s32 v7, v8;
	v47 =	vld [tilespmem:$0x1FFB0];
	v12 =	vadd.s32 v60, v12;
	v17 =	vadd.s32 v63, v17  }
0x55a: {  	v7 =	vadd.s32 v13, v7;
	v49 =	vld [tilespmem:$0x10D10];
	v39 =	vadd.s32 v62, v12;
	v17 =	vadd.s32 v32, v17  }
0x55b: {  	v7 =	vadd.s32 v19, v7;
	v52 =	vld [tilespmem:$0x1FFC0];
	v17 =	vadd.s32 v34, v17;
	v8 =	vadd.s32 v31, v39  }
0x55c: {  	v7 =	vadd.s32 v22, v7;
	v53 =	vld [tilespmem:$0x10680];
	v17 =	vadd.s32 v36, v17;
	v8 =	vadd.s32 v33, v8  }
0x55d: {  	v7 =	vadd.s32 v26, v7;
	v54 =	vld [tilespmem:$0x1FFD0];
	v17 =	vadd.s32 v38, v17;
	v8 =	vadd.s32 v35, v8  }
0x55e: {  	v7 =	vadd.s32 v27, v7;
	v56 =	vld [tilespmem:$0x1FFE0];
	v16 =	vadd.s32 v41, v17;
	v8 =	vadd.s32 v37, v8  }
0x55f: {  	v7 =	vadd.s32 v28, v7;
	v55 =	vld [tilespmem:$0x10D80];
	v16 =	vadd.s32 v43, v16;
	v8 =	vadd.s32 v40, v8  }
0x560: {  	v5 =	vadd.s32 v5, v7;
	v57 =	vld [tilespmem:$0x106F0];
	v16 =	vadd.s32 v47, v16;
	v8 =	vadd.s32 v42, v8  }
0x561: {  	v0 =	vadd.s32 v0, v5;
	v59 =	vld [tilespmem:$0x10DF0];
	v16 =	vadd.s32 v52, v16;
	v58 =	vadd.s32 v44, v8  }
0x562: {  	v45 =	vld [tilespmem:$0x10DD0];
	[tilespmem:$0x13000] =	vst v51;
	v0 =	vadd.s32 v3, v0;
	v16 =	vadd.s32 v54, v16;
	v61 =	vadd.s32 v49, v58  }
0x563: {  	[tilespmem:$0x13010] =	vst v9;
	v0 =	vadd.s32 v4, v0;
	v16 =	vadd.s32 v56, v16;
	v3 =	vadd.s32 v53, v61  }
0x564: {  	[tilespmem:$0x13020] =	vst v10;
	v0 =	vadd.s32 v6, v0;
	v16 =	vadd.s32 v50, v16;
	v3 =	vadd.s32 v55, v3  }
0x565: {  	[tilespmem:$0x13050] =	vst v0;
	v60 =	vadd.s32 v48, v16;
	v3 =	vadd.s32 v57, v3  }
0x566: {  	s21 =	sadd.s32 $0x1, s21;
	[tilespmem:$0x13030] =	vst v11;
	v62 =	vadd.s32 v46, v60;
	v0 =	vadd.s32 v59, v3  }
0x567: {  	p0 =	sne.s32 s21, s11;
	v63 =	vadd.s32 v45, v62;
	[tilespmem:$0x13060] =	vst v0  }
.Ltmp5:
0x568: {  	s0 =	simm.s32 $0x13000;
	[tilespmem:$0x13040] =	vst v63;
	(pc) =	sbr.rel @p0 .LBB2_1-.Ltmp5, $4  }
0x569: {  	[hbm4b:s10+s2] =	stream.linear.scatter [tilespmem:s0], [sflag:$0x3], $0x80, $0x38;
	[tilespmem:$0x13080] =	vst v63  }
0x56a: {  	_ =	swait.ge [sflag:s14], $0x80  }
0x56b: {  	[sflag:s14] =	ssyncset.done $0x0  }
0x56c: {  	[sflag:s14] =	ssyncadd.s32 $0xFFFFFF80  }
0x56d: {  	_ =	sfence.sel $0x180000  }
0x56e: {  	[bflag:$0x0] =	sbarrier.arrive $0xFFFF  }
0x56f: {  	_ =	strace $0x9000004A  }
0x570: {  	s0 =	stileid.u32;
	[bflag:$0x2] =	sbarrier.arrive $0xFFFF  }
0x571: {  	p0 =	sne.s32 s0, $0x0;
	s0 =	rddreg [dreg:$0x2]  }
0x572: {  	s0 =	sadd.s32 @!p0 $0x100000, s0  }
0x573: {  	[sflag:s0] =	ssyncadd.tile.s32 @!p0 $0x1;
	_ =	shalt  }
.Lfunc_end2:
_tile_overlayer_lowered:
.L_overlay_start_2:
0x574: {  	(tag) =	ssettag $0x2  }
0x575: {  	s0 =	rddreg [dreg:$0x0];
	s2 =	stileid.u32  }
0x576: {  	s1 =	rddreg [dreg:$0x1];
	p0 =	sne.s32 s2, $0x0  }
0x577: {  	s3 =	rddreg [dreg:$0x2];
	[bflag:$0x3] =	sbarrier.arrive $0xFFFF;
	s2 =	simm.s32 @!p0 $0x1C03  }
0x578: {  	[timem:s3], [sflag:s2] =	dma.local @!p0 [hbm:s0], s1  }
0x579: {  	s0 =	simm.s32 @!p0 $0x3  }
0x57a: {  	_ =	swait.ge @!p0 [sflag:s0], s1  }
0x57b: {  	s1 =	ssub.s32 @!p0 $0x0, s1;
	[sflag:s0] =	ssyncset.done @!p0 $0x0  }
0x57c: {  	[sflag:s0] =	ssyncadd.s32 @!p0 s1  }
0x57d: {  	[bflag:$0x3] =	sbarrier.arrive $0xFFFF  }
0x57e: {  	_ =	shalt  }

</sc_bundles>
